<compile_context>
chip_gen: v7x
topology: tpu7x:2x2x1
jax: 0.10.2.dev20260603
libtpu: 0.0.44.dev20260713+nightly
codegen_flags: <defaults>
</compile_context>

<pallas_src>
import functools

import jax
import jax.numpy as jnp
from jax import lax
from jax.experimental import pallas as pl
from jax.experimental.pallas import tpu as pltpu
from jax.experimental.pallas import tpu_sc as plsc

VOCAB = 100000
DIM = 128
BATCH = 4096
N_NEG = 20
LANES = 16
NC = 2
NS = 16
NW = NC * NS
BPW = BATCH // NW
CHUNKS = DIM // LANES
GROUPS = BPW // LANES
NSEM = 4


def _sc_scores(u_idx, v_idx, neg3, u_weight, v_weight):
    mesh = plsc.VectorSubcoreMesh(core_axis_name="c", subcore_axis_name="s")

    @functools.partial(
        pl.kernel,
        out_type=(
            jax.ShapeDtypeStruct((BATCH,), jnp.float32),
            jax.ShapeDtypeStruct((BATCH,), jnp.float32),
        ),
        mesh=mesh,
        compiler_params=pltpu.CompilerParams(needs_layout_passes=False),
        scratch_types=[
            pltpu.VMEM((BPW,), jnp.int32),
            pltpu.VMEM((BPW,), jnp.int32),
            pltpu.VMEM((N_NEG, BPW), jnp.int32),
            pltpu.VMEM((BPW, DIM), jnp.float32),
            pltpu.VMEM((BPW, DIM), jnp.float32),
            pltpu.VMEM((BPW, DIM), jnp.float32),
            pltpu.VMEM((BPW,), jnp.float32),
            pltpu.VMEM((BPW,), jnp.float32),
            pltpu.SemaphoreType.DMA,
            pltpu.SemaphoreType.DMA,
            pltpu.SemaphoreType.DMA,
            pltpu.SemaphoreType.DMA,
            pltpu.SemaphoreType.DMA,
            pltpu.SemaphoreType.DMA,
            pltpu.SemaphoreType.DMA,
        ],
    )
    def scores_kernel(u_idx_hbm, v_idx_hbm, neg3_hbm, u_w, v_w,
                      score_hbm, nscore_hbm,
                      uidx_v, vidx_v, nidx_v, u_rows, v_rows, negsum,
                      score_v, nscore_v,
                      semu, semv, semi, as0, as1, as2, as3):
        sub = lax.axis_index("s")
        wid = sub * NC + lax.axis_index("c")
        base = pl.multiple_of(wid * BPW, BPW)
        asems = (as0, as1, as2, as3)

        su = pltpu.async_copy(u_idx_hbm.at[pl.ds(base, BPW)], uidx_v, semu)
        sv = pltpu.async_copy(v_idx_hbm.at[pl.ds(base, BPW)], vidx_v, semv)
        sn = pltpu.async_copy(neg3_hbm.at[wid], nidx_v, semi)

        zeros = jnp.zeros((LANES,), jnp.float32)

        def zero_body(item, carry):
            for c in range(CHUNKS):
                negsum[item, pl.ds(c * LANES, LANES)] = zeros
            return carry

        lax.fori_loop(0, BPW, zero_body, 0)

        su.wait()
        cu = pltpu.async_copy(u_w.at[uidx_v], u_rows, semu)
        sv.wait()
        cv = pltpu.async_copy(v_w.at[vidx_v], v_rows, semv)
        sn.wait()
        pend = []
        for n in range(N_NEG):
            pend.append(
                pltpu.async_copy(
                    v_w.at[nidx_v.at[n]], negsum, asems[n % NSEM],
                    add=True,
                )
            )

        lane_iota = jnp.arange(LANES, dtype=jnp.int32)

        cu.wait()
        cv.wait()

        def pos_body(g, carry):
            sp = jnp.zeros((LANES,), jnp.float32)
            for i in range(LANES):
                item = g * LANES + i
                accp = jnp.zeros((LANES,), jnp.float32)
                for c in range(CHUNKS):
                    sl = pl.ds(c * LANES, LANES)
                    accp = accp + u_rows[item, sl] * v_rows[item, sl]
                sp = jnp.where(lane_iota == i, jnp.sum(accp), sp)
            score_v[pl.ds(g * LANES, LANES)] = sp
            return carry

        lax.fori_loop(0, GROUPS, pos_body, 0)
        pltpu.sync_copy(score_v, score_hbm.at[pl.ds(base, BPW)])

        for c in pend:
            c.wait()

        def neg_body(g, carry):
            sn = jnp.zeros((LANES,), jnp.float32)
            for i in range(LANES):
                item = g * LANES + i
                accn = jnp.zeros((LANES,), jnp.float32)
                for c in range(CHUNKS):
                    sl = pl.ds(c * LANES, LANES)
                    accn = accn + u_rows[item, sl] * negsum[item, sl]
                sn = jnp.where(lane_iota == i, jnp.sum(accn), sn)
            nscore_v[pl.ds(g * LANES, LANES)] = sn
            return carry

        lax.fori_loop(0, GROUPS, neg_body, 0)
        pltpu.sync_copy(nscore_v, nscore_hbm.at[pl.ds(base, BPW)])

    return scores_kernel(u_idx, v_idx, neg3, u_weight, v_weight)


def _loss_tc_kernel(s_ref, n_ref, o_ref):
    s = s_ref[...]
    ns = n_ref[...]

    def logsig(x):
        return jnp.minimum(x, 0.0) - jnp.log1p(jnp.exp(-jnp.abs(x)))

    total = jnp.sum(logsig(s) + logsig(-ns))
    o_ref[...] = jnp.full((1, 1), -total / BATCH, jnp.float32)


def kernel(pos, v_neg, u_weight, v_weight):
    u_idx = pos[:, 0].astype(jnp.int32)
    v_idx = pos[:, 1].astype(jnp.int32)
    neg3 = (
        v_neg.astype(jnp.int32)
        .reshape(NW, BPW, N_NEG)
        .transpose(0, 2, 1)
    )
    score, nscore = _sc_scores(u_idx, v_idx, neg3, u_weight, v_weight)

    out = pl.pallas_call(
        _loss_tc_kernel,
        out_shape=jax.ShapeDtypeStruct((1, 1), jnp.float32),
    )(score.reshape(NW, BPW), nscore.reshape(NW, BPW))
    return out[0, 0]

# --- scband reference (transcript-rebuilt; emitter-appended) ---
"""Pipeline reference for scband-skip-gram-88579405513177 (READ-ONLY COPY).

The authoritative reference and input builder live on the scoring server;
editing this copy changes nothing except your own understanding.
"""

import jax, jax.numpy as jnp
import numpy as np

VOCAB = 100000
DIM = 128
BATCH = 4096
N_NEG = 20


def setup_inputs(seed: int = 0) -> dict:
    key = jax.random.key(seed)
    k1, k2, k3, k4 = jax.random.split(key, 4)
    pos = jax.random.randint(k1, (BATCH, 2), 0, VOCAB, dtype=jnp.int64 if jax.config.jax_enable_x64 else jnp.int32).astype(jnp.int32)
    v_neg = jax.random.randint(k2, (BATCH, N_NEG), 0, VOCAB).astype(jnp.int32)
    initrange = 0.5 / DIM
    u_weight = jax.random.uniform(k3, (VOCAB, DIM), dtype=jnp.float32, minval=-initrange, maxval=initrange)
    v_weight = jax.random.uniform(k4, (VOCAB, DIM), dtype=jnp.float32, minval=-initrange, maxval=initrange)
    return {"pos": pos, "v_neg": v_neg, "u_weight": u_weight, "v_weight": v_weight}


def reference(pos, v_neg, u_weight, v_weight):
    # embed_u = u_embeddings(pos[:, 0]); embed_v = v_embeddings(pos[:, 1])
    embed_u = jnp.take(u_weight, pos[:, 0], axis=0)          # [B, D]
    embed_v = jnp.take(v_weight, pos[:, 1], axis=0)          # [B, D]
    score = jnp.sum(embed_u * embed_v, axis=1)               # [B]
    log_target = jax.nn.log_sigmoid(score)                   # [B]
    neg_embed_v = jnp.take(v_weight, v_neg, axis=0)          # [B, N_NEG, D]
    # torch.bmm(neg_embed_v, embed_u.unsqueeze(2)).squeeze() -> [B, N_NEG]
    neg_score = jnp.einsum('bnd,bd->bn', neg_embed_v, embed_u)
    neg_score = jnp.sum(neg_score, axis=1)                   # [B]
    sum_log_sampled = jax.nn.log_sigmoid(-1.0 * neg_score)   # [B]
    loss = log_target + sum_log_sampled
    return -1.0 * jnp.sum(loss) / pos.shape[0]

if __name__ == "__main__":
    import jax
    _d = setup_inputs()
    print(jax.jit(kernel)(*tuple(_d.values())))

</pallas_src>

<mosaic_0001>
#map = affine_map<(d0, d1) -> (0)>
#map1 = affine_map<(d0, d1) -> (0, 0, 0)>
#map2 = affine_map<(d0, d1) -> (0, 0)>
module attributes {stable_mosaic.version = 14 : i64} {
  func.func @scores_kernel(%arg0: i32, %arg1: i32, %arg2: memref<4096xi32, #tpu.memory_space<hbm>>, %arg3: memref<4096xi32, #tpu.memory_space<hbm>>, %arg4: memref<32x20x128xi32, #tpu.memory_space<hbm>>, %arg5: memref<100000x128xf32, #tpu.memory_space<hbm>>, %arg6: memref<100000x128xf32, #tpu.memory_space<hbm>>, %arg7: memref<4096xf32, #tpu.memory_space<hbm>>, %arg8: memref<4096xf32, #tpu.memory_space<hbm>>, %arg9: memref<128xi32, #tpu.memory_space<vmem>>, %arg10: memref<128xi32, #tpu.memory_space<vmem>>, %arg11: memref<20x128xi32, #tpu.memory_space<vmem>>, %arg12: memref<128x128xf32, #tpu.memory_space<vmem>>, %arg13: memref<128x128xf32, #tpu.memory_space<vmem>>, %arg14: memref<128x128xf32, #tpu.memory_space<vmem>>, %arg15: memref<128xf32, #tpu.memory_space<vmem>>, %arg16: memref<128xf32, #tpu.memory_space<vmem>>, %arg17: memref<!tpu.dma_semaphore, #tpu.memory_space<semaphore_mem>>, %arg18: memref<!tpu.dma_semaphore, #tpu.memory_space<semaphore_mem>>, %arg19: memref<!tpu.dma_semaphore, #tpu.memory_space<semaphore_mem>>, %arg20: memref<!tpu.dma_semaphore, #tpu.memory_space<semaphore_mem>>, %arg21: memref<!tpu.dma_semaphore, #tpu.memory_space<semaphore_mem>>, %arg22: memref<!tpu.dma_semaphore, #tpu.memory_space<semaphore_mem>>, %arg23: memref<!tpu.dma_semaphore, #tpu.memory_space<semaphore_mem>>) attributes {dimension_semantics = [#tpu.dimension_semantics<core_parallel>, #tpu.dimension_semantics<subcore_parallel>], iteration_bounds = array<i64: 2, 16>, scalar_prefetch = 0 : i64, scratch_operands = 15 : i64, tpu.core_type = #tpu.core_type<sc_vector_subcore>, window_params = [{transform_indices = #map}, {transform_indices = #map}, {transform_indices = #map1}, {transform_indices = #map2}, {transform_indices = #map2}, {transform_indices = #map}, {transform_indices = #map}]} {
    %mul3A = arith.constant 2 : i32
    %mul3A_0 = arith.muli %arg1, %mul3A : i32
    %add3A = arith.addi %mul3A_0, %arg0 : i32
    %mul3A_1 = arith.constant 128 : i32
    %mul3A_2 = arith.muli %add3A, %mul3A_1 : i32
    %multiple_of3A = tpu.assume_multiple %mul3A_2, 128 : i32
    %dma_start3A = tpu.memref_slice %arg2[%multiple_of3A] : memref<4096xi32, #tpu.memory_space<hbm>> -> memref<128xi32, #tpu.memory_space<hbm>>
    %dma_start3A_3 = tpu.memref_slice %arg2[%multiple_of3A] : memref<4096xi32, #tpu.memory_space<hbm>> -> memref<128xi32, #tpu.memory_space<hbm>>
    tpu.enqueue_dma source(%dma_start3A_3 : memref<128xi32, #tpu.memory_space<hbm>>) target(%arg9 : memref<128xi32, #tpu.memory_space<vmem>>) target_semaphore(%arg17 : memref<!tpu.dma_semaphore, #tpu.memory_space<semaphore_mem>>)
    %dma_start3A_4 = tpu.memref_slice %arg3[%multiple_of3A] : memref<4096xi32, #tpu.memory_space<hbm>> -> memref<128xi32, #tpu.memory_space<hbm>>
    %dma_start3A_5 = tpu.memref_slice %arg3[%multiple_of3A] : memref<4096xi32, #tpu.memory_space<hbm>> -> memref<128xi32, #tpu.memory_space<hbm>>
    tpu.enqueue_dma source(%dma_start3A_5 : memref<128xi32, #tpu.memory_space<hbm>>) target(%arg10 : memref<128xi32, #tpu.memory_space<vmem>>) target_semaphore(%arg18 : memref<!tpu.dma_semaphore, #tpu.memory_space<semaphore_mem>>)
    %dma_start3A_6 = arith.constant 0 : i32
    %dma_start3A_7 = arith.constant 0 : i32
    %dma_start3A_8 = tpu.memref_slice %arg4[%add3A, %dma_start3A_6, %dma_start3A_7] : memref<32x20x128xi32, #tpu.memory_space<hbm>> -> memref<1x20x128xi32, #tpu.memory_space<hbm>>
    %dma_start3A_9 = tpu.memref_squeeze %dma_start3A_8 : memref<1x20x128xi32, #tpu.memory_space<hbm>> -> memref<20x128xi32, #tpu.memory_space<hbm>>
    %dma_start3A_10 = arith.constant 0 : i32
    %dma_start3A_11 = arith.constant 0 : i32
    %dma_start3A_12 = tpu.memref_slice %arg4[%add3A, %dma_start3A_10, %dma_start3A_11] : memref<32x20x128xi32, #tpu.memory_space<hbm>> -> memref<1x20x128xi32, #tpu.memory_space<hbm>>
    %dma_start3A_13 = tpu.memref_squeeze %dma_start3A_12 : memref<1x20x128xi32, #tpu.memory_space<hbm>> -> memref<20x128xi32, #tpu.memory_space<hbm>>
    tpu.enqueue_dma source(%dma_start3A_13 : memref<20x128xi32, #tpu.memory_space<hbm>>) target(%arg11 : memref<20x128xi32, #tpu.memory_space<vmem>>) target_semaphore(%arg19 : memref<!tpu.dma_semaphore, #tpu.memory_space<semaphore_mem>>)
    %broadcast_in_dim3A = arith.constant 0.000000e+00 : f32
    %broadcast_in_dim3A_14 = vector.broadcast %broadcast_in_dim3A : f32 to vector<16xf32>
    %scan3A = arith.constant 0 : i32
    %scan3A_15 = arith.constant 0 : i32
    %scan3A_16 = arith.constant 128 : i32
    %scan3A_17 = arith.addi %scan3A_15, %scan3A_16 : i32
    %scan3A_18 = arith.constant 1 : i32
    scf.for %scan3A_335 = %scan3A_15 to %scan3A_17 step %scan3A_18  : i32 {
      %swap3A = arith.index_cast %scan3A_335 : i32 to index
      %swap3A_336 = arith.constant 0 : index
      %swap3A_337 = tpu.vector_load %arg14[%swap3A, %swap3A_336] {strides = array<i32>} : memref<128x128xf32, #tpu.memory_space<vmem>>, vector<16xf32>,
      tpu.vector_store %arg14[%swap3A, %swap3A_336], %broadcast_in_dim3A_14 {strides = array<i32>} : memref<128x128xf32, #tpu.memory_space<vmem>>, vector<16xf32>,
      %swap3A_338 = arith.index_cast %scan3A_335 : i32 to index
      %swap3A_339 = arith.constant 16 : index
      %swap3A_340 = tpu.vector_load %arg14[%swap3A_338, %swap3A_339] {strides = array<i32>} : memref<128x128xf32, #tpu.memory_space<vmem>>, vector<16xf32>,
      tpu.vector_store %arg14[%swap3A_338, %swap3A_339], %broadcast_in_dim3A_14 {strides = array<i32>} : memref<128x128xf32, #tpu.memory_space<vmem>>, vector<16xf32>,
      %swap3A_341 = arith.index_cast %scan3A_335 : i32 to index
      %swap3A_342 = arith.constant 32 : index
      %swap3A_343 = tpu.vector_load %arg14[%swap3A_341, %swap3A_342] {strides = array<i32>} : memref<128x128xf32, #tpu.memory_space<vmem>>, vector<16xf32>,
      tpu.vector_store %arg14[%swap3A_341, %swap3A_342], %broadcast_in_dim3A_14 {strides = array<i32>} : memref<128x128xf32, #tpu.memory_space<vmem>>, vector<16xf32>,
      %swap3A_344 = arith.index_cast %scan3A_335 : i32 to index
      %swap3A_345 = arith.constant 48 : index
      %swap3A_346 = tpu.vector_load %arg14[%swap3A_344, %swap3A_345] {strides = array<i32>} : memref<128x128xf32, #tpu.memory_space<vmem>>, vector<16xf32>,
      tpu.vector_store %arg14[%swap3A_344, %swap3A_345], %broadcast_in_dim3A_14 {strides = array<i32>} : memref<128x128xf32, #tpu.memory_space<vmem>>, vector<16xf32>,
      %swap3A_347 = arith.index_cast %scan3A_335 : i32 to index
      %swap3A_348 = arith.constant 64 : index
      %swap3A_349 = tpu.vector_load %arg14[%swap3A_347, %swap3A_348] {strides = array<i32>} : memref<128x128xf32, #tpu.memory_space<vmem>>, vector<16xf32>,
      tpu.vector_store %arg14[%swap3A_347, %swap3A_348], %broadcast_in_dim3A_14 {strides = array<i32>} : memref<128x128xf32, #tpu.memory_space<vmem>>, vector<16xf32>,
      %swap3A_350 = arith.index_cast %scan3A_335 : i32 to index
      %swap3A_351 = arith.constant 80 : index
      %swap3A_352 = tpu.vector_load %arg14[%swap3A_350, %swap3A_351] {strides = array<i32>} : memref<128x128xf32, #tpu.memory_space<vmem>>, vector<16xf32>,
      tpu.vector_store %arg14[%swap3A_350, %swap3A_351], %broadcast_in_dim3A_14 {strides = array<i32>} : memref<128x128xf32, #tpu.memory_space<vmem>>, vector<16xf32>,
      %swap3A_353 = arith.index_cast %scan3A_335 : i32 to index
      %swap3A_354 = arith.constant 96 : index
      %swap3A_355 = tpu.vector_load %arg14[%swap3A_353, %swap3A_354] {strides = array<i32>} : memref<128x128xf32, #tpu.memory_space<vmem>>, vector<16xf32>,
      tpu.vector_store %arg14[%swap3A_353, %swap3A_354], %broadcast_in_dim3A_14 {strides = array<i32>} : memref<128x128xf32, #tpu.memory_space<vmem>>, vector<16xf32>,
      %swap3A_356 = arith.index_cast %scan3A_335 : i32 to index
      %swap3A_357 = arith.constant 112 : index
      %swap3A_358 = tpu.vector_load %arg14[%swap3A_356, %swap3A_357] {strides = array<i32>} : memref<128x128xf32, #tpu.memory_space<vmem>>, vector<16xf32>,
      tpu.vector_store %arg14[%swap3A_356, %swap3A_357], %broadcast_in_dim3A_14 {strides = array<i32>} : memref<128x128xf32, #tpu.memory_space<vmem>>, vector<16xf32>,
    }
    %scan3A_19 = arith.constant 128 : i32
    %dma_wait3A = tpu.memref_slice %arg2[%multiple_of3A] : memref<4096xi32, #tpu.memory_space<hbm>> -> memref<128xi32, #tpu.memory_space<hbm>>
    %dma_wait3A_20 = tpu.memref_slice %arg2[%multiple_of3A] : memref<4096xi32, #tpu.memory_space<hbm>> -> memref<128xi32, #tpu.memory_space<hbm>>
    tpu.wait_dma2 semaphore(%arg17 : memref<!tpu.dma_semaphore, #tpu.memory_space<semaphore_mem>>) src(%dma_wait3A_20 : memref<128xi32, #tpu.memory_space<hbm>>) dst(%arg9 : memref<128xi32, #tpu.memory_space<vmem>>)
    %dma_start3A_21 = arith.constant 0 : i32
    %dma_start3A_22 = arith.constant 0 : i32
    %dma_start3A_23 = tpu.memref_slice %arg5[%dma_start3A_21, %dma_start3A_22] : memref<100000x128xf32, #tpu.memory_space<hbm>> -> memref<100000x128xf32, #tpu.memory_space<hbm>>
    tpu.enqueue_indirect_dma source(%dma_start3A_23 : memref<100000x128xf32, #tpu.memory_space<hbm>>) target(%arg12 : memref<128x128xf32, #tpu.memory_space<vmem>>) offsets(%arg9 : memref<128xi32, #tpu.memory_space<vmem>>) semaphore(%arg17 : memref<!tpu.dma_semaphore, #tpu.memory_space<semaphore_mem>>)
    %dma_wait3A_24 = tpu.memref_slice %arg3[%multiple_of3A] : memref<4096xi32, #tpu.memory_space<hbm>> -> memref<128xi32, #tpu.memory_space<hbm>>
    %dma_wait3A_25 = tpu.memref_slice %arg3[%multiple_of3A] : memref<4096xi32, #tpu.memory_space<hbm>> -> memref<128xi32, #tpu.memory_space<hbm>>
    tpu.wait_dma2 semaphore(%arg18 : memref<!tpu.dma_semaphore, #tpu.memory_space<semaphore_mem>>) src(%dma_wait3A_25 : memref<128xi32, #tpu.memory_space<hbm>>) dst(%arg10 : memref<128xi32, #tpu.memory_space<vmem>>)
    %dma_start3A_26 = arith.constant 0 : i32
    %dma_start3A_27 = arith.constant 0 : i32
    %dma_start3A_28 = tpu.memref_slice %arg6[%dma_start3A_26, %dma_start3A_27] : memref<100000x128xf32, #tpu.memory_space<hbm>> -> memref<100000x128xf32, #tpu.memory_space<hbm>>
    tpu.enqueue_indirect_dma source(%dma_start3A_28 : memref<100000x128xf32, #tpu.memory_space<hbm>>) target(%arg13 : memref<128x128xf32, #tpu.memory_space<vmem>>) offsets(%arg10 : memref<128xi32, #tpu.memory_space<vmem>>) semaphore(%arg18 : memref<!tpu.dma_semaphore, #tpu.memory_space<semaphore_mem>>)
    %dma_wait3A_29 = arith.constant 0 : i32
    %dma_wait3A_30 = arith.constant 0 : i32
    %dma_wait3A_31 = tpu.memref_slice %arg4[%add3A, %dma_wait3A_29, %dma_wait3A_30] : memref<32x20x128xi32, #tpu.memory_space<hbm>> -> memref<1x20x128xi32, #tpu.memory_space<hbm>>
    %dma_wait3A_32 = tpu.memref_squeeze %dma_wait3A_31 : memref<1x20x128xi32, #tpu.memory_space<hbm>> -> memref<20x128xi32, #tpu.memory_space<hbm>>
    %dma_wait3A_33 = arith.constant 0 : i32
    %dma_wait3A_34 = arith.constant 0 : i32
    %dma_wait3A_35 = tpu.memref_slice %arg4[%add3A, %dma_wait3A_33, %dma_wait3A_34] : memref<32x20x128xi32, #tpu.memory_space<hbm>> -> memref<1x20x128xi32, #tpu.memory_space<hbm>>
    %dma_wait3A_36 = tpu.memref_squeeze %dma_wait3A_35 : memref<1x20x128xi32, #tpu.memory_space<hbm>> -> memref<20x128xi32, #tpu.memory_space<hbm>>
    tpu.wait_dma2 semaphore(%arg19 : memref<!tpu.dma_semaphore, #tpu.memory_space<semaphore_mem>>) src(%dma_wait3A_36 : memref<20x128xi32, #tpu.memory_space<hbm>>) dst(%arg11 : memref<20x128xi32, #tpu.memory_space<vmem>>)
    %dma_start3A_37 = arith.constant 0 : i32
    %dma_start3A_38 = arith.constant 0 : i32
    %dma_start3A_39 = tpu.memref_slice %arg11[%dma_start3A_37, %dma_start3A_38] : memref<20x128xi32, #tpu.memory_space<vmem>> -> memref<1x128xi32, #tpu.memory_space<vmem>>
    %dma_start3A_40 = tpu.memref_squeeze %dma_start3A_39 : memref<1x128xi32, #tpu.memory_space<vmem>> -> memref<128xi32, #tpu.memory_space<vmem>>
    %dma_start3A_41 = arith.constant 0 : i32
    %dma_start3A_42 = arith.constant 0 : i32
    %dma_start3A_43 = tpu.memref_slice %arg6[%dma_start3A_41, %dma_start3A_42] : memref<100000x128xf32, #tpu.memory_space<hbm>> -> memref<100000x128xf32, #tpu.memory_space<hbm>>
    tpu.enqueue_indirect_dma source(%dma_start3A_43 : memref<100000x128xf32, #tpu.memory_space<hbm>>) target(%arg14 : memref<128x128xf32, #tpu.memory_space<vmem>>) offsets(%dma_start3A_40 : memref<128xi32, #tpu.memory_space<vmem>>) semaphore(%arg20 : memref<!tpu.dma_semaphore, #tpu.memory_space<semaphore_mem>>) {add = true}
    %dma_start3A_44 = arith.constant 1 : i32
    %dma_start3A_45 = arith.constant 0 : i32
    %dma_start3A_46 = tpu.memref_slice %arg11[%dma_start3A_44, %dma_start3A_45] : memref<20x128xi32, #tpu.memory_space<vmem>> -> memref<1x128xi32, #tpu.memory_space<vmem>>
    %dma_start3A_47 = tpu.memref_squeeze %dma_start3A_46 : memref<1x128xi32, #tpu.memory_space<vmem>> -> memref<128xi32, #tpu.memory_space<vmem>>
    %dma_start3A_48 = arith.constant 0 : i32
    %dma_start3A_49 = arith.constant 0 : i32
    %dma_start3A_50 = tpu.memref_slice %arg6[%dma_start3A_48, %dma_start3A_49] : memref<100000x128xf32, #tpu.memory_space<hbm>> -> memref<100000x128xf32, #tpu.memory_space<hbm>>
    tpu.enqueue_indirect_dma source(%dma_start3A_50 : memref<100000x128xf32, #tpu.memory_space<hbm>>) target(%arg14 : memref<128x128xf32, #tpu.memory_space<vmem>>) offsets(%dma_start3A_47 : memref<128xi32, #tpu.memory_space<vmem>>) semaphore(%arg21 : memref<!tpu.dma_semaphore, #tpu.memory_space<semaphore_mem>>) {add = true}
    %dma_start3A_51 = arith.constant 2 : i32
    %dma_start3A_52 = arith.constant 0 : i32
    %dma_start3A_53 = tpu.memref_slice %arg11[%dma_start3A_51, %dma_start3A_52] : memref<20x128xi32, #tpu.memory_space<vmem>> -> memref<1x128xi32, #tpu.memory_space<vmem>>
    %dma_start3A_54 = tpu.memref_squeeze %dma_start3A_53 : memref<1x128xi32, #tpu.memory_space<vmem>> -> memref<128xi32, #tpu.memory_space<vmem>>
    %dma_start3A_55 = arith.constant 0 : i32
    %dma_start3A_56 = arith.constant 0 : i32
    %dma_start3A_57 = tpu.memref_slice %arg6[%dma_start3A_55, %dma_start3A_56] : memref<100000x128xf32, #tpu.memory_space<hbm>> -> memref<100000x128xf32, #tpu.memory_space<hbm>>
    tpu.enqueue_indirect_dma source(%dma_start3A_57 : memref<100000x128xf32, #tpu.memory_space<hbm>>) target(%arg14 : memref<128x128xf32, #tpu.memory_space<vmem>>) offsets(%dma_start3A_54 : memref<128xi32, #tpu.memory_space<vmem>>) semaphore(%arg22 : memref<!tpu.dma_semaphore, #tpu.memory_space<semaphore_mem>>) {add = true}
    %dma_start3A_58 = arith.constant 3 : i32
    %dma_start3A_59 = arith.constant 0 : i32
    %dma_start3A_60 = tpu.memref_slice %arg11[%dma_start3A_58, %dma_start3A_59] : memref<20x128xi32, #tpu.memory_space<vmem>> -> memref<1x128xi32, #tpu.memory_space<vmem>>
    %dma_start3A_61 = tpu.memref_squeeze %dma_start3A_60 : memref<1x128xi32, #tpu.memory_space<vmem>> -> memref<128xi32, #tpu.memory_space<vmem>>
    %dma_start3A_62 = arith.constant 0 : i32
    %dma_start3A_63 = arith.constant 0 : i32
    %dma_start3A_64 = tpu.memref_slice %arg6[%dma_start3A_62, %dma_start3A_63] : memref<100000x128xf32, #tpu.memory_space<hbm>> -> memref<100000x128xf32, #tpu.memory_space<hbm>>
    tpu.enqueue_indirect_dma source(%dma_start3A_64 : memref<100000x128xf32, #tpu.memory_space<hbm>>) target(%arg14 : memref<128x128xf32, #tpu.memory_space<vmem>>) offsets(%dma_start3A_61 : memref<128xi32, #tpu.memory_space<vmem>>) semaphore(%arg23 : memref<!tpu.dma_semaphore, #tpu.memory_space<semaphore_mem>>) {add = true}
    %dma_start3A_65 = arith.constant 4 : i32
    %dma_start3A_66 = arith.constant 0 : i32
    %dma_start3A_67 = tpu.memref_slice %arg11[%dma_start3A_65, %dma_start3A_66] : memref<20x128xi32, #tpu.memory_space<vmem>> -> memref<1x128xi32, #tpu.memory_space<vmem>>
    %dma_start3A_68 = tpu.memref_squeeze %dma_start3A_67 : memref<1x128xi32, #tpu.memory_space<vmem>> -> memref<128xi32, #tpu.memory_space<vmem>>
    %dma_start3A_69 = arith.constant 0 : i32
    %dma_start3A_70 = arith.constant 0 : i32
    %dma_start3A_71 = tpu.memref_slice %arg6[%dma_start3A_69, %dma_start3A_70] : memref<100000x128xf32, #tpu.memory_space<hbm>> -> memref<100000x128xf32, #tpu.memory_space<hbm>>
    tpu.enqueue_indirect_dma source(%dma_start3A_71 : memref<100000x128xf32, #tpu.memory_space<hbm>>) target(%arg14 : memref<128x128xf32, #tpu.memory_space<vmem>>) offsets(%dma_start3A_68 : memref<128xi32, #tpu.memory_space<vmem>>) semaphore(%arg20 : memref<!tpu.dma_semaphore, #tpu.memory_space<semaphore_mem>>) {add = true}
    %dma_start3A_72 = arith.constant 5 : i32
    %dma_start3A_73 = arith.constant 0 : i32
    %dma_start3A_74 = tpu.memref_slice %arg11[%dma_start3A_72, %dma_start3A_73] : memref<20x128xi32, #tpu.memory_space<vmem>> -> memref<1x128xi32, #tpu.memory_space<vmem>>
    %dma_start3A_75 = tpu.memref_squeeze %dma_start3A_74 : memref<1x128xi32, #tpu.memory_space<vmem>> -> memref<128xi32, #tpu.memory_space<vmem>>
    %dma_start3A_76 = arith.constant 0 : i32
    %dma_start3A_77 = arith.constant 0 : i32
    %dma_start3A_78 = tpu.memref_slice %arg6[%dma_start3A_76, %dma_start3A_77] : memref<100000x128xf32, #tpu.memory_space<hbm>> -> memref<100000x128xf32, #tpu.memory_space<hbm>>
    tpu.enqueue_indirect_dma source(%dma_start3A_78 : memref<100000x128xf32, #tpu.memory_space<hbm>>) target(%arg14 : memref<128x128xf32, #tpu.memory_space<vmem>>) offsets(%dma_start3A_75 : memref<128xi32, #tpu.memory_space<vmem>>) semaphore(%arg21 : memref<!tpu.dma_semaphore, #tpu.memory_space<semaphore_mem>>) {add = true}
    %dma_start3A_79 = arith.constant 6 : i32
    %dma_start3A_80 = arith.constant 0 : i32
    %dma_start3A_81 = tpu.memref_slice %arg11[%dma_start3A_79, %dma_start3A_80] : memref<20x128xi32, #tpu.memory_space<vmem>> -> memref<1x128xi32, #tpu.memory_space<vmem>>
    %dma_start3A_82 = tpu.memref_squeeze %dma_start3A_81 : memref<1x128xi32, #tpu.memory_space<vmem>> -> memref<128xi32, #tpu.memory_space<vmem>>
    %dma_start3A_83 = arith.constant 0 : i32
    %dma_start3A_84 = arith.constant 0 : i32
    %dma_start3A_85 = tpu.memref_slice %arg6[%dma_start3A_83, %dma_start3A_84] : memref<100000x128xf32, #tpu.memory_space<hbm>> -> memref<100000x128xf32, #tpu.memory_space<hbm>>
    tpu.enqueue_indirect_dma source(%dma_start3A_85 : memref<100000x128xf32, #tpu.memory_space<hbm>>) target(%arg14 : memref<128x128xf32, #tpu.memory_space<vmem>>) offsets(%dma_start3A_82 : memref<128xi32, #tpu.memory_space<vmem>>) semaphore(%arg22 : memref<!tpu.dma_semaphore, #tpu.memory_space<semaphore_mem>>) {add = true}
    %dma_start3A_86 = arith.constant 7 : i32
    %dma_start3A_87 = arith.constant 0 : i32
    %dma_start3A_88 = tpu.memref_slice %arg11[%dma_start3A_86, %dma_start3A_87] : memref<20x128xi32, #tpu.memory_space<vmem>> -> memref<1x128xi32, #tpu.memory_space<vmem>>
    %dma_start3A_89 = tpu.memref_squeeze %dma_start3A_88 : memref<1x128xi32, #tpu.memory_space<vmem>> -> memref<128xi32, #tpu.memory_space<vmem>>
    %dma_start3A_90 = arith.constant 0 : i32
    %dma_start3A_91 = arith.constant 0 : i32
    %dma_start3A_92 = tpu.memref_slice %arg6[%dma_start3A_90, %dma_start3A_91] : memref<100000x128xf32, #tpu.memory_space<hbm>> -> memref<100000x128xf32, #tpu.memory_space<hbm>>
    tpu.enqueue_indirect_dma source(%dma_start3A_92 : memref<100000x128xf32, #tpu.memory_space<hbm>>) target(%arg14 : memref<128x128xf32, #tpu.memory_space<vmem>>) offsets(%dma_start3A_89 : memref<128xi32, #tpu.memory_space<vmem>>) semaphore(%arg23 : memref<!tpu.dma_semaphore, #tpu.memory_space<semaphore_mem>>) {add = true}
    %dma_start3A_93 = arith.constant 8 : i32
    %dma_start3A_94 = arith.constant 0 : i32
    %dma_start3A_95 = tpu.memref_slice %arg11[%dma_start3A_93, %dma_start3A_94] : memref<20x128xi32, #tpu.memory_space<vmem>> -> memref<1x128xi32, #tpu.memory_space<vmem>>
    %dma_start3A_96 = tpu.memref_squeeze %dma_start3A_95 : memref<1x128xi32, #tpu.memory_space<vmem>> -> memref<128xi32, #tpu.memory_space<vmem>>
    %dma_start3A_97 = arith.constant 0 : i32
    %dma_start3A_98 = arith.constant 0 : i32
    %dma_start3A_99 = tpu.memref_slice %arg6[%dma_start3A_97, %dma_start3A_98] : memref<100000x128xf32, #tpu.memory_space<hbm>> -> memref<100000x128xf32, #tpu.memory_space<hbm>>
    tpu.enqueue_indirect_dma source(%dma_start3A_99 : memref<100000x128xf32, #tpu.memory_space<hbm>>) target(%arg14 : memref<128x128xf32, #tpu.memory_space<vmem>>) offsets(%dma_start3A_96 : memref<128xi32, #tpu.memory_space<vmem>>) semaphore(%arg20 : memref<!tpu.dma_semaphore, #tpu.memory_space<semaphore_mem>>) {add = true}
    %dma_start3A_100 = arith.constant 9 : i32
    %dma_start3A_101 = arith.constant 0 : i32
    %dma_start3A_102 = tpu.memref_slice %arg11[%dma_start3A_100, %dma_start3A_101] : memref<20x128xi32, #tpu.memory_space<vmem>> -> memref<1x128xi32, #tpu.memory_space<vmem>>
    %dma_start3A_103 = tpu.memref_squeeze %dma_start3A_102 : memref<1x128xi32, #tpu.memory_space<vmem>> -> memref<128xi32, #tpu.memory_space<vmem>>
    %dma_start3A_104 = arith.constant 0 : i32
    %dma_start3A_105 = arith.constant 0 : i32
    %dma_start3A_106 = tpu.memref_slice %arg6[%dma_start3A_104, %dma_start3A_105] : memref<100000x128xf32, #tpu.memory_space<hbm>> -> memref<100000x128xf32, #tpu.memory_space<hbm>>
    tpu.enqueue_indirect_dma source(%dma_start3A_106 : memref<100000x128xf32, #tpu.memory_space<hbm>>) target(%arg14 : memref<128x128xf32, #tpu.memory_space<vmem>>) offsets(%dma_start3A_103 : memref<128xi32, #tpu.memory_space<vmem>>) semaphore(%arg21 : memref<!tpu.dma_semaphore, #tpu.memory_space<semaphore_mem>>) {add = true}
    %dma_start3A_107 = arith.constant 10 : i32
    %dma_start3A_108 = arith.constant 0 : i32
    %dma_start3A_109 = tpu.memref_slice %arg11[%dma_start3A_107, %dma_start3A_108] : memref<20x128xi32, #tpu.memory_space<vmem>> -> memref<1x128xi32, #tpu.memory_space<vmem>>
    %dma_start3A_110 = tpu.memref_squeeze %dma_start3A_109 : memref<1x128xi32, #tpu.memory_space<vmem>> -> memref<128xi32, #tpu.memory_space<vmem>>
    %dma_start3A_111 = arith.constant 0 : i32
    %dma_start3A_112 = arith.constant 0 : i32
    %dma_start3A_113 = tpu.memref_slice %arg6[%dma_start3A_111, %dma_start3A_112] : memref<100000x128xf32, #tpu.memory_space<hbm>> -> memref<100000x128xf32, #tpu.memory_space<hbm>>
    tpu.enqueue_indirect_dma source(%dma_start3A_113 : memref<100000x128xf32, #tpu.memory_space<hbm>>) target(%arg14 : memref<128x128xf32, #tpu.memory_space<vmem>>) offsets(%dma_start3A_110 : memref<128xi32, #tpu.memory_space<vmem>>) semaphore(%arg22 : memref<!tpu.dma_semaphore, #tpu.memory_space<semaphore_mem>>) {add = true}
    %dma_start3A_114 = arith.constant 11 : i32
    %dma_start3A_115 = arith.constant 0 : i32
    %dma_start3A_116 = tpu.memref_slice %arg11[%dma_start3A_114, %dma_start3A_115] : memref<20x128xi32, #tpu.memory_space<vmem>> -> memref<1x128xi32, #tpu.memory_space<vmem>>
    %dma_start3A_117 = tpu.memref_squeeze %dma_start3A_116 : memref<1x128xi32, #tpu.memory_space<vmem>> -> memref<128xi32, #tpu.memory_space<vmem>>
    %dma_start3A_118 = arith.constant 0 : i32
    %dma_start3A_119 = arith.constant 0 : i32
    %dma_start3A_120 = tpu.memref_slice %arg6[%dma_start3A_118, %dma_start3A_119] : memref<100000x128xf32, #tpu.memory_space<hbm>> -> memref<100000x128xf32, #tpu.memory_space<hbm>>
    tpu.enqueue_indirect_dma source(%dma_start3A_120 : memref<100000x128xf32, #tpu.memory_space<hbm>>) target(%arg14 : memref<128x128xf32, #tpu.memory_space<vmem>>) offsets(%dma_start3A_117 : memref<128xi32, #tpu.memory_space<vmem>>) semaphore(%arg23 : memref<!tpu.dma_semaphore, #tpu.memory_space<semaphore_mem>>) {add = true}
    %dma_start3A_121 = arith.constant 12 : i32
    %dma_start3A_122 = arith.constant 0 : i32
    %dma_start3A_123 = tpu.memref_slice %arg11[%dma_start3A_121, %dma_start3A_122] : memref<20x128xi32, #tpu.memory_space<vmem>> -> memref<1x128xi32, #tpu.memory_space<vmem>>
    %dma_start3A_124 = tpu.memref_squeeze %dma_start3A_123 : memref<1x128xi32, #tpu.memory_space<vmem>> -> memref<128xi32, #tpu.memory_space<vmem>>
    %dma_start3A_125 = arith.constant 0 : i32
    %dma_start3A_126 = arith.constant 0 : i32
    %dma_start3A_127 = tpu.memref_slice %arg6[%dma_start3A_125, %dma_start3A_126] : memref<100000x128xf32, #tpu.memory_space<hbm>> -> memref<100000x128xf32, #tpu.memory_space<hbm>>
    tpu.enqueue_indirect_dma source(%dma_start3A_127 : memref<100000x128xf32, #tpu.memory_space<hbm>>) target(%arg14 : memref<128x128xf32, #tpu.memory_space<vmem>>) offsets(%dma_start3A_124 : memref<128xi32, #tpu.memory_space<vmem>>) semaphore(%arg20 : memref<!tpu.dma_semaphore, #tpu.memory_space<semaphore_mem>>) {add = true}
    %dma_start3A_128 = arith.constant 13 : i32
    %dma_start3A_129 = arith.constant 0 : i32
    %dma_start3A_130 = tpu.memref_slice %arg11[%dma_start3A_128, %dma_start3A_129] : memref<20x128xi32, #tpu.memory_space<vmem>> -> memref<1x128xi32, #tpu.memory_space<vmem>>
    %dma_start3A_131 = tpu.memref_squeeze %dma_start3A_130 : memref<1x128xi32, #tpu.memory_space<vmem>> -> memref<128xi32, #tpu.memory_space<vmem>>
    %dma_start3A_132 = arith.constant 0 : i32
    %dma_start3A_133 = arith.constant 0 : i32
    %dma_start3A_134 = tpu.memref_slice %arg6[%dma_start3A_132, %dma_start3A_133] : memref<100000x128xf32, #tpu.memory_space<hbm>> -> memref<100000x128xf32, #tpu.memory_space<hbm>>
    tpu.enqueue_indirect_dma source(%dma_start3A_134 : memref<100000x128xf32, #tpu.memory_space<hbm>>) target(%arg14 : memref<128x128xf32, #tpu.memory_space<vmem>>) offsets(%dma_start3A_131 : memref<128xi32, #tpu.memory_space<vmem>>) semaphore(%arg21 : memref<!tpu.dma_semaphore, #tpu.memory_space<semaphore_mem>>) {add = true}
    %dma_start3A_135 = arith.constant 14 : i32
    %dma_start3A_136 = arith.constant 0 : i32
    %dma_start3A_137 = tpu.memref_slice %arg11[%dma_start3A_135, %dma_start3A_136] : memref<20x128xi32, #tpu.memory_space<vmem>> -> memref<1x128xi32, #tpu.memory_space<vmem>>
    %dma_start3A_138 = tpu.memref_squeeze %dma_start3A_137 : memref<1x128xi32, #tpu.memory_space<vmem>> -> memref<128xi32, #tpu.memory_space<vmem>>
    %dma_start3A_139 = arith.constant 0 : i32
    %dma_start3A_140 = arith.constant 0 : i32
    %dma_start3A_141 = tpu.memref_slice %arg6[%dma_start3A_139, %dma_start3A_140] : memref<100000x128xf32, #tpu.memory_space<hbm>> -> memref<100000x128xf32, #tpu.memory_space<hbm>>
    tpu.enqueue_indirect_dma source(%dma_start3A_141 : memref<100000x128xf32, #tpu.memory_space<hbm>>) target(%arg14 : memref<128x128xf32, #tpu.memory_space<vmem>>) offsets(%dma_start3A_138 : memref<128xi32, #tpu.memory_space<vmem>>) semaphore(%arg22 : memref<!tpu.dma_semaphore, #tpu.memory_space<semaphore_mem>>) {add = true}
    %dma_start3A_142 = arith.constant 15 : i32
    %dma_start3A_143 = arith.constant 0 : i32
    %dma_start3A_144 = tpu.memref_slice %arg11[%dma_start3A_142, %dma_start3A_143] : memref<20x128xi32, #tpu.memory_space<vmem>> -> memref<1x128xi32, #tpu.memory_space<vmem>>
    %dma_start3A_145 = tpu.memref_squeeze %dma_start3A_144 : memref<1x128xi32, #tpu.memory_space<vmem>> -> memref<128xi32, #tpu.memory_space<vmem>>
    %dma_start3A_146 = arith.constant 0 : i32
    %dma_start3A_147 = arith.constant 0 : i32
    %dma_start3A_148 = tpu.memref_slice %arg6[%dma_start3A_146, %dma_start3A_147] : memref<100000x128xf32, #tpu.memory_space<hbm>> -> memref<100000x128xf32, #tpu.memory_space<hbm>>
    tpu.enqueue_indirect_dma source(%dma_start3A_148 : memref<100000x128xf32, #tpu.memory_space<hbm>>) target(%arg14 : memref<128x128xf32, #tpu.memory_space<vmem>>) offsets(%dma_start3A_145 : memref<128xi32, #tpu.memory_space<vmem>>) semaphore(%arg23 : memref<!tpu.dma_semaphore, #tpu.memory_space<semaphore_mem>>) {add = true}
    %dma_start3A_149 = arith.constant 16 : i32
    %dma_start3A_150 = arith.constant 0 : i32
    %dma_start3A_151 = tpu.memref_slice %arg11[%dma_start3A_149, %dma_start3A_150] : memref<20x128xi32, #tpu.memory_space<vmem>> -> memref<1x128xi32, #tpu.memory_space<vmem>>
    %dma_start3A_152 = tpu.memref_squeeze %dma_start3A_151 : memref<1x128xi32, #tpu.memory_space<vmem>> -> memref<128xi32, #tpu.memory_space<vmem>>
    %dma_start3A_153 = arith.constant 0 : i32
    %dma_start3A_154 = arith.constant 0 : i32
    %dma_start3A_155 = tpu.memref_slice %arg6[%dma_start3A_153, %dma_start3A_154] : memref<100000x128xf32, #tpu.memory_space<hbm>> -> memref<100000x128xf32, #tpu.memory_space<hbm>>
    tpu.enqueue_indirect_dma source(%dma_start3A_155 : memref<100000x128xf32, #tpu.memory_space<hbm>>) target(%arg14 : memref<128x128xf32, #tpu.memory_space<vmem>>) offsets(%dma_start3A_152 : memref<128xi32, #tpu.memory_space<vmem>>) semaphore(%arg20 : memref<!tpu.dma_semaphore, #tpu.memory_space<semaphore_mem>>) {add = true}
    %dma_start3A_156 = arith.constant 17 : i32
    %dma_start3A_157 = arith.constant 0 : i32
    %dma_start3A_158 = tpu.memref_slice %arg11[%dma_start3A_156, %dma_start3A_157] : memref<20x128xi32, #tpu.memory_space<vmem>> -> memref<1x128xi32, #tpu.memory_space<vmem>>
    %dma_start3A_159 = tpu.memref_squeeze %dma_start3A_158 : memref<1x128xi32, #tpu.memory_space<vmem>> -> memref<128xi32, #tpu.memory_space<vmem>>
    %dma_start3A_160 = arith.constant 0 : i32
    %dma_start3A_161 = arith.constant 0 : i32
    %dma_start3A_162 = tpu.memref_slice %arg6[%dma_start3A_160, %dma_start3A_161] : memref<100000x128xf32, #tpu.memory_space<hbm>> -> memref<100000x128xf32, #tpu.memory_space<hbm>>
    tpu.enqueue_indirect_dma source(%dma_start3A_162 : memref<100000x128xf32, #tpu.memory_space<hbm>>) target(%arg14 : memref<128x128xf32, #tpu.memory_space<vmem>>) offsets(%dma_start3A_159 : memref<128xi32, #tpu.memory_space<vmem>>) semaphore(%arg21 : memref<!tpu.dma_semaphore, #tpu.memory_space<semaphore_mem>>) {add = true}
    %dma_start3A_163 = arith.constant 18 : i32
    %dma_start3A_164 = arith.constant 0 : i32
    %dma_start3A_165 = tpu.memref_slice %arg11[%dma_start3A_163, %dma_start3A_164] : memref<20x128xi32, #tpu.memory_space<vmem>> -> memref<1x128xi32, #tpu.memory_space<vmem>>
    %dma_start3A_166 = tpu.memref_squeeze %dma_start3A_165 : memref<1x128xi32, #tpu.memory_space<vmem>> -> memref<128xi32, #tpu.memory_space<vmem>>
    %dma_start3A_167 = arith.constant 0 : i32
    %dma_start3A_168 = arith.constant 0 : i32
    %dma_start3A_169 = tpu.memref_slice %arg6[%dma_start3A_167, %dma_start3A_168] : memref<100000x128xf32, #tpu.memory_space<hbm>> -> memref<100000x128xf32, #tpu.memory_space<hbm>>
    tpu.enqueue_indirect_dma source(%dma_start3A_169 : memref<100000x128xf32, #tpu.memory_space<hbm>>) target(%arg14 : memref<128x128xf32, #tpu.memory_space<vmem>>) offsets(%dma_start3A_166 : memref<128xi32, #tpu.memory_space<vmem>>) semaphore(%arg22 : memref<!tpu.dma_semaphore, #tpu.memory_space<semaphore_mem>>) {add = true}
    %dma_start3A_170 = arith.constant 19 : i32
    %dma_start3A_171 = arith.constant 0 : i32
    %dma_start3A_172 = tpu.memref_slice %arg11[%dma_start3A_170, %dma_start3A_171] : memref<20x128xi32, #tpu.memory_space<vmem>> -> memref<1x128xi32, #tpu.memory_space<vmem>>
    %dma_start3A_173 = tpu.memref_squeeze %dma_start3A_172 : memref<1x128xi32, #tpu.memory_space<vmem>> -> memref<128xi32, #tpu.memory_space<vmem>>
    %dma_start3A_174 = arith.constant 0 : i32
    %dma_start3A_175 = arith.constant 0 : i32
    %dma_start3A_176 = tpu.memref_slice %arg6[%dma_start3A_174, %dma_start3A_175] : memref<100000x128xf32, #tpu.memory_space<hbm>> -> memref<100000x128xf32, #tpu.memory_space<hbm>>
    tpu.enqueue_indirect_dma source(%dma_start3A_176 : memref<100000x128xf32, #tpu.memory_space<hbm>>) target(%arg14 : memref<128x128xf32, #tpu.memory_space<vmem>>) offsets(%dma_start3A_173 : memref<128xi32, #tpu.memory_space<vmem>>) semaphore(%arg23 : memref<!tpu.dma_semaphore, #tpu.memory_space<semaphore_mem>>) {add = true}
    %iota3A = tpu.iota {dimensions = array<i32: 0>} : vector<16xi32>
    %dma_wait3A_177 = arith.constant 0 : i32
    %dma_wait3A_178 = arith.constant 0 : i32
    %dma_wait3A_179 = tpu.memref_slice %arg5[%dma_wait3A_177, %dma_wait3A_178] : memref<100000x128xf32, #tpu.memory_space<hbm>> -> memref<100000x128xf32, #tpu.memory_space<hbm>>
    tpu.wait_indirect_dma semaphore(%arg17 : memref<!tpu.dma_semaphore, #tpu.memory_space<semaphore_mem>>) src(%dma_wait3A_179 : memref<100000x128xf32, #tpu.memory_space<hbm>>) dst(%arg12 : memref<128x128xf32, #tpu.memory_space<vmem>>)
    %dma_wait3A_180 = arith.constant 0 : i32
    %dma_wait3A_181 = arith.constant 0 : i32
    %dma_wait3A_182 = tpu.memref_slice %arg6[%dma_wait3A_180, %dma_wait3A_181] : memref<100000x128xf32, #tpu.memory_space<hbm>> -> memref<100000x128xf32, #tpu.memory_space<hbm>>
    tpu.wait_indirect_dma semaphore(%arg18 : memref<!tpu.dma_semaphore, #tpu.memory_space<semaphore_mem>>) src(%dma_wait3A_182 : memref<100000x128xf32, #tpu.memory_space<hbm>>) dst(%arg13 : memref<128x128xf32, #tpu.memory_space<vmem>>)
    %scan3A_183 = arith.constant 0 : i32
    %scan3A_184 = arith.constant 0 : i32
    %scan3A_185 = arith.constant 8 : i32
    %scan3A_186 = arith.addi %scan3A_184, %scan3A_185 : i32
    %scan3A_187 = arith.constant 1 : i32
    scf.for %scan3A_335 = %scan3A_184 to %scan3A_186 step %scan3A_187  : i32 {
      %broadcast_in_dim3A_336 = arith.constant 0.000000e+00 : f32
      %broadcast_in_dim3A_337 = vector.broadcast %broadcast_in_dim3A_336 : f32 to vector<16xf32>
      %mul3A_338 = arith.constant 16 : i32
      %mul3A_339 = arith.muli %scan3A_335, %mul3A_338 : i32
      %add3A_340 = arith.constant 0 : i32
      %add3A_341 = arith.addi %mul3A_339, %add3A_340 : i32
      %broadcast_in_dim3A_342 = arith.constant 0.000000e+00 : f32
      %broadcast_in_dim3A_343 = vector.broadcast %broadcast_in_dim3A_342 : f32 to vector<16xf32>
      %get3A = arith.index_cast %add3A_341 : i32 to index
      %get3A_344 = arith.constant 0 : index
      %get3A_345 = tpu.vector_load %arg12[%get3A, %get3A_344] {strides = array<i32>} : memref<128x128xf32, #tpu.memory_space<vmem>>, vector<16xf32>,
      %get3A_346 = arith.index_cast %add3A_341 : i32 to index
      %get3A_347 = arith.constant 0 : index
      %get3A_348 = tpu.vector_load %arg13[%get3A_346, %get3A_347] {strides = array<i32>} : memref<128x128xf32, #tpu.memory_space<vmem>>, vector<16xf32>,
      %mul3A_349 = arith.mulf %get3A_345, %get3A_348 : vector<16xf32>
      %add3A_350 = arith.addf %broadcast_in_dim3A_343, %mul3A_349 : vector<16xf32>
      %get3A_351 = arith.index_cast %add3A_341 : i32 to index
      %get3A_352 = arith.constant 16 : index
      %get3A_353 = tpu.vector_load %arg12[%get3A_351, %get3A_352] {strides = array<i32>} : memref<128x128xf32, #tpu.memory_space<vmem>>, vector<16xf32>,
      %get3A_354 = arith.index_cast %add3A_341 : i32 to index
      %get3A_355 = arith.constant 16 : index
      %get3A_356 = tpu.vector_load %arg13[%get3A_354, %get3A_355] {strides = array<i32>} : memref<128x128xf32, #tpu.memory_space<vmem>>, vector<16xf32>,
      %mul3A_357 = arith.mulf %get3A_353, %get3A_356 : vector<16xf32>
      %add3A_358 = arith.addf %add3A_350, %mul3A_357 : vector<16xf32>
      %get3A_359 = arith.index_cast %add3A_341 : i32 to index
      %get3A_360 = arith.constant 32 : index
      %get3A_361 = tpu.vector_load %arg12[%get3A_359, %get3A_360] {strides = array<i32>} : memref<128x128xf32, #tpu.memory_space<vmem>>, vector<16xf32>,
      %get3A_362 = arith.index_cast %add3A_341 : i32 to index
      %get3A_363 = arith.constant 32 : index
      %get3A_364 = tpu.vector_load %arg13[%get3A_362, %get3A_363] {strides = array<i32>} : memref<128x128xf32, #tpu.memory_space<vmem>>, vector<16xf32>,
      %mul3A_365 = arith.mulf %get3A_361, %get3A_364 : vector<16xf32>
      %add3A_366 = arith.addf %add3A_358, %mul3A_365 : vector<16xf32>
      %get3A_367 = arith.index_cast %add3A_341 : i32 to index
      %get3A_368 = arith.constant 48 : index
      %get3A_369 = tpu.vector_load %arg12[%get3A_367, %get3A_368] {strides = array<i32>} : memref<128x128xf32, #tpu.memory_space<vmem>>, vector<16xf32>,
      %get3A_370 = arith.index_cast %add3A_341 : i32 to index
      %get3A_371 = arith.constant 48 : index
      %get3A_372 = tpu.vector_load %arg13[%get3A_370, %get3A_371] {strides = array<i32>} : memref<128x128xf32, #tpu.memory_space<vmem>>, vector<16xf32>,
      %mul3A_373 = arith.mulf %get3A_369, %get3A_372 : vector<16xf32>
      %add3A_374 = arith.addf %add3A_366, %mul3A_373 : vector<16xf32>
      %get3A_375 = arith.index_cast %add3A_341 : i32 to index
      %get3A_376 = arith.constant 64 : index
      %get3A_377 = tpu.vector_load %arg12[%get3A_375, %get3A_376] {strides = array<i32>} : memref<128x128xf32, #tpu.memory_space<vmem>>, vector<16xf32>,
      %get3A_378 = arith.index_cast %add3A_341 : i32 to index
      %get3A_379 = arith.constant 64 : index
      %get3A_380 = tpu.vector_load %arg13[%get3A_378, %get3A_379] {strides = array<i32>} : memref<128x128xf32, #tpu.memory_space<vmem>>, vector<16xf32>,
      %mul3A_381 = arith.mulf %get3A_377, %get3A_380 : vector<16xf32>
      %add3A_382 = arith.addf %add3A_374, %mul3A_381 : vector<16xf32>
      %get3A_383 = arith.index_cast %add3A_341 : i32 to index
      %get3A_384 = arith.constant 80 : index
      %get3A_385 = tpu.vector_load %arg12[%get3A_383, %get3A_384] {strides = array<i32>} : memref<128x128xf32, #tpu.memory_space<vmem>>, vector<16xf32>,
      %get3A_386 = arith.index_cast %add3A_341 : i32 to index
      %get3A_387 = arith.constant 80 : index
      %get3A_388 = tpu.vector_load %arg13[%get3A_386, %get3A_387] {strides = array<i32>} : memref<128x128xf32, #tpu.memory_space<vmem>>, vector<16xf32>,
      %mul3A_389 = arith.mulf %get3A_385, %get3A_388 : vector<16xf32>
      %add3A_390 = arith.addf %add3A_382, %mul3A_389 : vector<16xf32>
      %get3A_391 = arith.index_cast %add3A_341 : i32 to index
      %get3A_392 = arith.constant 96 : index
      %get3A_393 = tpu.vector_load %arg12[%get3A_391, %get3A_392] {strides = array<i32>} : memref<128x128xf32, #tpu.memory_space<vmem>>, vector<16xf32>,
      %get3A_394 = arith.index_cast %add3A_341 : i32 to index
      %get3A_395 = arith.constant 96 : index
      %get3A_396 = tpu.vector_load %arg13[%get3A_394, %get3A_395] {strides = array<i32>} : memref<128x128xf32, #tpu.memory_space<vmem>>, vector<16xf32>,
      %mul3A_397 = arith.mulf %get3A_393, %get3A_396 : vector<16xf32>
      %add3A_398 = arith.addf %add3A_390, %mul3A_397 : vector<16xf32>
      %get3A_399 = arith.index_cast %add3A_341 : i32 to index
      %get3A_400 = arith.constant 112 : index
      %get3A_401 = tpu.vector_load %arg12[%get3A_399, %get3A_400] {strides = array<i32>} : memref<128x128xf32, #tpu.memory_space<vmem>>, vector<16xf32>,
      %get3A_402 = arith.index_cast %add3A_341 : i32 to index
      %get3A_403 = arith.constant 112 : index
      %get3A_404 = tpu.vector_load %arg13[%get3A_402, %get3A_403] {strides = array<i32>} : memref<128x128xf32, #tpu.memory_space<vmem>>, vector<16xf32>,
      %mul3A_405 = arith.mulf %get3A_401, %get3A_404 : vector<16xf32>
      %add3A_406 = arith.addf %add3A_398, %mul3A_405 : vector<16xf32>
      %eq3A = arith.constant 0 : i32
      %eq3A_407 = vector.broadcast %eq3A : i32 to vector<16xi32>
      %eq3A_408 = arith.cmpi eq, %iota3A, %eq3A_407 : vector<16xi32>
      %reduce_sum3A = arith.constant true
      %reduce_sum3A_409 = vector.broadcast %reduce_sum3A : i1 to vector<16xi1>
      %reduce_sum3A_410 = tpu.scan <sum>, %add3A_406 masked %reduce_sum3A_409 : vector<16xf32>, vector<16xi1> -> vector<16xf32>
      %reduce_sum3A_411 = vector.extract %reduce_sum3A_410[15] : f32 from vector<16xf32>
      %broadcast_in_dim3A_412 = vector.broadcast %reduce_sum3A_411 : f32 to vector<16xf32>
      %select_n3A = arith.select %eq3A_408, %broadcast_in_dim3A_412, %broadcast_in_dim3A_337 : vector<16xi1>, vector<16xf32>
      %mul3A_413 = arith.constant 16 : i32
      %mul3A_414 = arith.muli %scan3A_335, %mul3A_413 : i32
      %add3A_415 = arith.constant 1 : i32
      %add3A_416 = arith.addi %mul3A_414, %add3A_415 : i32
      %broadcast_in_dim3A_417 = arith.constant 0.000000e+00 : f32
      %broadcast_in_dim3A_418 = vector.broadcast %broadcast_in_dim3A_417 : f32 to vector<16xf32>
      %get3A_419 = arith.index_cast %add3A_416 : i32 to index
      %get3A_420 = arith.constant 0 : index
      %get3A_421 = tpu.vector_load %arg12[%get3A_419, %get3A_420] {strides = array<i32>} : memref<128x128xf32, #tpu.memory_space<vmem>>, vector<16xf32>,
      %get3A_422 = arith.index_cast %add3A_416 : i32 to index
      %get3A_423 = arith.constant 0 : index
      %get3A_424 = tpu.vector_load %arg13[%get3A_422, %get3A_423] {strides = array<i32>} : memref<128x128xf32, #tpu.memory_space<vmem>>, vector<16xf32>,
      %mul3A_425 = arith.mulf %get3A_421, %get3A_424 : vector<16xf32>
      %add3A_426 = arith.addf %broadcast_in_dim3A_418, %mul3A_425 : vector<16xf32>
      %get3A_427 = arith.index_cast %add3A_416 : i32 to index
      %get3A_428 = arith.constant 16 : index
      %get3A_429 = tpu.vector_load %arg12[%get3A_427, %get3A_428] {strides = array<i32>} : memref<128x128xf32, #tpu.memory_space<vmem>>, vector<16xf32>,
      %get3A_430 = arith.index_cast %add3A_416 : i32 to index
      %get3A_431 = arith.constant 16 : index
      %get3A_432 = tpu.vector_load %arg13[%get3A_430, %get3A_431] {strides = array<i32>} : memref<128x128xf32, #tpu.memory_space<vmem>>, vector<16xf32>,
      %mul3A_433 = arith.mulf %get3A_429, %get3A_432 : vector<16xf32>
      %add3A_434 = arith.addf %add3A_426, %mul3A_433 : vector<16xf32>
      %get3A_435 = arith.index_cast %add3A_416 : i32 to index
      %get3A_436 = arith.constant 32 : index
      %get3A_437 = tpu.vector_load %arg12[%get3A_435, %get3A_436] {strides = array<i32>} : memref<128x128xf32, #tpu.memory_space<vmem>>, vector<16xf32>,
      %get3A_438 = arith.index_cast %add3A_416 : i32 to index
      %get3A_439 = arith.constant 32 : index
      %get3A_440 = tpu.vector_load %arg13[%get3A_438, %get3A_439] {strides = array<i32>} : memref<128x128xf32, #tpu.memory_space<vmem>>, vector<16xf32>,
      %mul3A_441 = arith.mulf %get3A_437, %get3A_440 : vector<16xf32>
      %add3A_442 = arith.addf %add3A_434, %mul3A_441 : vector<16xf32>
      %get3A_443 = arith.index_cast %add3A_416 : i32 to index
      %get3A_444 = arith.constant 48 : index
      %get3A_445 = tpu.vector_load %arg12[%get3A_443, %get3A_444] {strides = array<i32>} : memref<128x128xf32, #tpu.memory_space<vmem>>, vector<16xf32>,
      %get3A_446 = arith.index_cast %add3A_416 : i32 to index
      %get3A_447 = arith.constant 48 : index
      %get3A_448 = tpu.vector_load %arg13[%get3A_446, %get3A_447] {strides = array<i32>} : memref<128x128xf32, #tpu.memory_space<vmem>>, vector<16xf32>,
      %mul3A_449 = arith.mulf %get3A_445, %get3A_448 : vector<16xf32>
      %add3A_450 = arith.addf %add3A_442, %mul3A_449 : vector<16xf32>
      %get3A_451 = arith.index_cast %add3A_416 : i32 to index
      %get3A_452 = arith.constant 64 : index
      %get3A_453 = tpu.vector_load %arg12[%get3A_451, %get3A_452] {strides = array<i32>} : memref<128x128xf32, #tpu.memory_space<vmem>>, vector<16xf32>,
      %get3A_454 = arith.index_cast %add3A_416 : i32 to index
      %get3A_455 = arith.constant 64 : index
      %get3A_456 = tpu.vector_load %arg13[%get3A_454, %get3A_455] {strides = array<i32>} : memref<128x128xf32, #tpu.memory_space<vmem>>, vector<16xf32>,
      %mul3A_457 = arith.mulf %get3A_453, %get3A_456 : vector<16xf32>
      %add3A_458 = arith.addf %add3A_450, %mul3A_457 : vector<16xf32>
      %get3A_459 = arith.index_cast %add3A_416 : i32 to index
      %get3A_460 = arith.constant 80 : index
      %get3A_461 = tpu.vector_load %arg12[%get3A_459, %get3A_460] {strides = array<i32>} : memref<128x128xf32, #tpu.memory_space<vmem>>, vector<16xf32>,
      %get3A_462 = arith.index_cast %add3A_416 : i32 to index
      %get3A_463 = arith.constant 80 : index
      %get3A_464 = tpu.vector_load %arg13[%get3A_462, %get3A_463] {strides = array<i32>} : memref<128x128xf32, #tpu.memory_space<vmem>>, vector<16xf32>,
      %mul3A_465 = arith.mulf %get3A_461, %get3A_464 : vector<16xf32>
      %add3A_466 = arith.addf %add3A_458, %mul3A_465 : vector<16xf32>
      %get3A_467 = arith.index_cast %add3A_416 : i32 to index
      %get3A_468 = arith.constant 96 : index
      %get3A_469 = tpu.vector_load %arg12[%get3A_467, %get3A_468] {strides = array<i32>} : memref<128x128xf32, #tpu.memory_space<vmem>>, vector<16xf32>,
      %get3A_470 = arith.index_cast %add3A_416 : i32 to index
      %get3A_471 = arith.constant 96 : index
      %get3A_472 = tpu.vector_load %arg13[%get3A_470, %get3A_471] {strides = array<i32>} : memref<128x128xf32, #tpu.memory_space<vmem>>, vector<16xf32>,
      %mul3A_473 = arith.mulf %get3A_469, %get3A_472 : vector<16xf32>
      %add3A_474 = arith.addf %add3A_466, %mul3A_473 : vector<16xf32>
      %get3A_475 = arith.index_cast %add3A_416 : i32 to index
      %get3A_476 = arith.constant 112 : index
      %get3A_477 = tpu.vector_load %arg12[%get3A_475, %get3A_476] {strides = array<i32>} : memref<128x128xf32, #tpu.memory_space<vmem>>, vector<16xf32>,
      %get3A_478 = arith.index_cast %add3A_416 : i32 to index
      %get3A_479 = arith.constant 112 : index
      %get3A_480 = tpu.vector_load %arg13[%get3A_478, %get3A_479] {strides = array<i32>} : memref<128x128xf32, #tpu.memory_space<vmem>>, vector<16xf32>,
      %mul3A_481 = arith.mulf %get3A_477, %get3A_480 : vector<16xf32>
      %add3A_482 = arith.addf %add3A_474, %mul3A_481 : vector<16xf32>
      %eq3A_483 = arith.constant 1 : i32
      %eq3A_484 = vector.broadcast %eq3A_483 : i32 to vector<16xi32>
      %eq3A_485 = arith.cmpi eq, %iota3A, %eq3A_484 : vector<16xi32>
      %reduce_sum3A_486 = arith.constant true
      %reduce_sum3A_487 = vector.broadcast %reduce_sum3A_486 : i1 to vector<16xi1>
      %reduce_sum3A_488 = tpu.scan <sum>, %add3A_482 masked %reduce_sum3A_487 : vector<16xf32>, vector<16xi1> -> vector<16xf32>
      %reduce_sum3A_489 = vector.extract %reduce_sum3A_488[15] : f32 from vector<16xf32>
      %broadcast_in_dim3A_490 = vector.broadcast %reduce_sum3A_489 : f32 to vector<16xf32>
      %select_n3A_491 = arith.select %eq3A_485, %broadcast_in_dim3A_490, %select_n3A : vector<16xi1>, vector<16xf32>
      %mul3A_492 = arith.constant 16 : i32
      %mul3A_493 = arith.muli %scan3A_335, %mul3A_492 : i32
      %add3A_494 = arith.constant 2 : i32
      %add3A_495 = arith.addi %mul3A_493, %add3A_494 : i32
      %broadcast_in_dim3A_496 = arith.constant 0.000000e+00 : f32
      %broadcast_in_dim3A_497 = vector.broadcast %broadcast_in_dim3A_496 : f32 to vector<16xf32>
      %get3A_498 = arith.index_cast %add3A_495 : i32 to index
      %get3A_499 = arith.constant 0 : index
      %get3A_500 = tpu.vector_load %arg12[%get3A_498, %get3A_499] {strides = array<i32>} : memref<128x128xf32, #tpu.memory_space<vmem>>, vector<16xf32>,
      %get3A_501 = arith.index_cast %add3A_495 : i32 to index
      %get3A_502 = arith.constant 0 : index
      %get3A_503 = tpu.vector_load %arg13[%get3A_501, %get3A_502] {strides = array<i32>} : memref<128x128xf32, #tpu.memory_space<vmem>>, vector<16xf32>,
      %mul3A_504 = arith.mulf %get3A_500, %get3A_503 : vector<16xf32>
      %add3A_505 = arith.addf %broadcast_in_dim3A_497, %mul3A_504 : vector<16xf32>
      %get3A_506 = arith.index_cast %add3A_495 : i32 to index
      %get3A_507 = arith.constant 16 : index
      %get3A_508 = tpu.vector_load %arg12[%get3A_506, %get3A_507] {strides = array<i32>} : memref<128x128xf32, #tpu.memory_space<vmem>>, vector<16xf32>,
      %get3A_509 = arith.index_cast %add3A_495 : i32 to index
      %get3A_510 = arith.constant 16 : index
      %get3A_511 = tpu.vector_load %arg13[%get3A_509, %get3A_510] {strides = array<i32>} : memref<128x128xf32, #tpu.memory_space<vmem>>, vector<16xf32>,
      %mul3A_512 = arith.mulf %get3A_508, %get3A_511 : vector<16xf32>
      %add3A_513 = arith.addf %add3A_505, %mul3A_512 : vector<16xf32>
      %get3A_514 = arith.index_cast %add3A_495 : i32 to index
      %get3A_515 = arith.constant 32 : index
      %get3A_516 = tpu.vector_load %arg12[%get3A_514, %get3A_515] {strides = array<i32>} : memref<128x128xf32, #tpu.memory_space<vmem>>, vector<16xf32>,
      %get3A_517 = arith.index_cast %add3A_495 : i32 to index
      %get3A_518 = arith.constant 32 : index
      %get3A_519 = tpu.vector_load %arg13[%get3A_517, %get3A_518] {strides = array<i32>} : memref<128x128xf32, #tpu.memory_space<vmem>>, vector<16xf32>,
      %mul3A_520 = arith.mulf %get3A_516, %get3A_519 : vector<16xf32>
      %add3A_521 = arith.addf %add3A_513, %mul3A_520 : vector<16xf32>
      %get3A_522 = arith.index_cast %add3A_495 : i32 to index
      %get3A_523 = arith.constant 48 : index
      %get3A_524 = tpu.vector_load %arg12[%get3A_522, %get3A_523] {strides = array<i32>} : memref<128x128xf32, #tpu.memory_space<vmem>>, vector<16xf32>,
      %get3A_525 = arith.index_cast %add3A_495 : i32 to index
      %get3A_526 = arith.constant 48 : index
      %get3A_527 = tpu.vector_load %arg13[%get3A_525, %get3A_526] {strides = array<i32>} : memref<128x128xf32, #tpu.memory_space<vmem>>, vector<16xf32>,
      %mul3A_528 = arith.mulf %get3A_524, %get3A_527 : vector<16xf32>
      %add3A_529 = arith.addf %add3A_521, %mul3A_528 : vector<16xf32>
      %get3A_530 = arith.index_cast %add3A_495 : i32 to index
      %get3A_531 = arith.constant 64 : index
      %get3A_532 = tpu.vector_load %arg12[%get3A_530, %get3A_531] {strides = array<i32>} : memref<128x128xf32, #tpu.memory_space<vmem>>, vector<16xf32>,
      %get3A_533 = arith.index_cast %add3A_495 : i32 to index
      %get3A_534 = arith.constant 64 : index
      %get3A_535 = tpu.vector_load %arg13[%get3A_533, %get3A_534] {strides = array<i32>} : memref<128x128xf32, #tpu.memory_space<vmem>>, vector<16xf32>,
      %mul3A_536 = arith.mulf %get3A_532, %get3A_535 : vector<16xf32>
      %add3A_537 = arith.addf %add3A_529, %mul3A_536 : vector<16xf32>
      %get3A_538 = arith.index_cast %add3A_495 : i32 to index
      %get3A_539 = arith.constant 80 : index
      %get3A_540 = tpu.vector_load %arg12[%get3A_538, %get3A_539] {strides = array<i32>} : memref<128x128xf32, #tpu.memory_space<vmem>>, vector<16xf32>,
      %get3A_541 = arith.index_cast %add3A_495 : i32 to index
      %get3A_542 = arith.constant 80 : index
      %get3A_543 = tpu.vector_load %arg13[%get3A_541, %get3A_542] {strides = array<i32>} : memref<128x128xf32, #tpu.memory_space<vmem>>, vector<16xf32>,
      %mul3A_544 = arith.mulf %get3A_540, %get3A_543 : vector<16xf32>
      %add3A_545 = arith.addf %add3A_537, %mul3A_544 : vector<16xf32>
      %get3A_546 = arith.index_cast %add3A_495 : i32 to index
      %get3A_547 = arith.constant 96 : index
      %get3A_548 = tpu.vector_load %arg12[%get3A_546, %get3A_547] {strides = array<i32>} : memref<128x128xf32, #tpu.memory_space<vmem>>, vector<16xf32>,
      %get3A_549 = arith.index_cast %add3A_495 : i32 to index
      %get3A_550 = arith.constant 96 : index
      %get3A_551 = tpu.vector_load %arg13[%get3A_549, %get3A_550] {strides = array<i32>} : memref<128x128xf32, #tpu.memory_space<vmem>>, vector<16xf32>,
      %mul3A_552 = arith.mulf %get3A_548, %get3A_551 : vector<16xf32>
      %add3A_553 = arith.addf %add3A_545, %mul3A_552 : vector<16xf32>
      %get3A_554 = arith.index_cast %add3A_495 : i32 to index
      %get3A_555 = arith.constant 112 : index
      %get3A_556 = tpu.vector_load %arg12[%get3A_554, %get3A_555] {strides = array<i32>} : memref<128x128xf32, #tpu.memory_space<vmem>>, vector<16xf32>,
      %get3A_557 = arith.index_cast %add3A_495 : i32 to index
      %get3A_558 = arith.constant 112 : index
      %get3A_559 = tpu.vector_load %arg13[%get3A_557, %get3A_558] {strides = array<i32>} : memref<128x128xf32, #tpu.memory_space<vmem>>, vector<16xf32>,
      %mul3A_560 = arith.mulf %get3A_556, %get3A_559 : vector<16xf32>
      %add3A_561 = arith.addf %add3A_553, %mul3A_560 : vector<16xf32>
      %eq3A_562 = arith.constant 2 : i32
      %eq3A_563 = vector.broadcast %eq3A_562 : i32 to vector<16xi32>
      %eq3A_564 = arith.cmpi eq, %iota3A, %eq3A_563 : vector<16xi32>
      %reduce_sum3A_565 = arith.constant true
      %reduce_sum3A_566 = vector.broadcast %reduce_sum3A_565 : i1 to vector<16xi1>
      %reduce_sum3A_567 = tpu.scan <sum>, %add3A_561 masked %reduce_sum3A_566 : vector<16xf32>, vector<16xi1> -> vector<16xf32>
      %reduce_sum3A_568 = vector.extract %reduce_sum3A_567[15] : f32 from vector<16xf32>
      %broadcast_in_dim3A_569 = vector.broadcast %reduce_sum3A_568 : f32 to vector<16xf32>
      %select_n3A_570 = arith.select %eq3A_564, %broadcast_in_dim3A_569, %select_n3A_491 : vector<16xi1>, vector<16xf32>
      %mul3A_571 = arith.constant 16 : i32
      %mul3A_572 = arith.muli %scan3A_335, %mul3A_571 : i32
      %add3A_573 = arith.constant 3 : i32
      %add3A_574 = arith.addi %mul3A_572, %add3A_573 : i32
      %broadcast_in_dim3A_575 = arith.constant 0.000000e+00 : f32
      %broadcast_in_dim3A_576 = vector.broadcast %broadcast_in_dim3A_575 : f32 to vector<16xf32>
      %get3A_577 = arith.index_cast %add3A_574 : i32 to index
      %get3A_578 = arith.constant 0 : index
      %get3A_579 = tpu.vector_load %arg12[%get3A_577, %get3A_578] {strides = array<i32>} : memref<128x128xf32, #tpu.memory_space<vmem>>, vector<16xf32>,
      %get3A_580 = arith.index_cast %add3A_574 : i32 to index
      %get3A_581 = arith.constant 0 : index
      %get3A_582 = tpu.vector_load %arg13[%get3A_580, %get3A_581] {strides = array<i32>} : memref<128x128xf32, #tpu.memory_space<vmem>>, vector<16xf32>,
      %mul3A_583 = arith.mulf %get3A_579, %get3A_582 : vector<16xf32>
      %add3A_584 = arith.addf %broadcast_in_dim3A_576, %mul3A_583 : vector<16xf32>
      %get3A_585 = arith.index_cast %add3A_574 : i32 to index
      %get3A_586 = arith.constant 16 : index
      %get3A_587 = tpu.vector_load %arg12[%get3A_585, %get3A_586] {strides = array<i32>} : memref<128x128xf32, #tpu.memory_space<vmem>>, vector<16xf32>,
      %get3A_588 = arith.index_cast %add3A_574 : i32 to index
      %get3A_589 = arith.constant 16 : index
      %get3A_590 = tpu.vector_load %arg13[%get3A_588, %get3A_589] {strides = array<i32>} : memref<128x128xf32, #tpu.memory_space<vmem>>, vector<16xf32>,
      %mul3A_591 = arith.mulf %get3A_587, %get3A_590 : vector<16xf32>
      %add3A_592 = arith.addf %add3A_584, %mul3A_591 : vector<16xf32>
      %get3A_593 = arith.index_cast %add3A_574 : i32 to index
      %get3A_594 = arith.constant 32 : index
      %get3A_595 = tpu.vector_load %arg12[%get3A_593, %get3A_594] {strides = array<i32>} : memref<128x128xf32, #tpu.memory_space<vmem>>, vector<16xf32>,
      %get3A_596 = arith.index_cast %add3A_574 : i32 to index
      %get3A_597 = arith.constant 32 : index
      %get3A_598 = tpu.vector_load %arg13[%get3A_596, %get3A_597] {strides = array<i32>} : memref<128x128xf32, #tpu.memory_space<vmem>>, vector<16xf32>,
      %mul3A_599 = arith.mulf %get3A_595, %get3A_598 : vector<16xf32>
      %add3A_600 = arith.addf %add3A_592, %mul3A_599 : vector<16xf32>
      %get3A_601 = arith.index_cast %add3A_574 : i32 to index
      %get3A_602 = arith.constant 48 : index
      %get3A_603 = tpu.vector_load %arg12[%get3A_601, %get3A_602] {strides = array<i32>} : memref<128x128xf32, #tpu.memory_space<vmem>>, vector<16xf32>,
      %get3A_604 = arith.index_cast %add3A_574 : i32 to index
      %get3A_605 = arith.constant 48 : index
      %get3A_606 = tpu.vector_load %arg13[%get3A_604, %get3A_605] {strides = array<i32>} : memref<128x128xf32, #tpu.memory_space<vmem>>, vector<16xf32>,
      %mul3A_607 = arith.mulf %get3A_603, %get3A_606 : vector<16xf32>
      %add3A_608 = arith.addf %add3A_600, %mul3A_607 : vector<16xf32>
      %get3A_609 = arith.index_cast %add3A_574 : i32 to index
      %get3A_610 = arith.constant 64 : index
      %get3A_611 = tpu.vector_load %arg12[%get3A_609, %get3A_610] {strides = array<i32>} : memref<128x128xf32, #tpu.memory_space<vmem>>, vector<16xf32>,
      %get3A_612 = arith.index_cast %add3A_574 : i32 to index
      %get3A_613 = arith.constant 64 : index
      %get3A_614 = tpu.vector_load %arg13[%get3A_612, %get3A_613] {strides = array<i32>} : memref<128x128xf32, #tpu.memory_space<vmem>>, vector<16xf32>,
      %mul3A_615 = arith.mulf %get3A_611, %get3A_614 : vector<16xf32>
      %add3A_616 = arith.addf %add3A_608, %mul3A_615 : vector<16xf32>
      %get3A_617 = arith.index_cast %add3A_574 : i32 to index
      %get3A_618 = arith.constant 80 : index
      %get3A_619 = tpu.vector_load %arg12[%get3A_617, %get3A_618] {strides = array<i32>} : memref<128x128xf32, #tpu.memory_space<vmem>>, vector<16xf32>,
      %get3A_620 = arith.index_cast %add3A_574 : i32 to index
      %get3A_621 = arith.constant 80 : index
      %get3A_622 = tpu.vector_load %arg13[%get3A_620, %get3A_621] {strides = array<i32>} : memref<128x128xf32, #tpu.memory_space<vmem>>, vector<16xf32>,
      %mul3A_623 = arith.mulf %get3A_619, %get3A_622 : vector<16xf32>
      %add3A_624 = arith.addf %add3A_616, %mul3A_623 : vector<16xf32>
      %get3A_625 = arith.index_cast %add3A_574 : i32 to index
      %get3A_626 = arith.constant 96 : index
      %get3A_627 = tpu.vector_load %arg12[%get3A_625, %get3A_626] {strides = array<i32>} : memref<128x128xf32, #tpu.memory_space<vmem>>, vector<16xf32>,
      %get3A_628 = arith.index_cast %add3A_574 : i32 to index
      %get3A_629 = arith.constant 96 : index
      %get3A_630 = tpu.vector_load %arg13[%get3A_628, %get3A_629] {strides = array<i32>} : memref<128x128xf32, #tpu.memory_space<vmem>>, vector<16xf32>,
      %mul3A_631 = arith.mulf %get3A_627, %get3A_630 : vector<16xf32>
      %add3A_632 = arith.addf %add3A_624, %mul3A_631 : vector<16xf32>
      %get3A_633 = arith.index_cast %add3A_574 : i32 to index
      %get3A_634 = arith.constant 112 : index
      %get3A_635 = tpu.vector_load %arg12[%get3A_633, %get3A_634] {strides = array<i32>} : memref<128x128xf32, #tpu.memory_space<vmem>>, vector<16xf32>,
      %get3A_636 = arith.index_cast %add3A_574 : i32 to index
      %get3A_637 = arith.constant 112 : index
      %get3A_638 = tpu.vector_load %arg13[%get3A_636, %get3A_637] {strides = array<i32>} : memref<128x128xf32, #tpu.memory_space<vmem>>, vector<16xf32>,
      %mul3A_639 = arith.mulf %get3A_635, %get3A_638 : vector<16xf32>
      %add3A_640 = arith.addf %add3A_632, %mul3A_639 : vector<16xf32>
      %eq3A_641 = arith.constant 3 : i32
      %eq3A_642 = vector.broadcast %eq3A_641 : i32 to vector<16xi32>
      %eq3A_643 = arith.cmpi eq, %iota3A, %eq3A_642 : vector<16xi32>
      %reduce_sum3A_644 = arith.constant true
      %reduce_sum3A_645 = vector.broadcast %reduce_sum3A_644 : i1 to vector<16xi1>
      %reduce_sum3A_646 = tpu.scan <sum>, %add3A_640 masked %reduce_sum3A_645 : vector<16xf32>, vector<16xi1> -> vector<16xf32>
      %reduce_sum3A_647 = vector.extract %reduce_sum3A_646[15] : f32 from vector<16xf32>
      %broadcast_in_dim3A_648 = vector.broadcast %reduce_sum3A_647 : f32 to vector<16xf32>
      %select_n3A_649 = arith.select %eq3A_643, %broadcast_in_dim3A_648, %select_n3A_570 : vector<16xi1>, vector<16xf32>
      %mul3A_650 = arith.constant 16 : i32
      %mul3A_651 = arith.muli %scan3A_335, %mul3A_650 : i32
      %add3A_652 = arith.constant 4 : i32
      %add3A_653 = arith.addi %mul3A_651, %add3A_652 : i32
      %broadcast_in_dim3A_654 = arith.constant 0.000000e+00 : f32
      %broadcast_in_dim3A_655 = vector.broadcast %broadcast_in_dim3A_654 : f32 to vector<16xf32>
      %get3A_656 = arith.index_cast %add3A_653 : i32 to index
      %get3A_657 = arith.constant 0 : index
      %get3A_658 = tpu.vector_load %arg12[%get3A_656, %get3A_657] {strides = array<i32>} : memref<128x128xf32, #tpu.memory_space<vmem>>, vector<16xf32>,
      %get3A_659 = arith.index_cast %add3A_653 : i32 to index
      %get3A_660 = arith.constant 0 : index
      %get3A_661 = tpu.vector_load %arg13[%get3A_659, %get3A_660] {strides = array<i32>} : memref<128x128xf32, #tpu.memory_space<vmem>>, vector<16xf32>,
      %mul3A_662 = arith.mulf %get3A_658, %get3A_661 : vector<16xf32>
      %add3A_663 = arith.addf %broadcast_in_dim3A_655, %mul3A_662 : vector<16xf32>
      %get3A_664 = arith.index_cast %add3A_653 : i32 to index
      %get3A_665 = arith.constant 16 : index
      %get3A_666 = tpu.vector_load %arg12[%get3A_664, %get3A_665] {strides = array<i32>} : memref<128x128xf32, #tpu.memory_space<vmem>>, vector<16xf32>,
      %get3A_667 = arith.index_cast %add3A_653 : i32 to index
      %get3A_668 = arith.constant 16 : index
      %get3A_669 = tpu.vector_load %arg13[%get3A_667, %get3A_668] {strides = array<i32>} : memref<128x128xf32, #tpu.memory_space<vmem>>, vector<16xf32>,
      %mul3A_670 = arith.mulf %get3A_666, %get3A_669 : vector<16xf32>
      %add3A_671 = arith.addf %add3A_663, %mul3A_670 : vector<16xf32>
      %get3A_672 = arith.index_cast %add3A_653 : i32 to index
      %get3A_673 = arith.constant 32 : index
      %get3A_674 = tpu.vector_load %arg12[%get3A_672, %get3A_673] {strides = array<i32>} : memref<128x128xf32, #tpu.memory_space<vmem>>, vector<16xf32>,
      %get3A_675 = arith.index_cast %add3A_653 : i32 to index
      %get3A_676 = arith.constant 32 : index
      %get3A_677 = tpu.vector_load %arg13[%get3A_675, %get3A_676] {strides = array<i32>} : memref<128x128xf32, #tpu.memory_space<vmem>>, vector<16xf32>,
      %mul3A_678 = arith.mulf %get3A_674, %get3A_677 : vector<16xf32>
      %add3A_679 = arith.addf %add3A_671, %mul3A_678 : vector<16xf32>
      %get3A_680 = arith.index_cast %add3A_653 : i32 to index
      %get3A_681 = arith.constant 48 : index
      %get3A_682 = tpu.vector_load %arg12[%get3A_680, %get3A_681] {strides = array<i32>} : memref<128x128xf32, #tpu.memory_space<vmem>>, vector<16xf32>,
      %get3A_683 = arith.index_cast %add3A_653 : i32 to index
      %get3A_684 = arith.constant 48 : index
      %get3A_685 = tpu.vector_load %arg13[%get3A_683, %get3A_684] {strides = array<i32>} : memref<128x128xf32, #tpu.memory_space<vmem>>, vector<16xf32>,
      %mul3A_686 = arith.mulf %get3A_682, %get3A_685 : vector<16xf32>
      %add3A_687 = arith.addf %add3A_679, %mul3A_686 : vector<16xf32>
      %get3A_688 = arith.index_cast %add3A_653 : i32 to index
      %get3A_689 = arith.constant 64 : index
      %get3A_690 = tpu.vector_load %arg12[%get3A_688, %get3A_689] {strides = array<i32>} : memref<128x128xf32, #tpu.memory_space<vmem>>, vector<16xf32>,
      %get3A_691 = arith.index_cast %add3A_653 : i32 to index
      %get3A_692 = arith.constant 64 : index
      %get3A_693 = tpu.vector_load %arg13[%get3A_691, %get3A_692] {strides = array<i32>} : memref<128x128xf32, #tpu.memory_space<vmem>>, vector<16xf32>,
      %mul3A_694 = arith.mulf %get3A_690, %get3A_693 : vector<16xf32>
      %add3A_695 = arith.addf %add3A_687, %mul3A_694 : vector<16xf32>
      %get3A_696 = arith.index_cast %add3A_653 : i32 to index
      %get3A_697 = arith.constant 80 : index
      %get3A_698 = tpu.vector_load %arg12[%get3A_696, %get3A_697] {strides = array<i32>} : memref<128x128xf32, #tpu.memory_space<vmem>>, vector<16xf32>,
      %get3A_699 = arith.index_cast %add3A_653 : i32 to index
      %get3A_700 = arith.constant 80 : index
      %get3A_701 = tpu.vector_load %arg13[%get3A_699, %get3A_700] {strides = array<i32>} : memref<128x128xf32, #tpu.memory_space<vmem>>, vector<16xf32>,
      %mul3A_702 = arith.mulf %get3A_698, %get3A_701 : vector<16xf32>
      %add3A_703 = arith.addf %add3A_695, %mul3A_702 : vector<16xf32>
      %get3A_704 = arith.index_cast %add3A_653 : i32 to index
      %get3A_705 = arith.constant 96 : index
      %get3A_706 = tpu.vector_load %arg12[%get3A_704, %get3A_705] {strides = array<i32>} : memref<128x128xf32, #tpu.memory_space<vmem>>, vector<16xf32>,
      %get3A_707 = arith.index_cast %add3A_653 : i32 to index
      %get3A_708 = arith.constant 96 : index
      %get3A_709 = tpu.vector_load %arg13[%get3A_707, %get3A_708] {strides = array<i32>} : memref<128x128xf32, #tpu.memory_space<vmem>>, vector<16xf32>,
      %mul3A_710 = arith.mulf %get3A_706, %get3A_709 : vector<16xf32>
      %add3A_711 = arith.addf %add3A_703, %mul3A_710 : vector<16xf32>
      %get3A_712 = arith.index_cast %add3A_653 : i32 to index
      %get3A_713 = arith.constant 112 : index
      %get3A_714 = tpu.vector_load %arg12[%get3A_712, %get3A_713] {strides = array<i32>} : memref<128x128xf32, #tpu.memory_space<vmem>>, vector<16xf32>,
      %get3A_715 = arith.index_cast %add3A_653 : i32 to index
      %get3A_716 = arith.constant 112 : index
      %get3A_717 = tpu.vector_load %arg13[%get3A_715, %get3A_716] {strides = array<i32>} : memref<128x128xf32, #tpu.memory_space<vmem>>, vector<16xf32>,
      %mul3A_718 = arith.mulf %get3A_714, %get3A_717 : vector<16xf32>
      %add3A_719 = arith.addf %add3A_711, %mul3A_718 : vector<16xf32>
      %eq3A_720 = arith.constant 4 : i32
      %eq3A_721 = vector.broadcast %eq3A_720 : i32 to vector<16xi32>
      %eq3A_722 = arith.cmpi eq, %iota3A, %eq3A_721 : vector<16xi32>
      %reduce_sum3A_723 = arith.constant true
      %reduce_sum3A_724 = vector.broadcast %reduce_sum3A_723 : i1 to vector<16xi1>
      %reduce_sum3A_725 = tpu.scan <sum>, %add3A_719 masked %reduce_sum3A_724 : vector<16xf32>, vector<16xi1> -> vector<16xf32>
      %reduce_sum3A_726 = vector.extract %reduce_sum3A_725[15] : f32 from vector<16xf32>
      %broadcast_in_dim3A_727 = vector.broadcast %reduce_sum3A_726 : f32 to vector<16xf32>
      %select_n3A_728 = arith.select %eq3A_722, %broadcast_in_dim3A_727, %select_n3A_649 : vector<16xi1>, vector<16xf32>
      %mul3A_729 = arith.constant 16 : i32
      %mul3A_730 = arith.muli %scan3A_335, %mul3A_729 : i32
      %add3A_731 = arith.constant 5 : i32
      %add3A_732 = arith.addi %mul3A_730, %add3A_731 : i32
      %broadcast_in_dim3A_733 = arith.constant 0.000000e+00 : f32
      %broadcast_in_dim3A_734 = vector.broadcast %broadcast_in_dim3A_733 : f32 to vector<16xf32>
      %get3A_735 = arith.index_cast %add3A_732 : i32 to index
      %get3A_736 = arith.constant 0 : index
      %get3A_737 = tpu.vector_load %arg12[%get3A_735, %get3A_736] {strides = array<i32>} : memref<128x128xf32, #tpu.memory_space<vmem>>, vector<16xf32>,
      %get3A_738 = arith.index_cast %add3A_732 : i32 to index
      %get3A_739 = arith.constant 0 : index
      %get3A_740 = tpu.vector_load %arg13[%get3A_738, %get3A_739] {strides = array<i32>} : memref<128x128xf32, #tpu.memory_space<vmem>>, vector<16xf32>,
      %mul3A_741 = arith.mulf %get3A_737, %get3A_740 : vector<16xf32>
      %add3A_742 = arith.addf %broadcast_in_dim3A_734, %mul3A_741 : vector<16xf32>
      %get3A_743 = arith.index_cast %add3A_732 : i32 to index
      %get3A_744 = arith.constant 16 : index
      %get3A_745 = tpu.vector_load %arg12[%get3A_743, %get3A_744] {strides = array<i32>} : memref<128x128xf32, #tpu.memory_space<vmem>>, vector<16xf32>,
      %get3A_746 = arith.index_cast %add3A_732 : i32 to index
      %get3A_747 = arith.constant 16 : index
      %get3A_748 = tpu.vector_load %arg13[%get3A_746, %get3A_747] {strides = array<i32>} : memref<128x128xf32, #tpu.memory_space<vmem>>, vector<16xf32>,
      %mul3A_749 = arith.mulf %get3A_745, %get3A_748 : vector<16xf32>
      %add3A_750 = arith.addf %add3A_742, %mul3A_749 : vector<16xf32>
      %get3A_751 = arith.index_cast %add3A_732 : i32 to index
      %get3A_752 = arith.constant 32 : index
      %get3A_753 = tpu.vector_load %arg12[%get3A_751, %get3A_752] {strides = array<i32>} : memref<128x128xf32, #tpu.memory_space<vmem>>, vector<16xf32>,
      %get3A_754 = arith.index_cast %add3A_732 : i32 to index
      %get3A_755 = arith.constant 32 : index
      %get3A_756 = tpu.vector_load %arg13[%get3A_754, %get3A_755] {strides = array<i32>} : memref<128x128xf32, #tpu.memory_space<vmem>>, vector<16xf32>,
      %mul3A_757 = arith.mulf %get3A_753, %get3A_756 : vector<16xf32>
      %add3A_758 = arith.addf %add3A_750, %mul3A_757 : vector<16xf32>
      %get3A_759 = arith.index_cast %add3A_732 : i32 to index
      %get3A_760 = arith.constant 48 : index
      %get3A_761 = tpu.vector_load %arg12[%get3A_759, %get3A_760] {strides = array<i32>} : memref<128x128xf32, #tpu.memory_space<vmem>>, vector<16xf32>,
      %get3A_762 = arith.index_cast %add3A_732 : i32 to index
      %get3A_763 = arith.constant 48 : index
      %get3A_764 = tpu.vector_load %arg13[%get3A_762, %get3A_763] {strides = array<i32>} : memref<128x128xf32, #tpu.memory_space<vmem>>, vector<16xf32>,
      %mul3A_765 = arith.mulf %get3A_761, %get3A_764 : vector<16xf32>
      %add3A_766 = arith.addf %add3A_758, %mul3A_765 : vector<16xf32>
      %get3A_767 = arith.index_cast %add3A_732 : i32 to index
      %get3A_768 = arith.constant 64 : index
      %get3A_769 = tpu.vector_load %arg12[%get3A_767, %get3A_768] {strides = array<i32>} : memref<128x128xf32, #tpu.memory_space<vmem>>, vector<16xf32>,
      %get3A_770 = arith.index_cast %add3A_732 : i32 to index
      %get3A_771 = arith.constant 64 : index
      %get3A_772 = tpu.vector_load %arg13[%get3A_770, %get3A_771] {strides = array<i32>} : memref<128x128xf32, #tpu.memory_space<vmem>>, vector<16xf32>,
      %mul3A_773 = arith.mulf %get3A_769, %get3A_772 : vector<16xf32>
      %add3A_774 = arith.addf %add3A_766, %mul3A_773 : vector<16xf32>
      %get3A_775 = arith.index_cast %add3A_732 : i32 to index
      %get3A_776 = arith.constant 80 : index
      %get3A_777 = tpu.vector_load %arg12[%get3A_775, %get3A_776] {strides = array<i32>} : memref<128x128xf32, #tpu.memory_space<vmem>>, vector<16xf32>,
      %get3A_778 = arith.index_cast %add3A_732 : i32 to index
      %get3A_779 = arith.constant 80 : index
      %get3A_780 = tpu.vector_load %arg13[%get3A_778, %get3A_779] {strides = array<i32>} : memref<128x128xf32, #tpu.memory_space<vmem>>, vector<16xf32>,
      %mul3A_781 = arith.mulf %get3A_777, %get3A_780 : vector<16xf32>
      %add3A_782 = arith.addf %add3A_774, %mul3A_781 : vector<16xf32>
      %get3A_783 = arith.index_cast %add3A_732 : i32 to index
      %get3A_784 = arith.constant 96 : index
      %get3A_785 = tpu.vector_load %arg12[%get3A_783, %get3A_784] {strides = array<i32>} : memref<128x128xf32, #tpu.memory_space<vmem>>, vector<16xf32>,
      %get3A_786 = arith.index_cast %add3A_732 : i32 to index
      %get3A_787 = arith.constant 96 : index
      %get3A_788 = tpu.vector_load %arg13[%get3A_786, %get3A_787] {strides = array<i32>} : memref<128x128xf32, #tpu.memory_space<vmem>>, vector<16xf32>,
      %mul3A_789 = arith.mulf %get3A_785, %get3A_788 : vector<16xf32>
      %add3A_790 = arith.addf %add3A_782, %mul3A_789 : vector<16xf32>
      %get3A_791 = arith.index_cast %add3A_732 : i32 to index
      %get3A_792 = arith.constant 112 : index
      %get3A_793 = tpu.vector_load %arg12[%get3A_791, %get3A_792] {strides = array<i32>} : memref<128x128xf32, #tpu.memory_space<vmem>>, vector<16xf32>,
      %get3A_794 = arith.index_cast %add3A_732 : i32 to index
      %get3A_795 = arith.constant 112 : index
      %get3A_796 = tpu.vector_load %arg13[%get3A_794, %get3A_795] {strides = array<i32>} : memref<128x128xf32, #tpu.memory_space<vmem>>, vector<16xf32>,
      %mul3A_797 = arith.mulf %get3A_793, %get3A_796 : vector<16xf32>
      %add3A_798 = arith.addf %add3A_790, %mul3A_797 : vector<16xf32>
      %eq3A_799 = arith.constant 5 : i32
      %eq3A_800 = vector.broadcast %eq3A_799 : i32 to vector<16xi32>
      %eq3A_801 = arith.cmpi eq, %iota3A, %eq3A_800 : vector<16xi32>
      %reduce_sum3A_802 = arith.constant true
      %reduce_sum3A_803 = vector.broadcast %reduce_sum3A_802 : i1 to vector<16xi1>
      %reduce_sum3A_804 = tpu.scan <sum>, %add3A_798 masked %reduce_sum3A_803 : vector<16xf32>, vector<16xi1> -> vector<16xf32>
      %reduce_sum3A_805 = vector.extract %reduce_sum3A_804[15] : f32 from vector<16xf32>
      %broadcast_in_dim3A_806 = vector.broadcast %reduce_sum3A_805 : f32 to vector<16xf32>
      %select_n3A_807 = arith.select %eq3A_801, %broadcast_in_dim3A_806, %select_n3A_728 : vector<16xi1>, vector<16xf32>
      %mul3A_808 = arith.constant 16 : i32
      %mul3A_809 = arith.muli %scan3A_335, %mul3A_808 : i32
      %add3A_810 = arith.constant 6 : i32
      %add3A_811 = arith.addi %mul3A_809, %add3A_810 : i32
      %broadcast_in_dim3A_812 = arith.constant 0.000000e+00 : f32
      %broadcast_in_dim3A_813 = vector.broadcast %broadcast_in_dim3A_812 : f32 to vector<16xf32>
      %get3A_814 = arith.index_cast %add3A_811 : i32 to index
      %get3A_815 = arith.constant 0 : index
      %get3A_816 = tpu.vector_load %arg12[%get3A_814, %get3A_815] {strides = array<i32>} : memref<128x128xf32, #tpu.memory_space<vmem>>, vector<16xf32>,
      %get3A_817 = arith.index_cast %add3A_811 : i32 to index
      %get3A_818 = arith.constant 0 : index
      %get3A_819 = tpu.vector_load %arg13[%get3A_817, %get3A_818] {strides = array<i32>} : memref<128x128xf32, #tpu.memory_space<vmem>>, vector<16xf32>,
      %mul3A_820 = arith.mulf %get3A_816, %get3A_819 : vector<16xf32>
      %add3A_821 = arith.addf %broadcast_in_dim3A_813, %mul3A_820 : vector<16xf32>
      %get3A_822 = arith.index_cast %add3A_811 : i32 to index
      %get3A_823 = arith.constant 16 : index
      %get3A_824 = tpu.vector_load %arg12[%get3A_822, %get3A_823] {strides = array<i32>} : memref<128x128xf32, #tpu.memory_space<vmem>>, vector<16xf32>,
      %get3A_825 = arith.index_cast %add3A_811 : i32 to index
      %get3A_826 = arith.constant 16 : index
      %get3A_827 = tpu.vector_load %arg13[%get3A_825, %get3A_826] {strides = array<i32>} : memref<128x128xf32, #tpu.memory_space<vmem>>, vector<16xf32>,
      %mul3A_828 = arith.mulf %get3A_824, %get3A_827 : vector<16xf32>
      %add3A_829 = arith.addf %add3A_821, %mul3A_828 : vector<16xf32>
      %get3A_830 = arith.index_cast %add3A_811 : i32 to index
      %get3A_831 = arith.constant 32 : index
      %get3A_832 = tpu.vector_load %arg12[%get3A_830, %get3A_831] {strides = array<i32>} : memref<128x128xf32, #tpu.memory_space<vmem>>, vector<16xf32>,
      %get3A_833 = arith.index_cast %add3A_811 : i32 to index
      %get3A_834 = arith.constant 32 : index
      %get3A_835 = tpu.vector_load %arg13[%get3A_833, %get3A_834] {strides = array<i32>} : memref<128x128xf32, #tpu.memory_space<vmem>>, vector<16xf32>,
      %mul3A_836 = arith.mulf %get3A_832, %get3A_835 : vector<16xf32>
      %add3A_837 = arith.addf %add3A_829, %mul3A_836 : vector<16xf32>
      %get3A_838 = arith.index_cast %add3A_811 : i32 to index
      %get3A_839 = arith.constant 48 : index
      %get3A_840 = tpu.vector_load %arg12[%get3A_838, %get3A_839] {strides = array<i32>} : memref<128x128xf32, #tpu.memory_space<vmem>>, vector<16xf32>,
      %get3A_841 = arith.index_cast %add3A_811 : i32 to index
      %get3A_842 = arith.constant 48 : index
      %get3A_843 = tpu.vector_load %arg13[%get3A_841, %get3A_842] {strides = array<i32>} : memref<128x128xf32, #tpu.memory_space<vmem>>, vector<16xf32>,
      %mul3A_844 = arith.mulf %get3A_840, %get3A_843 : vector<16xf32>
      %add3A_845 = arith.addf %add3A_837, %mul3A_844 : vector<16xf32>
      %get3A_846 = arith.index_cast %add3A_811 : i32 to index
      %get3A_847 = arith.constant 64 : index
      %get3A_848 = tpu.vector_load %arg12[%get3A_846, %get3A_847] {strides = array<i32>} : memref<128x128xf32, #tpu.memory_space<vmem>>, vector<16xf32>,
      %get3A_849 = arith.index_cast %add3A_811 : i32 to index
      %get3A_850 = arith.constant 64 : index
      %get3A_851 = tpu.vector_load %arg13[%get3A_849, %get3A_850] {strides = array<i32>} : memref<128x128xf32, #tpu.memory_space<vmem>>, vector<16xf32>,
      %mul3A_852 = arith.mulf %get3A_848, %get3A_851 : vector<16xf32>
      %add3A_853 = arith.addf %add3A_845, %mul3A_852 : vector<16xf32>
      %get3A_854 = arith.index_cast %add3A_811 : i32 to index
      %get3A_855 = arith.constant 80 : index
      %get3A_856 = tpu.vector_load %arg12[%get3A_854, %get3A_855] {strides = array<i32>} : memref<128x128xf32, #tpu.memory_space<vmem>>, vector<16xf32>,
      %get3A_857 = arith.index_cast %add3A_811 : i32 to index
      %get3A_858 = arith.constant 80 : index
      %get3A_859 = tpu.vector_load %arg13[%get3A_857, %get3A_858] {strides = array<i32>} : memref<128x128xf32, #tpu.memory_space<vmem>>, vector<16xf32>,
      %mul3A_860 = arith.mulf %get3A_856, %get3A_859 : vector<16xf32>
      %add3A_861 = arith.addf %add3A_853, %mul3A_860 : vector<16xf32>
      %get3A_862 = arith.index_cast %add3A_811 : i32 to index
      %get3A_863 = arith.constant 96 : index
      %get3A_864 = tpu.vector_load %arg12[%get3A_862, %get3A_863] {strides = array<i32>} : memref<128x128xf32, #tpu.memory_space<vmem>>, vector<16xf32>,
      %get3A_865 = arith.index_cast %add3A_811 : i32 to index
      %get3A_866 = arith.constant 96 : index
      %get3A_867 = tpu.vector_load %arg13[%get3A_865, %get3A_866] {strides = array<i32>} : memref<128x128xf32, #tpu.memory_space<vmem>>, vector<16xf32>,
      %mul3A_868 = arith.mulf %get3A_864, %get3A_867 : vector<16xf32>
      %add3A_869 = arith.addf %add3A_861, %mul3A_868 : vector<16xf32>
      %get3A_870 = arith.index_cast %add3A_811 : i32 to index
      %get3A_871 = arith.constant 112 : index
      %get3A_872 = tpu.vector_load %arg12[%get3A_870, %get3A_871] {strides = array<i32>} : memref<128x128xf32, #tpu.memory_space<vmem>>, vector<16xf32>,
      %get3A_873 = arith.index_cast %add3A_811 : i32 to index
      %get3A_874 = arith.constant 112 : index
      %get3A_875 = tpu.vector_load %arg13[%get3A_873, %get3A_874] {strides = array<i32>} : memref<128x128xf32, #tpu.memory_space<vmem>>, vector<16xf32>,
      %mul3A_876 = arith.mulf %get3A_872, %get3A_875 : vector<16xf32>
      %add3A_877 = arith.addf %add3A_869, %mul3A_876 : vector<16xf32>
      %eq3A_878 = arith.constant 6 : i32
      %eq3A_879 = vector.broadcast %eq3A_878 : i32 to vector<16xi32>
      %eq3A_880 = arith.cmpi eq, %iota3A, %eq3A_879 : vector<16xi32>
      %reduce_sum3A_881 = arith.constant true
      %reduce_sum3A_882 = vector.broadcast %reduce_sum3A_881 : i1 to vector<16xi1>
      %reduce_sum3A_883 = tpu.scan <sum>, %add3A_877 masked %reduce_sum3A_882 : vector<16xf32>, vector<16xi1> -> vector<16xf32>
      %reduce_sum3A_884 = vector.extract %reduce_sum3A_883[15] : f32 from vector<16xf32>
      %broadcast_in_dim3A_885 = vector.broadcast %reduce_sum3A_884 : f32 to vector<16xf32>
      %select_n3A_886 = arith.select %eq3A_880, %broadcast_in_dim3A_885, %select_n3A_807 : vector<16xi1>, vector<16xf32>
      %mul3A_887 = arith.constant 16 : i32
      %mul3A_888 = arith.muli %scan3A_335, %mul3A_887 : i32
      %add3A_889 = arith.constant 7 : i32
      %add3A_890 = arith.addi %mul3A_888, %add3A_889 : i32
      %broadcast_in_dim3A_891 = arith.constant 0.000000e+00 : f32
      %broadcast_in_dim3A_892 = vector.broadcast %broadcast_in_dim3A_891 : f32 to vector<16xf32>
      %get3A_893 = arith.index_cast %add3A_890 : i32 to index
      %get3A_894 = arith.constant 0 : index
      %get3A_895 = tpu.vector_load %arg12[%get3A_893, %get3A_894] {strides = array<i32>} : memref<128x128xf32, #tpu.memory_space<vmem>>, vector<16xf32>,
      %get3A_896 = arith.index_cast %add3A_890 : i32 to index
      %get3A_897 = arith.constant 0 : index
      %get3A_898 = tpu.vector_load %arg13[%get3A_896, %get3A_897] {strides = array<i32>} : memref<128x128xf32, #tpu.memory_space<vmem>>, vector<16xf32>,
      %mul3A_899 = arith.mulf %get3A_895, %get3A_898 : vector<16xf32>
      %add3A_900 = arith.addf %broadcast_in_dim3A_892, %mul3A_899 : vector<16xf32>
      %get3A_901 = arith.index_cast %add3A_890 : i32 to index
      %get3A_902 = arith.constant 16 : index
      %get3A_903 = tpu.vector_load %arg12[%get3A_901, %get3A_902] {strides = array<i32>} : memref<128x128xf32, #tpu.memory_space<vmem>>, vector<16xf32>,
      %get3A_904 = arith.index_cast %add3A_890 : i32 to index
      %get3A_905 = arith.constant 16 : index
      %get3A_906 = tpu.vector_load %arg13[%get3A_904, %get3A_905] {strides = array<i32>} : memref<128x128xf32, #tpu.memory_space<vmem>>, vector<16xf32>,
      %mul3A_907 = arith.mulf %get3A_903, %get3A_906 : vector<16xf32>
      %add3A_908 = arith.addf %add3A_900, %mul3A_907 : vector<16xf32>
      %get3A_909 = arith.index_cast %add3A_890 : i32 to index
      %get3A_910 = arith.constant 32 : index
      %get3A_911 = tpu.vector_load %arg12[%get3A_909, %get3A_910] {strides = array<i32>} : memref<128x128xf32, #tpu.memory_space<vmem>>, vector<16xf32>,
      %get3A_912 = arith.index_cast %add3A_890 : i32 to index
      %get3A_913 = arith.constant 32 : index
      %get3A_914 = tpu.vector_load %arg13[%get3A_912, %get3A_913] {strides = array<i32>} : memref<128x128xf32, #tpu.memory_space<vmem>>, vector<16xf32>,
      %mul3A_915 = arith.mulf %get3A_911, %get3A_914 : vector<16xf32>
      %add3A_916 = arith.addf %add3A_908, %mul3A_915 : vector<16xf32>
      %get3A_917 = arith.index_cast %add3A_890 : i32 to index
      %get3A_918 = arith.constant 48 : index
      %get3A_919 = tpu.vector_load %arg12[%get3A_917, %get3A_918] {strides = array<i32>} : memref<128x128xf32, #tpu.memory_space<vmem>>, vector<16xf32>,
      %get3A_920 = arith.index_cast %add3A_890 : i32 to index
      %get3A_921 = arith.constant 48 : index
      %get3A_922 = tpu.vector_load %arg13[%get3A_920, %get3A_921] {strides = array<i32>} : memref<128x128xf32, #tpu.memory_space<vmem>>, vector<16xf32>,
      %mul3A_923 = arith.mulf %get3A_919, %get3A_922 : vector<16xf32>
      %add3A_924 = arith.addf %add3A_916, %mul3A_923 : vector<16xf32>
      %get3A_925 = arith.index_cast %add3A_890 : i32 to index
      %get3A_926 = arith.constant 64 : index
      %get3A_927 = tpu.vector_load %arg12[%get3A_925, %get3A_926] {strides = array<i32>} : memref<128x128xf32, #tpu.memory_space<vmem>>, vector<16xf32>,
      %get3A_928 = arith.index_cast %add3A_890 : i32 to index
      %get3A_929 = arith.constant 64 : index
      %get3A_930 = tpu.vector_load %arg13[%get3A_928, %get3A_929] {strides = array<i32>} : memref<128x128xf32, #tpu.memory_space<vmem>>, vector<16xf32>,
      %mul3A_931 = arith.mulf %get3A_927, %get3A_930 : vector<16xf32>
      %add3A_932 = arith.addf %add3A_924, %mul3A_931 : vector<16xf32>
      %get3A_933 = arith.index_cast %add3A_890 : i32 to index
      %get3A_934 = arith.constant 80 : index
      %get3A_935 = tpu.vector_load %arg12[%get3A_933, %get3A_934] {strides = array<i32>} : memref<128x128xf32, #tpu.memory_space<vmem>>, vector<16xf32>,
      %get3A_936 = arith.index_cast %add3A_890 : i32 to index
      %get3A_937 = arith.constant 80 : index
      %get3A_938 = tpu.vector_load %arg13[%get3A_936, %get3A_937] {strides = array<i32>} : memref<128x128xf32, #tpu.memory_space<vmem>>, vector<16xf32>,
      %mul3A_939 = arith.mulf %get3A_935, %get3A_938 : vector<16xf32>
      %add3A_940 = arith.addf %add3A_932, %mul3A_939 : vector<16xf32>
      %get3A_941 = arith.index_cast %add3A_890 : i32 to index
      %get3A_942 = arith.constant 96 : index
      %get3A_943 = tpu.vector_load %arg12[%get3A_941, %get3A_942] {strides = array<i32>} : memref<128x128xf32, #tpu.memory_space<vmem>>, vector<16xf32>,
      %get3A_944 = arith.index_cast %add3A_890 : i32 to index
      %get3A_945 = arith.constant 96 : index
      %get3A_946 = tpu.vector_load %arg13[%get3A_944, %get3A_945] {strides = array<i32>} : memref<128x128xf32, #tpu.memory_space<vmem>>, vector<16xf32>,
      %mul3A_947 = arith.mulf %get3A_943, %get3A_946 : vector<16xf32>
      %add3A_948 = arith.addf %add3A_940, %mul3A_947 : vector<16xf32>
      %get3A_949 = arith.index_cast %add3A_890 : i32 to index
      %get3A_950 = arith.constant 112 : index
      %get3A_951 = tpu.vector_load %arg12[%get3A_949, %get3A_950] {strides = array<i32>} : memref<128x128xf32, #tpu.memory_space<vmem>>, vector<16xf32>,
      %get3A_952 = arith.index_cast %add3A_890 : i32 to index
      %get3A_953 = arith.constant 112 : index
      %get3A_954 = tpu.vector_load %arg13[%get3A_952, %get3A_953] {strides = array<i32>} : memref<128x128xf32, #tpu.memory_space<vmem>>, vector<16xf32>,
      %mul3A_955 = arith.mulf %get3A_951, %get3A_954 : vector<16xf32>
      %add3A_956 = arith.addf %add3A_948, %mul3A_955 : vector<16xf32>
      %eq3A_957 = arith.constant 7 : i32
      %eq3A_958 = vector.broadcast %eq3A_957 : i32 to vector<16xi32>
      %eq3A_959 = arith.cmpi eq, %iota3A, %eq3A_958 : vector<16xi32>
      %reduce_sum3A_960 = arith.constant true
      %reduce_sum3A_961 = vector.broadcast %reduce_sum3A_960 : i1 to vector<16xi1>
      %reduce_sum3A_962 = tpu.scan <sum>, %add3A_956 masked %reduce_sum3A_961 : vector<16xf32>, vector<16xi1> -> vector<16xf32>
      %reduce_sum3A_963 = vector.extract %reduce_sum3A_962[15] : f32 from vector<16xf32>
      %broadcast_in_dim3A_964 = vector.broadcast %reduce_sum3A_963 : f32 to vector<16xf32>
      %select_n3A_965 = arith.select %eq3A_959, %broadcast_in_dim3A_964, %select_n3A_886 : vector<16xi1>, vector<16xf32>
      %mul3A_966 = arith.constant 16 : i32
      %mul3A_967 = arith.muli %scan3A_335, %mul3A_966 : i32
      %add3A_968 = arith.constant 8 : i32
      %add3A_969 = arith.addi %mul3A_967, %add3A_968 : i32
      %broadcast_in_dim3A_970 = arith.constant 0.000000e+00 : f32
      %broadcast_in_dim3A_971 = vector.broadcast %broadcast_in_dim3A_970 : f32 to vector<16xf32>
      %get3A_972 = arith.index_cast %add3A_969 : i32 to index
      %get3A_973 = arith.constant 0 : index
      %get3A_974 = tpu.vector_load %arg12[%get3A_972, %get3A_973] {strides = array<i32>} : memref<128x128xf32, #tpu.memory_space<vmem>>, vector<16xf32>,
      %get3A_975 = arith.index_cast %add3A_969 : i32 to index
      %get3A_976 = arith.constant 0 : index
      %get3A_977 = tpu.vector_load %arg13[%get3A_975, %get3A_976] {strides = array<i32>} : memref<128x128xf32, #tpu.memory_space<vmem>>, vector<16xf32>,
      %mul3A_978 = arith.mulf %get3A_974, %get3A_977 : vector<16xf32>
      %add3A_979 = arith.addf %broadcast_in_dim3A_971, %mul3A_978 : vector<16xf32>
      %get3A_980 = arith.index_cast %add3A_969 : i32 to index
      %get3A_981 = arith.constant 16 : index
      %get3A_982 = tpu.vector_load %arg12[%get3A_980, %get3A_981] {strides = array<i32>} : memref<128x128xf32, #tpu.memory_space<vmem>>, vector<16xf32>,
      %get3A_983 = arith.index_cast %add3A_969 : i32 to index
      %get3A_984 = arith.constant 16 : index
      %get3A_985 = tpu.vector_load %arg13[%get3A_983, %get3A_984] {strides = array<i32>} : memref<128x128xf32, #tpu.memory_space<vmem>>, vector<16xf32>,
      %mul3A_986 = arith.mulf %get3A_982, %get3A_985 : vector<16xf32>
      %add3A_987 = arith.addf %add3A_979, %mul3A_986 : vector<16xf32>
      %get3A_988 = arith.index_cast %add3A_969 : i32 to index
      %get3A_989 = arith.constant 32 : index
      %get3A_990 = tpu.vector_load %arg12[%get3A_988, %get3A_989] {strides = array<i32>} : memref<128x128xf32, #tpu.memory_space<vmem>>, vector<16xf32>,
      %get3A_991 = arith.index_cast %add3A_969 : i32 to index
      %get3A_992 = arith.constant 32 : index
      %get3A_993 = tpu.vector_load %arg13[%get3A_991, %get3A_992] {strides = array<i32>} : memref<128x128xf32, #tpu.memory_space<vmem>>, vector<16xf32>,
      %mul3A_994 = arith.mulf %get3A_990, %get3A_993 : vector<16xf32>
      %add3A_995 = arith.addf %add3A_987, %mul3A_994 : vector<16xf32>
      %get3A_996 = arith.index_cast %add3A_969 : i32 to index
      %get3A_997 = arith.constant 48 : index
      %get3A_998 = tpu.vector_load %arg12[%get3A_996, %get3A_997] {strides = array<i32>} : memref<128x128xf32, #tpu.memory_space<vmem>>, vector<16xf32>,
      %get3A_999 = arith.index_cast %add3A_969 : i32 to index
      %get3A_1000 = arith.constant 48 : index
      %get3A_1001 = tpu.vector_load %arg13[%get3A_999, %get3A_1000] {strides = array<i32>} : memref<128x128xf32, #tpu.memory_space<vmem>>, vector<16xf32>,
      %mul3A_1002 = arith.mulf %get3A_998, %get3A_1001 : vector<16xf32>
      %add3A_1003 = arith.addf %add3A_995, %mul3A_1002 : vector<16xf32>
      %get3A_1004 = arith.index_cast %add3A_969 : i32 to index
      %get3A_1005 = arith.constant 64 : index
      %get3A_1006 = tpu.vector_load %arg12[%get3A_1004, %get3A_1005] {strides = array<i32>} : memref<128x128xf32, #tpu.memory_space<vmem>>, vector<16xf32>,
      %get3A_1007 = arith.index_cast %add3A_969 : i32 to index
      %get3A_1008 = arith.constant 64 : index
      %get3A_1009 = tpu.vector_load %arg13[%get3A_1007, %get3A_1008] {strides = array<i32>} : memref<128x128xf32, #tpu.memory_space<vmem>>, vector<16xf32>,
      %mul3A_1010 = arith.mulf %get3A_1006, %get3A_1009 : vector<16xf32>
      %add3A_1011 = arith.addf %add3A_1003, %mul3A_1010 : vector<16xf32>
      %get3A_1012 = arith.index_cast %add3A_969 : i32 to index
      %get3A_1013 = arith.constant 80 : index
      %get3A_1014 = tpu.vector_load %arg12[%get3A_1012, %get3A_1013] {strides = array<i32>} : memref<128x128xf32, #tpu.memory_space<vmem>>, vector<16xf32>,
      %get3A_1015 = arith.index_cast %add3A_969 : i32 to index
      %get3A_1016 = arith.constant 80 : index
      %get3A_1017 = tpu.vector_load %arg13[%get3A_1015, %get3A_1016] {strides = array<i32>} : memref<128x128xf32, #tpu.memory_space<vmem>>, vector<16xf32>,
      %mul3A_1018 = arith.mulf %get3A_1014, %get3A_1017 : vector<16xf32>
      %add3A_1019 = arith.addf %add3A_1011, %mul3A_1018 : vector<16xf32>
      %get3A_1020 = arith.index_cast %add3A_969 : i32 to index
      %get3A_1021 = arith.constant 96 : index
      %get3A_1022 = tpu.vector_load %arg12[%get3A_1020, %get3A_1021] {strides = array<i32>} : memref<128x128xf32, #tpu.memory_space<vmem>>, vector<16xf32>,
      %get3A_1023 = arith.index_cast %add3A_969 : i32 to index
      %get3A_1024 = arith.constant 96 : index
      %get3A_1025 = tpu.vector_load %arg13[%get3A_1023, %get3A_1024] {strides = array<i32>} : memref<128x128xf32, #tpu.memory_space<vmem>>, vector<16xf32>,
      %mul3A_1026 = arith.mulf %get3A_1022, %get3A_1025 : vector<16xf32>
      %add3A_1027 = arith.addf %add3A_1019, %mul3A_1026 : vector<16xf32>
      %get3A_1028 = arith.index_cast %add3A_969 : i32 to index
      %get3A_1029 = arith.constant 112 : index
      %get3A_1030 = tpu.vector_load %arg12[%get3A_1028, %get3A_1029] {strides = array<i32>} : memref<128x128xf32, #tpu.memory_space<vmem>>, vector<16xf32>,
      %get3A_1031 = arith.index_cast %add3A_969 : i32 to index
      %get3A_1032 = arith.constant 112 : index
      %get3A_1033 = tpu.vector_load %arg13[%get3A_1031, %get3A_1032] {strides = array<i32>} : memref<128x128xf32, #tpu.memory_space<vmem>>, vector<16xf32>,
      %mul3A_1034 = arith.mulf %get3A_1030, %get3A_1033 : vector<16xf32>
      %add3A_1035 = arith.addf %add3A_1027, %mul3A_1034 : vector<16xf32>
      %eq3A_1036 = arith.constant 8 : i32
      %eq3A_1037 = vector.broadcast %eq3A_1036 : i32 to vector<16xi32>
      %eq3A_1038 = arith.cmpi eq, %iota3A, %eq3A_1037 : vector<16xi32>
      %reduce_sum3A_1039 = arith.constant true
      %reduce_sum3A_1040 = vector.broadcast %reduce_sum3A_1039 : i1 to vector<16xi1>
      %reduce_sum3A_1041 = tpu.scan <sum>, %add3A_1035 masked %reduce_sum3A_1040 : vector<16xf32>, vector<16xi1> -> vector<16xf32>
      %reduce_sum3A_1042 = vector.extract %reduce_sum3A_1041[15] : f32 from vector<16xf32>
      %broadcast_in_dim3A_1043 = vector.broadcast %reduce_sum3A_1042 : f32 to vector<16xf32>
      %select_n3A_1044 = arith.select %eq3A_1038, %broadcast_in_dim3A_1043, %select_n3A_965 : vector<16xi1>, vector<16xf32>
      %mul3A_1045 = arith.constant 16 : i32
      %mul3A_1046 = arith.muli %scan3A_335, %mul3A_1045 : i32
      %add3A_1047 = arith.constant 9 : i32
      %add3A_1048 = arith.addi %mul3A_1046, %add3A_1047 : i32
      %broadcast_in_dim3A_1049 = arith.constant 0.000000e+00 : f32
      %broadcast_in_dim3A_1050 = vector.broadcast %broadcast_in_dim3A_1049 : f32 to vector<16xf32>
      %get3A_1051 = arith.index_cast %add3A_1048 : i32 to index
      %get3A_1052 = arith.constant 0 : index
      %get3A_1053 = tpu.vector_load %arg12[%get3A_1051, %get3A_1052] {strides = array<i32>} : memref<128x128xf32, #tpu.memory_space<vmem>>, vector<16xf32>,
      %get3A_1054 = arith.index_cast %add3A_1048 : i32 to index
      %get3A_1055 = arith.constant 0 : index
      %get3A_1056 = tpu.vector_load %arg13[%get3A_1054, %get3A_1055] {strides = array<i32>} : memref<128x128xf32, #tpu.memory_space<vmem>>, vector<16xf32>,
      %mul3A_1057 = arith.mulf %get3A_1053, %get3A_1056 : vector<16xf32>
      %add3A_1058 = arith.addf %broadcast_in_dim3A_1050, %mul3A_1057 : vector<16xf32>
      %get3A_1059 = arith.index_cast %add3A_1048 : i32 to index
      %get3A_1060 = arith.constant 16 : index
      %get3A_1061 = tpu.vector_load %arg12[%get3A_1059, %get3A_1060] {strides = array<i32>} : memref<128x128xf32, #tpu.memory_space<vmem>>, vector<16xf32>,
      %get3A_1062 = arith.index_cast %add3A_1048 : i32 to index
      %get3A_1063 = arith.constant 16 : index
      %get3A_1064 = tpu.vector_load %arg13[%get3A_1062, %get3A_1063] {strides = array<i32>} : memref<128x128xf32, #tpu.memory_space<vmem>>, vector<16xf32>,
      %mul3A_1065 = arith.mulf %get3A_1061, %get3A_1064 : vector<16xf32>
      %add3A_1066 = arith.addf %add3A_1058, %mul3A_1065 : vector<16xf32>
      %get3A_1067 = arith.index_cast %add3A_1048 : i32 to index
      %get3A_1068 = arith.constant 32 : index
      %get3A_1069 = tpu.vector_load %arg12[%get3A_1067, %get3A_1068] {strides = array<i32>} : memref<128x128xf32, #tpu.memory_space<vmem>>, vector<16xf32>,
      %get3A_1070 = arith.index_cast %add3A_1048 : i32 to index
      %get3A_1071 = arith.constant 32 : index
      %get3A_1072 = tpu.vector_load %arg13[%get3A_1070, %get3A_1071] {strides = array<i32>} : memref<128x128xf32, #tpu.memory_space<vmem>>, vector<16xf32>,
      %mul3A_1073 = arith.mulf %get3A_1069, %get3A_1072 : vector<16xf32>
      %add3A_1074 = arith.addf %add3A_1066, %mul3A_1073 : vector<16xf32>
      %get3A_1075 = arith.index_cast %add3A_1048 : i32 to index
      %get3A_1076 = arith.constant 48 : index
      %get3A_1077 = tpu.vector_load %arg12[%get3A_1075, %get3A_1076] {strides = array<i32>} : memref<128x128xf32, #tpu.memory_space<vmem>>, vector<16xf32>,
      %get3A_1078 = arith.index_cast %add3A_1048 : i32 to index
      %get3A_1079 = arith.constant 48 : index
      %get3A_1080 = tpu.vector_load %arg13[%get3A_1078, %get3A_1079] {strides = array<i32>} : memref<128x128xf32, #tpu.memory_space<vmem>>, vector<16xf32>,
      %mul3A_1081 = arith.mulf %get3A_1077, %get3A_1080 : vector<16xf32>
      %add3A_1082 = arith.addf %add3A_1074, %mul3A_1081 : vector<16xf32>
      %get3A_1083 = arith.index_cast %add3A_1048 : i32 to index
      %get3A_1084 = arith.constant 64 : index
      %get3A_1085 = tpu.vector_load %arg12[%get3A_1083, %get3A_1084] {strides = array<i32>} : memref<128x128xf32, #tpu.memory_space<vmem>>, vector<16xf32>,
      %get3A_1086 = arith.index_cast %add3A_1048 : i32 to index
      %get3A_1087 = arith.constant 64 : index
      %get3A_1088 = tpu.vector_load %arg13[%get3A_1086, %get3A_1087] {strides = array<i32>} : memref<128x128xf32, #tpu.memory_space<vmem>>, vector<16xf32>,
      %mul3A_1089 = arith.mulf %get3A_1085, %get3A_1088 : vector<16xf32>
      %add3A_1090 = arith.addf %add3A_1082, %mul3A_1089 : vector<16xf32>
      %get3A_1091 = arith.index_cast %add3A_1048 : i32 to index
      %get3A_1092 = arith.constant 80 : index
      %get3A_1093 = tpu.vector_load %arg12[%get3A_1091, %get3A_1092] {strides = array<i32>} : memref<128x128xf32, #tpu.memory_space<vmem>>, vector<16xf32>,
      %get3A_1094 = arith.index_cast %add3A_1048 : i32 to index
      %get3A_1095 = arith.constant 80 : index
      %get3A_1096 = tpu.vector_load %arg13[%get3A_1094, %get3A_1095] {strides = array<i32>} : memref<128x128xf32, #tpu.memory_space<vmem>>, vector<16xf32>,
      %mul3A_1097 = arith.mulf %get3A_1093, %get3A_1096 : vector<16xf32>
      %add3A_1098 = arith.addf %add3A_1090, %mul3A_1097 : vector<16xf32>
      %get3A_1099 = arith.index_cast %add3A_1048 : i32 to index
      %get3A_1100 = arith.constant 96 : index
      %get3A_1101 = tpu.vector_load %arg12[%get3A_1099, %get3A_1100] {strides = array<i32>} : memref<128x128xf32, #tpu.memory_space<vmem>>, vector<16xf32>,
      %get3A_1102 = arith.index_cast %add3A_1048 : i32 to index
      %get3A_1103 = arith.constant 96 : index
      %get3A_1104 = tpu.vector_load %arg13[%get3A_1102, %get3A_1103] {strides = array<i32>} : memref<128x128xf32, #tpu.memory_space<vmem>>, vector<16xf32>,
      %mul3A_1105 = arith.mulf %get3A_1101, %get3A_1104 : vector<16xf32>
      %add3A_1106 = arith.addf %add3A_1098, %mul3A_1105 : vector<16xf32>
      %get3A_1107 = arith.index_cast %add3A_1048 : i32 to index
      %get3A_1108 = arith.constant 112 : index
      %get3A_1109 = tpu.vector_load %arg12[%get3A_1107, %get3A_1108] {strides = array<i32>} : memref<128x128xf32, #tpu.memory_space<vmem>>, vector<16xf32>,
      %get3A_1110 = arith.index_cast %add3A_1048 : i32 to index
      %get3A_1111 = arith.constant 112 : index
      %get3A_1112 = tpu.vector_load %arg13[%get3A_1110, %get3A_1111] {strides = array<i32>} : memref<128x128xf32, #tpu.memory_space<vmem>>, vector<16xf32>,
      %mul3A_1113 = arith.mulf %get3A_1109, %get3A_1112 : vector<16xf32>
      %add3A_1114 = arith.addf %add3A_1106, %mul3A_1113 : vector<16xf32>
      %eq3A_1115 = arith.constant 9 : i32
      %eq3A_1116 = vector.broadcast %eq3A_1115 : i32 to vector<16xi32>
      %eq3A_1117 = arith.cmpi eq, %iota3A, %eq3A_1116 : vector<16xi32>
      %reduce_sum3A_1118 = arith.constant true
      %reduce_sum3A_1119 = vector.broadcast %reduce_sum3A_1118 : i1 to vector<16xi1>
      %reduce_sum3A_1120 = tpu.scan <sum>, %add3A_1114 masked %reduce_sum3A_1119 : vector<16xf32>, vector<16xi1> -> vector<16xf32>
      %reduce_sum3A_1121 = vector.extract %reduce_sum3A_1120[15] : f32 from vector<16xf32>
      %broadcast_in_dim3A_1122 = vector.broadcast %reduce_sum3A_1121 : f32 to vector<16xf32>
      %select_n3A_1123 = arith.select %eq3A_1117, %broadcast_in_dim3A_1122, %select_n3A_1044 : vector<16xi1>, vector<16xf32>
      %mul3A_1124 = arith.constant 16 : i32
      %mul3A_1125 = arith.muli %scan3A_335, %mul3A_1124 : i32
      %add3A_1126 = arith.constant 10 : i32
      %add3A_1127 = arith.addi %mul3A_1125, %add3A_1126 : i32
      %broadcast_in_dim3A_1128 = arith.constant 0.000000e+00 : f32
      %broadcast_in_dim3A_1129 = vector.broadcast %broadcast_in_dim3A_1128 : f32 to vector<16xf32>
      %get3A_1130 = arith.index_cast %add3A_1127 : i32 to index
      %get3A_1131 = arith.constant 0 : index
      %get3A_1132 = tpu.vector_load %arg12[%get3A_1130, %get3A_1131] {strides = array<i32>} : memref<128x128xf32, #tpu.memory_space<vmem>>, vector<16xf32>,
      %get3A_1133 = arith.index_cast %add3A_1127 : i32 to index
      %get3A_1134 = arith.constant 0 : index
      %get3A_1135 = tpu.vector_load %arg13[%get3A_1133, %get3A_1134] {strides = array<i32>} : memref<128x128xf32, #tpu.memory_space<vmem>>, vector<16xf32>,
      %mul3A_1136 = arith.mulf %get3A_1132, %get3A_1135 : vector<16xf32>
      %add3A_1137 = arith.addf %broadcast_in_dim3A_1129, %mul3A_1136 : vector<16xf32>
      %get3A_1138 = arith.index_cast %add3A_1127 : i32 to index
      %get3A_1139 = arith.constant 16 : index
      %get3A_1140 = tpu.vector_load %arg12[%get3A_1138, %get3A_1139] {strides = array<i32>} : memref<128x128xf32, #tpu.memory_space<vmem>>, vector<16xf32>,
      %get3A_1141 = arith.index_cast %add3A_1127 : i32 to index
      %get3A_1142 = arith.constant 16 : index
      %get3A_1143 = tpu.vector_load %arg13[%get3A_1141, %get3A_1142] {strides = array<i32>} : memref<128x128xf32, #tpu.memory_space<vmem>>, vector<16xf32>,
      %mul3A_1144 = arith.mulf %get3A_1140, %get3A_1143 : vector<16xf32>
      %add3A_1145 = arith.addf %add3A_1137, %mul3A_1144 : vector<16xf32>
      %get3A_1146 = arith.index_cast %add3A_1127 : i32 to index
      %get3A_1147 = arith.constant 32 : index
      %get3A_1148 = tpu.vector_load %arg12[%get3A_1146, %get3A_1147] {strides = array<i32>} : memref<128x128xf32, #tpu.memory_space<vmem>>, vector<16xf32>,
      %get3A_1149 = arith.index_cast %add3A_1127 : i32 to index
      %get3A_1150 = arith.constant 32 : index
      %get3A_1151 = tpu.vector_load %arg13[%get3A_1149, %get3A_1150] {strides = array<i32>} : memref<128x128xf32, #tpu.memory_space<vmem>>, vector<16xf32>,
      %mul3A_1152 = arith.mulf %get3A_1148, %get3A_1151 : vector<16xf32>
      %add3A_1153 = arith.addf %add3A_1145, %mul3A_1152 : vector<16xf32>
      %get3A_1154 = arith.index_cast %add3A_1127 : i32 to index
      %get3A_1155 = arith.constant 48 : index
      %get3A_1156 = tpu.vector_load %arg12[%get3A_1154, %get3A_1155] {strides = array<i32>} : memref<128x128xf32, #tpu.memory_space<vmem>>, vector<16xf32>,
      %get3A_1157 = arith.index_cast %add3A_1127 : i32 to index
      %get3A_1158 = arith.constant 48 : index
      %get3A_1159 = tpu.vector_load %arg13[%get3A_1157, %get3A_1158] {strides = array<i32>} : memref<128x128xf32, #tpu.memory_space<vmem>>, vector<16xf32>,
      %mul3A_1160 = arith.mulf %get3A_1156, %get3A_1159 : vector<16xf32>
      %add3A_1161 = arith.addf %add3A_1153, %mul3A_1160 : vector<16xf32>
      %get3A_1162 = arith.index_cast %add3A_1127 : i32 to index
      %get3A_1163 = arith.constant 64 : index
      %get3A_1164 = tpu.vector_load %arg12[%get3A_1162, %get3A_1163] {strides = array<i32>} : memref<128x128xf32, #tpu.memory_space<vmem>>, vector<16xf32>,
      %get3A_1165 = arith.index_cast %add3A_1127 : i32 to index
      %get3A_1166 = arith.constant 64 : index
      %get3A_1167 = tpu.vector_load %arg13[%get3A_1165, %get3A_1166] {strides = array<i32>} : memref<128x128xf32, #tpu.memory_space<vmem>>, vector<16xf32>,
      %mul3A_1168 = arith.mulf %get3A_1164, %get3A_1167 : vector<16xf32>
      %add3A_1169 = arith.addf %add3A_1161, %mul3A_1168 : vector<16xf32>
      %get3A_1170 = arith.index_cast %add3A_1127 : i32 to index
      %get3A_1171 = arith.constant 80 : index
      %get3A_1172 = tpu.vector_load %arg12[%get3A_1170, %get3A_1171] {strides = array<i32>} : memref<128x128xf32, #tpu.memory_space<vmem>>, vector<16xf32>,
      %get3A_1173 = arith.index_cast %add3A_1127 : i32 to index
      %get3A_1174 = arith.constant 80 : index
      %get3A_1175 = tpu.vector_load %arg13[%get3A_1173, %get3A_1174] {strides = array<i32>} : memref<128x128xf32, #tpu.memory_space<vmem>>, vector<16xf32>,
      %mul3A_1176 = arith.mulf %get3A_1172, %get3A_1175 : vector<16xf32>
      %add3A_1177 = arith.addf %add3A_1169, %mul3A_1176 : vector<16xf32>
      %get3A_1178 = arith.index_cast %add3A_1127 : i32 to index
      %get3A_1179 = arith.constant 96 : index
      %get3A_1180 = tpu.vector_load %arg12[%get3A_1178, %get3A_1179] {strides = array<i32>} : memref<128x128xf32, #tpu.memory_space<vmem>>, vector<16xf32>,
      %get3A_1181 = arith.index_cast %add3A_1127 : i32 to index
      %get3A_1182 = arith.constant 96 : index
      %get3A_1183 = tpu.vector_load %arg13[%get3A_1181, %get3A_1182] {strides = array<i32>} : memref<128x128xf32, #tpu.memory_space<vmem>>, vector<16xf32>,
      %mul3A_1184 = arith.mulf %get3A_1180, %get3A_1183 : vector<16xf32>
      %add3A_1185 = arith.addf %add3A_1177, %mul3A_1184 : vector<16xf32>
      %get3A_1186 = arith.index_cast %add3A_1127 : i32 to index
      %get3A_1187 = arith.constant 112 : index
      %get3A_1188 = tpu.vector_load %arg12[%get3A_1186, %get3A_1187] {strides = array<i32>} : memref<128x128xf32, #tpu.memory_space<vmem>>, vector<16xf32>,
      %get3A_1189 = arith.index_cast %add3A_1127 : i32 to index
      %get3A_1190 = arith.constant 112 : index
      %get3A_1191 = tpu.vector_load %arg13[%get3A_1189, %get3A_1190] {strides = array<i32>} : memref<128x128xf32, #tpu.memory_space<vmem>>, vector<16xf32>,
      %mul3A_1192 = arith.mulf %get3A_1188, %get3A_1191 : vector<16xf32>
      %add3A_1193 = arith.addf %add3A_1185, %mul3A_1192 : vector<16xf32>
      %eq3A_1194 = arith.constant 10 : i32
      %eq3A_1195 = vector.broadcast %eq3A_1194 : i32 to vector<16xi32>
      %eq3A_1196 = arith.cmpi eq, %iota3A, %eq3A_1195 : vector<16xi32>
      %reduce_sum3A_1197 = arith.constant true
      %reduce_sum3A_1198 = vector.broadcast %reduce_sum3A_1197 : i1 to vector<16xi1>
      %reduce_sum3A_1199 = tpu.scan <sum>, %add3A_1193 masked %reduce_sum3A_1198 : vector<16xf32>, vector<16xi1> -> vector<16xf32>
      %reduce_sum3A_1200 = vector.extract %reduce_sum3A_1199[15] : f32 from vector<16xf32>
      %broadcast_in_dim3A_1201 = vector.broadcast %reduce_sum3A_1200 : f32 to vector<16xf32>
      %select_n3A_1202 = arith.select %eq3A_1196, %broadcast_in_dim3A_1201, %select_n3A_1123 : vector<16xi1>, vector<16xf32>
      %mul3A_1203 = arith.constant 16 : i32
      %mul3A_1204 = arith.muli %scan3A_335, %mul3A_1203 : i32
      %add3A_1205 = arith.constant 11 : i32
      %add3A_1206 = arith.addi %mul3A_1204, %add3A_1205 : i32
      %broadcast_in_dim3A_1207 = arith.constant 0.000000e+00 : f32
      %broadcast_in_dim3A_1208 = vector.broadcast %broadcast_in_dim3A_1207 : f32 to vector<16xf32>
      %get3A_1209 = arith.index_cast %add3A_1206 : i32 to index
      %get3A_1210 = arith.constant 0 : index
      %get3A_1211 = tpu.vector_load %arg12[%get3A_1209, %get3A_1210] {strides = array<i32>} : memref<128x128xf32, #tpu.memory_space<vmem>>, vector<16xf32>,
      %get3A_1212 = arith.index_cast %add3A_1206 : i32 to index
      %get3A_1213 = arith.constant 0 : index
      %get3A_1214 = tpu.vector_load %arg13[%get3A_1212, %get3A_1213] {strides = array<i32>} : memref<128x128xf32, #tpu.memory_space<vmem>>, vector<16xf32>,
      %mul3A_1215 = arith.mulf %get3A_1211, %get3A_1214 : vector<16xf32>
      %add3A_1216 = arith.addf %broadcast_in_dim3A_1208, %mul3A_1215 : vector<16xf32>
      %get3A_1217 = arith.index_cast %add3A_1206 : i32 to index
      %get3A_1218 = arith.constant 16 : index
      %get3A_1219 = tpu.vector_load %arg12[%get3A_1217, %get3A_1218] {strides = array<i32>} : memref<128x128xf32, #tpu.memory_space<vmem>>, vector<16xf32>,
      %get3A_1220 = arith.index_cast %add3A_1206 : i32 to index
      %get3A_1221 = arith.constant 16 : index
      %get3A_1222 = tpu.vector_load %arg13[%get3A_1220, %get3A_1221] {strides = array<i32>} : memref<128x128xf32, #tpu.memory_space<vmem>>, vector<16xf32>,
      %mul3A_1223 = arith.mulf %get3A_1219, %get3A_1222 : vector<16xf32>
      %add3A_1224 = arith.addf %add3A_1216, %mul3A_1223 : vector<16xf32>
      %get3A_1225 = arith.index_cast %add3A_1206 : i32 to index
      %get3A_1226 = arith.constant 32 : index
      %get3A_1227 = tpu.vector_load %arg12[%get3A_1225, %get3A_1226] {strides = array<i32>} : memref<128x128xf32, #tpu.memory_space<vmem>>, vector<16xf32>,
      %get3A_1228 = arith.index_cast %add3A_1206 : i32 to index
      %get3A_1229 = arith.constant 32 : index
      %get3A_1230 = tpu.vector_load %arg13[%get3A_1228, %get3A_1229] {strides = array<i32>} : memref<128x128xf32, #tpu.memory_space<vmem>>, vector<16xf32>,
      %mul3A_1231 = arith.mulf %get3A_1227, %get3A_1230 : vector<16xf32>
      %add3A_1232 = arith.addf %add3A_1224, %mul3A_1231 : vector<16xf32>
      %get3A_1233 = arith.index_cast %add3A_1206 : i32 to index
      %get3A_1234 = arith.constant 48 : index
      %get3A_1235 = tpu.vector_load %arg12[%get3A_1233, %get3A_1234] {strides = array<i32>} : memref<128x128xf32, #tpu.memory_space<vmem>>, vector<16xf32>,
      %get3A_1236 = arith.index_cast %add3A_1206 : i32 to index
      %get3A_1237 = arith.constant 48 : index
      %get3A_1238 = tpu.vector_load %arg13[%get3A_1236, %get3A_1237] {strides = array<i32>} : memref<128x128xf32, #tpu.memory_space<vmem>>, vector<16xf32>,
      %mul3A_1239 = arith.mulf %get3A_1235, %get3A_1238 : vector<16xf32>
      %add3A_1240 = arith.addf %add3A_1232, %mul3A_1239 : vector<16xf32>
      %get3A_1241 = arith.index_cast %add3A_1206 : i32 to index
      %get3A_1242 = arith.constant 64 : index
      %get3A_1243 = tpu.vector_load %arg12[%get3A_1241, %get3A_1242] {strides = array<i32>} : memref<128x128xf32, #tpu.memory_space<vmem>>, vector<16xf32>,
      %get3A_1244 = arith.index_cast %add3A_1206 : i32 to index
      %get3A_1245 = arith.constant 64 : index
      %get3A_1246 = tpu.vector_load %arg13[%get3A_1244, %get3A_1245] {strides = array<i32>} : memref<128x128xf32, #tpu.memory_space<vmem>>, vector<16xf32>,
      %mul3A_1247 = arith.mulf %get3A_1243, %get3A_1246 : vector<16xf32>
      %add3A_1248 = arith.addf %add3A_1240, %mul3A_1247 : vector<16xf32>
      %get3A_1249 = arith.index_cast %add3A_1206 : i32 to index
      %get3A_1250 = arith.constant 80 : index
      %get3A_1251 = tpu.vector_load %arg12[%get3A_1249, %get3A_1250] {strides = array<i32>} : memref<128x128xf32, #tpu.memory_space<vmem>>, vector<16xf32>,
      %get3A_1252 = arith.index_cast %add3A_1206 : i32 to index
      %get3A_1253 = arith.constant 80 : index
      %get3A_1254 = tpu.vector_load %arg13[%get3A_1252, %get3A_1253] {strides = array<i32>} : memref<128x128xf32, #tpu.memory_space<vmem>>, vector<16xf32>,
      %mul3A_1255 = arith.mulf %get3A_1251, %get3A_1254 : vector<16xf32>
      %add3A_1256 = arith.addf %add3A_1248, %mul3A_1255 : vector<16xf32>
      %get3A_1257 = arith.index_cast %add3A_1206 : i32 to index
      %get3A_1258 = arith.constant 96 : index
      %get3A_1259 = tpu.vector_load %arg12[%get3A_1257, %get3A_1258] {strides = array<i32>} : memref<128x128xf32, #tpu.memory_space<vmem>>, vector<16xf32>,
      %get3A_1260 = arith.index_cast %add3A_1206 : i32 to index
      %get3A_1261 = arith.constant 96 : index
      %get3A_1262 = tpu.vector_load %arg13[%get3A_1260, %get3A_1261] {strides = array<i32>} : memref<128x128xf32, #tpu.memory_space<vmem>>, vector<16xf32>,
      %mul3A_1263 = arith.mulf %get3A_1259, %get3A_1262 : vector<16xf32>
      %add3A_1264 = arith.addf %add3A_1256, %mul3A_1263 : vector<16xf32>
      %get3A_1265 = arith.index_cast %add3A_1206 : i32 to index
      %get3A_1266 = arith.constant 112 : index
      %get3A_1267 = tpu.vector_load %arg12[%get3A_1265, %get3A_1266] {strides = array<i32>} : memref<128x128xf32, #tpu.memory_space<vmem>>, vector<16xf32>,
      %get3A_1268 = arith.index_cast %add3A_1206 : i32 to index
      %get3A_1269 = arith.constant 112 : index
      %get3A_1270 = tpu.vector_load %arg13[%get3A_1268, %get3A_1269] {strides = array<i32>} : memref<128x128xf32, #tpu.memory_space<vmem>>, vector<16xf32>,
      %mul3A_1271 = arith.mulf %get3A_1267, %get3A_1270 : vector<16xf32>
      %add3A_1272 = arith.addf %add3A_1264, %mul3A_1271 : vector<16xf32>
      %eq3A_1273 = arith.constant 11 : i32
      %eq3A_1274 = vector.broadcast %eq3A_1273 : i32 to vector<16xi32>
      %eq3A_1275 = arith.cmpi eq, %iota3A, %eq3A_1274 : vector<16xi32>
      %reduce_sum3A_1276 = arith.constant true
      %reduce_sum3A_1277 = vector.broadcast %reduce_sum3A_1276 : i1 to vector<16xi1>
      %reduce_sum3A_1278 = tpu.scan <sum>, %add3A_1272 masked %reduce_sum3A_1277 : vector<16xf32>, vector<16xi1> -> vector<16xf32>
      %reduce_sum3A_1279 = vector.extract %reduce_sum3A_1278[15] : f32 from vector<16xf32>
      %broadcast_in_dim3A_1280 = vector.broadcast %reduce_sum3A_1279 : f32 to vector<16xf32>
      %select_n3A_1281 = arith.select %eq3A_1275, %broadcast_in_dim3A_1280, %select_n3A_1202 : vector<16xi1>, vector<16xf32>
      %mul3A_1282 = arith.constant 16 : i32
      %mul3A_1283 = arith.muli %scan3A_335, %mul3A_1282 : i32
      %add3A_1284 = arith.constant 12 : i32
      %add3A_1285 = arith.addi %mul3A_1283, %add3A_1284 : i32
      %broadcast_in_dim3A_1286 = arith.constant 0.000000e+00 : f32
      %broadcast_in_dim3A_1287 = vector.broadcast %broadcast_in_dim3A_1286 : f32 to vector<16xf32>
      %get3A_1288 = arith.index_cast %add3A_1285 : i32 to index
      %get3A_1289 = arith.constant 0 : index
      %get3A_1290 = tpu.vector_load %arg12[%get3A_1288, %get3A_1289] {strides = array<i32>} : memref<128x128xf32, #tpu.memory_space<vmem>>, vector<16xf32>,
      %get3A_1291 = arith.index_cast %add3A_1285 : i32 to index
      %get3A_1292 = arith.constant 0 : index
      %get3A_1293 = tpu.vector_load %arg13[%get3A_1291, %get3A_1292] {strides = array<i32>} : memref<128x128xf32, #tpu.memory_space<vmem>>, vector<16xf32>,
      %mul3A_1294 = arith.mulf %get3A_1290, %get3A_1293 : vector<16xf32>
      %add3A_1295 = arith.addf %broadcast_in_dim3A_1287, %mul3A_1294 : vector<16xf32>
      %get3A_1296 = arith.index_cast %add3A_1285 : i32 to index
      %get3A_1297 = arith.constant 16 : index
      %get3A_1298 = tpu.vector_load %arg12[%get3A_1296, %get3A_1297] {strides = array<i32>} : memref<128x128xf32, #tpu.memory_space<vmem>>, vector<16xf32>,
      %get3A_1299 = arith.index_cast %add3A_1285 : i32 to index
      %get3A_1300 = arith.constant 16 : index
      %get3A_1301 = tpu.vector_load %arg13[%get3A_1299, %get3A_1300] {strides = array<i32>} : memref<128x128xf32, #tpu.memory_space<vmem>>, vector<16xf32>,
      %mul3A_1302 = arith.mulf %get3A_1298, %get3A_1301 : vector<16xf32>
      %add3A_1303 = arith.addf %add3A_1295, %mul3A_1302 : vector<16xf32>
      %get3A_1304 = arith.index_cast %add3A_1285 : i32 to index
      %get3A_1305 = arith.constant 32 : index
      %get3A_1306 = tpu.vector_load %arg12[%get3A_1304, %get3A_1305] {strides = array<i32>} : memref<128x128xf32, #tpu.memory_space<vmem>>, vector<16xf32>,
      %get3A_1307 = arith.index_cast %add3A_1285 : i32 to index
      %get3A_1308 = arith.constant 32 : index
      %get3A_1309 = tpu.vector_load %arg13[%get3A_1307, %get3A_1308] {strides = array<i32>} : memref<128x128xf32, #tpu.memory_space<vmem>>, vector<16xf32>,
      %mul3A_1310 = arith.mulf %get3A_1306, %get3A_1309 : vector<16xf32>
      %add3A_1311 = arith.addf %add3A_1303, %mul3A_1310 : vector<16xf32>
      %get3A_1312 = arith.index_cast %add3A_1285 : i32 to index
      %get3A_1313 = arith.constant 48 : index
      %get3A_1314 = tpu.vector_load %arg12[%get3A_1312, %get3A_1313] {strides = array<i32>} : memref<128x128xf32, #tpu.memory_space<vmem>>, vector<16xf32>,
      %get3A_1315 = arith.index_cast %add3A_1285 : i32 to index
      %get3A_1316 = arith.constant 48 : index
      %get3A_1317 = tpu.vector_load %arg13[%get3A_1315, %get3A_1316] {strides = array<i32>} : memref<128x128xf32, #tpu.memory_space<vmem>>, vector<16xf32>,
      %mul3A_1318 = arith.mulf %get3A_1314, %get3A_1317 : vector<16xf32>
      %add3A_1319 = arith.addf %add3A_1311, %mul3A_1318 : vector<16xf32>
      %get3A_1320 = arith.index_cast %add3A_1285 : i32 to index
      %get3A_1321 = arith.constant 64 : index
      %get3A_1322 = tpu.vector_load %arg12[%get3A_1320, %get3A_1321] {strides = array<i32>} : memref<128x128xf32, #tpu.memory_space<vmem>>, vector<16xf32>,
      %get3A_1323 = arith.index_cast %add3A_1285 : i32 to index
      %get3A_1324 = arith.constant 64 : index
      %get3A_1325 = tpu.vector_load %arg13[%get3A_1323, %get3A_1324] {strides = array<i32>} : memref<128x128xf32, #tpu.memory_space<vmem>>, vector<16xf32>,
      %mul3A_1326 = arith.mulf %get3A_1322, %get3A_1325 : vector<16xf32>
      %add3A_1327 = arith.addf %add3A_1319, %mul3A_1326 : vector<16xf32>
      %get3A_1328 = arith.index_cast %add3A_1285 : i32 to index
      %get3A_1329 = arith.constant 80 : index
      %get3A_1330 = tpu.vector_load %arg12[%get3A_1328, %get3A_1329] {strides = array<i32>} : memref<128x128xf32, #tpu.memory_space<vmem>>, vector<16xf32>,
      %get3A_1331 = arith.index_cast %add3A_1285 : i32 to index
      %get3A_1332 = arith.constant 80 : index
      %get3A_1333 = tpu.vector_load %arg13[%get3A_1331, %get3A_1332] {strides = array<i32>} : memref<128x128xf32, #tpu.memory_space<vmem>>, vector<16xf32>,
      %mul3A_1334 = arith.mulf %get3A_1330, %get3A_1333 : vector<16xf32>
      %add3A_1335 = arith.addf %add3A_1327, %mul3A_1334 : vector<16xf32>
      %get3A_1336 = arith.index_cast %add3A_1285 : i32 to index
      %get3A_1337 = arith.constant 96 : index
      %get3A_1338 = tpu.vector_load %arg12[%get3A_1336, %get3A_1337] {strides = array<i32>} : memref<128x128xf32, #tpu.memory_space<vmem>>, vector<16xf32>,
      %get3A_1339 = arith.index_cast %add3A_1285 : i32 to index
      %get3A_1340 = arith.constant 96 : index
      %get3A_1341 = tpu.vector_load %arg13[%get3A_1339, %get3A_1340] {strides = array<i32>} : memref<128x128xf32, #tpu.memory_space<vmem>>, vector<16xf32>,
      %mul3A_1342 = arith.mulf %get3A_1338, %get3A_1341 : vector<16xf32>
      %add3A_1343 = arith.addf %add3A_1335, %mul3A_1342 : vector<16xf32>
      %get3A_1344 = arith.index_cast %add3A_1285 : i32 to index
      %get3A_1345 = arith.constant 112 : index
      %get3A_1346 = tpu.vector_load %arg12[%get3A_1344, %get3A_1345] {strides = array<i32>} : memref<128x128xf32, #tpu.memory_space<vmem>>, vector<16xf32>,
      %get3A_1347 = arith.index_cast %add3A_1285 : i32 to index
      %get3A_1348 = arith.constant 112 : index
      %get3A_1349 = tpu.vector_load %arg13[%get3A_1347, %get3A_1348] {strides = array<i32>} : memref<128x128xf32, #tpu.memory_space<vmem>>, vector<16xf32>,
      %mul3A_1350 = arith.mulf %get3A_1346, %get3A_1349 : vector<16xf32>
      %add3A_1351 = arith.addf %add3A_1343, %mul3A_1350 : vector<16xf32>
      %eq3A_1352 = arith.constant 12 : i32
      %eq3A_1353 = vector.broadcast %eq3A_1352 : i32 to vector<16xi32>
      %eq3A_1354 = arith.cmpi eq, %iota3A, %eq3A_1353 : vector<16xi32>
      %reduce_sum3A_1355 = arith.constant true
      %reduce_sum3A_1356 = vector.broadcast %reduce_sum3A_1355 : i1 to vector<16xi1>
      %reduce_sum3A_1357 = tpu.scan <sum>, %add3A_1351 masked %reduce_sum3A_1356 : vector<16xf32>, vector<16xi1> -> vector<16xf32>
      %reduce_sum3A_1358 = vector.extract %reduce_sum3A_1357[15] : f32 from vector<16xf32>
      %broadcast_in_dim3A_1359 = vector.broadcast %reduce_sum3A_1358 : f32 to vector<16xf32>
      %select_n3A_1360 = arith.select %eq3A_1354, %broadcast_in_dim3A_1359, %select_n3A_1281 : vector<16xi1>, vector<16xf32>
      %mul3A_1361 = arith.constant 16 : i32
      %mul3A_1362 = arith.muli %scan3A_335, %mul3A_1361 : i32
      %add3A_1363 = arith.constant 13 : i32
      %add3A_1364 = arith.addi %mul3A_1362, %add3A_1363 : i32
      %broadcast_in_dim3A_1365 = arith.constant 0.000000e+00 : f32
      %broadcast_in_dim3A_1366 = vector.broadcast %broadcast_in_dim3A_1365 : f32 to vector<16xf32>
      %get3A_1367 = arith.index_cast %add3A_1364 : i32 to index
      %get3A_1368 = arith.constant 0 : index
      %get3A_1369 = tpu.vector_load %arg12[%get3A_1367, %get3A_1368] {strides = array<i32>} : memref<128x128xf32, #tpu.memory_space<vmem>>, vector<16xf32>,
      %get3A_1370 = arith.index_cast %add3A_1364 : i32 to index
      %get3A_1371 = arith.constant 0 : index
      %get3A_1372 = tpu.vector_load %arg13[%get3A_1370, %get3A_1371] {strides = array<i32>} : memref<128x128xf32, #tpu.memory_space<vmem>>, vector<16xf32>,
      %mul3A_1373 = arith.mulf %get3A_1369, %get3A_1372 : vector<16xf32>
      %add3A_1374 = arith.addf %broadcast_in_dim3A_1366, %mul3A_1373 : vector<16xf32>
      %get3A_1375 = arith.index_cast %add3A_1364 : i32 to index
      %get3A_1376 = arith.constant 16 : index
      %get3A_1377 = tpu.vector_load %arg12[%get3A_1375, %get3A_1376] {strides = array<i32>} : memref<128x128xf32, #tpu.memory_space<vmem>>, vector<16xf32>,
      %get3A_1378 = arith.index_cast %add3A_1364 : i32 to index
      %get3A_1379 = arith.constant 16 : index
      %get3A_1380 = tpu.vector_load %arg13[%get3A_1378, %get3A_1379] {strides = array<i32>} : memref<128x128xf32, #tpu.memory_space<vmem>>, vector<16xf32>,
      %mul3A_1381 = arith.mulf %get3A_1377, %get3A_1380 : vector<16xf32>
      %add3A_1382 = arith.addf %add3A_1374, %mul3A_1381 : vector<16xf32>
      %get3A_1383 = arith.index_cast %add3A_1364 : i32 to index
      %get3A_1384 = arith.constant 32 : index
      %get3A_1385 = tpu.vector_load %arg12[%get3A_1383, %get3A_1384] {strides = array<i32>} : memref<128x128xf32, #tpu.memory_space<vmem>>, vector<16xf32>,
      %get3A_1386 = arith.index_cast %add3A_1364 : i32 to index
      %get3A_1387 = arith.constant 32 : index
      %get3A_1388 = tpu.vector_load %arg13[%get3A_1386, %get3A_1387] {strides = array<i32>} : memref<128x128xf32, #tpu.memory_space<vmem>>, vector<16xf32>,
      %mul3A_1389 = arith.mulf %get3A_1385, %get3A_1388 : vector<16xf32>
      %add3A_1390 = arith.addf %add3A_1382, %mul3A_1389 : vector<16xf32>
      %get3A_1391 = arith.index_cast %add3A_1364 : i32 to index
      %get3A_1392 = arith.constant 48 : index
      %get3A_1393 = tpu.vector_load %arg12[%get3A_1391, %get3A_1392] {strides = array<i32>} : memref<128x128xf32, #tpu.memory_space<vmem>>, vector<16xf32>,
      %get3A_1394 = arith.index_cast %add3A_1364 : i32 to index
      %get3A_1395 = arith.constant 48 : index
      %get3A_1396 = tpu.vector_load %arg13[%get3A_1394, %get3A_1395] {strides = array<i32>} : memref<128x128xf32, #tpu.memory_space<vmem>>, vector<16xf32>,
      %mul3A_1397 = arith.mulf %get3A_1393, %get3A_1396 : vector<16xf32>
      %add3A_1398 = arith.addf %add3A_1390, %mul3A_1397 : vector<16xf32>
      %get3A_1399 = arith.index_cast %add3A_1364 : i32 to index
      %get3A_1400 = arith.constant 64 : index
      %get3A_1401 = tpu.vector_load %arg12[%get3A_1399, %get3A_1400] {strides = array<i32>} : memref<128x128xf32, #tpu.memory_space<vmem>>, vector<16xf32>,
      %get3A_1402 = arith.index_cast %add3A_1364 : i32 to index
      %get3A_1403 = arith.constant 64 : index
      %get3A_1404 = tpu.vector_load %arg13[%get3A_1402, %get3A_1403] {strides = array<i32>} : memref<128x128xf32, #tpu.memory_space<vmem>>, vector<16xf32>,
      %mul3A_1405 = arith.mulf %get3A_1401, %get3A_1404 : vector<16xf32>
      %add3A_1406 = arith.addf %add3A_1398, %mul3A_1405 : vector<16xf32>
      %get3A_1407 = arith.index_cast %add3A_1364 : i32 to index
      %get3A_1408 = arith.constant 80 : index
      %get3A_1409 = tpu.vector_load %arg12[%get3A_1407, %get3A_1408] {strides = array<i32>} : memref<128x128xf32, #tpu.memory_space<vmem>>, vector<16xf32>,
      %get3A_1410 = arith.index_cast %add3A_1364 : i32 to index
      %get3A_1411 = arith.constant 80 : index
      %get3A_1412 = tpu.vector_load %arg13[%get3A_1410, %get3A_1411] {strides = array<i32>} : memref<128x128xf32, #tpu.memory_space<vmem>>, vector<16xf32>,
      %mul3A_1413 = arith.mulf %get3A_1409, %get3A_1412 : vector<16xf32>
      %add3A_1414 = arith.addf %add3A_1406, %mul3A_1413 : vector<16xf32>
      %get3A_1415 = arith.index_cast %add3A_1364 : i32 to index
      %get3A_1416 = arith.constant 96 : index
      %get3A_1417 = tpu.vector_load %arg12[%get3A_1415, %get3A_1416] {strides = array<i32>} : memref<128x128xf32, #tpu.memory_space<vmem>>, vector<16xf32>,
      %get3A_1418 = arith.index_cast %add3A_1364 : i32 to index
      %get3A_1419 = arith.constant 96 : index
      %get3A_1420 = tpu.vector_load %arg13[%get3A_1418, %get3A_1419] {strides = array<i32>} : memref<128x128xf32, #tpu.memory_space<vmem>>, vector<16xf32>,
      %mul3A_1421 = arith.mulf %get3A_1417, %get3A_1420 : vector<16xf32>
      %add3A_1422 = arith.addf %add3A_1414, %mul3A_1421 : vector<16xf32>
      %get3A_1423 = arith.index_cast %add3A_1364 : i32 to index
      %get3A_1424 = arith.constant 112 : index
      %get3A_1425 = tpu.vector_load %arg12[%get3A_1423, %get3A_1424] {strides = array<i32>} : memref<128x128xf32, #tpu.memory_space<vmem>>, vector<16xf32>,
      %get3A_1426 = arith.index_cast %add3A_1364 : i32 to index
      %get3A_1427 = arith.constant 112 : index
      %get3A_1428 = tpu.vector_load %arg13[%get3A_1426, %get3A_1427] {strides = array<i32>} : memref<128x128xf32, #tpu.memory_space<vmem>>, vector<16xf32>,
      %mul3A_1429 = arith.mulf %get3A_1425, %get3A_1428 : vector<16xf32>
      %add3A_1430 = arith.addf %add3A_1422, %mul3A_1429 : vector<16xf32>
      %eq3A_1431 = arith.constant 13 : i32
      %eq3A_1432 = vector.broadcast %eq3A_1431 : i32 to vector<16xi32>
      %eq3A_1433 = arith.cmpi eq, %iota3A, %eq3A_1432 : vector<16xi32>
      %reduce_sum3A_1434 = arith.constant true
      %reduce_sum3A_1435 = vector.broadcast %reduce_sum3A_1434 : i1 to vector<16xi1>
      %reduce_sum3A_1436 = tpu.scan <sum>, %add3A_1430 masked %reduce_sum3A_1435 : vector<16xf32>, vector<16xi1> -> vector<16xf32>
      %reduce_sum3A_1437 = vector.extract %reduce_sum3A_1436[15] : f32 from vector<16xf32>
      %broadcast_in_dim3A_1438 = vector.broadcast %reduce_sum3A_1437 : f32 to vector<16xf32>
      %select_n3A_1439 = arith.select %eq3A_1433, %broadcast_in_dim3A_1438, %select_n3A_1360 : vector<16xi1>, vector<16xf32>
      %mul3A_1440 = arith.constant 16 : i32
      %mul3A_1441 = arith.muli %scan3A_335, %mul3A_1440 : i32
      %add3A_1442 = arith.constant 14 : i32
      %add3A_1443 = arith.addi %mul3A_1441, %add3A_1442 : i32
      %broadcast_in_dim3A_1444 = arith.constant 0.000000e+00 : f32
      %broadcast_in_dim3A_1445 = vector.broadcast %broadcast_in_dim3A_1444 : f32 to vector<16xf32>
      %get3A_1446 = arith.index_cast %add3A_1443 : i32 to index
      %get3A_1447 = arith.constant 0 : index
      %get3A_1448 = tpu.vector_load %arg12[%get3A_1446, %get3A_1447] {strides = array<i32>} : memref<128x128xf32, #tpu.memory_space<vmem>>, vector<16xf32>,
      %get3A_1449 = arith.index_cast %add3A_1443 : i32 to index
      %get3A_1450 = arith.constant 0 : index
      %get3A_1451 = tpu.vector_load %arg13[%get3A_1449, %get3A_1450] {strides = array<i32>} : memref<128x128xf32, #tpu.memory_space<vmem>>, vector<16xf32>,
      %mul3A_1452 = arith.mulf %get3A_1448, %get3A_1451 : vector<16xf32>
      %add3A_1453 = arith.addf %broadcast_in_dim3A_1445, %mul3A_1452 : vector<16xf32>
      %get3A_1454 = arith.index_cast %add3A_1443 : i32 to index
      %get3A_1455 = arith.constant 16 : index
      %get3A_1456 = tpu.vector_load %arg12[%get3A_1454, %get3A_1455] {strides = array<i32>} : memref<128x128xf32, #tpu.memory_space<vmem>>, vector<16xf32>,
      %get3A_1457 = arith.index_cast %add3A_1443 : i32 to index
      %get3A_1458 = arith.constant 16 : index
      %get3A_1459 = tpu.vector_load %arg13[%get3A_1457, %get3A_1458] {strides = array<i32>} : memref<128x128xf32, #tpu.memory_space<vmem>>, vector<16xf32>,
      %mul3A_1460 = arith.mulf %get3A_1456, %get3A_1459 : vector<16xf32>
      %add3A_1461 = arith.addf %add3A_1453, %mul3A_1460 : vector<16xf32>
      %get3A_1462 = arith.index_cast %add3A_1443 : i32 to index
      %get3A_1463 = arith.constant 32 : index
      %get3A_1464 = tpu.vector_load %arg12[%get3A_1462, %get3A_1463] {strides = array<i32>} : memref<128x128xf32, #tpu.memory_space<vmem>>, vector<16xf32>,
      %get3A_1465 = arith.index_cast %add3A_1443 : i32 to index
      %get3A_1466 = arith.constant 32 : index
      %get3A_1467 = tpu.vector_load %arg13[%get3A_1465, %get3A_1466] {strides = array<i32>} : memref<128x128xf32, #tpu.memory_space<vmem>>, vector<16xf32>,
      %mul3A_1468 = arith.mulf %get3A_1464, %get3A_1467 : vector<16xf32>
      %add3A_1469 = arith.addf %add3A_1461, %mul3A_1468 : vector<16xf32>
      %get3A_1470 = arith.index_cast %add3A_1443 : i32 to index
      %get3A_1471 = arith.constant 48 : index
      %get3A_1472 = tpu.vector_load %arg12[%get3A_1470, %get3A_1471] {strides = array<i32>} : memref<128x128xf32, #tpu.memory_space<vmem>>, vector<16xf32>,
      %get3A_1473 = arith.index_cast %add3A_1443 : i32 to index
      %get3A_1474 = arith.constant 48 : index
      %get3A_1475 = tpu.vector_load %arg13[%get3A_1473, %get3A_1474] {strides = array<i32>} : memref<128x128xf32, #tpu.memory_space<vmem>>, vector<16xf32>,
      %mul3A_1476 = arith.mulf %get3A_1472, %get3A_1475 : vector<16xf32>
      %add3A_1477 = arith.addf %add3A_1469, %mul3A_1476 : vector<16xf32>
      %get3A_1478 = arith.index_cast %add3A_1443 : i32 to index
      %get3A_1479 = arith.constant 64 : index
      %get3A_1480 = tpu.vector_load %arg12[%get3A_1478, %get3A_1479] {strides = array<i32>} : memref<128x128xf32, #tpu.memory_space<vmem>>, vector<16xf32>,
      %get3A_1481 = arith.index_cast %add3A_1443 : i32 to index
      %get3A_1482 = arith.constant 64 : index
      %get3A_1483 = tpu.vector_load %arg13[%get3A_1481, %get3A_1482] {strides = array<i32>} : memref<128x128xf32, #tpu.memory_space<vmem>>, vector<16xf32>,
      %mul3A_1484 = arith.mulf %get3A_1480, %get3A_1483 : vector<16xf32>
      %add3A_1485 = arith.addf %add3A_1477, %mul3A_1484 : vector<16xf32>
      %get3A_1486 = arith.index_cast %add3A_1443 : i32 to index
      %get3A_1487 = arith.constant 80 : index
      %get3A_1488 = tpu.vector_load %arg12[%get3A_1486, %get3A_1487] {strides = array<i32>} : memref<128x128xf32, #tpu.memory_space<vmem>>, vector<16xf32>,
      %get3A_1489 = arith.index_cast %add3A_1443 : i32 to index
      %get3A_1490 = arith.constant 80 : index
      %get3A_1491 = tpu.vector_load %arg13[%get3A_1489, %get3A_1490] {strides = array<i32>} : memref<128x128xf32, #tpu.memory_space<vmem>>, vector<16xf32>,
      %mul3A_1492 = arith.mulf %get3A_1488, %get3A_1491 : vector<16xf32>
      %add3A_1493 = arith.addf %add3A_1485, %mul3A_1492 : vector<16xf32>
      %get3A_1494 = arith.index_cast %add3A_1443 : i32 to index
      %get3A_1495 = arith.constant 96 : index
      %get3A_1496 = tpu.vector_load %arg12[%get3A_1494, %get3A_1495] {strides = array<i32>} : memref<128x128xf32, #tpu.memory_space<vmem>>, vector<16xf32>,
      %get3A_1497 = arith.index_cast %add3A_1443 : i32 to index
      %get3A_1498 = arith.constant 96 : index
      %get3A_1499 = tpu.vector_load %arg13[%get3A_1497, %get3A_1498] {strides = array<i32>} : memref<128x128xf32, #tpu.memory_space<vmem>>, vector<16xf32>,
      %mul3A_1500 = arith.mulf %get3A_1496, %get3A_1499 : vector<16xf32>
      %add3A_1501 = arith.addf %add3A_1493, %mul3A_1500 : vector<16xf32>
      %get3A_1502 = arith.index_cast %add3A_1443 : i32 to index
      %get3A_1503 = arith.constant 112 : index
      %get3A_1504 = tpu.vector_load %arg12[%get3A_1502, %get3A_1503] {strides = array<i32>} : memref<128x128xf32, #tpu.memory_space<vmem>>, vector<16xf32>,
      %get3A_1505 = arith.index_cast %add3A_1443 : i32 to index
      %get3A_1506 = arith.constant 112 : index
      %get3A_1507 = tpu.vector_load %arg13[%get3A_1505, %get3A_1506] {strides = array<i32>} : memref<128x128xf32, #tpu.memory_space<vmem>>, vector<16xf32>,
      %mul3A_1508 = arith.mulf %get3A_1504, %get3A_1507 : vector<16xf32>
      %add3A_1509 = arith.addf %add3A_1501, %mul3A_1508 : vector<16xf32>
      %eq3A_1510 = arith.constant 14 : i32
      %eq3A_1511 = vector.broadcast %eq3A_1510 : i32 to vector<16xi32>
      %eq3A_1512 = arith.cmpi eq, %iota3A, %eq3A_1511 : vector<16xi32>
      %reduce_sum3A_1513 = arith.constant true
      %reduce_sum3A_1514 = vector.broadcast %reduce_sum3A_1513 : i1 to vector<16xi1>
      %reduce_sum3A_1515 = tpu.scan <sum>, %add3A_1509 masked %reduce_sum3A_1514 : vector<16xf32>, vector<16xi1> -> vector<16xf32>
      %reduce_sum3A_1516 = vector.extract %reduce_sum3A_1515[15] : f32 from vector<16xf32>
      %broadcast_in_dim3A_1517 = vector.broadcast %reduce_sum3A_1516 : f32 to vector<16xf32>
      %select_n3A_1518 = arith.select %eq3A_1512, %broadcast_in_dim3A_1517, %select_n3A_1439 : vector<16xi1>, vector<16xf32>
      %mul3A_1519 = arith.constant 16 : i32
      %mul3A_1520 = arith.muli %scan3A_335, %mul3A_1519 : i32
      %add3A_1521 = arith.constant 15 : i32
      %add3A_1522 = arith.addi %mul3A_1520, %add3A_1521 : i32
      %broadcast_in_dim3A_1523 = arith.constant 0.000000e+00 : f32
      %broadcast_in_dim3A_1524 = vector.broadcast %broadcast_in_dim3A_1523 : f32 to vector<16xf32>
      %get3A_1525 = arith.index_cast %add3A_1522 : i32 to index
      %get3A_1526 = arith.constant 0 : index
      %get3A_1527 = tpu.vector_load %arg12[%get3A_1525, %get3A_1526] {strides = array<i32>} : memref<128x128xf32, #tpu.memory_space<vmem>>, vector<16xf32>,
      %get3A_1528 = arith.index_cast %add3A_1522 : i32 to index
      %get3A_1529 = arith.constant 0 : index
      %get3A_1530 = tpu.vector_load %arg13[%get3A_1528, %get3A_1529] {strides = array<i32>} : memref<128x128xf32, #tpu.memory_space<vmem>>, vector<16xf32>,
      %mul3A_1531 = arith.mulf %get3A_1527, %get3A_1530 : vector<16xf32>
      %add3A_1532 = arith.addf %broadcast_in_dim3A_1524, %mul3A_1531 : vector<16xf32>
      %get3A_1533 = arith.index_cast %add3A_1522 : i32 to index
      %get3A_1534 = arith.constant 16 : index
      %get3A_1535 = tpu.vector_load %arg12[%get3A_1533, %get3A_1534] {strides = array<i32>} : memref<128x128xf32, #tpu.memory_space<vmem>>, vector<16xf32>,
      %get3A_1536 = arith.index_cast %add3A_1522 : i32 to index
      %get3A_1537 = arith.constant 16 : index
      %get3A_1538 = tpu.vector_load %arg13[%get3A_1536, %get3A_1537] {strides = array<i32>} : memref<128x128xf32, #tpu.memory_space<vmem>>, vector<16xf32>,
      %mul3A_1539 = arith.mulf %get3A_1535, %get3A_1538 : vector<16xf32>
      %add3A_1540 = arith.addf %add3A_1532, %mul3A_1539 : vector<16xf32>
      %get3A_1541 = arith.index_cast %add3A_1522 : i32 to index
      %get3A_1542 = arith.constant 32 : index
      %get3A_1543 = tpu.vector_load %arg12[%get3A_1541, %get3A_1542] {strides = array<i32>} : memref<128x128xf32, #tpu.memory_space<vmem>>, vector<16xf32>,
      %get3A_1544 = arith.index_cast %add3A_1522 : i32 to index
      %get3A_1545 = arith.constant 32 : index
      %get3A_1546 = tpu.vector_load %arg13[%get3A_1544, %get3A_1545] {strides = array<i32>} : memref<128x128xf32, #tpu.memory_space<vmem>>, vector<16xf32>,
      %mul3A_1547 = arith.mulf %get3A_1543, %get3A_1546 : vector<16xf32>
      %add3A_1548 = arith.addf %add3A_1540, %mul3A_1547 : vector<16xf32>
      %get3A_1549 = arith.index_cast %add3A_1522 : i32 to index
      %get3A_1550 = arith.constant 48 : index
      %get3A_1551 = tpu.vector_load %arg12[%get3A_1549, %get3A_1550] {strides = array<i32>} : memref<128x128xf32, #tpu.memory_space<vmem>>, vector<16xf32>,
      %get3A_1552 = arith.index_cast %add3A_1522 : i32 to index
      %get3A_1553 = arith.constant 48 : index
      %get3A_1554 = tpu.vector_load %arg13[%get3A_1552, %get3A_1553] {strides = array<i32>} : memref<128x128xf32, #tpu.memory_space<vmem>>, vector<16xf32>,
      %mul3A_1555 = arith.mulf %get3A_1551, %get3A_1554 : vector<16xf32>
      %add3A_1556 = arith.addf %add3A_1548, %mul3A_1555 : vector<16xf32>
      %get3A_1557 = arith.index_cast %add3A_1522 : i32 to index
      %get3A_1558 = arith.constant 64 : index
      %get3A_1559 = tpu.vector_load %arg12[%get3A_1557, %get3A_1558] {strides = array<i32>} : memref<128x128xf32, #tpu.memory_space<vmem>>, vector<16xf32>,
      %get3A_1560 = arith.index_cast %add3A_1522 : i32 to index
      %get3A_1561 = arith.constant 64 : index
      %get3A_1562 = tpu.vector_load %arg13[%get3A_1560, %get3A_1561] {strides = array<i32>} : memref<128x128xf32, #tpu.memory_space<vmem>>, vector<16xf32>,
      %mul3A_1563 = arith.mulf %get3A_1559, %get3A_1562 : vector<16xf32>
      %add3A_1564 = arith.addf %add3A_1556, %mul3A_1563 : vector<16xf32>
      %get3A_1565 = arith.index_cast %add3A_1522 : i32 to index
      %get3A_1566 = arith.constant 80 : index
      %get3A_1567 = tpu.vector_load %arg12[%get3A_1565, %get3A_1566] {strides = array<i32>} : memref<128x128xf32, #tpu.memory_space<vmem>>, vector<16xf32>,
      %get3A_1568 = arith.index_cast %add3A_1522 : i32 to index
      %get3A_1569 = arith.constant 80 : index
      %get3A_1570 = tpu.vector_load %arg13[%get3A_1568, %get3A_1569] {strides = array<i32>} : memref<128x128xf32, #tpu.memory_space<vmem>>, vector<16xf32>,
      %mul3A_1571 = arith.mulf %get3A_1567, %get3A_1570 : vector<16xf32>
      %add3A_1572 = arith.addf %add3A_1564, %mul3A_1571 : vector<16xf32>
      %get3A_1573 = arith.index_cast %add3A_1522 : i32 to index
      %get3A_1574 = arith.constant 96 : index
      %get3A_1575 = tpu.vector_load %arg12[%get3A_1573, %get3A_1574] {strides = array<i32>} : memref<128x128xf32, #tpu.memory_space<vmem>>, vector<16xf32>,
      %get3A_1576 = arith.index_cast %add3A_1522 : i32 to index
      %get3A_1577 = arith.constant 96 : index
      %get3A_1578 = tpu.vector_load %arg13[%get3A_1576, %get3A_1577] {strides = array<i32>} : memref<128x128xf32, #tpu.memory_space<vmem>>, vector<16xf32>,
      %mul3A_1579 = arith.mulf %get3A_1575, %get3A_1578 : vector<16xf32>
      %add3A_1580 = arith.addf %add3A_1572, %mul3A_1579 : vector<16xf32>
      %get3A_1581 = arith.index_cast %add3A_1522 : i32 to index
      %get3A_1582 = arith.constant 112 : index
      %get3A_1583 = tpu.vector_load %arg12[%get3A_1581, %get3A_1582] {strides = array<i32>} : memref<128x128xf32, #tpu.memory_space<vmem>>, vector<16xf32>,
      %get3A_1584 = arith.index_cast %add3A_1522 : i32 to index
      %get3A_1585 = arith.constant 112 : index
      %get3A_1586 = tpu.vector_load %arg13[%get3A_1584, %get3A_1585] {strides = array<i32>} : memref<128x128xf32, #tpu.memory_space<vmem>>, vector<16xf32>,
      %mul3A_1587 = arith.mulf %get3A_1583, %get3A_1586 : vector<16xf32>
      %add3A_1588 = arith.addf %add3A_1580, %mul3A_1587 : vector<16xf32>
      %eq3A_1589 = arith.constant 15 : i32
      %eq3A_1590 = vector.broadcast %eq3A_1589 : i32 to vector<16xi32>
      %eq3A_1591 = arith.cmpi eq, %iota3A, %eq3A_1590 : vector<16xi32>
      %reduce_sum3A_1592 = arith.constant true
      %reduce_sum3A_1593 = vector.broadcast %reduce_sum3A_1592 : i1 to vector<16xi1>
      %reduce_sum3A_1594 = tpu.scan <sum>, %add3A_1588 masked %reduce_sum3A_1593 : vector<16xf32>, vector<16xi1> -> vector<16xf32>
      %reduce_sum3A_1595 = vector.extract %reduce_sum3A_1594[15] : f32 from vector<16xf32>
      %broadcast_in_dim3A_1596 = vector.broadcast %reduce_sum3A_1595 : f32 to vector<16xf32>
      %select_n3A_1597 = arith.select %eq3A_1591, %broadcast_in_dim3A_1596, %select_n3A_1518 : vector<16xi1>, vector<16xf32>
      %mul3A_1598 = arith.constant 16 : i32
      %mul3A_1599 = arith.muli %scan3A_335, %mul3A_1598 : i32
      %swap3A = arith.index_cast %mul3A_1599 : i32 to index
      %swap3A_1600 = tpu.vector_load %arg15[%swap3A] {strides = array<i32>} : memref<128xf32, #tpu.memory_space<vmem>>, vector<16xf32>,
      tpu.vector_store %arg15[%swap3A], %select_n3A_1597 {strides = array<i32>} : memref<128xf32, #tpu.memory_space<vmem>>, vector<16xf32>,
    }
    %scan3A_188 = arith.constant 8 : i32
    "tpu.region"() ({
      %run_scoped3A = tpu.sem_alloc : memref<!tpu.dma_semaphore, #tpu.memory_space<semaphore_mem>>
      %dma_start3A_335 = tpu.memref_slice %arg7[%multiple_of3A] : memref<4096xf32, #tpu.memory_space<hbm>> -> memref<128xf32, #tpu.memory_space<hbm>>
      %dma_start3A_336 = tpu.memref_slice %arg7[%multiple_of3A] : memref<4096xf32, #tpu.memory_space<hbm>> -> memref<128xf32, #tpu.memory_space<hbm>>
      tpu.enqueue_dma source(%arg15 : memref<128xf32, #tpu.memory_space<vmem>>) target(%dma_start3A_336 : memref<128xf32, #tpu.memory_space<hbm>>) target_semaphore(%run_scoped3A : memref<!tpu.dma_semaphore, #tpu.memory_space<semaphore_mem>>)
      %dma_wait3A_337 = tpu.memref_slice %arg7[%multiple_of3A] : memref<4096xf32, #tpu.memory_space<hbm>> -> memref<128xf32, #tpu.memory_space<hbm>>
      %dma_wait3A_338 = tpu.memref_slice %arg7[%multiple_of3A] : memref<4096xf32, #tpu.memory_space<hbm>> -> memref<128xf32, #tpu.memory_space<hbm>>
      tpu.wait_dma2 semaphore(%run_scoped3A : memref<!tpu.dma_semaphore, #tpu.memory_space<semaphore_mem>>) src(%arg15 : memref<128xf32, #tpu.memory_space<vmem>>) dst(%dma_wait3A_338 : memref<128xf32, #tpu.memory_space<hbm>>)
      tpu.yield
    }) : () -> ()
    %dma_wait3A_189 = arith.constant 0 : i32
    %dma_wait3A_190 = arith.constant 0 : i32
    %dma_wait3A_191 = tpu.memref_slice %arg11[%dma_wait3A_189, %dma_wait3A_190] : memref<20x128xi32, #tpu.memory_space<vmem>> -> memref<1x128xi32, #tpu.memory_space<vmem>>
    %dma_wait3A_192 = tpu.memref_squeeze %dma_wait3A_191 : memref<1x128xi32, #tpu.memory_space<vmem>> -> memref<128xi32, #tpu.memory_space<vmem>>
    %dma_wait3A_193 = arith.constant 0 : i32
    %dma_wait3A_194 = arith.constant 0 : i32
    %dma_wait3A_195 = tpu.memref_slice %arg6[%dma_wait3A_193, %dma_wait3A_194] : memref<100000x128xf32, #tpu.memory_space<hbm>> -> memref<100000x128xf32, #tpu.memory_space<hbm>>
    tpu.wait_indirect_dma semaphore(%arg20 : memref<!tpu.dma_semaphore, #tpu.memory_space<semaphore_mem>>) src(%dma_wait3A_195 : memref<100000x128xf32, #tpu.memory_space<hbm>>) dst(%arg14 : memref<128x128xf32, #tpu.memory_space<vmem>>)
    %dma_wait3A_196 = arith.constant 1 : i32
    %dma_wait3A_197 = arith.constant 0 : i32
    %dma_wait3A_198 = tpu.memref_slice %arg11[%dma_wait3A_196, %dma_wait3A_197] : memref<20x128xi32, #tpu.memory_space<vmem>> -> memref<1x128xi32, #tpu.memory_space<vmem>>
    %dma_wait3A_199 = tpu.memref_squeeze %dma_wait3A_198 : memref<1x128xi32, #tpu.memory_space<vmem>> -> memref<128xi32, #tpu.memory_space<vmem>>
    %dma_wait3A_200 = arith.constant 0 : i32
    %dma_wait3A_201 = arith.constant 0 : i32
    %dma_wait3A_202 = tpu.memref_slice %arg6[%dma_wait3A_200, %dma_wait3A_201] : memref<100000x128xf32, #tpu.memory_space<hbm>> -> memref<100000x128xf32, #tpu.memory_space<hbm>>
    tpu.wait_indirect_dma semaphore(%arg21 : memref<!tpu.dma_semaphore, #tpu.memory_space<semaphore_mem>>) src(%dma_wait3A_202 : memref<100000x128xf32, #tpu.memory_space<hbm>>) dst(%arg14 : memref<128x128xf32, #tpu.memory_space<vmem>>)
    %dma_wait3A_203 = arith.constant 2 : i32
    %dma_wait3A_204 = arith.constant 0 : i32
    %dma_wait3A_205 = tpu.memref_slice %arg11[%dma_wait3A_203, %dma_wait3A_204] : memref<20x128xi32, #tpu.memory_space<vmem>> -> memref<1x128xi32, #tpu.memory_space<vmem>>
    %dma_wait3A_206 = tpu.memref_squeeze %dma_wait3A_205 : memref<1x128xi32, #tpu.memory_space<vmem>> -> memref<128xi32, #tpu.memory_space<vmem>>
    %dma_wait3A_207 = arith.constant 0 : i32
    %dma_wait3A_208 = arith.constant 0 : i32
    %dma_wait3A_209 = tpu.memref_slice %arg6[%dma_wait3A_207, %dma_wait3A_208] : memref<100000x128xf32, #tpu.memory_space<hbm>> -> memref<100000x128xf32, #tpu.memory_space<hbm>>
    tpu.wait_indirect_dma semaphore(%arg22 : memref<!tpu.dma_semaphore, #tpu.memory_space<semaphore_mem>>) src(%dma_wait3A_209 : memref<100000x128xf32, #tpu.memory_space<hbm>>) dst(%arg14 : memref<128x128xf32, #tpu.memory_space<vmem>>)
    %dma_wait3A_210 = arith.constant 3 : i32
    %dma_wait3A_211 = arith.constant 0 : i32
    %dma_wait3A_212 = tpu.memref_slice %arg11[%dma_wait3A_210, %dma_wait3A_211] : memref<20x128xi32, #tpu.memory_space<vmem>> -> memref<1x128xi32, #tpu.memory_space<vmem>>
    %dma_wait3A_213 = tpu.memref_squeeze %dma_wait3A_212 : memref<1x128xi32, #tpu.memory_space<vmem>> -> memref<128xi32, #tpu.memory_space<vmem>>
    %dma_wait3A_214 = arith.constant 0 : i32
    %dma_wait3A_215 = arith.constant 0 : i32
    %dma_wait3A_216 = tpu.memref_slice %arg6[%dma_wait3A_214, %dma_wait3A_215] : memref<100000x128xf32, #tpu.memory_space<hbm>> -> memref<100000x128xf32, #tpu.memory_space<hbm>>
    tpu.wait_indirect_dma semaphore(%arg23 : memref<!tpu.dma_semaphore, #tpu.memory_space<semaphore_mem>>) src(%dma_wait3A_216 : memref<100000x128xf32, #tpu.memory_space<hbm>>) dst(%arg14 : memref<128x128xf32, #tpu.memory_space<vmem>>)
    %dma_wait3A_217 = arith.constant 4 : i32
    %dma_wait3A_218 = arith.constant 0 : i32
    %dma_wait3A_219 = tpu.memref_slice %arg11[%dma_wait3A_217, %dma_wait3A_218] : memref<20x128xi32, #tpu.memory_space<vmem>> -> memref<1x128xi32, #tpu.memory_space<vmem>>
    %dma_wait3A_220 = tpu.memref_squeeze %dma_wait3A_219 : memref<1x128xi32, #tpu.memory_space<vmem>> -> memref<128xi32, #tpu.memory_space<vmem>>
    %dma_wait3A_221 = arith.constant 0 : i32
    %dma_wait3A_222 = arith.constant 0 : i32
    %dma_wait3A_223 = tpu.memref_slice %arg6[%dma_wait3A_221, %dma_wait3A_222] : memref<100000x128xf32, #tpu.memory_space<hbm>> -> memref<100000x128xf32, #tpu.memory_space<hbm>>
    tpu.wait_indirect_dma semaphore(%arg20 : memref<!tpu.dma_semaphore, #tpu.memory_space<semaphore_mem>>) src(%dma_wait3A_223 : memref<100000x128xf32, #tpu.memory_space<hbm>>) dst(%arg14 : memref<128x128xf32, #tpu.memory_space<vmem>>)
    %dma_wait3A_224 = arith.constant 5 : i32
    %dma_wait3A_225 = arith.constant 0 : i32
    %dma_wait3A_226 = tpu.memref_slice %arg11[%dma_wait3A_224, %dma_wait3A_225] : memref<20x128xi32, #tpu.memory_space<vmem>> -> memref<1x128xi32, #tpu.memory_space<vmem>>
    %dma_wait3A_227 = tpu.memref_squeeze %dma_wait3A_226 : memref<1x128xi32, #tpu.memory_space<vmem>> -> memref<128xi32, #tpu.memory_space<vmem>>
    %dma_wait3A_228 = arith.constant 0 : i32
    %dma_wait3A_229 = arith.constant 0 : i32
    %dma_wait3A_230 = tpu.memref_slice %arg6[%dma_wait3A_228, %dma_wait3A_229] : memref<100000x128xf32, #tpu.memory_space<hbm>> -> memref<100000x128xf32, #tpu.memory_space<hbm>>
    tpu.wait_indirect_dma semaphore(%arg21 : memref<!tpu.dma_semaphore, #tpu.memory_space<semaphore_mem>>) src(%dma_wait3A_230 : memref<100000x128xf32, #tpu.memory_space<hbm>>) dst(%arg14 : memref<128x128xf32, #tpu.memory_space<vmem>>)
    %dma_wait3A_231 = arith.constant 6 : i32
    %dma_wait3A_232 = arith.constant 0 : i32
    %dma_wait3A_233 = tpu.memref_slice %arg11[%dma_wait3A_231, %dma_wait3A_232] : memref<20x128xi32, #tpu.memory_space<vmem>> -> memref<1x128xi32, #tpu.memory_space<vmem>>
    %dma_wait3A_234 = tpu.memref_squeeze %dma_wait3A_233 : memref<1x128xi32, #tpu.memory_space<vmem>> -> memref<128xi32, #tpu.memory_space<vmem>>
    %dma_wait3A_235 = arith.constant 0 : i32
    %dma_wait3A_236 = arith.constant 0 : i32
    %dma_wait3A_237 = tpu.memref_slice %arg6[%dma_wait3A_235, %dma_wait3A_236] : memref<100000x128xf32, #tpu.memory_space<hbm>> -> memref<100000x128xf32, #tpu.memory_space<hbm>>
    tpu.wait_indirect_dma semaphore(%arg22 : memref<!tpu.dma_semaphore, #tpu.memory_space<semaphore_mem>>) src(%dma_wait3A_237 : memref<100000x128xf32, #tpu.memory_space<hbm>>) dst(%arg14 : memref<128x128xf32, #tpu.memory_space<vmem>>)
    %dma_wait3A_238 = arith.constant 7 : i32
    %dma_wait3A_239 = arith.constant 0 : i32
    %dma_wait3A_240 = tpu.memref_slice %arg11[%dma_wait3A_238, %dma_wait3A_239] : memref<20x128xi32, #tpu.memory_space<vmem>> -> memref<1x128xi32, #tpu.memory_space<vmem>>
    %dma_wait3A_241 = tpu.memref_squeeze %dma_wait3A_240 : memref<1x128xi32, #tpu.memory_space<vmem>> -> memref<128xi32, #tpu.memory_space<vmem>>
    %dma_wait3A_242 = arith.constant 0 : i32
    %dma_wait3A_243 = arith.constant 0 : i32
    %dma_wait3A_244 = tpu.memref_slice %arg6[%dma_wait3A_242, %dma_wait3A_243] : memref<100000x128xf32, #tpu.memory_space<hbm>> -> memref<100000x128xf32, #tpu.memory_space<hbm>>
    tpu.wait_indirect_dma semaphore(%arg23 : memref<!tpu.dma_semaphore, #tpu.memory_space<semaphore_mem>>) src(%dma_wait3A_244 : memref<100000x128xf32, #tpu.memory_space<hbm>>) dst(%arg14 : memref<128x128xf32, #tpu.memory_space<vmem>>)
    %dma_wait3A_245 = arith.constant 8 : i32
    %dma_wait3A_246 = arith.constant 0 : i32
    %dma_wait3A_247 = tpu.memref_slice %arg11[%dma_wait3A_245, %dma_wait3A_246] : memref<20x128xi32, #tpu.memory_space<vmem>> -> memref<1x128xi32, #tpu.memory_space<vmem>>
    %dma_wait3A_248 = tpu.memref_squeeze %dma_wait3A_247 : memref<1x128xi32, #tpu.memory_space<vmem>> -> memref<128xi32, #tpu.memory_space<vmem>>
    %dma_wait3A_249 = arith.constant 0 : i32
    %dma_wait3A_250 = arith.constant 0 : i32
    %dma_wait3A_251 = tpu.memref_slice %arg6[%dma_wait3A_249, %dma_wait3A_250] : memref<100000x128xf32, #tpu.memory_space<hbm>> -> memref<100000x128xf32, #tpu.memory_space<hbm>>
    tpu.wait_indirect_dma semaphore(%arg20 : memref<!tpu.dma_semaphore, #tpu.memory_space<semaphore_mem>>) src(%dma_wait3A_251 : memref<100000x128xf32, #tpu.memory_space<hbm>>) dst(%arg14 : memref<128x128xf32, #tpu.memory_space<vmem>>)
    %dma_wait3A_252 = arith.constant 9 : i32
    %dma_wait3A_253 = arith.constant 0 : i32
    %dma_wait3A_254 = tpu.memref_slice %arg11[%dma_wait3A_252, %dma_wait3A_253] : memref<20x128xi32, #tpu.memory_space<vmem>> -> memref<1x128xi32, #tpu.memory_space<vmem>>
    %dma_wait3A_255 = tpu.memref_squeeze %dma_wait3A_254 : memref<1x128xi32, #tpu.memory_space<vmem>> -> memref<128xi32, #tpu.memory_space<vmem>>
    %dma_wait3A_256 = arith.constant 0 : i32
    %dma_wait3A_257 = arith.constant 0 : i32
    %dma_wait3A_258 = tpu.memref_slice %arg6[%dma_wait3A_256, %dma_wait3A_257] : memref<100000x128xf32, #tpu.memory_space<hbm>> -> memref<100000x128xf32, #tpu.memory_space<hbm>>
    tpu.wait_indirect_dma semaphore(%arg21 : memref<!tpu.dma_semaphore, #tpu.memory_space<semaphore_mem>>) src(%dma_wait3A_258 : memref<100000x128xf32, #tpu.memory_space<hbm>>) dst(%arg14 : memref<128x128xf32, #tpu.memory_space<vmem>>)
    %dma_wait3A_259 = arith.constant 10 : i32
    %dma_wait3A_260 = arith.constant 0 : i32
    %dma_wait3A_261 = tpu.memref_slice %arg11[%dma_wait3A_259, %dma_wait3A_260] : memref<20x128xi32, #tpu.memory_space<vmem>> -> memref<1x128xi32, #tpu.memory_space<vmem>>
    %dma_wait3A_262 = tpu.memref_squeeze %dma_wait3A_261 : memref<1x128xi32, #tpu.memory_space<vmem>> -> memref<128xi32, #tpu.memory_space<vmem>>
    %dma_wait3A_263 = arith.constant 0 : i32
    %dma_wait3A_264 = arith.constant 0 : i32
    %dma_wait3A_265 = tpu.memref_slice %arg6[%dma_wait3A_263, %dma_wait3A_264] : memref<100000x128xf32, #tpu.memory_space<hbm>> -> memref<100000x128xf32, #tpu.memory_space<hbm>>
    tpu.wait_indirect_dma semaphore(%arg22 : memref<!tpu.dma_semaphore, #tpu.memory_space<semaphore_mem>>) src(%dma_wait3A_265 : memref<100000x128xf32, #tpu.memory_space<hbm>>) dst(%arg14 : memref<128x128xf32, #tpu.memory_space<vmem>>)
    %dma_wait3A_266 = arith.constant 11 : i32
    %dma_wait3A_267 = arith.constant 0 : i32
    %dma_wait3A_268 = tpu.memref_slice %arg11[%dma_wait3A_266, %dma_wait3A_267] : memref<20x128xi32, #tpu.memory_space<vmem>> -> memref<1x128xi32, #tpu.memory_space<vmem>>
    %dma_wait3A_269 = tpu.memref_squeeze %dma_wait3A_268 : memref<1x128xi32, #tpu.memory_space<vmem>> -> memref<128xi32, #tpu.memory_space<vmem>>
    %dma_wait3A_270 = arith.constant 0 : i32
    %dma_wait3A_271 = arith.constant 0 : i32
    %dma_wait3A_272 = tpu.memref_slice %arg6[%dma_wait3A_270, %dma_wait3A_271] : memref<100000x128xf32, #tpu.memory_space<hbm>> -> memref<100000x128xf32, #tpu.memory_space<hbm>>
    tpu.wait_indirect_dma semaphore(%arg23 : memref<!tpu.dma_semaphore, #tpu.memory_space<semaphore_mem>>) src(%dma_wait3A_272 : memref<100000x128xf32, #tpu.memory_space<hbm>>) dst(%arg14 : memref<128x128xf32, #tpu.memory_space<vmem>>)
    %dma_wait3A_273 = arith.constant 12 : i32
    %dma_wait3A_274 = arith.constant 0 : i32
    %dma_wait3A_275 = tpu.memref_slice %arg11[%dma_wait3A_273, %dma_wait3A_274] : memref<20x128xi32, #tpu.memory_space<vmem>> -> memref<1x128xi32, #tpu.memory_space<vmem>>
    %dma_wait3A_276 = tpu.memref_squeeze %dma_wait3A_275 : memref<1x128xi32, #tpu.memory_space<vmem>> -> memref<128xi32, #tpu.memory_space<vmem>>
    %dma_wait3A_277 = arith.constant 0 : i32
    %dma_wait3A_278 = arith.constant 0 : i32
    %dma_wait3A_279 = tpu.memref_slice %arg6[%dma_wait3A_277, %dma_wait3A_278] : memref<100000x128xf32, #tpu.memory_space<hbm>> -> memref<100000x128xf32, #tpu.memory_space<hbm>>
    tpu.wait_indirect_dma semaphore(%arg20 : memref<!tpu.dma_semaphore, #tpu.memory_space<semaphore_mem>>) src(%dma_wait3A_279 : memref<100000x128xf32, #tpu.memory_space<hbm>>) dst(%arg14 : memref<128x128xf32, #tpu.memory_space<vmem>>)
    %dma_wait3A_280 = arith.constant 13 : i32
    %dma_wait3A_281 = arith.constant 0 : i32
    %dma_wait3A_282 = tpu.memref_slice %arg11[%dma_wait3A_280, %dma_wait3A_281] : memref<20x128xi32, #tpu.memory_space<vmem>> -> memref<1x128xi32, #tpu.memory_space<vmem>>
    %dma_wait3A_283 = tpu.memref_squeeze %dma_wait3A_282 : memref<1x128xi32, #tpu.memory_space<vmem>> -> memref<128xi32, #tpu.memory_space<vmem>>
    %dma_wait3A_284 = arith.constant 0 : i32
    %dma_wait3A_285 = arith.constant 0 : i32
    %dma_wait3A_286 = tpu.memref_slice %arg6[%dma_wait3A_284, %dma_wait3A_285] : memref<100000x128xf32, #tpu.memory_space<hbm>> -> memref<100000x128xf32, #tpu.memory_space<hbm>>
    tpu.wait_indirect_dma semaphore(%arg21 : memref<!tpu.dma_semaphore, #tpu.memory_space<semaphore_mem>>) src(%dma_wait3A_286 : memref<100000x128xf32, #tpu.memory_space<hbm>>) dst(%arg14 : memref<128x128xf32, #tpu.memory_space<vmem>>)
    %dma_wait3A_287 = arith.constant 14 : i32
    %dma_wait3A_288 = arith.constant 0 : i32
    %dma_wait3A_289 = tpu.memref_slice %arg11[%dma_wait3A_287, %dma_wait3A_288] : memref<20x128xi32, #tpu.memory_space<vmem>> -> memref<1x128xi32, #tpu.memory_space<vmem>>
    %dma_wait3A_290 = tpu.memref_squeeze %dma_wait3A_289 : memref<1x128xi32, #tpu.memory_space<vmem>> -> memref<128xi32, #tpu.memory_space<vmem>>
    %dma_wait3A_291 = arith.constant 0 : i32
    %dma_wait3A_292 = arith.constant 0 : i32
    %dma_wait3A_293 = tpu.memref_slice %arg6[%dma_wait3A_291, %dma_wait3A_292] : memref<100000x128xf32, #tpu.memory_space<hbm>> -> memref<100000x128xf32, #tpu.memory_space<hbm>>
    tpu.wait_indirect_dma semaphore(%arg22 : memref<!tpu.dma_semaphore, #tpu.memory_space<semaphore_mem>>) src(%dma_wait3A_293 : memref<100000x128xf32, #tpu.memory_space<hbm>>) dst(%arg14 : memref<128x128xf32, #tpu.memory_space<vmem>>)
    %dma_wait3A_294 = arith.constant 15 : i32
    %dma_wait3A_295 = arith.constant 0 : i32
    %dma_wait3A_296 = tpu.memref_slice %arg11[%dma_wait3A_294, %dma_wait3A_295] : memref<20x128xi32, #tpu.memory_space<vmem>> -> memref<1x128xi32, #tpu.memory_space<vmem>>
    %dma_wait3A_297 = tpu.memref_squeeze %dma_wait3A_296 : memref<1x128xi32, #tpu.memory_space<vmem>> -> memref<128xi32, #tpu.memory_space<vmem>>
    %dma_wait3A_298 = arith.constant 0 : i32
    %dma_wait3A_299 = arith.constant 0 : i32
    %dma_wait3A_300 = tpu.memref_slice %arg6[%dma_wait3A_298, %dma_wait3A_299] : memref<100000x128xf32, #tpu.memory_space<hbm>> -> memref<100000x128xf32, #tpu.memory_space<hbm>>
    tpu.wait_indirect_dma semaphore(%arg23 : memref<!tpu.dma_semaphore, #tpu.memory_space<semaphore_mem>>) src(%dma_wait3A_300 : memref<100000x128xf32, #tpu.memory_space<hbm>>) dst(%arg14 : memref<128x128xf32, #tpu.memory_space<vmem>>)
    %dma_wait3A_301 = arith.constant 16 : i32
    %dma_wait3A_302 = arith.constant 0 : i32
    %dma_wait3A_303 = tpu.memref_slice %arg11[%dma_wait3A_301, %dma_wait3A_302] : memref<20x128xi32, #tpu.memory_space<vmem>> -> memref<1x128xi32, #tpu.memory_space<vmem>>
    %dma_wait3A_304 = tpu.memref_squeeze %dma_wait3A_303 : memref<1x128xi32, #tpu.memory_space<vmem>> -> memref<128xi32, #tpu.memory_space<vmem>>
    %dma_wait3A_305 = arith.constant 0 : i32
    %dma_wait3A_306 = arith.constant 0 : i32
    %dma_wait3A_307 = tpu.memref_slice %arg6[%dma_wait3A_305, %dma_wait3A_306] : memref<100000x128xf32, #tpu.memory_space<hbm>> -> memref<100000x128xf32, #tpu.memory_space<hbm>>
    tpu.wait_indirect_dma semaphore(%arg20 : memref<!tpu.dma_semaphore, #tpu.memory_space<semaphore_mem>>) src(%dma_wait3A_307 : memref<100000x128xf32, #tpu.memory_space<hbm>>) dst(%arg14 : memref<128x128xf32, #tpu.memory_space<vmem>>)
    %dma_wait3A_308 = arith.constant 17 : i32
    %dma_wait3A_309 = arith.constant 0 : i32
    %dma_wait3A_310 = tpu.memref_slice %arg11[%dma_wait3A_308, %dma_wait3A_309] : memref<20x128xi32, #tpu.memory_space<vmem>> -> memref<1x128xi32, #tpu.memory_space<vmem>>
    %dma_wait3A_311 = tpu.memref_squeeze %dma_wait3A_310 : memref<1x128xi32, #tpu.memory_space<vmem>> -> memref<128xi32, #tpu.memory_space<vmem>>
    %dma_wait3A_312 = arith.constant 0 : i32
    %dma_wait3A_313 = arith.constant 0 : i32
    %dma_wait3A_314 = tpu.memref_slice %arg6[%dma_wait3A_312, %dma_wait3A_313] : memref<100000x128xf32, #tpu.memory_space<hbm>> -> memref<100000x128xf32, #tpu.memory_space<hbm>>
    tpu.wait_indirect_dma semaphore(%arg21 : memref<!tpu.dma_semaphore, #tpu.memory_space<semaphore_mem>>) src(%dma_wait3A_314 : memref<100000x128xf32, #tpu.memory_space<hbm>>) dst(%arg14 : memref<128x128xf32, #tpu.memory_space<vmem>>)
    %dma_wait3A_315 = arith.constant 18 : i32
    %dma_wait3A_316 = arith.constant 0 : i32
    %dma_wait3A_317 = tpu.memref_slice %arg11[%dma_wait3A_315, %dma_wait3A_316] : memref<20x128xi32, #tpu.memory_space<vmem>> -> memref<1x128xi32, #tpu.memory_space<vmem>>
    %dma_wait3A_318 = tpu.memref_squeeze %dma_wait3A_317 : memref<1x128xi32, #tpu.memory_space<vmem>> -> memref<128xi32, #tpu.memory_space<vmem>>
    %dma_wait3A_319 = arith.constant 0 : i32
    %dma_wait3A_320 = arith.constant 0 : i32
    %dma_wait3A_321 = tpu.memref_slice %arg6[%dma_wait3A_319, %dma_wait3A_320] : memref<100000x128xf32, #tpu.memory_space<hbm>> -> memref<100000x128xf32, #tpu.memory_space<hbm>>
    tpu.wait_indirect_dma semaphore(%arg22 : memref<!tpu.dma_semaphore, #tpu.memory_space<semaphore_mem>>) src(%dma_wait3A_321 : memref<100000x128xf32, #tpu.memory_space<hbm>>) dst(%arg14 : memref<128x128xf32, #tpu.memory_space<vmem>>)
    %dma_wait3A_322 = arith.constant 19 : i32
    %dma_wait3A_323 = arith.constant 0 : i32
    %dma_wait3A_324 = tpu.memref_slice %arg11[%dma_wait3A_322, %dma_wait3A_323] : memref<20x128xi32, #tpu.memory_space<vmem>> -> memref<1x128xi32, #tpu.memory_space<vmem>>
    %dma_wait3A_325 = tpu.memref_squeeze %dma_wait3A_324 : memref<1x128xi32, #tpu.memory_space<vmem>> -> memref<128xi32, #tpu.memory_space<vmem>>
    %dma_wait3A_326 = arith.constant 0 : i32
    %dma_wait3A_327 = arith.constant 0 : i32
    %dma_wait3A_328 = tpu.memref_slice %arg6[%dma_wait3A_326, %dma_wait3A_327] : memref<100000x128xf32, #tpu.memory_space<hbm>> -> memref<100000x128xf32, #tpu.memory_space<hbm>>
    tpu.wait_indirect_dma semaphore(%arg23 : memref<!tpu.dma_semaphore, #tpu.memory_space<semaphore_mem>>) src(%dma_wait3A_328 : memref<100000x128xf32, #tpu.memory_space<hbm>>) dst(%arg14 : memref<128x128xf32, #tpu.memory_space<vmem>>)
    %scan3A_329 = arith.constant 0 : i32
    %scan3A_330 = arith.constant 0 : i32
    %scan3A_331 = arith.constant 8 : i32
    %scan3A_332 = arith.addi %scan3A_330, %scan3A_331 : i32
    %scan3A_333 = arith.constant 1 : i32
    scf.for %scan3A_335 = %scan3A_330 to %scan3A_332 step %scan3A_333  : i32 {
      %broadcast_in_dim3A_336 = arith.constant 0.000000e+00 : f32
      %broadcast_in_dim3A_337 = vector.broadcast %broadcast_in_dim3A_336 : f32 to vector<16xf32>
      %mul3A_338 = arith.constant 16 : i32
      %mul3A_339 = arith.muli %scan3A_335, %mul3A_338 : i32
      %add3A_340 = arith.constant 0 : i32
      %add3A_341 = arith.addi %mul3A_339, %add3A_340 : i32
      %broadcast_in_dim3A_342 = arith.constant 0.000000e+00 : f32
      %broadcast_in_dim3A_343 = vector.broadcast %broadcast_in_dim3A_342 : f32 to vector<16xf32>
      %get3A = arith.index_cast %add3A_341 : i32 to index
      %get3A_344 = arith.constant 0 : index
      %get3A_345 = tpu.vector_load %arg12[%get3A, %get3A_344] {strides = array<i32>} : memref<128x128xf32, #tpu.memory_space<vmem>>, vector<16xf32>,
      %get3A_346 = arith.index_cast %add3A_341 : i32 to index
      %get3A_347 = arith.constant 0 : index
      %get3A_348 = tpu.vector_load %arg14[%get3A_346, %get3A_347] {strides = array<i32>} : memref<128x128xf32, #tpu.memory_space<vmem>>, vector<16xf32>,
      %mul3A_349 = arith.mulf %get3A_345, %get3A_348 : vector<16xf32>
      %add3A_350 = arith.addf %broadcast_in_dim3A_343, %mul3A_349 : vector<16xf32>
      %get3A_351 = arith.index_cast %add3A_341 : i32 to index
      %get3A_352 = arith.constant 16 : index
      %get3A_353 = tpu.vector_load %arg12[%get3A_351, %get3A_352] {strides = array<i32>} : memref<128x128xf32, #tpu.memory_space<vmem>>, vector<16xf32>,
      %get3A_354 = arith.index_cast %add3A_341 : i32 to index
      %get3A_355 = arith.constant 16 : index
      %get3A_356 = tpu.vector_load %arg14[%get3A_354, %get3A_355] {strides = array<i32>} : memref<128x128xf32, #tpu.memory_space<vmem>>, vector<16xf32>,
      %mul3A_357 = arith.mulf %get3A_353, %get3A_356 : vector<16xf32>
      %add3A_358 = arith.addf %add3A_350, %mul3A_357 : vector<16xf32>
      %get3A_359 = arith.index_cast %add3A_341 : i32 to index
      %get3A_360 = arith.constant 32 : index
      %get3A_361 = tpu.vector_load %arg12[%get3A_359, %get3A_360] {strides = array<i32>} : memref<128x128xf32, #tpu.memory_space<vmem>>, vector<16xf32>,
      %get3A_362 = arith.index_cast %add3A_341 : i32 to index
      %get3A_363 = arith.constant 32 : index
      %get3A_364 = tpu.vector_load %arg14[%get3A_362, %get3A_363] {strides = array<i32>} : memref<128x128xf32, #tpu.memory_space<vmem>>, vector<16xf32>,
      %mul3A_365 = arith.mulf %get3A_361, %get3A_364 : vector<16xf32>
      %add3A_366 = arith.addf %add3A_358, %mul3A_365 : vector<16xf32>
      %get3A_367 = arith.index_cast %add3A_341 : i32 to index
      %get3A_368 = arith.constant 48 : index
      %get3A_369 = tpu.vector_load %arg12[%get3A_367, %get3A_368] {strides = array<i32>} : memref<128x128xf32, #tpu.memory_space<vmem>>, vector<16xf32>,
      %get3A_370 = arith.index_cast %add3A_341 : i32 to index
      %get3A_371 = arith.constant 48 : index
      %get3A_372 = tpu.vector_load %arg14[%get3A_370, %get3A_371] {strides = array<i32>} : memref<128x128xf32, #tpu.memory_space<vmem>>, vector<16xf32>,
      %mul3A_373 = arith.mulf %get3A_369, %get3A_372 : vector<16xf32>
      %add3A_374 = arith.addf %add3A_366, %mul3A_373 : vector<16xf32>
      %get3A_375 = arith.index_cast %add3A_341 : i32 to index
      %get3A_376 = arith.constant 64 : index
      %get3A_377 = tpu.vector_load %arg12[%get3A_375, %get3A_376] {strides = array<i32>} : memref<128x128xf32, #tpu.memory_space<vmem>>, vector<16xf32>,
      %get3A_378 = arith.index_cast %add3A_341 : i32 to index
      %get3A_379 = arith.constant 64 : index
      %get3A_380 = tpu.vector_load %arg14[%get3A_378, %get3A_379] {strides = array<i32>} : memref<128x128xf32, #tpu.memory_space<vmem>>, vector<16xf32>,
      %mul3A_381 = arith.mulf %get3A_377, %get3A_380 : vector<16xf32>
      %add3A_382 = arith.addf %add3A_374, %mul3A_381 : vector<16xf32>
      %get3A_383 = arith.index_cast %add3A_341 : i32 to index
      %get3A_384 = arith.constant 80 : index
      %get3A_385 = tpu.vector_load %arg12[%get3A_383, %get3A_384] {strides = array<i32>} : memref<128x128xf32, #tpu.memory_space<vmem>>, vector<16xf32>,
      %get3A_386 = arith.index_cast %add3A_341 : i32 to index
      %get3A_387 = arith.constant 80 : index
      %get3A_388 = tpu.vector_load %arg14[%get3A_386, %get3A_387] {strides = array<i32>} : memref<128x128xf32, #tpu.memory_space<vmem>>, vector<16xf32>,
      %mul3A_389 = arith.mulf %get3A_385, %get3A_388 : vector<16xf32>
      %add3A_390 = arith.addf %add3A_382, %mul3A_389 : vector<16xf32>
      %get3A_391 = arith.index_cast %add3A_341 : i32 to index
      %get3A_392 = arith.constant 96 : index
      %get3A_393 = tpu.vector_load %arg12[%get3A_391, %get3A_392] {strides = array<i32>} : memref<128x128xf32, #tpu.memory_space<vmem>>, vector<16xf32>,
      %get3A_394 = arith.index_cast %add3A_341 : i32 to index
      %get3A_395 = arith.constant 96 : index
      %get3A_396 = tpu.vector_load %arg14[%get3A_394, %get3A_395] {strides = array<i32>} : memref<128x128xf32, #tpu.memory_space<vmem>>, vector<16xf32>,
      %mul3A_397 = arith.mulf %get3A_393, %get3A_396 : vector<16xf32>
      %add3A_398 = arith.addf %add3A_390, %mul3A_397 : vector<16xf32>
      %get3A_399 = arith.index_cast %add3A_341 : i32 to index
      %get3A_400 = arith.constant 112 : index
      %get3A_401 = tpu.vector_load %arg12[%get3A_399, %get3A_400] {strides = array<i32>} : memref<128x128xf32, #tpu.memory_space<vmem>>, vector<16xf32>,
      %get3A_402 = arith.index_cast %add3A_341 : i32 to index
      %get3A_403 = arith.constant 112 : index
      %get3A_404 = tpu.vector_load %arg14[%get3A_402, %get3A_403] {strides = array<i32>} : memref<128x128xf32, #tpu.memory_space<vmem>>, vector<16xf32>,
      %mul3A_405 = arith.mulf %get3A_401, %get3A_404 : vector<16xf32>
      %add3A_406 = arith.addf %add3A_398, %mul3A_405 : vector<16xf32>
      %eq3A = arith.constant 0 : i32
      %eq3A_407 = vector.broadcast %eq3A : i32 to vector<16xi32>
      %eq3A_408 = arith.cmpi eq, %iota3A, %eq3A_407 : vector<16xi32>
      %reduce_sum3A = arith.constant true
      %reduce_sum3A_409 = vector.broadcast %reduce_sum3A : i1 to vector<16xi1>
      %reduce_sum3A_410 = tpu.scan <sum>, %add3A_406 masked %reduce_sum3A_409 : vector<16xf32>, vector<16xi1> -> vector<16xf32>
      %reduce_sum3A_411 = vector.extract %reduce_sum3A_410[15] : f32 from vector<16xf32>
      %broadcast_in_dim3A_412 = vector.broadcast %reduce_sum3A_411 : f32 to vector<16xf32>
      %select_n3A = arith.select %eq3A_408, %broadcast_in_dim3A_412, %broadcast_in_dim3A_337 : vector<16xi1>, vector<16xf32>
      %mul3A_413 = arith.constant 16 : i32
      %mul3A_414 = arith.muli %scan3A_335, %mul3A_413 : i32
      %add3A_415 = arith.constant 1 : i32
      %add3A_416 = arith.addi %mul3A_414, %add3A_415 : i32
      %broadcast_in_dim3A_417 = arith.constant 0.000000e+00 : f32
      %broadcast_in_dim3A_418 = vector.broadcast %broadcast_in_dim3A_417 : f32 to vector<16xf32>
      %get3A_419 = arith.index_cast %add3A_416 : i32 to index
      %get3A_420 = arith.constant 0 : index
      %get3A_421 = tpu.vector_load %arg12[%get3A_419, %get3A_420] {strides = array<i32>} : memref<128x128xf32, #tpu.memory_space<vmem>>, vector<16xf32>,
      %get3A_422 = arith.index_cast %add3A_416 : i32 to index
      %get3A_423 = arith.constant 0 : index
      %get3A_424 = tpu.vector_load %arg14[%get3A_422, %get3A_423] {strides = array<i32>} : memref<128x128xf32, #tpu.memory_space<vmem>>, vector<16xf32>,
      %mul3A_425 = arith.mulf %get3A_421, %get3A_424 : vector<16xf32>
      %add3A_426 = arith.addf %broadcast_in_dim3A_418, %mul3A_425 : vector<16xf32>
      %get3A_427 = arith.index_cast %add3A_416 : i32 to index
      %get3A_428 = arith.constant 16 : index
      %get3A_429 = tpu.vector_load %arg12[%get3A_427, %get3A_428] {strides = array<i32>} : memref<128x128xf32, #tpu.memory_space<vmem>>, vector<16xf32>,
      %get3A_430 = arith.index_cast %add3A_416 : i32 to index
      %get3A_431 = arith.constant 16 : index
      %get3A_432 = tpu.vector_load %arg14[%get3A_430, %get3A_431] {strides = array<i32>} : memref<128x128xf32, #tpu.memory_space<vmem>>, vector<16xf32>,
      %mul3A_433 = arith.mulf %get3A_429, %get3A_432 : vector<16xf32>
      %add3A_434 = arith.addf %add3A_426, %mul3A_433 : vector<16xf32>
      %get3A_435 = arith.index_cast %add3A_416 : i32 to index
      %get3A_436 = arith.constant 32 : index
      %get3A_437 = tpu.vector_load %arg12[%get3A_435, %get3A_436] {strides = array<i32>} : memref<128x128xf32, #tpu.memory_space<vmem>>, vector<16xf32>,
      %get3A_438 = arith.index_cast %add3A_416 : i32 to index
      %get3A_439 = arith.constant 32 : index
      %get3A_440 = tpu.vector_load %arg14[%get3A_438, %get3A_439] {strides = array<i32>} : memref<128x128xf32, #tpu.memory_space<vmem>>, vector<16xf32>,
      %mul3A_441 = arith.mulf %get3A_437, %get3A_440 : vector<16xf32>
      %add3A_442 = arith.addf %add3A_434, %mul3A_441 : vector<16xf32>
      %get3A_443 = arith.index_cast %add3A_416 : i32 to index
      %get3A_444 = arith.constant 48 : index
      %get3A_445 = tpu.vector_load %arg12[%get3A_443, %get3A_444] {strides = array<i32>} : memref<128x128xf32, #tpu.memory_space<vmem>>, vector<16xf32>,
      %get3A_446 = arith.index_cast %add3A_416 : i32 to index
      %get3A_447 = arith.constant 48 : index
      %get3A_448 = tpu.vector_load %arg14[%get3A_446, %get3A_447] {strides = array<i32>} : memref<128x128xf32, #tpu.memory_space<vmem>>, vector<16xf32>,
      %mul3A_449 = arith.mulf %get3A_445, %get3A_448 : vector<16xf32>
      %add3A_450 = arith.addf %add3A_442, %mul3A_449 : vector<16xf32>
      %get3A_451 = arith.index_cast %add3A_416 : i32 to index
      %get3A_452 = arith.constant 64 : index
      %get3A_453 = tpu.vector_load %arg12[%get3A_451, %get3A_452] {strides = array<i32>} : memref<128x128xf32, #tpu.memory_space<vmem>>, vector<16xf32>,
      %get3A_454 = arith.index_cast %add3A_416 : i32 to index
      %get3A_455 = arith.constant 64 : index
      %get3A_456 = tpu.vector_load %arg14[%get3A_454, %get3A_455] {strides = array<i32>} : memref<128x128xf32, #tpu.memory_space<vmem>>, vector<16xf32>,
      %mul3A_457 = arith.mulf %get3A_453, %get3A_456 : vector<16xf32>
      %add3A_458 = arith.addf %add3A_450, %mul3A_457 : vector<16xf32>
      %get3A_459 = arith.index_cast %add3A_416 : i32 to index
      %get3A_460 = arith.constant 80 : index
      %get3A_461 = tpu.vector_load %arg12[%get3A_459, %get3A_460] {strides = array<i32>} : memref<128x128xf32, #tpu.memory_space<vmem>>, vector<16xf32>,
      %get3A_462 = arith.index_cast %add3A_416 : i32 to index
      %get3A_463 = arith.constant 80 : index
      %get3A_464 = tpu.vector_load %arg14[%get3A_462, %get3A_463] {strides = array<i32>} : memref<128x128xf32, #tpu.memory_space<vmem>>, vector<16xf32>,
      %mul3A_465 = arith.mulf %get3A_461, %get3A_464 : vector<16xf32>
      %add3A_466 = arith.addf %add3A_458, %mul3A_465 : vector<16xf32>
      %get3A_467 = arith.index_cast %add3A_416 : i32 to index
      %get3A_468 = arith.constant 96 : index
      %get3A_469 = tpu.vector_load %arg12[%get3A_467, %get3A_468] {strides = array<i32>} : memref<128x128xf32, #tpu.memory_space<vmem>>, vector<16xf32>,
      %get3A_470 = arith.index_cast %add3A_416 : i32 to index
      %get3A_471 = arith.constant 96 : index
      %get3A_472 = tpu.vector_load %arg14[%get3A_470, %get3A_471] {strides = array<i32>} : memref<128x128xf32, #tpu.memory_space<vmem>>, vector<16xf32>,
      %mul3A_473 = arith.mulf %get3A_469, %get3A_472 : vector<16xf32>
      %add3A_474 = arith.addf %add3A_466, %mul3A_473 : vector<16xf32>
      %get3A_475 = arith.index_cast %add3A_416 : i32 to index
      %get3A_476 = arith.constant 112 : index
      %get3A_477 = tpu.vector_load %arg12[%get3A_475, %get3A_476] {strides = array<i32>} : memref<128x128xf32, #tpu.memory_space<vmem>>, vector<16xf32>,
      %get3A_478 = arith.index_cast %add3A_416 : i32 to index
      %get3A_479 = arith.constant 112 : index
      %get3A_480 = tpu.vector_load %arg14[%get3A_478, %get3A_479] {strides = array<i32>} : memref<128x128xf32, #tpu.memory_space<vmem>>, vector<16xf32>,
      %mul3A_481 = arith.mulf %get3A_477, %get3A_480 : vector<16xf32>
      %add3A_482 = arith.addf %add3A_474, %mul3A_481 : vector<16xf32>
      %eq3A_483 = arith.constant 1 : i32
      %eq3A_484 = vector.broadcast %eq3A_483 : i32 to vector<16xi32>
      %eq3A_485 = arith.cmpi eq, %iota3A, %eq3A_484 : vector<16xi32>
      %reduce_sum3A_486 = arith.constant true
      %reduce_sum3A_487 = vector.broadcast %reduce_sum3A_486 : i1 to vector<16xi1>
      %reduce_sum3A_488 = tpu.scan <sum>, %add3A_482 masked %reduce_sum3A_487 : vector<16xf32>, vector<16xi1> -> vector<16xf32>
      %reduce_sum3A_489 = vector.extract %reduce_sum3A_488[15] : f32 from vector<16xf32>
      %broadcast_in_dim3A_490 = vector.broadcast %reduce_sum3A_489 : f32 to vector<16xf32>
      %select_n3A_491 = arith.select %eq3A_485, %broadcast_in_dim3A_490, %select_n3A : vector<16xi1>, vector<16xf32>
      %mul3A_492 = arith.constant 16 : i32
      %mul3A_493 = arith.muli %scan3A_335, %mul3A_492 : i32
      %add3A_494 = arith.constant 2 : i32
      %add3A_495 = arith.addi %mul3A_493, %add3A_494 : i32
      %broadcast_in_dim3A_496 = arith.constant 0.000000e+00 : f32
      %broadcast_in_dim3A_497 = vector.broadcast %broadcast_in_dim3A_496 : f32 to vector<16xf32>
      %get3A_498 = arith.index_cast %add3A_495 : i32 to index
      %get3A_499 = arith.constant 0 : index
      %get3A_500 = tpu.vector_load %arg12[%get3A_498, %get3A_499] {strides = array<i32>} : memref<128x128xf32, #tpu.memory_space<vmem>>, vector<16xf32>,
      %get3A_501 = arith.index_cast %add3A_495 : i32 to index
      %get3A_502 = arith.constant 0 : index
      %get3A_503 = tpu.vector_load %arg14[%get3A_501, %get3A_502] {strides = array<i32>} : memref<128x128xf32, #tpu.memory_space<vmem>>, vector<16xf32>,
      %mul3A_504 = arith.mulf %get3A_500, %get3A_503 : vector<16xf32>
      %add3A_505 = arith.addf %broadcast_in_dim3A_497, %mul3A_504 : vector<16xf32>
      %get3A_506 = arith.index_cast %add3A_495 : i32 to index
      %get3A_507 = arith.constant 16 : index
      %get3A_508 = tpu.vector_load %arg12[%get3A_506, %get3A_507] {strides = array<i32>} : memref<128x128xf32, #tpu.memory_space<vmem>>, vector<16xf32>,
      %get3A_509 = arith.index_cast %add3A_495 : i32 to index
      %get3A_510 = arith.constant 16 : index
      %get3A_511 = tpu.vector_load %arg14[%get3A_509, %get3A_510] {strides = array<i32>} : memref<128x128xf32, #tpu.memory_space<vmem>>, vector<16xf32>,
      %mul3A_512 = arith.mulf %get3A_508, %get3A_511 : vector<16xf32>
      %add3A_513 = arith.addf %add3A_505, %mul3A_512 : vector<16xf32>
      %get3A_514 = arith.index_cast %add3A_495 : i32 to index
      %get3A_515 = arith.constant 32 : index
      %get3A_516 = tpu.vector_load %arg12[%get3A_514, %get3A_515] {strides = array<i32>} : memref<128x128xf32, #tpu.memory_space<vmem>>, vector<16xf32>,
      %get3A_517 = arith.index_cast %add3A_495 : i32 to index
      %get3A_518 = arith.constant 32 : index
      %get3A_519 = tpu.vector_load %arg14[%get3A_517, %get3A_518] {strides = array<i32>} : memref<128x128xf32, #tpu.memory_space<vmem>>, vector<16xf32>,
      %mul3A_520 = arith.mulf %get3A_516, %get3A_519 : vector<16xf32>
      %add3A_521 = arith.addf %add3A_513, %mul3A_520 : vector<16xf32>
      %get3A_522 = arith.index_cast %add3A_495 : i32 to index
      %get3A_523 = arith.constant 48 : index
      %get3A_524 = tpu.vector_load %arg12[%get3A_522, %get3A_523] {strides = array<i32>} : memref<128x128xf32, #tpu.memory_space<vmem>>, vector<16xf32>,
      %get3A_525 = arith.index_cast %add3A_495 : i32 to index
      %get3A_526 = arith.constant 48 : index
      %get3A_527 = tpu.vector_load %arg14[%get3A_525, %get3A_526] {strides = array<i32>} : memref<128x128xf32, #tpu.memory_space<vmem>>, vector<16xf32>,
      %mul3A_528 = arith.mulf %get3A_524, %get3A_527 : vector<16xf32>
      %add3A_529 = arith.addf %add3A_521, %mul3A_528 : vector<16xf32>
      %get3A_530 = arith.index_cast %add3A_495 : i32 to index
      %get3A_531 = arith.constant 64 : index
      %get3A_532 = tpu.vector_load %arg12[%get3A_530, %get3A_531] {strides = array<i32>} : memref<128x128xf32, #tpu.memory_space<vmem>>, vector<16xf32>,
      %get3A_533 = arith.index_cast %add3A_495 : i32 to index
      %get3A_534 = arith.constant 64 : index
      %get3A_535 = tpu.vector_load %arg14[%get3A_533, %get3A_534] {strides = array<i32>} : memref<128x128xf32, #tpu.memory_space<vmem>>, vector<16xf32>,
      %mul3A_536 = arith.mulf %get3A_532, %get3A_535 : vector<16xf32>
      %add3A_537 = arith.addf %add3A_529, %mul3A_536 : vector<16xf32>
      %get3A_538 = arith.index_cast %add3A_495 : i32 to index
      %get3A_539 = arith.constant 80 : index
      %get3A_540 = tpu.vector_load %arg12[%get3A_538, %get3A_539] {strides = array<i32>} : memref<128x128xf32, #tpu.memory_space<vmem>>, vector<16xf32>,
      %get3A_541 = arith.index_cast %add3A_495 : i32 to index
      %get3A_542 = arith.constant 80 : index
      %get3A_543 = tpu.vector_load %arg14[%get3A_541, %get3A_542] {strides = array<i32>} : memref<128x128xf32, #tpu.memory_space<vmem>>, vector<16xf32>,
      %mul3A_544 = arith.mulf %get3A_540, %get3A_543 : vector<16xf32>
      %add3A_545 = arith.addf %add3A_537, %mul3A_544 : vector<16xf32>
      %get3A_546 = arith.index_cast %add3A_495 : i32 to index
      %get3A_547 = arith.constant 96 : index
      %get3A_548 = tpu.vector_load %arg12[%get3A_546, %get3A_547] {strides = array<i32>} : memref<128x128xf32, #tpu.memory_space<vmem>>, vector<16xf32>,
      %get3A_549 = arith.index_cast %add3A_495 : i32 to index
      %get3A_550 = arith.constant 96 : index
      %get3A_551 = tpu.vector_load %arg14[%get3A_549, %get3A_550] {strides = array<i32>} : memref<128x128xf32, #tpu.memory_space<vmem>>, vector<16xf32>,
      %mul3A_552 = arith.mulf %get3A_548, %get3A_551 : vector<16xf32>
      %add3A_553 = arith.addf %add3A_545, %mul3A_552 : vector<16xf32>
      %get3A_554 = arith.index_cast %add3A_495 : i32 to index
      %get3A_555 = arith.constant 112 : index
      %get3A_556 = tpu.vector_load %arg12[%get3A_554, %get3A_555] {strides = array<i32>} : memref<128x128xf32, #tpu.memory_space<vmem>>, vector<16xf32>,
      %get3A_557 = arith.index_cast %add3A_495 : i32 to index
      %get3A_558 = arith.constant 112 : index
      %get3A_559 = tpu.vector_load %arg14[%get3A_557, %get3A_558] {strides = array<i32>} : memref<128x128xf32, #tpu.memory_space<vmem>>, vector<16xf32>,
      %mul3A_560 = arith.mulf %get3A_556, %get3A_559 : vector<16xf32>
      %add3A_561 = arith.addf %add3A_553, %mul3A_560 : vector<16xf32>
      %eq3A_562 = arith.constant 2 : i32
      %eq3A_563 = vector.broadcast %eq3A_562 : i32 to vector<16xi32>
      %eq3A_564 = arith.cmpi eq, %iota3A, %eq3A_563 : vector<16xi32>
      %reduce_sum3A_565 = arith.constant true
      %reduce_sum3A_566 = vector.broadcast %reduce_sum3A_565 : i1 to vector<16xi1>
      %reduce_sum3A_567 = tpu.scan <sum>, %add3A_561 masked %reduce_sum3A_566 : vector<16xf32>, vector<16xi1> -> vector<16xf32>
      %reduce_sum3A_568 = vector.extract %reduce_sum3A_567[15] : f32 from vector<16xf32>
      %broadcast_in_dim3A_569 = vector.broadcast %reduce_sum3A_568 : f32 to vector<16xf32>
      %select_n3A_570 = arith.select %eq3A_564, %broadcast_in_dim3A_569, %select_n3A_491 : vector<16xi1>, vector<16xf32>
      %mul3A_571 = arith.constant 16 : i32
      %mul3A_572 = arith.muli %scan3A_335, %mul3A_571 : i32
      %add3A_573 = arith.constant 3 : i32
      %add3A_574 = arith.addi %mul3A_572, %add3A_573 : i32
      %broadcast_in_dim3A_575 = arith.constant 0.000000e+00 : f32
      %broadcast_in_dim3A_576 = vector.broadcast %broadcast_in_dim3A_575 : f32 to vector<16xf32>
      %get3A_577 = arith.index_cast %add3A_574 : i32 to index
      %get3A_578 = arith.constant 0 : index
      %get3A_579 = tpu.vector_load %arg12[%get3A_577, %get3A_578] {strides = array<i32>} : memref<128x128xf32, #tpu.memory_space<vmem>>, vector<16xf32>,
      %get3A_580 = arith.index_cast %add3A_574 : i32 to index
      %get3A_581 = arith.constant 0 : index
      %get3A_582 = tpu.vector_load %arg14[%get3A_580, %get3A_581] {strides = array<i32>} : memref<128x128xf32, #tpu.memory_space<vmem>>, vector<16xf32>,
      %mul3A_583 = arith.mulf %get3A_579, %get3A_582 : vector<16xf32>
      %add3A_584 = arith.addf %broadcast_in_dim3A_576, %mul3A_583 : vector<16xf32>
      %get3A_585 = arith.index_cast %add3A_574 : i32 to index
      %get3A_586 = arith.constant 16 : index
      %get3A_587 = tpu.vector_load %arg12[%get3A_585, %get3A_586] {strides = array<i32>} : memref<128x128xf32, #tpu.memory_space<vmem>>, vector<16xf32>,
      %get3A_588 = arith.index_cast %add3A_574 : i32 to index
      %get3A_589 = arith.constant 16 : index
      %get3A_590 = tpu.vector_load %arg14[%get3A_588, %get3A_589] {strides = array<i32>} : memref<128x128xf32, #tpu.memory_space<vmem>>, vector<16xf32>,
      %mul3A_591 = arith.mulf %get3A_587, %get3A_590 : vector<16xf32>
      %add3A_592 = arith.addf %add3A_584, %mul3A_591 : vector<16xf32>
      %get3A_593 = arith.index_cast %add3A_574 : i32 to index
      %get3A_594 = arith.constant 32 : index
      %get3A_595 = tpu.vector_load %arg12[%get3A_593, %get3A_594] {strides = array<i32>} : memref<128x128xf32, #tpu.memory_space<vmem>>, vector<16xf32>,
      %get3A_596 = arith.index_cast %add3A_574 : i32 to index
      %get3A_597 = arith.constant 32 : index
      %get3A_598 = tpu.vector_load %arg14[%get3A_596, %get3A_597] {strides = array<i32>} : memref<128x128xf32, #tpu.memory_space<vmem>>, vector<16xf32>,
      %mul3A_599 = arith.mulf %get3A_595, %get3A_598 : vector<16xf32>
      %add3A_600 = arith.addf %add3A_592, %mul3A_599 : vector<16xf32>
      %get3A_601 = arith.index_cast %add3A_574 : i32 to index
      %get3A_602 = arith.constant 48 : index
      %get3A_603 = tpu.vector_load %arg12[%get3A_601, %get3A_602] {strides = array<i32>} : memref<128x128xf32, #tpu.memory_space<vmem>>, vector<16xf32>,
      %get3A_604 = arith.index_cast %add3A_574 : i32 to index
      %get3A_605 = arith.constant 48 : index
      %get3A_606 = tpu.vector_load %arg14[%get3A_604, %get3A_605] {strides = array<i32>} : memref<128x128xf32, #tpu.memory_space<vmem>>, vector<16xf32>,
      %mul3A_607 = arith.mulf %get3A_603, %get3A_606 : vector<16xf32>
      %add3A_608 = arith.addf %add3A_600, %mul3A_607 : vector<16xf32>
      %get3A_609 = arith.index_cast %add3A_574 : i32 to index
      %get3A_610 = arith.constant 64 : index
      %get3A_611 = tpu.vector_load %arg12[%get3A_609, %get3A_610] {strides = array<i32>} : memref<128x128xf32, #tpu.memory_space<vmem>>, vector<16xf32>,
      %get3A_612 = arith.index_cast %add3A_574 : i32 to index
      %get3A_613 = arith.constant 64 : index
      %get3A_614 = tpu.vector_load %arg14[%get3A_612, %get3A_613] {strides = array<i32>} : memref<128x128xf32, #tpu.memory_space<vmem>>, vector<16xf32>,
      %mul3A_615 = arith.mulf %get3A_611, %get3A_614 : vector<16xf32>
      %add3A_616 = arith.addf %add3A_608, %mul3A_615 : vector<16xf32>
      %get3A_617 = arith.index_cast %add3A_574 : i32 to index
      %get3A_618 = arith.constant 80 : index
      %get3A_619 = tpu.vector_load %arg12[%get3A_617, %get3A_618] {strides = array<i32>} : memref<128x128xf32, #tpu.memory_space<vmem>>, vector<16xf32>,
      %get3A_620 = arith.index_cast %add3A_574 : i32 to index
      %get3A_621 = arith.constant 80 : index
      %get3A_622 = tpu.vector_load %arg14[%get3A_620, %get3A_621] {strides = array<i32>} : memref<128x128xf32, #tpu.memory_space<vmem>>, vector<16xf32>,
      %mul3A_623 = arith.mulf %get3A_619, %get3A_622 : vector<16xf32>
      %add3A_624 = arith.addf %add3A_616, %mul3A_623 : vector<16xf32>
      %get3A_625 = arith.index_cast %add3A_574 : i32 to index
      %get3A_626 = arith.constant 96 : index
      %get3A_627 = tpu.vector_load %arg12[%get3A_625, %get3A_626] {strides = array<i32>} : memref<128x128xf32, #tpu.memory_space<vmem>>, vector<16xf32>,
      %get3A_628 = arith.index_cast %add3A_574 : i32 to index
      %get3A_629 = arith.constant 96 : index
      %get3A_630 = tpu.vector_load %arg14[%get3A_628, %get3A_629] {strides = array<i32>} : memref<128x128xf32, #tpu.memory_space<vmem>>, vector<16xf32>,
      %mul3A_631 = arith.mulf %get3A_627, %get3A_630 : vector<16xf32>
      %add3A_632 = arith.addf %add3A_624, %mul3A_631 : vector<16xf32>
      %get3A_633 = arith.index_cast %add3A_574 : i32 to index
      %get3A_634 = arith.constant 112 : index
      %get3A_635 = tpu.vector_load %arg12[%get3A_633, %get3A_634] {strides = array<i32>} : memref<128x128xf32, #tpu.memory_space<vmem>>, vector<16xf32>,
      %get3A_636 = arith.index_cast %add3A_574 : i32 to index
      %get3A_637 = arith.constant 112 : index
      %get3A_638 = tpu.vector_load %arg14[%get3A_636, %get3A_637] {strides = array<i32>} : memref<128x128xf32, #tpu.memory_space<vmem>>, vector<16xf32>,
      %mul3A_639 = arith.mulf %get3A_635, %get3A_638 : vector<16xf32>
      %add3A_640 = arith.addf %add3A_632, %mul3A_639 : vector<16xf32>
      %eq3A_641 = arith.constant 3 : i32
      %eq3A_642 = vector.broadcast %eq3A_641 : i32 to vector<16xi32>
      %eq3A_643 = arith.cmpi eq, %iota3A, %eq3A_642 : vector<16xi32>
      %reduce_sum3A_644 = arith.constant true
      %reduce_sum3A_645 = vector.broadcast %reduce_sum3A_644 : i1 to vector<16xi1>
      %reduce_sum3A_646 = tpu.scan <sum>, %add3A_640 masked %reduce_sum3A_645 : vector<16xf32>, vector<16xi1> -> vector<16xf32>
      %reduce_sum3A_647 = vector.extract %reduce_sum3A_646[15] : f32 from vector<16xf32>
      %broadcast_in_dim3A_648 = vector.broadcast %reduce_sum3A_647 : f32 to vector<16xf32>
      %select_n3A_649 = arith.select %eq3A_643, %broadcast_in_dim3A_648, %select_n3A_570 : vector<16xi1>, vector<16xf32>
      %mul3A_650 = arith.constant 16 : i32
      %mul3A_651 = arith.muli %scan3A_335, %mul3A_650 : i32
      %add3A_652 = arith.constant 4 : i32
      %add3A_653 = arith.addi %mul3A_651, %add3A_652 : i32
      %broadcast_in_dim3A_654 = arith.constant 0.000000e+00 : f32
      %broadcast_in_dim3A_655 = vector.broadcast %broadcast_in_dim3A_654 : f32 to vector<16xf32>
      %get3A_656 = arith.index_cast %add3A_653 : i32 to index
      %get3A_657 = arith.constant 0 : index
      %get3A_658 = tpu.vector_load %arg12[%get3A_656, %get3A_657] {strides = array<i32>} : memref<128x128xf32, #tpu.memory_space<vmem>>, vector<16xf32>,
      %get3A_659 = arith.index_cast %add3A_653 : i32 to index
      %get3A_660 = arith.constant 0 : index
      %get3A_661 = tpu.vector_load %arg14[%get3A_659, %get3A_660] {strides = array<i32>} : memref<128x128xf32, #tpu.memory_space<vmem>>, vector<16xf32>,
      %mul3A_662 = arith.mulf %get3A_658, %get3A_661 : vector<16xf32>
      %add3A_663 = arith.addf %broadcast_in_dim3A_655, %mul3A_662 : vector<16xf32>
      %get3A_664 = arith.index_cast %add3A_653 : i32 to index
      %get3A_665 = arith.constant 16 : index
      %get3A_666 = tpu.vector_load %arg12[%get3A_664, %get3A_665] {strides = array<i32>} : memref<128x128xf32, #tpu.memory_space<vmem>>, vector<16xf32>,
      %get3A_667 = arith.index_cast %add3A_653 : i32 to index
      %get3A_668 = arith.constant 16 : index
      %get3A_669 = tpu.vector_load %arg14[%get3A_667, %get3A_668] {strides = array<i32>} : memref<128x128xf32, #tpu.memory_space<vmem>>, vector<16xf32>,
      %mul3A_670 = arith.mulf %get3A_666, %get3A_669 : vector<16xf32>
      %add3A_671 = arith.addf %add3A_663, %mul3A_670 : vector<16xf32>
      %get3A_672 = arith.index_cast %add3A_653 : i32 to index
      %get3A_673 = arith.constant 32 : index
      %get3A_674 = tpu.vector_load %arg12[%get3A_672, %get3A_673] {strides = array<i32>} : memref<128x128xf32, #tpu.memory_space<vmem>>, vector<16xf32>,
      %get3A_675 = arith.index_cast %add3A_653 : i32 to index
      %get3A_676 = arith.constant 32 : index
      %get3A_677 = tpu.vector_load %arg14[%get3A_675, %get3A_676] {strides = array<i32>} : memref<128x128xf32, #tpu.memory_space<vmem>>, vector<16xf32>,
      %mul3A_678 = arith.mulf %get3A_674, %get3A_677 : vector<16xf32>
      %add3A_679 = arith.addf %add3A_671, %mul3A_678 : vector<16xf32>
      %get3A_680 = arith.index_cast %add3A_653 : i32 to index
      %get3A_681 = arith.constant 48 : index
      %get3A_682 = tpu.vector_load %arg12[%get3A_680, %get3A_681] {strides = array<i32>} : memref<128x128xf32, #tpu.memory_space<vmem>>, vector<16xf32>,
      %get3A_683 = arith.index_cast %add3A_653 : i32 to index
      %get3A_684 = arith.constant 48 : index
      %get3A_685 = tpu.vector_load %arg14[%get3A_683, %get3A_684] {strides = array<i32>} : memref<128x128xf32, #tpu.memory_space<vmem>>, vector<16xf32>,
      %mul3A_686 = arith.mulf %get3A_682, %get3A_685 : vector<16xf32>
      %add3A_687 = arith.addf %add3A_679, %mul3A_686 : vector<16xf32>
      %get3A_688 = arith.index_cast %add3A_653 : i32 to index
      %get3A_689 = arith.constant 64 : index
      %get3A_690 = tpu.vector_load %arg12[%get3A_688, %get3A_689] {strides = array<i32>} : memref<128x128xf32, #tpu.memory_space<vmem>>, vector<16xf32>,
      %get3A_691 = arith.index_cast %add3A_653 : i32 to index
      %get3A_692 = arith.constant 64 : index
      %get3A_693 = tpu.vector_load %arg14[%get3A_691, %get3A_692] {strides = array<i32>} : memref<128x128xf32, #tpu.memory_space<vmem>>, vector<16xf32>,
      %mul3A_694 = arith.mulf %get3A_690, %get3A_693 : vector<16xf32>
      %add3A_695 = arith.addf %add3A_687, %mul3A_694 : vector<16xf32>
      %get3A_696 = arith.index_cast %add3A_653 : i32 to index
      %get3A_697 = arith.constant 80 : index
      %get3A_698 = tpu.vector_load %arg12[%get3A_696, %get3A_697] {strides = array<i32>} : memref<128x128xf32, #tpu.memory_space<vmem>>, vector<16xf32>,
      %get3A_699 = arith.index_cast %add3A_653 : i32 to index
      %get3A_700 = arith.constant 80 : index
      %get3A_701 = tpu.vector_load %arg14[%get3A_699, %get3A_700] {strides = array<i32>} : memref<128x128xf32, #tpu.memory_space<vmem>>, vector<16xf32>,
      %mul3A_702 = arith.mulf %get3A_698, %get3A_701 : vector<16xf32>
      %add3A_703 = arith.addf %add3A_695, %mul3A_702 : vector<16xf32>
      %get3A_704 = arith.index_cast %add3A_653 : i32 to index
      %get3A_705 = arith.constant 96 : index
      %get3A_706 = tpu.vector_load %arg12[%get3A_704, %get3A_705] {strides = array<i32>} : memref<128x128xf32, #tpu.memory_space<vmem>>, vector<16xf32>,
      %get3A_707 = arith.index_cast %add3A_653 : i32 to index
      %get3A_708 = arith.constant 96 : index
      %get3A_709 = tpu.vector_load %arg14[%get3A_707, %get3A_708] {strides = array<i32>} : memref<128x128xf32, #tpu.memory_space<vmem>>, vector<16xf32>,
      %mul3A_710 = arith.mulf %get3A_706, %get3A_709 : vector<16xf32>
      %add3A_711 = arith.addf %add3A_703, %mul3A_710 : vector<16xf32>
      %get3A_712 = arith.index_cast %add3A_653 : i32 to index
      %get3A_713 = arith.constant 112 : index
      %get3A_714 = tpu.vector_load %arg12[%get3A_712, %get3A_713] {strides = array<i32>} : memref<128x128xf32, #tpu.memory_space<vmem>>, vector<16xf32>,
      %get3A_715 = arith.index_cast %add3A_653 : i32 to index
      %get3A_716 = arith.constant 112 : index
      %get3A_717 = tpu.vector_load %arg14[%get3A_715, %get3A_716] {strides = array<i32>} : memref<128x128xf32, #tpu.memory_space<vmem>>, vector<16xf32>,
      %mul3A_718 = arith.mulf %get3A_714, %get3A_717 : vector<16xf32>
      %add3A_719 = arith.addf %add3A_711, %mul3A_718 : vector<16xf32>
      %eq3A_720 = arith.constant 4 : i32
      %eq3A_721 = vector.broadcast %eq3A_720 : i32 to vector<16xi32>
      %eq3A_722 = arith.cmpi eq, %iota3A, %eq3A_721 : vector<16xi32>
      %reduce_sum3A_723 = arith.constant true
      %reduce_sum3A_724 = vector.broadcast %reduce_sum3A_723 : i1 to vector<16xi1>
      %reduce_sum3A_725 = tpu.scan <sum>, %add3A_719 masked %reduce_sum3A_724 : vector<16xf32>, vector<16xi1> -> vector<16xf32>
      %reduce_sum3A_726 = vector.extract %reduce_sum3A_725[15] : f32 from vector<16xf32>
      %broadcast_in_dim3A_727 = vector.broadcast %reduce_sum3A_726 : f32 to vector<16xf32>
      %select_n3A_728 = arith.select %eq3A_722, %broadcast_in_dim3A_727, %select_n3A_649 : vector<16xi1>, vector<16xf32>
      %mul3A_729 = arith.constant 16 : i32
      %mul3A_730 = arith.muli %scan3A_335, %mul3A_729 : i32
      %add3A_731 = arith.constant 5 : i32
      %add3A_732 = arith.addi %mul3A_730, %add3A_731 : i32
      %broadcast_in_dim3A_733 = arith.constant 0.000000e+00 : f32
      %broadcast_in_dim3A_734 = vector.broadcast %broadcast_in_dim3A_733 : f32 to vector<16xf32>
      %get3A_735 = arith.index_cast %add3A_732 : i32 to index
      %get3A_736 = arith.constant 0 : index
      %get3A_737 = tpu.vector_load %arg12[%get3A_735, %get3A_736] {strides = array<i32>} : memref<128x128xf32, #tpu.memory_space<vmem>>, vector<16xf32>,
      %get3A_738 = arith.index_cast %add3A_732 : i32 to index
      %get3A_739 = arith.constant 0 : index
      %get3A_740 = tpu.vector_load %arg14[%get3A_738, %get3A_739] {strides = array<i32>} : memref<128x128xf32, #tpu.memory_space<vmem>>, vector<16xf32>,
      %mul3A_741 = arith.mulf %get3A_737, %get3A_740 : vector<16xf32>
      %add3A_742 = arith.addf %broadcast_in_dim3A_734, %mul3A_741 : vector<16xf32>
      %get3A_743 = arith.index_cast %add3A_732 : i32 to index
      %get3A_744 = arith.constant 16 : index
      %get3A_745 = tpu.vector_load %arg12[%get3A_743, %get3A_744] {strides = array<i32>} : memref<128x128xf32, #tpu.memory_space<vmem>>, vector<16xf32>,
      %get3A_746 = arith.index_cast %add3A_732 : i32 to index
      %get3A_747 = arith.constant 16 : index
      %get3A_748 = tpu.vector_load %arg14[%get3A_746, %get3A_747] {strides = array<i32>} : memref<128x128xf32, #tpu.memory_space<vmem>>, vector<16xf32>,
      %mul3A_749 = arith.mulf %get3A_745, %get3A_748 : vector<16xf32>
      %add3A_750 = arith.addf %add3A_742, %mul3A_749 : vector<16xf32>
      %get3A_751 = arith.index_cast %add3A_732 : i32 to index
      %get3A_752 = arith.constant 32 : index
      %get3A_753 = tpu.vector_load %arg12[%get3A_751, %get3A_752] {strides = array<i32>} : memref<128x128xf32, #tpu.memory_space<vmem>>, vector<16xf32>,
      %get3A_754 = arith.index_cast %add3A_732 : i32 to index
      %get3A_755 = arith.constant 32 : index
      %get3A_756 = tpu.vector_load %arg14[%get3A_754, %get3A_755] {strides = array<i32>} : memref<128x128xf32, #tpu.memory_space<vmem>>, vector<16xf32>,
      %mul3A_757 = arith.mulf %get3A_753, %get3A_756 : vector<16xf32>
      %add3A_758 = arith.addf %add3A_750, %mul3A_757 : vector<16xf32>
      %get3A_759 = arith.index_cast %add3A_732 : i32 to index
      %get3A_760 = arith.constant 48 : index
      %get3A_761 = tpu.vector_load %arg12[%get3A_759, %get3A_760] {strides = array<i32>} : memref<128x128xf32, #tpu.memory_space<vmem>>, vector<16xf32>,
      %get3A_762 = arith.index_cast %add3A_732 : i32 to index
      %get3A_763 = arith.constant 48 : index
      %get3A_764 = tpu.vector_load %arg14[%get3A_762, %get3A_763] {strides = array<i32>} : memref<128x128xf32, #tpu.memory_space<vmem>>, vector<16xf32>,
      %mul3A_765 = arith.mulf %get3A_761, %get3A_764 : vector<16xf32>
      %add3A_766 = arith.addf %add3A_758, %mul3A_765 : vector<16xf32>
      %get3A_767 = arith.index_cast %add3A_732 : i32 to index
      %get3A_768 = arith.constant 64 : index
      %get3A_769 = tpu.vector_load %arg12[%get3A_767, %get3A_768] {strides = array<i32>} : memref<128x128xf32, #tpu.memory_space<vmem>>, vector<16xf32>,
      %get3A_770 = arith.index_cast %add3A_732 : i32 to index
      %get3A_771 = arith.constant 64 : index
      %get3A_772 = tpu.vector_load %arg14[%get3A_770, %get3A_771] {strides = array<i32>} : memref<128x128xf32, #tpu.memory_space<vmem>>, vector<16xf32>,
      %mul3A_773 = arith.mulf %get3A_769, %get3A_772 : vector<16xf32>
      %add3A_774 = arith.addf %add3A_766, %mul3A_773 : vector<16xf32>
      %get3A_775 = arith.index_cast %add3A_732 : i32 to index
      %get3A_776 = arith.constant 80 : index
      %get3A_777 = tpu.vector_load %arg12[%get3A_775, %get3A_776] {strides = array<i32>} : memref<128x128xf32, #tpu.memory_space<vmem>>, vector<16xf32>,
      %get3A_778 = arith.index_cast %add3A_732 : i32 to index
      %get3A_779 = arith.constant 80 : index
      %get3A_780 = tpu.vector_load %arg14[%get3A_778, %get3A_779] {strides = array<i32>} : memref<128x128xf32, #tpu.memory_space<vmem>>, vector<16xf32>,
      %mul3A_781 = arith.mulf %get3A_777, %get3A_780 : vector<16xf32>
      %add3A_782 = arith.addf %add3A_774, %mul3A_781 : vector<16xf32>
      %get3A_783 = arith.index_cast %add3A_732 : i32 to index
      %get3A_784 = arith.constant 96 : index
      %get3A_785 = tpu.vector_load %arg12[%get3A_783, %get3A_784] {strides = array<i32>} : memref<128x128xf32, #tpu.memory_space<vmem>>, vector<16xf32>,
      %get3A_786 = arith.index_cast %add3A_732 : i32 to index
      %get3A_787 = arith.constant 96 : index
      %get3A_788 = tpu.vector_load %arg14[%get3A_786, %get3A_787] {strides = array<i32>} : memref<128x128xf32, #tpu.memory_space<vmem>>, vector<16xf32>,
      %mul3A_789 = arith.mulf %get3A_785, %get3A_788 : vector<16xf32>
      %add3A_790 = arith.addf %add3A_782, %mul3A_789 : vector<16xf32>
      %get3A_791 = arith.index_cast %add3A_732 : i32 to index
      %get3A_792 = arith.constant 112 : index
      %get3A_793 = tpu.vector_load %arg12[%get3A_791, %get3A_792] {strides = array<i32>} : memref<128x128xf32, #tpu.memory_space<vmem>>, vector<16xf32>,
      %get3A_794 = arith.index_cast %add3A_732 : i32 to index
      %get3A_795 = arith.constant 112 : index
      %get3A_796 = tpu.vector_load %arg14[%get3A_794, %get3A_795] {strides = array<i32>} : memref<128x128xf32, #tpu.memory_space<vmem>>, vector<16xf32>,
      %mul3A_797 = arith.mulf %get3A_793, %get3A_796 : vector<16xf32>
      %add3A_798 = arith.addf %add3A_790, %mul3A_797 : vector<16xf32>
      %eq3A_799 = arith.constant 5 : i32
      %eq3A_800 = vector.broadcast %eq3A_799 : i32 to vector<16xi32>
      %eq3A_801 = arith.cmpi eq, %iota3A, %eq3A_800 : vector<16xi32>
      %reduce_sum3A_802 = arith.constant true
      %reduce_sum3A_803 = vector.broadcast %reduce_sum3A_802 : i1 to vector<16xi1>
      %reduce_sum3A_804 = tpu.scan <sum>, %add3A_798 masked %reduce_sum3A_803 : vector<16xf32>, vector<16xi1> -> vector<16xf32>
      %reduce_sum3A_805 = vector.extract %reduce_sum3A_804[15] : f32 from vector<16xf32>
      %broadcast_in_dim3A_806 = vector.broadcast %reduce_sum3A_805 : f32 to vector<16xf32>
      %select_n3A_807 = arith.select %eq3A_801, %broadcast_in_dim3A_806, %select_n3A_728 : vector<16xi1>, vector<16xf32>
      %mul3A_808 = arith.constant 16 : i32
      %mul3A_809 = arith.muli %scan3A_335, %mul3A_808 : i32
      %add3A_810 = arith.constant 6 : i32
      %add3A_811 = arith.addi %mul3A_809, %add3A_810 : i32
      %broadcast_in_dim3A_812 = arith.constant 0.000000e+00 : f32
      %broadcast_in_dim3A_813 = vector.broadcast %broadcast_in_dim3A_812 : f32 to vector<16xf32>
      %get3A_814 = arith.index_cast %add3A_811 : i32 to index
      %get3A_815 = arith.constant 0 : index
      %get3A_816 = tpu.vector_load %arg12[%get3A_814, %get3A_815] {strides = array<i32>} : memref<128x128xf32, #tpu.memory_space<vmem>>, vector<16xf32>,
      %get3A_817 = arith.index_cast %add3A_811 : i32 to index
      %get3A_818 = arith.constant 0 : index
      %get3A_819 = tpu.vector_load %arg14[%get3A_817, %get3A_818] {strides = array<i32>} : memref<128x128xf32, #tpu.memory_space<vmem>>, vector<16xf32>,
      %mul3A_820 = arith.mulf %get3A_816, %get3A_819 : vector<16xf32>
      %add3A_821 = arith.addf %broadcast_in_dim3A_813, %mul3A_820 : vector<16xf32>
      %get3A_822 = arith.index_cast %add3A_811 : i32 to index
      %get3A_823 = arith.constant 16 : index
      %get3A_824 = tpu.vector_load %arg12[%get3A_822, %get3A_823] {strides = array<i32>} : memref<128x128xf32, #tpu.memory_space<vmem>>, vector<16xf32>,
      %get3A_825 = arith.index_cast %add3A_811 : i32 to index
      %get3A_826 = arith.constant 16 : index
      %get3A_827 = tpu.vector_load %arg14[%get3A_825, %get3A_826] {strides = array<i32>} : memref<128x128xf32, #tpu.memory_space<vmem>>, vector<16xf32>,
      %mul3A_828 = arith.mulf %get3A_824, %get3A_827 : vector<16xf32>
      %add3A_829 = arith.addf %add3A_821, %mul3A_828 : vector<16xf32>
      %get3A_830 = arith.index_cast %add3A_811 : i32 to index
      %get3A_831 = arith.constant 32 : index
      %get3A_832 = tpu.vector_load %arg12[%get3A_830, %get3A_831] {strides = array<i32>} : memref<128x128xf32, #tpu.memory_space<vmem>>, vector<16xf32>,
      %get3A_833 = arith.index_cast %add3A_811 : i32 to index
      %get3A_834 = arith.constant 32 : index
      %get3A_835 = tpu.vector_load %arg14[%get3A_833, %get3A_834] {strides = array<i32>} : memref<128x128xf32, #tpu.memory_space<vmem>>, vector<16xf32>,
      %mul3A_836 = arith.mulf %get3A_832, %get3A_835 : vector<16xf32>
      %add3A_837 = arith.addf %add3A_829, %mul3A_836 : vector<16xf32>
      %get3A_838 = arith.index_cast %add3A_811 : i32 to index
      %get3A_839 = arith.constant 48 : index
      %get3A_840 = tpu.vector_load %arg12[%get3A_838, %get3A_839] {strides = array<i32>} : memref<128x128xf32, #tpu.memory_space<vmem>>, vector<16xf32>,
      %get3A_841 = arith.index_cast %add3A_811 : i32 to index
      %get3A_842 = arith.constant 48 : index
      %get3A_843 = tpu.vector_load %arg14[%get3A_841, %get3A_842] {strides = array<i32>} : memref<128x128xf32, #tpu.memory_space<vmem>>, vector<16xf32>,
      %mul3A_844 = arith.mulf %get3A_840, %get3A_843 : vector<16xf32>
      %add3A_845 = arith.addf %add3A_837, %mul3A_844 : vector<16xf32>
      %get3A_846 = arith.index_cast %add3A_811 : i32 to index
      %get3A_847 = arith.constant 64 : index
      %get3A_848 = tpu.vector_load %arg12[%get3A_846, %get3A_847] {strides = array<i32>} : memref<128x128xf32, #tpu.memory_space<vmem>>, vector<16xf32>,
      %get3A_849 = arith.index_cast %add3A_811 : i32 to index
      %get3A_850 = arith.constant 64 : index
      %get3A_851 = tpu.vector_load %arg14[%get3A_849, %get3A_850] {strides = array<i32>} : memref<128x128xf32, #tpu.memory_space<vmem>>, vector<16xf32>,
      %mul3A_852 = arith.mulf %get3A_848, %get3A_851 : vector<16xf32>
      %add3A_853 = arith.addf %add3A_845, %mul3A_852 : vector<16xf32>
      %get3A_854 = arith.index_cast %add3A_811 : i32 to index
      %get3A_855 = arith.constant 80 : index
      %get3A_856 = tpu.vector_load %arg12[%get3A_854, %get3A_855] {strides = array<i32>} : memref<128x128xf32, #tpu.memory_space<vmem>>, vector<16xf32>,
      %get3A_857 = arith.index_cast %add3A_811 : i32 to index
      %get3A_858 = arith.constant 80 : index
      %get3A_859 = tpu.vector_load %arg14[%get3A_857, %get3A_858] {strides = array<i32>} : memref<128x128xf32, #tpu.memory_space<vmem>>, vector<16xf32>,
      %mul3A_860 = arith.mulf %get3A_856, %get3A_859 : vector<16xf32>
      %add3A_861 = arith.addf %add3A_853, %mul3A_860 : vector<16xf32>
      %get3A_862 = arith.index_cast %add3A_811 : i32 to index
      %get3A_863 = arith.constant 96 : index
      %get3A_864 = tpu.vector_load %arg12[%get3A_862, %get3A_863] {strides = array<i32>} : memref<128x128xf32, #tpu.memory_space<vmem>>, vector<16xf32>,
      %get3A_865 = arith.index_cast %add3A_811 : i32 to index
      %get3A_866 = arith.constant 96 : index
      %get3A_867 = tpu.vector_load %arg14[%get3A_865, %get3A_866] {strides = array<i32>} : memref<128x128xf32, #tpu.memory_space<vmem>>, vector<16xf32>,
      %mul3A_868 = arith.mulf %get3A_864, %get3A_867 : vector<16xf32>
      %add3A_869 = arith.addf %add3A_861, %mul3A_868 : vector<16xf32>
      %get3A_870 = arith.index_cast %add3A_811 : i32 to index
      %get3A_871 = arith.constant 112 : index
      %get3A_872 = tpu.vector_load %arg12[%get3A_870, %get3A_871] {strides = array<i32>} : memref<128x128xf32, #tpu.memory_space<vmem>>, vector<16xf32>,
      %get3A_873 = arith.index_cast %add3A_811 : i32 to index
      %get3A_874 = arith.constant 112 : index
      %get3A_875 = tpu.vector_load %arg14[%get3A_873, %get3A_874] {strides = array<i32>} : memref<128x128xf32, #tpu.memory_space<vmem>>, vector<16xf32>,
      %mul3A_876 = arith.mulf %get3A_872, %get3A_875 : vector<16xf32>
      %add3A_877 = arith.addf %add3A_869, %mul3A_876 : vector<16xf32>
      %eq3A_878 = arith.constant 6 : i32
      %eq3A_879 = vector.broadcast %eq3A_878 : i32 to vector<16xi32>
      %eq3A_880 = arith.cmpi eq, %iota3A, %eq3A_879 : vector<16xi32>
      %reduce_sum3A_881 = arith.constant true
      %reduce_sum3A_882 = vector.broadcast %reduce_sum3A_881 : i1 to vector<16xi1>
      %reduce_sum3A_883 = tpu.scan <sum>, %add3A_877 masked %reduce_sum3A_882 : vector<16xf32>, vector<16xi1> -> vector<16xf32>
      %reduce_sum3A_884 = vector.extract %reduce_sum3A_883[15] : f32 from vector<16xf32>
      %broadcast_in_dim3A_885 = vector.broadcast %reduce_sum3A_884 : f32 to vector<16xf32>
      %select_n3A_886 = arith.select %eq3A_880, %broadcast_in_dim3A_885, %select_n3A_807 : vector<16xi1>, vector<16xf32>
      %mul3A_887 = arith.constant 16 : i32
      %mul3A_888 = arith.muli %scan3A_335, %mul3A_887 : i32
      %add3A_889 = arith.constant 7 : i32
      %add3A_890 = arith.addi %mul3A_888, %add3A_889 : i32
      %broadcast_in_dim3A_891 = arith.constant 0.000000e+00 : f32
      %broadcast_in_dim3A_892 = vector.broadcast %broadcast_in_dim3A_891 : f32 to vector<16xf32>
      %get3A_893 = arith.index_cast %add3A_890 : i32 to index
      %get3A_894 = arith.constant 0 : index
      %get3A_895 = tpu.vector_load %arg12[%get3A_893, %get3A_894] {strides = array<i32>} : memref<128x128xf32, #tpu.memory_space<vmem>>, vector<16xf32>,
      %get3A_896 = arith.index_cast %add3A_890 : i32 to index
      %get3A_897 = arith.constant 0 : index
      %get3A_898 = tpu.vector_load %arg14[%get3A_896, %get3A_897] {strides = array<i32>} : memref<128x128xf32, #tpu.memory_space<vmem>>, vector<16xf32>,
      %mul3A_899 = arith.mulf %get3A_895, %get3A_898 : vector<16xf32>
      %add3A_900 = arith.addf %broadcast_in_dim3A_892, %mul3A_899 : vector<16xf32>
      %get3A_901 = arith.index_cast %add3A_890 : i32 to index
      %get3A_902 = arith.constant 16 : index
      %get3A_903 = tpu.vector_load %arg12[%get3A_901, %get3A_902] {strides = array<i32>} : memref<128x128xf32, #tpu.memory_space<vmem>>, vector<16xf32>,
      %get3A_904 = arith.index_cast %add3A_890 : i32 to index
      %get3A_905 = arith.constant 16 : index
      %get3A_906 = tpu.vector_load %arg14[%get3A_904, %get3A_905] {strides = array<i32>} : memref<128x128xf32, #tpu.memory_space<vmem>>, vector<16xf32>,
      %mul3A_907 = arith.mulf %get3A_903, %get3A_906 : vector<16xf32>
      %add3A_908 = arith.addf %add3A_900, %mul3A_907 : vector<16xf32>
      %get3A_909 = arith.index_cast %add3A_890 : i32 to index
      %get3A_910 = arith.constant 32 : index
      %get3A_911 = tpu.vector_load %arg12[%get3A_909, %get3A_910] {strides = array<i32>} : memref<128x128xf32, #tpu.memory_space<vmem>>, vector<16xf32>,
      %get3A_912 = arith.index_cast %add3A_890 : i32 to index
      %get3A_913 = arith.constant 32 : index
      %get3A_914 = tpu.vector_load %arg14[%get3A_912, %get3A_913] {strides = array<i32>} : memref<128x128xf32, #tpu.memory_space<vmem>>, vector<16xf32>,
      %mul3A_915 = arith.mulf %get3A_911, %get3A_914 : vector<16xf32>
      %add3A_916 = arith.addf %add3A_908, %mul3A_915 : vector<16xf32>
      %get3A_917 = arith.index_cast %add3A_890 : i32 to index
      %get3A_918 = arith.constant 48 : index
      %get3A_919 = tpu.vector_load %arg12[%get3A_917, %get3A_918] {strides = array<i32>} : memref<128x128xf32, #tpu.memory_space<vmem>>, vector<16xf32>,
      %get3A_920 = arith.index_cast %add3A_890 : i32 to index
      %get3A_921 = arith.constant 48 : index
      %get3A_922 = tpu.vector_load %arg14[%get3A_920, %get3A_921] {strides = array<i32>} : memref<128x128xf32, #tpu.memory_space<vmem>>, vector<16xf32>,
      %mul3A_923 = arith.mulf %get3A_919, %get3A_922 : vector<16xf32>
      %add3A_924 = arith.addf %add3A_916, %mul3A_923 : vector<16xf32>
      %get3A_925 = arith.index_cast %add3A_890 : i32 to index
      %get3A_926 = arith.constant 64 : index
      %get3A_927 = tpu.vector_load %arg12[%get3A_925, %get3A_926] {strides = array<i32>} : memref<128x128xf32, #tpu.memory_space<vmem>>, vector<16xf32>,
      %get3A_928 = arith.index_cast %add3A_890 : i32 to index
      %get3A_929 = arith.constant 64 : index
      %get3A_930 = tpu.vector_load %arg14[%get3A_928, %get3A_929] {strides = array<i32>} : memref<128x128xf32, #tpu.memory_space<vmem>>, vector<16xf32>,
      %mul3A_931 = arith.mulf %get3A_927, %get3A_930 : vector<16xf32>
      %add3A_932 = arith.addf %add3A_924, %mul3A_931 : vector<16xf32>
      %get3A_933 = arith.index_cast %add3A_890 : i32 to index
      %get3A_934 = arith.constant 80 : index
      %get3A_935 = tpu.vector_load %arg12[%get3A_933, %get3A_934] {strides = array<i32>} : memref<128x128xf32, #tpu.memory_space<vmem>>, vector<16xf32>,
      %get3A_936 = arith.index_cast %add3A_890 : i32 to index
      %get3A_937 = arith.constant 80 : index
      %get3A_938 = tpu.vector_load %arg14[%get3A_936, %get3A_937] {strides = array<i32>} : memref<128x128xf32, #tpu.memory_space<vmem>>, vector<16xf32>,
      %mul3A_939 = arith.mulf %get3A_935, %get3A_938 : vector<16xf32>
      %add3A_940 = arith.addf %add3A_932, %mul3A_939 : vector<16xf32>
      %get3A_941 = arith.index_cast %add3A_890 : i32 to index
      %get3A_942 = arith.constant 96 : index
      %get3A_943 = tpu.vector_load %arg12[%get3A_941, %get3A_942] {strides = array<i32>} : memref<128x128xf32, #tpu.memory_space<vmem>>, vector<16xf32>,
      %get3A_944 = arith.index_cast %add3A_890 : i32 to index
      %get3A_945 = arith.constant 96 : index
      %get3A_946 = tpu.vector_load %arg14[%get3A_944, %get3A_945] {strides = array<i32>} : memref<128x128xf32, #tpu.memory_space<vmem>>, vector<16xf32>,
      %mul3A_947 = arith.mulf %get3A_943, %get3A_946 : vector<16xf32>
      %add3A_948 = arith.addf %add3A_940, %mul3A_947 : vector<16xf32>
      %get3A_949 = arith.index_cast %add3A_890 : i32 to index
      %get3A_950 = arith.constant 112 : index
      %get3A_951 = tpu.vector_load %arg12[%get3A_949, %get3A_950] {strides = array<i32>} : memref<128x128xf32, #tpu.memory_space<vmem>>, vector<16xf32>,
      %get3A_952 = arith.index_cast %add3A_890 : i32 to index
      %get3A_953 = arith.constant 112 : index
      %get3A_954 = tpu.vector_load %arg14[%get3A_952, %get3A_953] {strides = array<i32>} : memref<128x128xf32, #tpu.memory_space<vmem>>, vector<16xf32>,
      %mul3A_955 = arith.mulf %get3A_951, %get3A_954 : vector<16xf32>
      %add3A_956 = arith.addf %add3A_948, %mul3A_955 : vector<16xf32>
      %eq3A_957 = arith.constant 7 : i32
      %eq3A_958 = vector.broadcast %eq3A_957 : i32 to vector<16xi32>
      %eq3A_959 = arith.cmpi eq, %iota3A, %eq3A_958 : vector<16xi32>
      %reduce_sum3A_960 = arith.constant true
      %reduce_sum3A_961 = vector.broadcast %reduce_sum3A_960 : i1 to vector<16xi1>
      %reduce_sum3A_962 = tpu.scan <sum>, %add3A_956 masked %reduce_sum3A_961 : vector<16xf32>, vector<16xi1> -> vector<16xf32>
      %reduce_sum3A_963 = vector.extract %reduce_sum3A_962[15] : f32 from vector<16xf32>
      %broadcast_in_dim3A_964 = vector.broadcast %reduce_sum3A_963 : f32 to vector<16xf32>
      %select_n3A_965 = arith.select %eq3A_959, %broadcast_in_dim3A_964, %select_n3A_886 : vector<16xi1>, vector<16xf32>
      %mul3A_966 = arith.constant 16 : i32
      %mul3A_967 = arith.muli %scan3A_335, %mul3A_966 : i32
      %add3A_968 = arith.constant 8 : i32
      %add3A_969 = arith.addi %mul3A_967, %add3A_968 : i32
      %broadcast_in_dim3A_970 = arith.constant 0.000000e+00 : f32
      %broadcast_in_dim3A_971 = vector.broadcast %broadcast_in_dim3A_970 : f32 to vector<16xf32>
      %get3A_972 = arith.index_cast %add3A_969 : i32 to index
      %get3A_973 = arith.constant 0 : index
      %get3A_974 = tpu.vector_load %arg12[%get3A_972, %get3A_973] {strides = array<i32>} : memref<128x128xf32, #tpu.memory_space<vmem>>, vector<16xf32>,
      %get3A_975 = arith.index_cast %add3A_969 : i32 to index
      %get3A_976 = arith.constant 0 : index
      %get3A_977 = tpu.vector_load %arg14[%get3A_975, %get3A_976] {strides = array<i32>} : memref<128x128xf32, #tpu.memory_space<vmem>>, vector<16xf32>,
      %mul3A_978 = arith.mulf %get3A_974, %get3A_977 : vector<16xf32>
      %add3A_979 = arith.addf %broadcast_in_dim3A_971, %mul3A_978 : vector<16xf32>
      %get3A_980 = arith.index_cast %add3A_969 : i32 to index
      %get3A_981 = arith.constant 16 : index
      %get3A_982 = tpu.vector_load %arg12[%get3A_980, %get3A_981] {strides = array<i32>} : memref<128x128xf32, #tpu.memory_space<vmem>>, vector<16xf32>,
      %get3A_983 = arith.index_cast %add3A_969 : i32 to index
      %get3A_984 = arith.constant 16 : index
      %get3A_985 = tpu.vector_load %arg14[%get3A_983, %get3A_984] {strides = array<i32>} : memref<128x128xf32, #tpu.memory_space<vmem>>, vector<16xf32>,
      %mul3A_986 = arith.mulf %get3A_982, %get3A_985 : vector<16xf32>
      %add3A_987 = arith.addf %add3A_979, %mul3A_986 : vector<16xf32>
      %get3A_988 = arith.index_cast %add3A_969 : i32 to index
      %get3A_989 = arith.constant 32 : index
      %get3A_990 = tpu.vector_load %arg12[%get3A_988, %get3A_989] {strides = array<i32>} : memref<128x128xf32, #tpu.memory_space<vmem>>, vector<16xf32>,
      %get3A_991 = arith.index_cast %add3A_969 : i32 to index
      %get3A_992 = arith.constant 32 : index
      %get3A_993 = tpu.vector_load %arg14[%get3A_991, %get3A_992] {strides = array<i32>} : memref<128x128xf32, #tpu.memory_space<vmem>>, vector<16xf32>,
      %mul3A_994 = arith.mulf %get3A_990, %get3A_993 : vector<16xf32>
      %add3A_995 = arith.addf %add3A_987, %mul3A_994 : vector<16xf32>
      %get3A_996 = arith.index_cast %add3A_969 : i32 to index
      %get3A_997 = arith.constant 48 : index
      %get3A_998 = tpu.vector_load %arg12[%get3A_996, %get3A_997] {strides = array<i32>} : memref<128x128xf32, #tpu.memory_space<vmem>>, vector<16xf32>,
      %get3A_999 = arith.index_cast %add3A_969 : i32 to index
      %get3A_1000 = arith.constant 48 : index
      %get3A_1001 = tpu.vector_load %arg14[%get3A_999, %get3A_1000] {strides = array<i32>} : memref<128x128xf32, #tpu.memory_space<vmem>>, vector<16xf32>,
      %mul3A_1002 = arith.mulf %get3A_998, %get3A_1001 : vector<16xf32>
      %add3A_1003 = arith.addf %add3A_995, %mul3A_1002 : vector<16xf32>
      %get3A_1004 = arith.index_cast %add3A_969 : i32 to index
      %get3A_1005 = arith.constant 64 : index
      %get3A_1006 = tpu.vector_load %arg12[%get3A_1004, %get3A_1005] {strides = array<i32>} : memref<128x128xf32, #tpu.memory_space<vmem>>, vector<16xf32>,
      %get3A_1007 = arith.index_cast %add3A_969 : i32 to index
      %get3A_1008 = arith.constant 64 : index
      %get3A_1009 = tpu.vector_load %arg14[%get3A_1007, %get3A_1008] {strides = array<i32>} : memref<128x128xf32, #tpu.memory_space<vmem>>, vector<16xf32>,
      %mul3A_1010 = arith.mulf %get3A_1006, %get3A_1009 : vector<16xf32>
      %add3A_1011 = arith.addf %add3A_1003, %mul3A_1010 : vector<16xf32>
      %get3A_1012 = arith.index_cast %add3A_969 : i32 to index
      %get3A_1013 = arith.constant 80 : index
      %get3A_1014 = tpu.vector_load %arg12[%get3A_1012, %get3A_1013] {strides = array<i32>} : memref<128x128xf32, #tpu.memory_space<vmem>>, vector<16xf32>,
      %get3A_1015 = arith.index_cast %add3A_969 : i32 to index
      %get3A_1016 = arith.constant 80 : index
      %get3A_1017 = tpu.vector_load %arg14[%get3A_1015, %get3A_1016] {strides = array<i32>} : memref<128x128xf32, #tpu.memory_space<vmem>>, vector<16xf32>,
      %mul3A_1018 = arith.mulf %get3A_1014, %get3A_1017 : vector<16xf32>
      %add3A_1019 = arith.addf %add3A_1011, %mul3A_1018 : vector<16xf32>
      %get3A_1020 = arith.index_cast %add3A_969 : i32 to index
      %get3A_1021 = arith.constant 96 : index
      %get3A_1022 = tpu.vector_load %arg12[%get3A_1020, %get3A_1021] {strides = array<i32>} : memref<128x128xf32, #tpu.memory_space<vmem>>, vector<16xf32>,
      %get3A_1023 = arith.index_cast %add3A_969 : i32 to index
      %get3A_1024 = arith.constant 96 : index
      %get3A_1025 = tpu.vector_load %arg14[%get3A_1023, %get3A_1024] {strides = array<i32>} : memref<128x128xf32, #tpu.memory_space<vmem>>, vector<16xf32>,
      %mul3A_1026 = arith.mulf %get3A_1022, %get3A_1025 : vector<16xf32>
      %add3A_1027 = arith.addf %add3A_1019, %mul3A_1026 : vector<16xf32>
      %get3A_1028 = arith.index_cast %add3A_969 : i32 to index
      %get3A_1029 = arith.constant 112 : index
      %get3A_1030 = tpu.vector_load %arg12[%get3A_1028, %get3A_1029] {strides = array<i32>} : memref<128x128xf32, #tpu.memory_space<vmem>>, vector<16xf32>,
      %get3A_1031 = arith.index_cast %add3A_969 : i32 to index
      %get3A_1032 = arith.constant 112 : index
      %get3A_1033 = tpu.vector_load %arg14[%get3A_1031, %get3A_1032] {strides = array<i32>} : memref<128x128xf32, #tpu.memory_space<vmem>>, vector<16xf32>,
      %mul3A_1034 = arith.mulf %get3A_1030, %get3A_1033 : vector<16xf32>
      %add3A_1035 = arith.addf %add3A_1027, %mul3A_1034 : vector<16xf32>
      %eq3A_1036 = arith.constant 8 : i32
      %eq3A_1037 = vector.broadcast %eq3A_1036 : i32 to vector<16xi32>
      %eq3A_1038 = arith.cmpi eq, %iota3A, %eq3A_1037 : vector<16xi32>
      %reduce_sum3A_1039 = arith.constant true
      %reduce_sum3A_1040 = vector.broadcast %reduce_sum3A_1039 : i1 to vector<16xi1>
      %reduce_sum3A_1041 = tpu.scan <sum>, %add3A_1035 masked %reduce_sum3A_1040 : vector<16xf32>, vector<16xi1> -> vector<16xf32>
      %reduce_sum3A_1042 = vector.extract %reduce_sum3A_1041[15] : f32 from vector<16xf32>
      %broadcast_in_dim3A_1043 = vector.broadcast %reduce_sum3A_1042 : f32 to vector<16xf32>
      %select_n3A_1044 = arith.select %eq3A_1038, %broadcast_in_dim3A_1043, %select_n3A_965 : vector<16xi1>, vector<16xf32>
      %mul3A_1045 = arith.constant 16 : i32
      %mul3A_1046 = arith.muli %scan3A_335, %mul3A_1045 : i32
      %add3A_1047 = arith.constant 9 : i32
      %add3A_1048 = arith.addi %mul3A_1046, %add3A_1047 : i32
      %broadcast_in_dim3A_1049 = arith.constant 0.000000e+00 : f32
      %broadcast_in_dim3A_1050 = vector.broadcast %broadcast_in_dim3A_1049 : f32 to vector<16xf32>
      %get3A_1051 = arith.index_cast %add3A_1048 : i32 to index
      %get3A_1052 = arith.constant 0 : index
      %get3A_1053 = tpu.vector_load %arg12[%get3A_1051, %get3A_1052] {strides = array<i32>} : memref<128x128xf32, #tpu.memory_space<vmem>>, vector<16xf32>,
      %get3A_1054 = arith.index_cast %add3A_1048 : i32 to index
      %get3A_1055 = arith.constant 0 : index
      %get3A_1056 = tpu.vector_load %arg14[%get3A_1054, %get3A_1055] {strides = array<i32>} : memref<128x128xf32, #tpu.memory_space<vmem>>, vector<16xf32>,
      %mul3A_1057 = arith.mulf %get3A_1053, %get3A_1056 : vector<16xf32>
      %add3A_1058 = arith.addf %broadcast_in_dim3A_1050, %mul3A_1057 : vector<16xf32>
      %get3A_1059 = arith.index_cast %add3A_1048 : i32 to index
      %get3A_1060 = arith.constant 16 : index
      %get3A_1061 = tpu.vector_load %arg12[%get3A_1059, %get3A_1060] {strides = array<i32>} : memref<128x128xf32, #tpu.memory_space<vmem>>, vector<16xf32>,
      %get3A_1062 = arith.index_cast %add3A_1048 : i32 to index
      %get3A_1063 = arith.constant 16 : index
      %get3A_1064 = tpu.vector_load %arg14[%get3A_1062, %get3A_1063] {strides = array<i32>} : memref<128x128xf32, #tpu.memory_space<vmem>>, vector<16xf32>,
      %mul3A_1065 = arith.mulf %get3A_1061, %get3A_1064 : vector<16xf32>
      %add3A_1066 = arith.addf %add3A_1058, %mul3A_1065 : vector<16xf32>
      %get3A_1067 = arith.index_cast %add3A_1048 : i32 to index
      %get3A_1068 = arith.constant 32 : index
      %get3A_1069 = tpu.vector_load %arg12[%get3A_1067, %get3A_1068] {strides = array<i32>} : memref<128x128xf32, #tpu.memory_space<vmem>>, vector<16xf32>,
      %get3A_1070 = arith.index_cast %add3A_1048 : i32 to index
      %get3A_1071 = arith.constant 32 : index
      %get3A_1072 = tpu.vector_load %arg14[%get3A_1070, %get3A_1071] {strides = array<i32>} : memref<128x128xf32, #tpu.memory_space<vmem>>, vector<16xf32>,
      %mul3A_1073 = arith.mulf %get3A_1069, %get3A_1072 : vector<16xf32>
      %add3A_1074 = arith.addf %add3A_1066, %mul3A_1073 : vector<16xf32>
      %get3A_1075 = arith.index_cast %add3A_1048 : i32 to index
      %get3A_1076 = arith.constant 48 : index
      %get3A_1077 = tpu.vector_load %arg12[%get3A_1075, %get3A_1076] {strides = array<i32>} : memref<128x128xf32, #tpu.memory_space<vmem>>, vector<16xf32>,
      %get3A_1078 = arith.index_cast %add3A_1048 : i32 to index
      %get3A_1079 = arith.constant 48 : index
      %get3A_1080 = tpu.vector_load %arg14[%get3A_1078, %get3A_1079] {strides = array<i32>} : memref<128x128xf32, #tpu.memory_space<vmem>>, vector<16xf32>,
      %mul3A_1081 = arith.mulf %get3A_1077, %get3A_1080 : vector<16xf32>
      %add3A_1082 = arith.addf %add3A_1074, %mul3A_1081 : vector<16xf32>
      %get3A_1083 = arith.index_cast %add3A_1048 : i32 to index
      %get3A_1084 = arith.constant 64 : index
      %get3A_1085 = tpu.vector_load %arg12[%get3A_1083, %get3A_1084] {strides = array<i32>} : memref<128x128xf32, #tpu.memory_space<vmem>>, vector<16xf32>,
      %get3A_1086 = arith.index_cast %add3A_1048 : i32 to index
      %get3A_1087 = arith.constant 64 : index
      %get3A_1088 = tpu.vector_load %arg14[%get3A_1086, %get3A_1087] {strides = array<i32>} : memref<128x128xf32, #tpu.memory_space<vmem>>, vector<16xf32>,
      %mul3A_1089 = arith.mulf %get3A_1085, %get3A_1088 : vector<16xf32>
      %add3A_1090 = arith.addf %add3A_1082, %mul3A_1089 : vector<16xf32>
      %get3A_1091 = arith.index_cast %add3A_1048 : i32 to index
      %get3A_1092 = arith.constant 80 : index
      %get3A_1093 = tpu.vector_load %arg12[%get3A_1091, %get3A_1092] {strides = array<i32>} : memref<128x128xf32, #tpu.memory_space<vmem>>, vector<16xf32>,
      %get3A_1094 = arith.index_cast %add3A_1048 : i32 to index
      %get3A_1095 = arith.constant 80 : index
      %get3A_1096 = tpu.vector_load %arg14[%get3A_1094, %get3A_1095] {strides = array<i32>} : memref<128x128xf32, #tpu.memory_space<vmem>>, vector<16xf32>,
      %mul3A_1097 = arith.mulf %get3A_1093, %get3A_1096 : vector<16xf32>
      %add3A_1098 = arith.addf %add3A_1090, %mul3A_1097 : vector<16xf32>
      %get3A_1099 = arith.index_cast %add3A_1048 : i32 to index
      %get3A_1100 = arith.constant 96 : index
      %get3A_1101 = tpu.vector_load %arg12[%get3A_1099, %get3A_1100] {strides = array<i32>} : memref<128x128xf32, #tpu.memory_space<vmem>>, vector<16xf32>,
      %get3A_1102 = arith.index_cast %add3A_1048 : i32 to index
      %get3A_1103 = arith.constant 96 : index
      %get3A_1104 = tpu.vector_load %arg14[%get3A_1102, %get3A_1103] {strides = array<i32>} : memref<128x128xf32, #tpu.memory_space<vmem>>, vector<16xf32>,
      %mul3A_1105 = arith.mulf %get3A_1101, %get3A_1104 : vector<16xf32>
      %add3A_1106 = arith.addf %add3A_1098, %mul3A_1105 : vector<16xf32>
      %get3A_1107 = arith.index_cast %add3A_1048 : i32 to index
      %get3A_1108 = arith.constant 112 : index
      %get3A_1109 = tpu.vector_load %arg12[%get3A_1107, %get3A_1108] {strides = array<i32>} : memref<128x128xf32, #tpu.memory_space<vmem>>, vector<16xf32>,
      %get3A_1110 = arith.index_cast %add3A_1048 : i32 to index
      %get3A_1111 = arith.constant 112 : index
      %get3A_1112 = tpu.vector_load %arg14[%get3A_1110, %get3A_1111] {strides = array<i32>} : memref<128x128xf32, #tpu.memory_space<vmem>>, vector<16xf32>,
      %mul3A_1113 = arith.mulf %get3A_1109, %get3A_1112 : vector<16xf32>
      %add3A_1114 = arith.addf %add3A_1106, %mul3A_1113 : vector<16xf32>
      %eq3A_1115 = arith.constant 9 : i32
      %eq3A_1116 = vector.broadcast %eq3A_1115 : i32 to vector<16xi32>
      %eq3A_1117 = arith.cmpi eq, %iota3A, %eq3A_1116 : vector<16xi32>
      %reduce_sum3A_1118 = arith.constant true
      %reduce_sum3A_1119 = vector.broadcast %reduce_sum3A_1118 : i1 to vector<16xi1>
      %reduce_sum3A_1120 = tpu.scan <sum>, %add3A_1114 masked %reduce_sum3A_1119 : vector<16xf32>, vector<16xi1> -> vector<16xf32>
      %reduce_sum3A_1121 = vector.extract %reduce_sum3A_1120[15] : f32 from vector<16xf32>
      %broadcast_in_dim3A_1122 = vector.broadcast %reduce_sum3A_1121 : f32 to vector<16xf32>
      %select_n3A_1123 = arith.select %eq3A_1117, %broadcast_in_dim3A_1122, %select_n3A_1044 : vector<16xi1>, vector<16xf32>
      %mul3A_1124 = arith.constant 16 : i32
      %mul3A_1125 = arith.muli %scan3A_335, %mul3A_1124 : i32
      %add3A_1126 = arith.constant 10 : i32
      %add3A_1127 = arith.addi %mul3A_1125, %add3A_1126 : i32
      %broadcast_in_dim3A_1128 = arith.constant 0.000000e+00 : f32
      %broadcast_in_dim3A_1129 = vector.broadcast %broadcast_in_dim3A_1128 : f32 to vector<16xf32>
      %get3A_1130 = arith.index_cast %add3A_1127 : i32 to index
      %get3A_1131 = arith.constant 0 : index
      %get3A_1132 = tpu.vector_load %arg12[%get3A_1130, %get3A_1131] {strides = array<i32>} : memref<128x128xf32, #tpu.memory_space<vmem>>, vector<16xf32>,
      %get3A_1133 = arith.index_cast %add3A_1127 : i32 to index
      %get3A_1134 = arith.constant 0 : index
      %get3A_1135 = tpu.vector_load %arg14[%get3A_1133, %get3A_1134] {strides = array<i32>} : memref<128x128xf32, #tpu.memory_space<vmem>>, vector<16xf32>,
      %mul3A_1136 = arith.mulf %get3A_1132, %get3A_1135 : vector<16xf32>
      %add3A_1137 = arith.addf %broadcast_in_dim3A_1129, %mul3A_1136 : vector<16xf32>
      %get3A_1138 = arith.index_cast %add3A_1127 : i32 to index
      %get3A_1139 = arith.constant 16 : index
      %get3A_1140 = tpu.vector_load %arg12[%get3A_1138, %get3A_1139] {strides = array<i32>} : memref<128x128xf32, #tpu.memory_space<vmem>>, vector<16xf32>,
      %get3A_1141 = arith.index_cast %add3A_1127 : i32 to index
      %get3A_1142 = arith.constant 16 : index
      %get3A_1143 = tpu.vector_load %arg14[%get3A_1141, %get3A_1142] {strides = array<i32>} : memref<128x128xf32, #tpu.memory_space<vmem>>, vector<16xf32>,
      %mul3A_1144 = arith.mulf %get3A_1140, %get3A_1143 : vector<16xf32>
      %add3A_1145 = arith.addf %add3A_1137, %mul3A_1144 : vector<16xf32>
      %get3A_1146 = arith.index_cast %add3A_1127 : i32 to index
      %get3A_1147 = arith.constant 32 : index
      %get3A_1148 = tpu.vector_load %arg12[%get3A_1146, %get3A_1147] {strides = array<i32>} : memref<128x128xf32, #tpu.memory_space<vmem>>, vector<16xf32>,
      %get3A_1149 = arith.index_cast %add3A_1127 : i32 to index
      %get3A_1150 = arith.constant 32 : index
      %get3A_1151 = tpu.vector_load %arg14[%get3A_1149, %get3A_1150] {strides = array<i32>} : memref<128x128xf32, #tpu.memory_space<vmem>>, vector<16xf32>,
      %mul3A_1152 = arith.mulf %get3A_1148, %get3A_1151 : vector<16xf32>
      %add3A_1153 = arith.addf %add3A_1145, %mul3A_1152 : vector<16xf32>
      %get3A_1154 = arith.index_cast %add3A_1127 : i32 to index
      %get3A_1155 = arith.constant 48 : index
      %get3A_1156 = tpu.vector_load %arg12[%get3A_1154, %get3A_1155] {strides = array<i32>} : memref<128x128xf32, #tpu.memory_space<vmem>>, vector<16xf32>,
      %get3A_1157 = arith.index_cast %add3A_1127 : i32 to index
      %get3A_1158 = arith.constant 48 : index
      %get3A_1159 = tpu.vector_load %arg14[%get3A_1157, %get3A_1158] {strides = array<i32>} : memref<128x128xf32, #tpu.memory_space<vmem>>, vector<16xf32>,
      %mul3A_1160 = arith.mulf %get3A_1156, %get3A_1159 : vector<16xf32>
      %add3A_1161 = arith.addf %add3A_1153, %mul3A_1160 : vector<16xf32>
      %get3A_1162 = arith.index_cast %add3A_1127 : i32 to index
      %get3A_1163 = arith.constant 64 : index
      %get3A_1164 = tpu.vector_load %arg12[%get3A_1162, %get3A_1163] {strides = array<i32>} : memref<128x128xf32, #tpu.memory_space<vmem>>, vector<16xf32>,
      %get3A_1165 = arith.index_cast %add3A_1127 : i32 to index
      %get3A_1166 = arith.constant 64 : index
      %get3A_1167 = tpu.vector_load %arg14[%get3A_1165, %get3A_1166] {strides = array<i32>} : memref<128x128xf32, #tpu.memory_space<vmem>>, vector<16xf32>,
      %mul3A_1168 = arith.mulf %get3A_1164, %get3A_1167 : vector<16xf32>
      %add3A_1169 = arith.addf %add3A_1161, %mul3A_1168 : vector<16xf32>
      %get3A_1170 = arith.index_cast %add3A_1127 : i32 to index
      %get3A_1171 = arith.constant 80 : index
      %get3A_1172 = tpu.vector_load %arg12[%get3A_1170, %get3A_1171] {strides = array<i32>} : memref<128x128xf32, #tpu.memory_space<vmem>>, vector<16xf32>,
      %get3A_1173 = arith.index_cast %add3A_1127 : i32 to index
      %get3A_1174 = arith.constant 80 : index
      %get3A_1175 = tpu.vector_load %arg14[%get3A_1173, %get3A_1174] {strides = array<i32>} : memref<128x128xf32, #tpu.memory_space<vmem>>, vector<16xf32>,
      %mul3A_1176 = arith.mulf %get3A_1172, %get3A_1175 : vector<16xf32>
      %add3A_1177 = arith.addf %add3A_1169, %mul3A_1176 : vector<16xf32>
      %get3A_1178 = arith.index_cast %add3A_1127 : i32 to index
      %get3A_1179 = arith.constant 96 : index
      %get3A_1180 = tpu.vector_load %arg12[%get3A_1178, %get3A_1179] {strides = array<i32>} : memref<128x128xf32, #tpu.memory_space<vmem>>, vector<16xf32>,
      %get3A_1181 = arith.index_cast %add3A_1127 : i32 to index
      %get3A_1182 = arith.constant 96 : index
      %get3A_1183 = tpu.vector_load %arg14[%get3A_1181, %get3A_1182] {strides = array<i32>} : memref<128x128xf32, #tpu.memory_space<vmem>>, vector<16xf32>,
      %mul3A_1184 = arith.mulf %get3A_1180, %get3A_1183 : vector<16xf32>
      %add3A_1185 = arith.addf %add3A_1177, %mul3A_1184 : vector<16xf32>
      %get3A_1186 = arith.index_cast %add3A_1127 : i32 to index
      %get3A_1187 = arith.constant 112 : index
      %get3A_1188 = tpu.vector_load %arg12[%get3A_1186, %get3A_1187] {strides = array<i32>} : memref<128x128xf32, #tpu.memory_space<vmem>>, vector<16xf32>,
      %get3A_1189 = arith.index_cast %add3A_1127 : i32 to index
      %get3A_1190 = arith.constant 112 : index
      %get3A_1191 = tpu.vector_load %arg14[%get3A_1189, %get3A_1190] {strides = array<i32>} : memref<128x128xf32, #tpu.memory_space<vmem>>, vector<16xf32>,
      %mul3A_1192 = arith.mulf %get3A_1188, %get3A_1191 : vector<16xf32>
      %add3A_1193 = arith.addf %add3A_1185, %mul3A_1192 : vector<16xf32>
      %eq3A_1194 = arith.constant 10 : i32
      %eq3A_1195 = vector.broadcast %eq3A_1194 : i32 to vector<16xi32>
      %eq3A_1196 = arith.cmpi eq, %iota3A, %eq3A_1195 : vector<16xi32>
      %reduce_sum3A_1197 = arith.constant true
      %reduce_sum3A_1198 = vector.broadcast %reduce_sum3A_1197 : i1 to vector<16xi1>
      %reduce_sum3A_1199 = tpu.scan <sum>, %add3A_1193 masked %reduce_sum3A_1198 : vector<16xf32>, vector<16xi1> -> vector<16xf32>
      %reduce_sum3A_1200 = vector.extract %reduce_sum3A_1199[15] : f32 from vector<16xf32>
      %broadcast_in_dim3A_1201 = vector.broadcast %reduce_sum3A_1200 : f32 to vector<16xf32>
      %select_n3A_1202 = arith.select %eq3A_1196, %broadcast_in_dim3A_1201, %select_n3A_1123 : vector<16xi1>, vector<16xf32>
      %mul3A_1203 = arith.constant 16 : i32
      %mul3A_1204 = arith.muli %scan3A_335, %mul3A_1203 : i32
      %add3A_1205 = arith.constant 11 : i32
      %add3A_1206 = arith.addi %mul3A_1204, %add3A_1205 : i32
      %broadcast_in_dim3A_1207 = arith.constant 0.000000e+00 : f32
      %broadcast_in_dim3A_1208 = vector.broadcast %broadcast_in_dim3A_1207 : f32 to vector<16xf32>
      %get3A_1209 = arith.index_cast %add3A_1206 : i32 to index
      %get3A_1210 = arith.constant 0 : index
      %get3A_1211 = tpu.vector_load %arg12[%get3A_1209, %get3A_1210] {strides = array<i32>} : memref<128x128xf32, #tpu.memory_space<vmem>>, vector<16xf32>,
      %get3A_1212 = arith.index_cast %add3A_1206 : i32 to index
      %get3A_1213 = arith.constant 0 : index
      %get3A_1214 = tpu.vector_load %arg14[%get3A_1212, %get3A_1213] {strides = array<i32>} : memref<128x128xf32, #tpu.memory_space<vmem>>, vector<16xf32>,
      %mul3A_1215 = arith.mulf %get3A_1211, %get3A_1214 : vector<16xf32>
      %add3A_1216 = arith.addf %broadcast_in_dim3A_1208, %mul3A_1215 : vector<16xf32>
      %get3A_1217 = arith.index_cast %add3A_1206 : i32 to index
      %get3A_1218 = arith.constant 16 : index
      %get3A_1219 = tpu.vector_load %arg12[%get3A_1217, %get3A_1218] {strides = array<i32>} : memref<128x128xf32, #tpu.memory_space<vmem>>, vector<16xf32>,
      %get3A_1220 = arith.index_cast %add3A_1206 : i32 to index
      %get3A_1221 = arith.constant 16 : index
      %get3A_1222 = tpu.vector_load %arg14[%get3A_1220, %get3A_1221] {strides = array<i32>} : memref<128x128xf32, #tpu.memory_space<vmem>>, vector<16xf32>,
      %mul3A_1223 = arith.mulf %get3A_1219, %get3A_1222 : vector<16xf32>
      %add3A_1224 = arith.addf %add3A_1216, %mul3A_1223 : vector<16xf32>
      %get3A_1225 = arith.index_cast %add3A_1206 : i32 to index
      %get3A_1226 = arith.constant 32 : index
      %get3A_1227 = tpu.vector_load %arg12[%get3A_1225, %get3A_1226] {strides = array<i32>} : memref<128x128xf32, #tpu.memory_space<vmem>>, vector<16xf32>,
      %get3A_1228 = arith.index_cast %add3A_1206 : i32 to index
      %get3A_1229 = arith.constant 32 : index
      %get3A_1230 = tpu.vector_load %arg14[%get3A_1228, %get3A_1229] {strides = array<i32>} : memref<128x128xf32, #tpu.memory_space<vmem>>, vector<16xf32>,
      %mul3A_1231 = arith.mulf %get3A_1227, %get3A_1230 : vector<16xf32>
      %add3A_1232 = arith.addf %add3A_1224, %mul3A_1231 : vector<16xf32>
      %get3A_1233 = arith.index_cast %add3A_1206 : i32 to index
      %get3A_1234 = arith.constant 48 : index
      %get3A_1235 = tpu.vector_load %arg12[%get3A_1233, %get3A_1234] {strides = array<i32>} : memref<128x128xf32, #tpu.memory_space<vmem>>, vector<16xf32>,
      %get3A_1236 = arith.index_cast %add3A_1206 : i32 to index
      %get3A_1237 = arith.constant 48 : index
      %get3A_1238 = tpu.vector_load %arg14[%get3A_1236, %get3A_1237] {strides = array<i32>} : memref<128x128xf32, #tpu.memory_space<vmem>>, vector<16xf32>,
      %mul3A_1239 = arith.mulf %get3A_1235, %get3A_1238 : vector<16xf32>
      %add3A_1240 = arith.addf %add3A_1232, %mul3A_1239 : vector<16xf32>
      %get3A_1241 = arith.index_cast %add3A_1206 : i32 to index
      %get3A_1242 = arith.constant 64 : index
      %get3A_1243 = tpu.vector_load %arg12[%get3A_1241, %get3A_1242] {strides = array<i32>} : memref<128x128xf32, #tpu.memory_space<vmem>>, vector<16xf32>,
      %get3A_1244 = arith.index_cast %add3A_1206 : i32 to index
      %get3A_1245 = arith.constant 64 : index
      %get3A_1246 = tpu.vector_load %arg14[%get3A_1244, %get3A_1245] {strides = array<i32>} : memref<128x128xf32, #tpu.memory_space<vmem>>, vector<16xf32>,
      %mul3A_1247 = arith.mulf %get3A_1243, %get3A_1246 : vector<16xf32>
      %add3A_1248 = arith.addf %add3A_1240, %mul3A_1247 : vector<16xf32>
      %get3A_1249 = arith.index_cast %add3A_1206 : i32 to index
      %get3A_1250 = arith.constant 80 : index
      %get3A_1251 = tpu.vector_load %arg12[%get3A_1249, %get3A_1250] {strides = array<i32>} : memref<128x128xf32, #tpu.memory_space<vmem>>, vector<16xf32>,
      %get3A_1252 = arith.index_cast %add3A_1206 : i32 to index
      %get3A_1253 = arith.constant 80 : index
      %get3A_1254 = tpu.vector_load %arg14[%get3A_1252, %get3A_1253] {strides = array<i32>} : memref<128x128xf32, #tpu.memory_space<vmem>>, vector<16xf32>,
      %mul3A_1255 = arith.mulf %get3A_1251, %get3A_1254 : vector<16xf32>
      %add3A_1256 = arith.addf %add3A_1248, %mul3A_1255 : vector<16xf32>
      %get3A_1257 = arith.index_cast %add3A_1206 : i32 to index
      %get3A_1258 = arith.constant 96 : index
      %get3A_1259 = tpu.vector_load %arg12[%get3A_1257, %get3A_1258] {strides = array<i32>} : memref<128x128xf32, #tpu.memory_space<vmem>>, vector<16xf32>,
      %get3A_1260 = arith.index_cast %add3A_1206 : i32 to index
      %get3A_1261 = arith.constant 96 : index
      %get3A_1262 = tpu.vector_load %arg14[%get3A_1260, %get3A_1261] {strides = array<i32>} : memref<128x128xf32, #tpu.memory_space<vmem>>, vector<16xf32>,
      %mul3A_1263 = arith.mulf %get3A_1259, %get3A_1262 : vector<16xf32>
      %add3A_1264 = arith.addf %add3A_1256, %mul3A_1263 : vector<16xf32>
      %get3A_1265 = arith.index_cast %add3A_1206 : i32 to index
      %get3A_1266 = arith.constant 112 : index
      %get3A_1267 = tpu.vector_load %arg12[%get3A_1265, %get3A_1266] {strides = array<i32>} : memref<128x128xf32, #tpu.memory_space<vmem>>, vector<16xf32>,
      %get3A_1268 = arith.index_cast %add3A_1206 : i32 to index
      %get3A_1269 = arith.constant 112 : index
      %get3A_1270 = tpu.vector_load %arg14[%get3A_1268, %get3A_1269] {strides = array<i32>} : memref<128x128xf32, #tpu.memory_space<vmem>>, vector<16xf32>,
      %mul3A_1271 = arith.mulf %get3A_1267, %get3A_1270 : vector<16xf32>
      %add3A_1272 = arith.addf %add3A_1264, %mul3A_1271 : vector<16xf32>
      %eq3A_1273 = arith.constant 11 : i32
      %eq3A_1274 = vector.broadcast %eq3A_1273 : i32 to vector<16xi32>
      %eq3A_1275 = arith.cmpi eq, %iota3A, %eq3A_1274 : vector<16xi32>
      %reduce_sum3A_1276 = arith.constant true
      %reduce_sum3A_1277 = vector.broadcast %reduce_sum3A_1276 : i1 to vector<16xi1>
      %reduce_sum3A_1278 = tpu.scan <sum>, %add3A_1272 masked %reduce_sum3A_1277 : vector<16xf32>, vector<16xi1> -> vector<16xf32>
      %reduce_sum3A_1279 = vector.extract %reduce_sum3A_1278[15] : f32 from vector<16xf32>
      %broadcast_in_dim3A_1280 = vector.broadcast %reduce_sum3A_1279 : f32 to vector<16xf32>
      %select_n3A_1281 = arith.select %eq3A_1275, %broadcast_in_dim3A_1280, %select_n3A_1202 : vector<16xi1>, vector<16xf32>
      %mul3A_1282 = arith.constant 16 : i32
      %mul3A_1283 = arith.muli %scan3A_335, %mul3A_1282 : i32
      %add3A_1284 = arith.constant 12 : i32
      %add3A_1285 = arith.addi %mul3A_1283, %add3A_1284 : i32
      %broadcast_in_dim3A_1286 = arith.constant 0.000000e+00 : f32
      %broadcast_in_dim3A_1287 = vector.broadcast %broadcast_in_dim3A_1286 : f32 to vector<16xf32>
      %get3A_1288 = arith.index_cast %add3A_1285 : i32 to index
      %get3A_1289 = arith.constant 0 : index
      %get3A_1290 = tpu.vector_load %arg12[%get3A_1288, %get3A_1289] {strides = array<i32>} : memref<128x128xf32, #tpu.memory_space<vmem>>, vector<16xf32>,
      %get3A_1291 = arith.index_cast %add3A_1285 : i32 to index
      %get3A_1292 = arith.constant 0 : index
      %get3A_1293 = tpu.vector_load %arg14[%get3A_1291, %get3A_1292] {strides = array<i32>} : memref<128x128xf32, #tpu.memory_space<vmem>>, vector<16xf32>,
      %mul3A_1294 = arith.mulf %get3A_1290, %get3A_1293 : vector<16xf32>
      %add3A_1295 = arith.addf %broadcast_in_dim3A_1287, %mul3A_1294 : vector<16xf32>
      %get3A_1296 = arith.index_cast %add3A_1285 : i32 to index
      %get3A_1297 = arith.constant 16 : index
      %get3A_1298 = tpu.vector_load %arg12[%get3A_1296, %get3A_1297] {strides = array<i32>} : memref<128x128xf32, #tpu.memory_space<vmem>>, vector<16xf32>,
      %get3A_1299 = arith.index_cast %add3A_1285 : i32 to index
      %get3A_1300 = arith.constant 16 : index
      %get3A_1301 = tpu.vector_load %arg14[%get3A_1299, %get3A_1300] {strides = array<i32>} : memref<128x128xf32, #tpu.memory_space<vmem>>, vector<16xf32>,
      %mul3A_1302 = arith.mulf %get3A_1298, %get3A_1301 : vector<16xf32>
      %add3A_1303 = arith.addf %add3A_1295, %mul3A_1302 : vector<16xf32>
      %get3A_1304 = arith.index_cast %add3A_1285 : i32 to index
      %get3A_1305 = arith.constant 32 : index
      %get3A_1306 = tpu.vector_load %arg12[%get3A_1304, %get3A_1305] {strides = array<i32>} : memref<128x128xf32, #tpu.memory_space<vmem>>, vector<16xf32>,
      %get3A_1307 = arith.index_cast %add3A_1285 : i32 to index
      %get3A_1308 = arith.constant 32 : index
      %get3A_1309 = tpu.vector_load %arg14[%get3A_1307, %get3A_1308] {strides = array<i32>} : memref<128x128xf32, #tpu.memory_space<vmem>>, vector<16xf32>,
      %mul3A_1310 = arith.mulf %get3A_1306, %get3A_1309 : vector<16xf32>
      %add3A_1311 = arith.addf %add3A_1303, %mul3A_1310 : vector<16xf32>
      %get3A_1312 = arith.index_cast %add3A_1285 : i32 to index
      %get3A_1313 = arith.constant 48 : index
      %get3A_1314 = tpu.vector_load %arg12[%get3A_1312, %get3A_1313] {strides = array<i32>} : memref<128x128xf32, #tpu.memory_space<vmem>>, vector<16xf32>,
      %get3A_1315 = arith.index_cast %add3A_1285 : i32 to index
      %get3A_1316 = arith.constant 48 : index
      %get3A_1317 = tpu.vector_load %arg14[%get3A_1315, %get3A_1316] {strides = array<i32>} : memref<128x128xf32, #tpu.memory_space<vmem>>, vector<16xf32>,
      %mul3A_1318 = arith.mulf %get3A_1314, %get3A_1317 : vector<16xf32>
      %add3A_1319 = arith.addf %add3A_1311, %mul3A_1318 : vector<16xf32>
      %get3A_1320 = arith.index_cast %add3A_1285 : i32 to index
      %get3A_1321 = arith.constant 64 : index
      %get3A_1322 = tpu.vector_load %arg12[%get3A_1320, %get3A_1321] {strides = array<i32>} : memref<128x128xf32, #tpu.memory_space<vmem>>, vector<16xf32>,
      %get3A_1323 = arith.index_cast %add3A_1285 : i32 to index
      %get3A_1324 = arith.constant 64 : index
      %get3A_1325 = tpu.vector_load %arg14[%get3A_1323, %get3A_1324] {strides = array<i32>} : memref<128x128xf32, #tpu.memory_space<vmem>>, vector<16xf32>,
      %mul3A_1326 = arith.mulf %get3A_1322, %get3A_1325 : vector<16xf32>
      %add3A_1327 = arith.addf %add3A_1319, %mul3A_1326 : vector<16xf32>
      %get3A_1328 = arith.index_cast %add3A_1285 : i32 to index
      %get3A_1329 = arith.constant 80 : index
      %get3A_1330 = tpu.vector_load %arg12[%get3A_1328, %get3A_1329] {strides = array<i32>} : memref<128x128xf32, #tpu.memory_space<vmem>>, vector<16xf32>,
      %get3A_1331 = arith.index_cast %add3A_1285 : i32 to index
      %get3A_1332 = arith.constant 80 : index
      %get3A_1333 = tpu.vector_load %arg14[%get3A_1331, %get3A_1332] {strides = array<i32>} : memref<128x128xf32, #tpu.memory_space<vmem>>, vector<16xf32>,
      %mul3A_1334 = arith.mulf %get3A_1330, %get3A_1333 : vector<16xf32>
      %add3A_1335 = arith.addf %add3A_1327, %mul3A_1334 : vector<16xf32>
      %get3A_1336 = arith.index_cast %add3A_1285 : i32 to index
      %get3A_1337 = arith.constant 96 : index
      %get3A_1338 = tpu.vector_load %arg12[%get3A_1336, %get3A_1337] {strides = array<i32>} : memref<128x128xf32, #tpu.memory_space<vmem>>, vector<16xf32>,
      %get3A_1339 = arith.index_cast %add3A_1285 : i32 to index
      %get3A_1340 = arith.constant 96 : index
      %get3A_1341 = tpu.vector_load %arg14[%get3A_1339, %get3A_1340] {strides = array<i32>} : memref<128x128xf32, #tpu.memory_space<vmem>>, vector<16xf32>,
      %mul3A_1342 = arith.mulf %get3A_1338, %get3A_1341 : vector<16xf32>
      %add3A_1343 = arith.addf %add3A_1335, %mul3A_1342 : vector<16xf32>
      %get3A_1344 = arith.index_cast %add3A_1285 : i32 to index
      %get3A_1345 = arith.constant 112 : index
      %get3A_1346 = tpu.vector_load %arg12[%get3A_1344, %get3A_1345] {strides = array<i32>} : memref<128x128xf32, #tpu.memory_space<vmem>>, vector<16xf32>,
      %get3A_1347 = arith.index_cast %add3A_1285 : i32 to index
      %get3A_1348 = arith.constant 112 : index
      %get3A_1349 = tpu.vector_load %arg14[%get3A_1347, %get3A_1348] {strides = array<i32>} : memref<128x128xf32, #tpu.memory_space<vmem>>, vector<16xf32>,
      %mul3A_1350 = arith.mulf %get3A_1346, %get3A_1349 : vector<16xf32>
      %add3A_1351 = arith.addf %add3A_1343, %mul3A_1350 : vector<16xf32>
      %eq3A_1352 = arith.constant 12 : i32
      %eq3A_1353 = vector.broadcast %eq3A_1352 : i32 to vector<16xi32>
      %eq3A_1354 = arith.cmpi eq, %iota3A, %eq3A_1353 : vector<16xi32>
      %reduce_sum3A_1355 = arith.constant true
      %reduce_sum3A_1356 = vector.broadcast %reduce_sum3A_1355 : i1 to vector<16xi1>
      %reduce_sum3A_1357 = tpu.scan <sum>, %add3A_1351 masked %reduce_sum3A_1356 : vector<16xf32>, vector<16xi1> -> vector<16xf32>
      %reduce_sum3A_1358 = vector.extract %reduce_sum3A_1357[15] : f32 from vector<16xf32>
      %broadcast_in_dim3A_1359 = vector.broadcast %reduce_sum3A_1358 : f32 to vector<16xf32>
      %select_n3A_1360 = arith.select %eq3A_1354, %broadcast_in_dim3A_1359, %select_n3A_1281 : vector<16xi1>, vector<16xf32>
      %mul3A_1361 = arith.constant 16 : i32
      %mul3A_1362 = arith.muli %scan3A_335, %mul3A_1361 : i32
      %add3A_1363 = arith.constant 13 : i32
      %add3A_1364 = arith.addi %mul3A_1362, %add3A_1363 : i32
      %broadcast_in_dim3A_1365 = arith.constant 0.000000e+00 : f32
      %broadcast_in_dim3A_1366 = vector.broadcast %broadcast_in_dim3A_1365 : f32 to vector<16xf32>
      %get3A_1367 = arith.index_cast %add3A_1364 : i32 to index
      %get3A_1368 = arith.constant 0 : index
      %get3A_1369 = tpu.vector_load %arg12[%get3A_1367, %get3A_1368] {strides = array<i32>} : memref<128x128xf32, #tpu.memory_space<vmem>>, vector<16xf32>,
      %get3A_1370 = arith.index_cast %add3A_1364 : i32 to index
      %get3A_1371 = arith.constant 0 : index
      %get3A_1372 = tpu.vector_load %arg14[%get3A_1370, %get3A_1371] {strides = array<i32>} : memref<128x128xf32, #tpu.memory_space<vmem>>, vector<16xf32>,
      %mul3A_1373 = arith.mulf %get3A_1369, %get3A_1372 : vector<16xf32>
      %add3A_1374 = arith.addf %broadcast_in_dim3A_1366, %mul3A_1373 : vector<16xf32>
      %get3A_1375 = arith.index_cast %add3A_1364 : i32 to index
      %get3A_1376 = arith.constant 16 : index
      %get3A_1377 = tpu.vector_load %arg12[%get3A_1375, %get3A_1376] {strides = array<i32>} : memref<128x128xf32, #tpu.memory_space<vmem>>, vector<16xf32>,
      %get3A_1378 = arith.index_cast %add3A_1364 : i32 to index
      %get3A_1379 = arith.constant 16 : index
      %get3A_1380 = tpu.vector_load %arg14[%get3A_1378, %get3A_1379] {strides = array<i32>} : memref<128x128xf32, #tpu.memory_space<vmem>>, vector<16xf32>,
      %mul3A_1381 = arith.mulf %get3A_1377, %get3A_1380 : vector<16xf32>
      %add3A_1382 = arith.addf %add3A_1374, %mul3A_1381 : vector<16xf32>
      %get3A_1383 = arith.index_cast %add3A_1364 : i32 to index
      %get3A_1384 = arith.constant 32 : index
      %get3A_1385 = tpu.vector_load %arg12[%get3A_1383, %get3A_1384] {strides = array<i32>} : memref<128x128xf32, #tpu.memory_space<vmem>>, vector<16xf32>,
      %get3A_1386 = arith.index_cast %add3A_1364 : i32 to index
      %get3A_1387 = arith.constant 32 : index
      %get3A_1388 = tpu.vector_load %arg14[%get3A_1386, %get3A_1387] {strides = array<i32>} : memref<128x128xf32, #tpu.memory_space<vmem>>, vector<16xf32>,
      %mul3A_1389 = arith.mulf %get3A_1385, %get3A_1388 : vector<16xf32>
      %add3A_1390 = arith.addf %add3A_1382, %mul3A_1389 : vector<16xf32>
      %get3A_1391 = arith.index_cast %add3A_1364 : i32 to index
      %get3A_1392 = arith.constant 48 : index
      %get3A_1393 = tpu.vector_load %arg12[%get3A_1391, %get3A_1392] {strides = array<i32>} : memref<128x128xf32, #tpu.memory_space<vmem>>, vector<16xf32>,
      %get3A_1394 = arith.index_cast %add3A_1364 : i32 to index
      %get3A_1395 = arith.constant 48 : index
      %get3A_1396 = tpu.vector_load %arg14[%get3A_1394, %get3A_1395] {strides = array<i32>} : memref<128x128xf32, #tpu.memory_space<vmem>>, vector<16xf32>,
      %mul3A_1397 = arith.mulf %get3A_1393, %get3A_1396 : vector<16xf32>
      %add3A_1398 = arith.addf %add3A_1390, %mul3A_1397 : vector<16xf32>
      %get3A_1399 = arith.index_cast %add3A_1364 : i32 to index
      %get3A_1400 = arith.constant 64 : index
      %get3A_1401 = tpu.vector_load %arg12[%get3A_1399, %get3A_1400] {strides = array<i32>} : memref<128x128xf32, #tpu.memory_space<vmem>>, vector<16xf32>,
      %get3A_1402 = arith.index_cast %add3A_1364 : i32 to index
      %get3A_1403 = arith.constant 64 : index
      %get3A_1404 = tpu.vector_load %arg14[%get3A_1402, %get3A_1403] {strides = array<i32>} : memref<128x128xf32, #tpu.memory_space<vmem>>, vector<16xf32>,
      %mul3A_1405 = arith.mulf %get3A_1401, %get3A_1404 : vector<16xf32>
      %add3A_1406 = arith.addf %add3A_1398, %mul3A_1405 : vector<16xf32>
      %get3A_1407 = arith.index_cast %add3A_1364 : i32 to index
      %get3A_1408 = arith.constant 80 : index
      %get3A_1409 = tpu.vector_load %arg12[%get3A_1407, %get3A_1408] {strides = array<i32>} : memref<128x128xf32, #tpu.memory_space<vmem>>, vector<16xf32>,
      %get3A_1410 = arith.index_cast %add3A_1364 : i32 to index
      %get3A_1411 = arith.constant 80 : index
      %get3A_1412 = tpu.vector_load %arg14[%get3A_1410, %get3A_1411] {strides = array<i32>} : memref<128x128xf32, #tpu.memory_space<vmem>>, vector<16xf32>,
      %mul3A_1413 = arith.mulf %get3A_1409, %get3A_1412 : vector<16xf32>
      %add3A_1414 = arith.addf %add3A_1406, %mul3A_1413 : vector<16xf32>
      %get3A_1415 = arith.index_cast %add3A_1364 : i32 to index
      %get3A_1416 = arith.constant 96 : index
      %get3A_1417 = tpu.vector_load %arg12[%get3A_1415, %get3A_1416] {strides = array<i32>} : memref<128x128xf32, #tpu.memory_space<vmem>>, vector<16xf32>,
      %get3A_1418 = arith.index_cast %add3A_1364 : i32 to index
      %get3A_1419 = arith.constant 96 : index
      %get3A_1420 = tpu.vector_load %arg14[%get3A_1418, %get3A_1419] {strides = array<i32>} : memref<128x128xf32, #tpu.memory_space<vmem>>, vector<16xf32>,
      %mul3A_1421 = arith.mulf %get3A_1417, %get3A_1420 : vector<16xf32>
      %add3A_1422 = arith.addf %add3A_1414, %mul3A_1421 : vector<16xf32>
      %get3A_1423 = arith.index_cast %add3A_1364 : i32 to index
      %get3A_1424 = arith.constant 112 : index
      %get3A_1425 = tpu.vector_load %arg12[%get3A_1423, %get3A_1424] {strides = array<i32>} : memref<128x128xf32, #tpu.memory_space<vmem>>, vector<16xf32>,
      %get3A_1426 = arith.index_cast %add3A_1364 : i32 to index
      %get3A_1427 = arith.constant 112 : index
      %get3A_1428 = tpu.vector_load %arg14[%get3A_1426, %get3A_1427] {strides = array<i32>} : memref<128x128xf32, #tpu.memory_space<vmem>>, vector<16xf32>,
      %mul3A_1429 = arith.mulf %get3A_1425, %get3A_1428 : vector<16xf32>
      %add3A_1430 = arith.addf %add3A_1422, %mul3A_1429 : vector<16xf32>
      %eq3A_1431 = arith.constant 13 : i32
      %eq3A_1432 = vector.broadcast %eq3A_1431 : i32 to vector<16xi32>
      %eq3A_1433 = arith.cmpi eq, %iota3A, %eq3A_1432 : vector<16xi32>
      %reduce_sum3A_1434 = arith.constant true
      %reduce_sum3A_1435 = vector.broadcast %reduce_sum3A_1434 : i1 to vector<16xi1>
      %reduce_sum3A_1436 = tpu.scan <sum>, %add3A_1430 masked %reduce_sum3A_1435 : vector<16xf32>, vector<16xi1> -> vector<16xf32>
      %reduce_sum3A_1437 = vector.extract %reduce_sum3A_1436[15] : f32 from vector<16xf32>
      %broadcast_in_dim3A_1438 = vector.broadcast %reduce_sum3A_1437 : f32 to vector<16xf32>
      %select_n3A_1439 = arith.select %eq3A_1433, %broadcast_in_dim3A_1438, %select_n3A_1360 : vector<16xi1>, vector<16xf32>
      %mul3A_1440 = arith.constant 16 : i32
      %mul3A_1441 = arith.muli %scan3A_335, %mul3A_1440 : i32
      %add3A_1442 = arith.constant 14 : i32
      %add3A_1443 = arith.addi %mul3A_1441, %add3A_1442 : i32
      %broadcast_in_dim3A_1444 = arith.constant 0.000000e+00 : f32
      %broadcast_in_dim3A_1445 = vector.broadcast %broadcast_in_dim3A_1444 : f32 to vector<16xf32>
      %get3A_1446 = arith.index_cast %add3A_1443 : i32 to index
      %get3A_1447 = arith.constant 0 : index
      %get3A_1448 = tpu.vector_load %arg12[%get3A_1446, %get3A_1447] {strides = array<i32>} : memref<128x128xf32, #tpu.memory_space<vmem>>, vector<16xf32>,
      %get3A_1449 = arith.index_cast %add3A_1443 : i32 to index
      %get3A_1450 = arith.constant 0 : index
      %get3A_1451 = tpu.vector_load %arg14[%get3A_1449, %get3A_1450] {strides = array<i32>} : memref<128x128xf32, #tpu.memory_space<vmem>>, vector<16xf32>,
      %mul3A_1452 = arith.mulf %get3A_1448, %get3A_1451 : vector<16xf32>
      %add3A_1453 = arith.addf %broadcast_in_dim3A_1445, %mul3A_1452 : vector<16xf32>
      %get3A_1454 = arith.index_cast %add3A_1443 : i32 to index
      %get3A_1455 = arith.constant 16 : index
      %get3A_1456 = tpu.vector_load %arg12[%get3A_1454, %get3A_1455] {strides = array<i32>} : memref<128x128xf32, #tpu.memory_space<vmem>>, vector<16xf32>,
      %get3A_1457 = arith.index_cast %add3A_1443 : i32 to index
      %get3A_1458 = arith.constant 16 : index
      %get3A_1459 = tpu.vector_load %arg14[%get3A_1457, %get3A_1458] {strides = array<i32>} : memref<128x128xf32, #tpu.memory_space<vmem>>, vector<16xf32>,
      %mul3A_1460 = arith.mulf %get3A_1456, %get3A_1459 : vector<16xf32>
      %add3A_1461 = arith.addf %add3A_1453, %mul3A_1460 : vector<16xf32>
      %get3A_1462 = arith.index_cast %add3A_1443 : i32 to index
      %get3A_1463 = arith.constant 32 : index
      %get3A_1464 = tpu.vector_load %arg12[%get3A_1462, %get3A_1463] {strides = array<i32>} : memref<128x128xf32, #tpu.memory_space<vmem>>, vector<16xf32>,
      %get3A_1465 = arith.index_cast %add3A_1443 : i32 to index
      %get3A_1466 = arith.constant 32 : index
      %get3A_1467 = tpu.vector_load %arg14[%get3A_1465, %get3A_1466] {strides = array<i32>} : memref<128x128xf32, #tpu.memory_space<vmem>>, vector<16xf32>,
      %mul3A_1468 = arith.mulf %get3A_1464, %get3A_1467 : vector<16xf32>
      %add3A_1469 = arith.addf %add3A_1461, %mul3A_1468 : vector<16xf32>
      %get3A_1470 = arith.index_cast %add3A_1443 : i32 to index
      %get3A_1471 = arith.constant 48 : index
      %get3A_1472 = tpu.vector_load %arg12[%get3A_1470, %get3A_1471] {strides = array<i32>} : memref<128x128xf32, #tpu.memory_space<vmem>>, vector<16xf32>,
      %get3A_1473 = arith.index_cast %add3A_1443 : i32 to index
      %get3A_1474 = arith.constant 48 : index
      %get3A_1475 = tpu.vector_load %arg14[%get3A_1473, %get3A_1474] {strides = array<i32>} : memref<128x128xf32, #tpu.memory_space<vmem>>, vector<16xf32>,
      %mul3A_1476 = arith.mulf %get3A_1472, %get3A_1475 : vector<16xf32>
      %add3A_1477 = arith.addf %add3A_1469, %mul3A_1476 : vector<16xf32>
      %get3A_1478 = arith.index_cast %add3A_1443 : i32 to index
      %get3A_1479 = arith.constant 64 : index
      %get3A_1480 = tpu.vector_load %arg12[%get3A_1478, %get3A_1479] {strides = array<i32>} : memref<128x128xf32, #tpu.memory_space<vmem>>, vector<16xf32>,
      %get3A_1481 = arith.index_cast %add3A_1443 : i32 to index
      %get3A_1482 = arith.constant 64 : index
      %get3A_1483 = tpu.vector_load %arg14[%get3A_1481, %get3A_1482] {strides = array<i32>} : memref<128x128xf32, #tpu.memory_space<vmem>>, vector<16xf32>,
      %mul3A_1484 = arith.mulf %get3A_1480, %get3A_1483 : vector<16xf32>
      %add3A_1485 = arith.addf %add3A_1477, %mul3A_1484 : vector<16xf32>
      %get3A_1486 = arith.index_cast %add3A_1443 : i32 to index
      %get3A_1487 = arith.constant 80 : index
      %get3A_1488 = tpu.vector_load %arg12[%get3A_1486, %get3A_1487] {strides = array<i32>} : memref<128x128xf32, #tpu.memory_space<vmem>>, vector<16xf32>,
      %get3A_1489 = arith.index_cast %add3A_1443 : i32 to index
      %get3A_1490 = arith.constant 80 : index
      %get3A_1491 = tpu.vector_load %arg14[%get3A_1489, %get3A_1490] {strides = array<i32>} : memref<128x128xf32, #tpu.memory_space<vmem>>, vector<16xf32>,
      %mul3A_1492 = arith.mulf %get3A_1488, %get3A_1491 : vector<16xf32>
      %add3A_1493 = arith.addf %add3A_1485, %mul3A_1492 : vector<16xf32>
      %get3A_1494 = arith.index_cast %add3A_1443 : i32 to index
      %get3A_1495 = arith.constant 96 : index
      %get3A_1496 = tpu.vector_load %arg12[%get3A_1494, %get3A_1495] {strides = array<i32>} : memref<128x128xf32, #tpu.memory_space<vmem>>, vector<16xf32>,
      %get3A_1497 = arith.index_cast %add3A_1443 : i32 to index
      %get3A_1498 = arith.constant 96 : index
      %get3A_1499 = tpu.vector_load %arg14[%get3A_1497, %get3A_1498] {strides = array<i32>} : memref<128x128xf32, #tpu.memory_space<vmem>>, vector<16xf32>,
      %mul3A_1500 = arith.mulf %get3A_1496, %get3A_1499 : vector<16xf32>
      %add3A_1501 = arith.addf %add3A_1493, %mul3A_1500 : vector<16xf32>
      %get3A_1502 = arith.index_cast %add3A_1443 : i32 to index
      %get3A_1503 = arith.constant 112 : index
      %get3A_1504 = tpu.vector_load %arg12[%get3A_1502, %get3A_1503] {strides = array<i32>} : memref<128x128xf32, #tpu.memory_space<vmem>>, vector<16xf32>,
      %get3A_1505 = arith.index_cast %add3A_1443 : i32 to index
      %get3A_1506 = arith.constant 112 : index
      %get3A_1507 = tpu.vector_load %arg14[%get3A_1505, %get3A_1506] {strides = array<i32>} : memref<128x128xf32, #tpu.memory_space<vmem>>, vector<16xf32>,
      %mul3A_1508 = arith.mulf %get3A_1504, %get3A_1507 : vector<16xf32>
      %add3A_1509 = arith.addf %add3A_1501, %mul3A_1508 : vector<16xf32>
      %eq3A_1510 = arith.constant 14 : i32
      %eq3A_1511 = vector.broadcast %eq3A_1510 : i32 to vector<16xi32>
      %eq3A_1512 = arith.cmpi eq, %iota3A, %eq3A_1511 : vector<16xi32>
      %reduce_sum3A_1513 = arith.constant true
      %reduce_sum3A_1514 = vector.broadcast %reduce_sum3A_1513 : i1 to vector<16xi1>
      %reduce_sum3A_1515 = tpu.scan <sum>, %add3A_1509 masked %reduce_sum3A_1514 : vector<16xf32>, vector<16xi1> -> vector<16xf32>
      %reduce_sum3A_1516 = vector.extract %reduce_sum3A_1515[15] : f32 from vector<16xf32>
      %broadcast_in_dim3A_1517 = vector.broadcast %reduce_sum3A_1516 : f32 to vector<16xf32>
      %select_n3A_1518 = arith.select %eq3A_1512, %broadcast_in_dim3A_1517, %select_n3A_1439 : vector<16xi1>, vector<16xf32>
      %mul3A_1519 = arith.constant 16 : i32
      %mul3A_1520 = arith.muli %scan3A_335, %mul3A_1519 : i32
      %add3A_1521 = arith.constant 15 : i32
      %add3A_1522 = arith.addi %mul3A_1520, %add3A_1521 : i32
      %broadcast_in_dim3A_1523 = arith.constant 0.000000e+00 : f32
      %broadcast_in_dim3A_1524 = vector.broadcast %broadcast_in_dim3A_1523 : f32 to vector<16xf32>
      %get3A_1525 = arith.index_cast %add3A_1522 : i32 to index
      %get3A_1526 = arith.constant 0 : index
      %get3A_1527 = tpu.vector_load %arg12[%get3A_1525, %get3A_1526] {strides = array<i32>} : memref<128x128xf32, #tpu.memory_space<vmem>>, vector<16xf32>,
      %get3A_1528 = arith.index_cast %add3A_1522 : i32 to index
      %get3A_1529 = arith.constant 0 : index
      %get3A_1530 = tpu.vector_load %arg14[%get3A_1528, %get3A_1529] {strides = array<i32>} : memref<128x128xf32, #tpu.memory_space<vmem>>, vector<16xf32>,
      %mul3A_1531 = arith.mulf %get3A_1527, %get3A_1530 : vector<16xf32>
      %add3A_1532 = arith.addf %broadcast_in_dim3A_1524, %mul3A_1531 : vector<16xf32>
      %get3A_1533 = arith.index_cast %add3A_1522 : i32 to index
      %get3A_1534 = arith.constant 16 : index
      %get3A_1535 = tpu.vector_load %arg12[%get3A_1533, %get3A_1534] {strides = array<i32>} : memref<128x128xf32, #tpu.memory_space<vmem>>, vector<16xf32>,
      %get3A_1536 = arith.index_cast %add3A_1522 : i32 to index
      %get3A_1537 = arith.constant 16 : index
      %get3A_1538 = tpu.vector_load %arg14[%get3A_1536, %get3A_1537] {strides = array<i32>} : memref<128x128xf32, #tpu.memory_space<vmem>>, vector<16xf32>,
      %mul3A_1539 = arith.mulf %get3A_1535, %get3A_1538 : vector<16xf32>
      %add3A_1540 = arith.addf %add3A_1532, %mul3A_1539 : vector<16xf32>
      %get3A_1541 = arith.index_cast %add3A_1522 : i32 to index
      %get3A_1542 = arith.constant 32 : index
      %get3A_1543 = tpu.vector_load %arg12[%get3A_1541, %get3A_1542] {strides = array<i32>} : memref<128x128xf32, #tpu.memory_space<vmem>>, vector<16xf32>,
      %get3A_1544 = arith.index_cast %add3A_1522 : i32 to index
      %get3A_1545 = arith.constant 32 : index
      %get3A_1546 = tpu.vector_load %arg14[%get3A_1544, %get3A_1545] {strides = array<i32>} : memref<128x128xf32, #tpu.memory_space<vmem>>, vector<16xf32>,
      %mul3A_1547 = arith.mulf %get3A_1543, %get3A_1546 : vector<16xf32>
      %add3A_1548 = arith.addf %add3A_1540, %mul3A_1547 : vector<16xf32>
      %get3A_1549 = arith.index_cast %add3A_1522 : i32 to index
      %get3A_1550 = arith.constant 48 : index
      %get3A_1551 = tpu.vector_load %arg12[%get3A_1549, %get3A_1550] {strides = array<i32>} : memref<128x128xf32, #tpu.memory_space<vmem>>, vector<16xf32>,
      %get3A_1552 = arith.index_cast %add3A_1522 : i32 to index
      %get3A_1553 = arith.constant 48 : index
      %get3A_1554 = tpu.vector_load %arg14[%get3A_1552, %get3A_1553] {strides = array<i32>} : memref<128x128xf32, #tpu.memory_space<vmem>>, vector<16xf32>,
      %mul3A_1555 = arith.mulf %get3A_1551, %get3A_1554 : vector<16xf32>
      %add3A_1556 = arith.addf %add3A_1548, %mul3A_1555 : vector<16xf32>
      %get3A_1557 = arith.index_cast %add3A_1522 : i32 to index
      %get3A_1558 = arith.constant 64 : index
      %get3A_1559 = tpu.vector_load %arg12[%get3A_1557, %get3A_1558] {strides = array<i32>} : memref<128x128xf32, #tpu.memory_space<vmem>>, vector<16xf32>,
      %get3A_1560 = arith.index_cast %add3A_1522 : i32 to index
      %get3A_1561 = arith.constant 64 : index
      %get3A_1562 = tpu.vector_load %arg14[%get3A_1560, %get3A_1561] {strides = array<i32>} : memref<128x128xf32, #tpu.memory_space<vmem>>, vector<16xf32>,
      %mul3A_1563 = arith.mulf %get3A_1559, %get3A_1562 : vector<16xf32>
      %add3A_1564 = arith.addf %add3A_1556, %mul3A_1563 : vector<16xf32>
      %get3A_1565 = arith.index_cast %add3A_1522 : i32 to index
      %get3A_1566 = arith.constant 80 : index
      %get3A_1567 = tpu.vector_load %arg12[%get3A_1565, %get3A_1566] {strides = array<i32>} : memref<128x128xf32, #tpu.memory_space<vmem>>, vector<16xf32>,
      %get3A_1568 = arith.index_cast %add3A_1522 : i32 to index
      %get3A_1569 = arith.constant 80 : index
      %get3A_1570 = tpu.vector_load %arg14[%get3A_1568, %get3A_1569] {strides = array<i32>} : memref<128x128xf32, #tpu.memory_space<vmem>>, vector<16xf32>,
      %mul3A_1571 = arith.mulf %get3A_1567, %get3A_1570 : vector<16xf32>
      %add3A_1572 = arith.addf %add3A_1564, %mul3A_1571 : vector<16xf32>
      %get3A_1573 = arith.index_cast %add3A_1522 : i32 to index
      %get3A_1574 = arith.constant 96 : index
      %get3A_1575 = tpu.vector_load %arg12[%get3A_1573, %get3A_1574] {strides = array<i32>} : memref<128x128xf32, #tpu.memory_space<vmem>>, vector<16xf32>,
      %get3A_1576 = arith.index_cast %add3A_1522 : i32 to index
      %get3A_1577 = arith.constant 96 : index
      %get3A_1578 = tpu.vector_load %arg14[%get3A_1576, %get3A_1577] {strides = array<i32>} : memref<128x128xf32, #tpu.memory_space<vmem>>, vector<16xf32>,
      %mul3A_1579 = arith.mulf %get3A_1575, %get3A_1578 : vector<16xf32>
      %add3A_1580 = arith.addf %add3A_1572, %mul3A_1579 : vector<16xf32>
      %get3A_1581 = arith.index_cast %add3A_1522 : i32 to index
      %get3A_1582 = arith.constant 112 : index
      %get3A_1583 = tpu.vector_load %arg12[%get3A_1581, %get3A_1582] {strides = array<i32>} : memref<128x128xf32, #tpu.memory_space<vmem>>, vector<16xf32>,
      %get3A_1584 = arith.index_cast %add3A_1522 : i32 to index
      %get3A_1585 = arith.constant 112 : index
      %get3A_1586 = tpu.vector_load %arg14[%get3A_1584, %get3A_1585] {strides = array<i32>} : memref<128x128xf32, #tpu.memory_space<vmem>>, vector<16xf32>,
      %mul3A_1587 = arith.mulf %get3A_1583, %get3A_1586 : vector<16xf32>
      %add3A_1588 = arith.addf %add3A_1580, %mul3A_1587 : vector<16xf32>
      %eq3A_1589 = arith.constant 15 : i32
      %eq3A_1590 = vector.broadcast %eq3A_1589 : i32 to vector<16xi32>
      %eq3A_1591 = arith.cmpi eq, %iota3A, %eq3A_1590 : vector<16xi32>
      %reduce_sum3A_1592 = arith.constant true
      %reduce_sum3A_1593 = vector.broadcast %reduce_sum3A_1592 : i1 to vector<16xi1>
      %reduce_sum3A_1594 = tpu.scan <sum>, %add3A_1588 masked %reduce_sum3A_1593 : vector<16xf32>, vector<16xi1> -> vector<16xf32>
      %reduce_sum3A_1595 = vector.extract %reduce_sum3A_1594[15] : f32 from vector<16xf32>
      %broadcast_in_dim3A_1596 = vector.broadcast %reduce_sum3A_1595 : f32 to vector<16xf32>
      %select_n3A_1597 = arith.select %eq3A_1591, %broadcast_in_dim3A_1596, %select_n3A_1518 : vector<16xi1>, vector<16xf32>
      %mul3A_1598 = arith.constant 16 : i32
      %mul3A_1599 = arith.muli %scan3A_335, %mul3A_1598 : i32
      %swap3A = arith.index_cast %mul3A_1599 : i32 to index
      %swap3A_1600 = tpu.vector_load %arg16[%swap3A] {strides = array<i32>} : memref<128xf32, #tpu.memory_space<vmem>>, vector<16xf32>,
      tpu.vector_store %arg16[%swap3A], %select_n3A_1597 {strides = array<i32>} : memref<128xf32, #tpu.memory_space<vmem>>, vector<16xf32>,
    }
    %scan3A_334 = arith.constant 8 : i32
    "tpu.region"() ({
      %run_scoped3A = tpu.sem_alloc : memref<!tpu.dma_semaphore, #tpu.memory_space<semaphore_mem>>
      %dma_start3A_335 = tpu.memref_slice %arg8[%multiple_of3A] : memref<4096xf32, #tpu.memory_space<hbm>> -> memref<128xf32, #tpu.memory_space<hbm>>
      %dma_start3A_336 = tpu.memref_slice %arg8[%multiple_of3A] : memref<4096xf32, #tpu.memory_space<hbm>> -> memref<128xf32, #tpu.memory_space<hbm>>
      tpu.enqueue_dma source(%arg16 : memref<128xf32, #tpu.memory_space<vmem>>) target(%dma_start3A_336 : memref<128xf32, #tpu.memory_space<hbm>>) target_semaphore(%run_scoped3A : memref<!tpu.dma_semaphore, #tpu.memory_space<semaphore_mem>>)
      %dma_wait3A_337 = tpu.memref_slice %arg8[%multiple_of3A] : memref<4096xf32, #tpu.memory_space<hbm>> -> memref<128xf32, #tpu.memory_space<hbm>>
      %dma_wait3A_338 = tpu.memref_slice %arg8[%multiple_of3A] : memref<4096xf32, #tpu.memory_space<hbm>> -> memref<128xf32, #tpu.memory_space<hbm>>
      tpu.wait_dma2 semaphore(%run_scoped3A : memref<!tpu.dma_semaphore, #tpu.memory_space<semaphore_mem>>) src(%arg16 : memref<128xf32, #tpu.memory_space<vmem>>) dst(%dma_wait3A_338 : memref<128xf32, #tpu.memory_space<hbm>>)
      tpu.yield
    }) : () -> ()
    return
  }
}

module attributes {stable_mosaic.version = 14 : i64} {
  func.func @_loss_tc_kernel(%arg0: memref<32x128xf32, #tpu.memory_space<vmem>>, %arg1: memref<32x128xf32, #tpu.memory_space<vmem>>, %arg2: memref<1x1xf32, #tpu.memory_space<vmem>>) attributes {dimension_semantics = [], scalar_prefetch = 0 : i64, scratch_operands = 0 : i64, tpu.core_type = #tpu.core_type<tc>} {
    %get3A = arith.constant 0 : index
    %get3A_0 = arith.constant 0 : index
    %get3A_1 = vector.load %arg0[%get3A, %get3A_0] : memref<32x128xf32, #tpu.memory_space<vmem>>, vector<32x128xf32>
    %get3A_2 = arith.constant 0 : index
    %get3A_3 = arith.constant 0 : index
    %get3A_4 = vector.load %arg1[%get3A_2, %get3A_3] : memref<32x128xf32, #tpu.memory_space<vmem>>, vector<32x128xf32>
    %min3A = arith.constant 0.000000e+00 : f32
    %min3A_5 = vector.broadcast %min3A : f32 to vector<32x128xf32>
    %min3A_6 = arith.minimumf %get3A_1, %min3A_5 : vector<32x128xf32>
    %abs3A = math.absf %get3A_1 : vector<32x128xf32>
    %neg3A = arith.constant 0.000000e+00 : f32
    %neg3A_7 = vector.broadcast %neg3A : f32 to vector<32x128xf32>
    %neg3A_8 = arith.subf %neg3A_7, %abs3A : vector<32x128xf32>
    %exp3A = math.exp %neg3A_8 : vector<32x128xf32>
    %log1p3A = math.log1p %exp3A : vector<32x128xf32>
    %sub3A = arith.subf %min3A_6, %log1p3A : vector<32x128xf32>
    %neg3A_9 = arith.constant 0.000000e+00 : f32
    %neg3A_10 = vector.broadcast %neg3A_9 : f32 to vector<32x128xf32>
    %neg3A_11 = arith.subf %neg3A_10, %get3A_4 : vector<32x128xf32>
    %min3A_12 = arith.constant 0.000000e+00 : f32
    %min3A_13 = vector.broadcast %min3A_12 : f32 to vector<32x128xf32>
    %min3A_14 = arith.minimumf %neg3A_11, %min3A_13 : vector<32x128xf32>
    %abs3A_15 = math.absf %neg3A_11 : vector<32x128xf32>
    %neg3A_16 = arith.constant 0.000000e+00 : f32
    %neg3A_17 = vector.broadcast %neg3A_16 : f32 to vector<32x128xf32>
    %neg3A_18 = arith.subf %neg3A_17, %abs3A_15 : vector<32x128xf32>
    %exp3A_19 = math.exp %neg3A_18 : vector<32x128xf32>
    %log1p3A_20 = math.log1p %exp3A_19 : vector<32x128xf32>
    %sub3A_21 = arith.subf %min3A_14, %log1p3A_20 : vector<32x128xf32>
    %add3A = arith.addf %sub3A, %sub3A_21 : vector<32x128xf32>
    %reduce_sum3A = vector.shape_cast %add3A : vector<32x128xf32> to vector<1x32x128xf32>
    %reduce_sum3A_22 = arith.constant dense<0.000000e+00> : vector<1xf32>
    %reduce_sum3A_23 = vector.multi_reduction <add>, %reduce_sum3A, %reduce_sum3A_22 [1, 2] : vector<1x32x128xf32> to vector<1xf32>
    %reduce_sum3A_24 = vector.shape_cast %reduce_sum3A_23 : vector<1xf32> to vector<1x1x1xf32>
    %reduce_sum3A_25 = vector.extract %reduce_sum3A_24[0, 0, 0] : f32 from vector<1x1x1xf32>
    %neg3A_26 = arith.constant 0.000000e+00 : f32
    %neg3A_27 = arith.subf %neg3A_26, %reduce_sum3A_25 : f32
    %div3A = arith.constant 4.096000e+03 : f32
    %div3A_28 = arith.divf %neg3A_27, %div3A : f32
    %broadcast_in_dim3A = vector.broadcast %div3A_28 : f32 to vector<1x1xf32>
    %swap3A = arith.constant 0 : index
    %swap3A_29 = arith.constant 0 : index
    %swap3A_30 = vector.load %arg2[%swap3A, %swap3A_29] : memref<1x1xf32, #tpu.memory_space<vmem>>, vector<1x1xf32>
    tpu.vector_store %arg2[%swap3A, %swap3A_29], %broadcast_in_dim3A {strides = array<i32>} : memref<1x1xf32, #tpu.memory_space<vmem>>, vector<1x1xf32>,
    return
  }
}

</mosaic_0001>

<sc_bundles>
// kernel: kernel.4.cloned.1.call-start
scs
__scs_entry_jumppad:
0x0: {  	(pc) =	sbr.rel $0x88, $3  }
0x1: {  	(tag) =	ssettag $0x0;
	lr =	simm.s32 $0x1  }
0x2: {  	[smem:$0x3F9D] =	sst lr;
	_ =	strace $0xD0000000  }
0x3: {  	_ = 	snop  }
0x4: {  	_ = 	snop  }
0x5: {  	_ = 	snop  }
0x6: {  	_ = 	snop  }
0x7: {  	_ = 	snop  }
__scs_overlays_trampoline_lowered:
0x8: {  	[smem:$0x3FAC] =	sst s0  }
0x9: {  	[smem:$0x3FAD] =	sst s1  }
0xa: {  	[smem:$0x3FAE] =	sst s2  }
0xb: {  	[smem:$0x3FAF] =	sst s3  }
0xc: {  	[smem:$0x3FB0] =	sst s4  }
0xd: {  	[smem:$0x3FB1] =	sst s5  }
0xe: {  	[smem:$0x3FB2] =	sst s6  }
0xf: {  	[smem:$0x3FB3] =	sst s7  }
0x10: {  	[smem:$0x3FB4] =	sst s8  }
0x11: {  	[smem:$0x3FB5] =	sst s9;
	s0 =	simm.s32 @!p0 $0x0  }
0x12: {  	s1 =	sld [smem:$0x3F9B];
	s0 =	simm.s32 @p0 $0x1  }
0x13: {  	[smem:$0x3FB6] =	sst s0;
	s0 =	simm.s32 @!p1 $0x0  }
0x14: {  	s2 =	sld [smem:$0x3F9A];
	s0 =	simm.s32 @p1 $0x1  }
0x15: {  	[smem:$0x3FB7] =	sst s0;
	s0 =	simm.s32 @!p2 $0x0  }
0x16: {  	s3 =	sld [smem:$0x3FDB];
	s0 =	simm.s32 @p2 $0x1  }
0x17: {  	s4 =	simm.s32 $0x1BF5;
	[smem:$0x3FB9] =	sst s0  }
0x18: {  	s0 =	sld [smem:$0x3F9C];
	_ =	swait.ge [sflag:s4], $0x0  }
0x19: {  	s7 =	sld [smem:$0x3F9D]  }
0x1a: {  	s8 =	sadd.s32 $0xFFFFE003, lr  }
0x1b: {  	s9 =	sadd.s32 $0xFFFFFEF7, lr;
	s5 =	simm.s32 $0xFFFFFFFF;
	p2 =	slt.u32 s8, $0xFFFFF086  }
0x1c: {  	p1 =	slt.u32 s9, $0xF7A;
	s5 =	simm.s32 @!p2 $0x0  }
0x1d: {  	s5 =	simm.s32 @p1 $0x1;
	p0 =	seq.s32 s7, s2  }
0x1e: {  	s7 =	smul.u32 @!p0 $0xF7A, s2;
	p2 =	seq.s32 @!p0 s5, $0x0  }
0x1f: {  	s9 =	smul.u32 $0xF7A, s1;
	s8 =	simm.s32 @!p0 $0x1BF5;
	p2 =	por !p2, p0  }
0x20: {  	[sflag:s8] =	ssyncset.s32 @!p0 $0xFFFFF086;
	s6 =	sadd.s32 @!p0 s3, s7;
	s7 =	simm.s32 @!p0 $0x108  }
0x21: {  	s3 =	sadd.s32 s3, s9;
	s6 =	sadd.s32 @!p0 $0x88, s6;
	s7 =	simm.s32 @p2 $0x1082  }
0x22: {  	[simem:s7], [sflag:s8] =	dma.local @!p0 [hbm:s6], $0xF7A  }
0x23: {  	s9 =	sor.u32 $0xD0000000, s2;
	s6 =	simm.s32 $0x108;
	_ =	swait.ge @!p0 [sflag:s8], $0x0  }
0x24: {  	s3 =	sadd.s32 $0x88, s3;
	s6 =	simm.s32 @!p1 $0x1082;
	[sflag:s4] =	ssyncset.s32 $0xFFFFF086  }
0x25: {  	[simem:s6], [sflag:s4] =	dma.local [hbm:s3], $0xF7A  }
0x26: {  	[smem:$0x3F9D] =	sst s1;
	(tag) =	ssettag s2;
	_ =	strace s9  }
0x27: {  	s1 =	sld [smem:$0x3FAD]  }
0x28: {  	s2 =	sld [smem:$0x3FAE]  }
0x29: {  	s4 =	sld [smem:$0x3FB0]  }
0x2a: {  	p0 =	seq.s32 s5, $0x0;
	s5 =	sld [smem:$0x3FB1]  }
0x2b: {  	s6 =	sld [smem:$0x3FB2]  }
0x2c: {  	s7 =	sld [smem:$0x3FB3]  }
0x2d: {  	s3 =	simm.s32 $0x108;
	s8 =	sld [smem:$0x3FB4]  }
0x2e: {  	s3 =	simm.s32 @!p0 $0x1082;
	s9 =	sld [smem:$0x3FB5]  }
0x2f: {  	lr =	sadd.s32 s0, s3;
	s0 =	sld [smem:$0x3FAC]  }
0x30: {  	s3 =	sld [smem:$0x3FAF]  }
0x31: {  	[smem:$0x3FB8] =	sst s10  }
0x32: {  	s10 =	sld [smem:$0x3FB6];
	_ =	sdelay $0x3  }
0x33: {  	p0 =	seq.s32 s10, $0x1;
	s10 =	sld [smem:$0x3FB8];
	_ =	sdelay $0x3  }
0x34: {  	[smem:$0x3FB8] =	sst s10  }
0x35: {  	s10 =	sld [smem:$0x3FB7];
	_ =	sdelay $0x3  }
0x36: {  	p1 =	seq.s32 s10, $0x1;
	s10 =	sld [smem:$0x3FB8];
	_ =	sdelay $0x3  }
0x37: {  	[smem:$0x3FB8] =	sst s10  }
0x38: {  	s10 =	sld [smem:$0x3FB9]  }
0x39: {  	_ = 	snop;
	(pc) =	sbr.ind lr, $3  }
0x3a: {  	_ = 	snop  }
0x3b: {  	_ = 	snop  }
0x3c: {  	p2 =	seq.s32 s10, $0x1;
	s10 =	sld [smem:$0x3FB8]  }
0x3d: {  	_ =	shalt  }
0x3e: {  	_ =	shalt  }
0x3f: {  	_ =	shalt  }
0x40: {  	_ =	shalt  }
0x41: {  	_ =	shalt  }
0x42: {  	_ =	shalt  }
0x43: {  	_ =	shalt  }
0x44: {  	_ =	shalt  }
0x45: {  	_ =	shalt  }
0x46: {  	_ =	shalt  }
0x47: {  	_ =	shalt  }
0x48: {  	_ =	shalt  }
0x49: {  	_ =	shalt  }
0x4a: {  	_ =	shalt  }
0x4b: {  	_ =	shalt  }
0x4c: {  	_ =	shalt  }
0x4d: {  	_ =	shalt  }
0x4e: {  	_ =	shalt  }
0x4f: {  	_ =	shalt  }
0x50: {  	_ =	shalt  }
0x51: {  	_ =	shalt  }
0x52: {  	_ =	shalt  }
0x53: {  	_ =	shalt  }
0x54: {  	_ =	shalt  }
0x55: {  	_ =	shalt  }
0x56: {  	_ =	shalt  }
0x57: {  	_ =	shalt  }
0x58: {  	_ =	shalt  }
0x59: {  	_ =	shalt  }
0x5a: {  	_ =	shalt  }
0x5b: {  	_ =	shalt  }
0x5c: {  	_ =	shalt  }
0x5d: {  	_ =	shalt  }
0x5e: {  	_ =	shalt  }
0x5f: {  	_ =	shalt  }
0x60: {  	_ =	shalt  }
0x61: {  	_ =	shalt  }
0x62: {  	_ =	shalt  }
0x63: {  	_ =	shalt  }
0x64: {  	_ =	shalt  }
0x65: {  	_ =	shalt  }
0x66: {  	_ =	shalt  }
0x67: {  	_ =	shalt  }
0x68: {  	_ =	shalt  }
0x69: {  	_ =	shalt  }
0x6a: {  	_ =	shalt  }
0x6b: {  	_ =	shalt  }
0x6c: {  	_ =	shalt  }
0x6d: {  	_ =	shalt  }
0x6e: {  	_ =	shalt  }
0x6f: {  	_ =	shalt  }
0x70: {  	_ =	shalt  }
0x71: {  	_ =	shalt  }
0x72: {  	_ =	shalt  }
0x73: {  	_ =	shalt  }
0x74: {  	_ =	shalt  }
0x75: {  	_ =	shalt  }
0x76: {  	_ =	shalt  }
0x77: {  	_ =	shalt  }
0x78: {  	_ =	shalt  }
0x79: {  	_ =	shalt  }
0x7a: {  	_ =	shalt  }
0x7b: {  	_ =	shalt  }
0x7c: {  	_ =	shalt  }
0x7d: {  	_ =	shalt  }
0x7e: {  	_ =	shalt  }
0x7f: {  	_ =	shalt  }
0x80: {  	_ =	shalt  }
0x81: {  	_ =	shalt  }
0x82: {  	_ =	shalt  }
0x83: {  	_ =	shalt  }
0x84: {  	_ =	shalt  }
0x85: {  	_ =	shalt  }
0x86: {  	_ =	shalt  }
0x87: {  	_ =	shalt  }
.Lfunc_end0:
.L_simem_size_0:
called_computation_lowered:
.L_overlay_start_0:
0x88: {  	s2 =	sld [smem:$0x3FD9]  }
0x89: {  	s3 =	sld [smem:$0x3FFE];
	_ =	sdelay $0x1  }
0x8a: {  	s1 =	srdreg.scid  }
0x8b: {  	s0 =	sand.u32 $0x1, s1  }
0x8c: {  	s17 =	sshll.u32 s0, $0xA;
	s2 =	sadd.s32 s3, s2  }
0x8d: {  	s2 =	sadd.s32 s2, s17  }
0x8e: {  	[smem:$0x3FC4] =	sst s2  }
0x8f: {  	_ = 	snop  }
0x90: {  	s2 =	sld [smem:$0x3FC7]  }
0x91: {  	s18 =	sld [smem:$0x3FC6];
	(tm) =	ssettm $0x1  }
0x92: {  	s4 =	sld [smem:$0x3FFB];
	_ =	sdelay $0x3  }
0x93: {  	_ =	strace s4  }
0x94: {  	s4 =	sld [smem:$0x3FFC];
	_ =	sdelay $0x3  }
0x95: {  	_ =	strace s4  }
0x96: {  	s4 =	sld [smem:$0x3FFD];
	_ =	sdelay $0x3  }
0x97: {  	_ =	strace s4  }
0x98: {  	_ =	strace $0x8FFFFFFF  }
0x99: {  	s19 =	sld [smem:$0x3FDB];
	_ =	sdelay $0x1  }
0x9a: {  	s5 =	simm.s32 $_scs_section_size  }
0x9b: {  	s6 =	simm.s32 $_size__tile_overlayer_lowered;
	s7 =	simm.s32 $_tile_overlayer_lowered  }
0x9c: {  	s22 =	simm.s32 $0x1BFF;
	s21 =	sshll.u32 s7, $0x1;
	s4 =	sadd.s32 s5, s19  }
0x9d: {  	s8 =	simm.s32 $0x0;
	s20 =	sshll.u32 s6, $0x1;
	s6 =	sadd.s32 s21, s4  }
0x9e: {  	[timem:s8], [sflag:s22] =	dma.local [hbm:s6], s20  }
0x9f: {  	_ =	swait.ge [sflag:s22], s20  }
0xa0: {  	s5 =	ssub.s32 $0x0, s20;
	[sflag:s22] =	ssyncset.done $0x0  }
0xa1: {  	[sflag:s22] =	ssyncadd.s32 s5;
	_ =	sdelay $0x1  }
0xa2: {  	s23 =	simm.s32 $0x1B8B  }
0xa3: {  	_ =	swait.ge [sflag:s23], $0x1  }
0xa4: {  	[sflag:s23] =	ssyncset.done $0x0  }
0xa5: {  	s25 =	simm.s32 $0x1B8E;
	s24 =	sld [smem:$0x3FFE];
	[sflag:s23] =	ssyncadd.s32 $0xFFFFFFFF  }
0xa6: {  	s26 =	simm.s32 $execute0_lowered;
	[smem:$0x3FD2] =	sst s25  }
0xa7: {  	s6 =	sshll.u32 s26, $0x1;
	_ =	strace $0x80000046;
	[dreg:$0x1] =	wrdreg $0xFFFFFFFF  }
0xa8: {  	s28 =	simm.s32 $_size_execute0_lowered;
	s4 =	sadd.s32 s4, s6;
	[dreg:$0x0] =	wrdreg $0x0  }
0xa9: {  	s6 =	sshll.u32 s28, $0x1;
	[dreg:$0x2] =	wrdreg s4  }
0xaa: {  	[dreg:$0x3] =	wrdreg s6  }
0xab: {  	[dreg:$0x4] =	wrdreg $0xC0  }
0xac: {  	_ =	task [dreg:s8], $0x5FFFF  }
0xad: {  	[dreg:$0x1] =	wrdreg $0xFFFFFFFF  }
0xae: {  	[dreg:$0x0] =	wrdreg $0x60  }
0xaf: {  	[dreg:$0x2] =	wrdreg s24  }
0xb0: {  	[dreg:$0x3] =	wrdreg s2  }
0xb1: {  	[dreg:$0x4] =	wrdreg s18  }
0xb2: {  	[dreg:$0x5] =	wrdreg $0x9  }
0xb3: {  	_ =	task.clear_ibuf [dreg:s8], $0x6FFFF;
	_ =	strace $0x90000046  }
0xb4: {  	s29 =	simm.s32 $0x9;
	_ =	strace $0x80000048  }
0xb5: {  	_ =	swait.ge [sflag:s29], $0x1  }
0xb6: {  	[sflag:s29] =	ssyncadd.s32 $0xFFFFFFFF  }
0xb7: {  	_ =	strace $0x90000048  }
0xb8: {  	_ =	sfence  }
0xb9: {  	s30 =	sld [smem:$0x0];
	_ =	sdelay $0x2  }
0xba: {  	s31 =	sshll.u32 s1, $0xD;
	s1 =	sshrl.u32 s1, $0x2  }
0xbb: {  	s3 =	sand.u32 $0x4000, s31;
	s1 =	sadd.s32 s1, s30  }
0xbc: {  	s0 =	sor.u32 s3, s0;
	s1 =	sshll.u32 s1, $0x11  }
0xbd: {  	s0 =	sor.u32 s1, s0  }
0xbe: {  	s0 =	sadd.s32 $0x8F2B, s0  }
0xbf: {  	[sflag:s0] =	ssyncadd.remote.s32 $0x1  }
0xc0: {  	_ =	sfence.sel $0xFFFF  }
0xc1: {  	[dreg:$0x0] =	wrdreg $0xFFFFFFFF;
	(pc) =	sbr.abs _section_cstart, $3  }
0xc2: {  	[dreg:$0x1] =	wrdreg $0xFFFFFFFF  }
0xc3: {  	_ =	task.clear_ibuf [dreg:s8], $0x2FFFF;
	_ =	strace $0x9FFFFFFF  }
0xc4: {  	(tm) =	ssettm $0x7FFFFFFF  }
0xc5: {  	_ =	shalt  }
tec
execute0_lowered:
.L_overlay_start_1:
0x0: {  	(tag) =	ssettag $0x1  }
0x1: {  	s0 =	rddreg [dreg:$0x0]  }
0x2: {  	s1 =	srdreg.scid;
	s2 =	stileid.u32  }
0x3: {  	s3 =	rddreg [dreg:$0x2];
	s4 =	simm.s32 $0x0;
	s11 =	simm.s32 $0x80  }
0x4: {  	s12 =	simm.s32 $0x100;
	s13 =	simm.s32 $0x1;
	s15 =	simm.s32 $0x2  }
0x5: {  	s17 =	simm.s32 $0x3;
	s18 =	simm.s32 $0x8D00;
	s14 =	simm.s32 $0x900  }
0x6: {  	s16 =	simm.s32 $0x980;
	s19 =	simm.s32 $0xA00;
	s20 =	simm.s32 $0xA80  }
0x7: {  	s21 =	simm.s32 $0xCD00;
	s22 =	simm.s32 $0x8;
	s23 =	simm.s32 $0x4  }
0x8: {  	s24 =	simm.s32 $0x5;
	s25 =	simm.s32 $0x6;
	s26 =	simm.s32 $0x7  }
0x9: {  	s28 =	simm.s32 $0xCD80;
	s1 =	sand.u32 $0x1, s1;
	s2 =	sshll.u32 s2, $0x1  }
0xa: {  	v0 =	vimm.f32 $0.0e+00;
	s29 =	simm.s32 $0x0;
	s2 =	sor.u32 s1, s2;
	s1 =	ssub.s32 $0x2, s1  }
0xb: {  	vm0 =	vmmov $0x1;
	vm1 =	vmmov $0x3;
	vm2 =	vmmov $0x7;
	[smem:$0x7FF] =	sst s4;
	s5 =	smul.u32 $0x180, s2;
	s31 =	sshrl.u32 s1, $0x1  }
0xc: {  	vm3 =	vmmov $0xf;
	vm4 =	vmmov $0x1f;
	vm5 =	vmmov $0x3f;
	_ =	strace $0x80000047;
	s2 =	sshll.u32 s2, $0x4;
	s1 =	ssub.s32 s1, s31  }
0xd: {  	vm6 =	vmmov $0x7f;
	vm7 =	vmmov $0xff;
	vm8 =	vmmov $0x1ff;
	s7 =	sadd.s32 s5, s0;
	s0 =	sadd.s32 s2, s0;
	s10 =	smax.u32 s1, $0x1  }
0xe: {  	vm9 =	vmmov $0x3ff;
	vm10 =	vmmov $0x7ff;
	vm11 =	vmmov $0xfff;
	s2 =	simm.s32 $0x880;
	s5 =	sadd.s32 $0x1000, s0;
	s6 =	sadd.s32 $0xE00, s0  }
0xf: {  	vm12 =	vmmov $0x1fff;
	vm13 =	vmmov $0x3fff;
	vm14 =	vmmov $0x7fff;
	s7 =	sadd.s32 $0x1200, s7;
	s8 =	sadd.s32 $0x4200, s0;
	s9 =	sadd.s32 $0x4400, s0  }
.LBB2_1:
0x10: {  	[tilespmem:s4], [sflag:$0x1] =	stream.linear.gather [hbm4b:s5+s4], $0x80, $0x38;
	[tilespmem:$0xCE00] =	vst v63  }
0x11: {  	_ = 	snop  }
0x12: {  	[tilespmem:s11], [sflag:$0x2] =	stream.linear.gather [hbm4b:s6+s4], $0x80, $0x38;
	[tilespmem:$0xCE00] =	vst v63  }
0x13: {  	s1 =	simm.s32 $0x0;
	s30 =	simm.s32 $0x200  }
0x14: {  	[tilespmem:s12], [sflag:$0x3] =	stream.linear.gather [hbm4b:s7+s4], $0xA00, $0x38;
	[tilespmem:$0xCE00] =	vst v63  }
.LBB2_2:
0x15: {  	p0 =	sne.s32 s30, $0xFE00;
	[tilespmem:s1+$0x8D70] =	vst v0  }
0x16: {  	[tilespmem:s1+$0x8D00] =	vst v0  }
0x17: {  	[tilespmem:s1+$0x8D10] =	vst v0  }
.Ltmp0:
0x18: {  	[tilespmem:s1+$0x8D20] =	vst v0;
	(pc) =	sbr.rel @p0 .LBB2_2-.Ltmp0, $4  }
0x19: {  	[tilespmem:s1+$0x8D30] =	vst v0  }
0x1a: {  	[tilespmem:s1+$0x8D40] =	vst v0  }
0x1b: {  	[tilespmem:s1+$0x8D50] =	vst v0  }
0x1c: {  	[tilespmem:s1+$0x8D60] =	vst v0;
	s1 =	sshra.s32 s30, $0x2;
	s30 =	sadd.s32 $0x200, s30  }
0x1d: {  	[tilespmem:s1+$0x8D70] =	vst v0  }
0x1e: {  	[tilespmem:s1+$0x8D00] =	vst v0  }
0x1f: {  	[tilespmem:s1+$0x8D10] =	vst v0  }
0x20: {  	[tilespmem:s1+$0x8D20] =	vst v0  }
0x21: {  	[tilespmem:s1+$0x8D30] =	vst v0  }
0x22: {  	[tilespmem:s1+$0x8D40] =	vst v0  }
0x23: {  	[tilespmem:s1+$0x8D50] =	vst v0  }
0x24: {  	[tilespmem:s1+$0x8D60] =	vst v0  }
0x25: {  	_ =	swait.ge [sflag:s13], $0x80  }
0x26: {  	[sflag:s13] =	ssyncset.done $0x0  }
0x27: {  	[sflag:s13] =	ssyncadd.s32 $0xFFFFFF80  }
0x28: {  	s30 =	simm.s32 $0x0;
	s1 =	simm.s32 $0xD00;
	s0 =	rddreg [dreg:$0x1]  }
0x29: {  	[tilespmem:s1], [sflag:$0x1] =	stream.indirect.gather [hbm4b:s0+s11], $0x80, s30, s11, $0xb8;
	[tilespmem:$0xCE00] =	vst v63  }
0x2a: {  	_ =	swait.ge [sflag:s15], $0x80  }
0x2b: {  	[sflag:s15] =	ssyncset.done $0x0  }
0x2c: {  	s1 =	simm.s32 $0x4D00;
	[sflag:s15] =	ssyncadd.s32 $0xFFFFFF80  }
0x2d: {  	[tilespmem:s1], [sflag:$0x2] =	stream.indirect.gather [hbm4b:s3+s11], $0x80, s11, s11, $0xb8;
	[tilespmem:$0xCE00] =	vst v63  }
0x2e: {  	_ =	swait.ge [sflag:s17], $0xA00  }
0x2f: {  	[sflag:s17] =	ssyncset.done $0x0  }
0x30: {  	[sflag:s17] =	ssyncadd.s32 $0xFFFFF600  }
0x31: {  	[tilespmem:s18], [sflag:$0x4] =	stream.indirect.gather.add.f32 [hbm:s3], $0x80, s12, s11, $0xb8;
	[tilespmem:$0xCE00] =	vst v63  }
0x32: {  	s1 =	simm.s32 $0x180  }
0x33: {  	[tilespmem:s18], [sflag:$0x5] =	stream.indirect.gather.add.f32 [hbm:s3], $0x80, s1, s11, $0xb8;
	[tilespmem:$0xCE00] =	vst v63  }
0x34: {  	s1 =	simm.s32 $0x200  }
0x35: {  	[tilespmem:s18], [sflag:$0x6] =	stream.indirect.gather.add.f32 [hbm:s3], $0x80, s1, s11, $0xb8;
	[tilespmem:$0xCE00] =	vst v63  }
0x36: {  	s1 =	simm.s32 $0x280  }
0x37: {  	[tilespmem:s18], [sflag:$0x7] =	stream.indirect.gather.add.f32 [hbm:s3], $0x80, s1, s11, $0xb8;
	[tilespmem:$0xCE00] =	vst v63  }
0x38: {  	s1 =	simm.s32 $0x300  }
0x39: {  	[tilespmem:s18], [sflag:$0x4] =	stream.indirect.gather.add.f32 [hbm:s3], $0x80, s1, s11, $0xb8;
	[tilespmem:$0xCE00] =	vst v63  }
0x3a: {  	s1 =	simm.s32 $0x380  }
0x3b: {  	[tilespmem:s18], [sflag:$0x5] =	stream.indirect.gather.add.f32 [hbm:s3], $0x80, s1, s11, $0xb8;
	[tilespmem:$0xCE00] =	vst v63  }
0x3c: {  	s1 =	simm.s32 $0x400  }
0x3d: {  	[tilespmem:s18], [sflag:$0x6] =	stream.indirect.gather.add.f32 [hbm:s3], $0x80, s1, s11, $0xb8;
	[tilespmem:$0xCE00] =	vst v63  }
0x3e: {  	s1 =	simm.s32 $0x480  }
0x3f: {  	[tilespmem:s18], [sflag:$0x7] =	stream.indirect.gather.add.f32 [hbm:s3], $0x80, s1, s11, $0xb8;
	[tilespmem:$0xCE00] =	vst v63  }
0x40: {  	s1 =	simm.s32 $0x500  }
0x41: {  	[tilespmem:s18], [sflag:$0x4] =	stream.indirect.gather.add.f32 [hbm:s3], $0x80, s1, s11, $0xb8;
	[tilespmem:$0xCE00] =	vst v63  }
0x42: {  	s1 =	simm.s32 $0x580  }
0x43: {  	[tilespmem:s18], [sflag:$0x5] =	stream.indirect.gather.add.f32 [hbm:s3], $0x80, s1, s11, $0xb8;
	[tilespmem:$0xCE00] =	vst v63  }
0x44: {  	s1 =	simm.s32 $0x600  }
0x45: {  	[tilespmem:s18], [sflag:$0x6] =	stream.indirect.gather.add.f32 [hbm:s3], $0x80, s1, s11, $0xb8;
	[tilespmem:$0xCE00] =	vst v63  }
0x46: {  	s1 =	simm.s32 $0x680  }
0x47: {  	[tilespmem:s18], [sflag:$0x7] =	stream.indirect.gather.add.f32 [hbm:s3], $0x80, s1, s11, $0xb8;
	[tilespmem:$0xCE00] =	vst v63  }
0x48: {  	s1 =	simm.s32 $0x700  }
0x49: {  	[tilespmem:s18], [sflag:$0x4] =	stream.indirect.gather.add.f32 [hbm:s3], $0x80, s1, s11, $0xb8;
	[tilespmem:$0xCE00] =	vst v63  }
0x4a: {  	s1 =	simm.s32 $0x780  }
0x4b: {  	[tilespmem:s18], [sflag:$0x5] =	stream.indirect.gather.add.f32 [hbm:s3], $0x80, s1, s11, $0xb8;
	[tilespmem:$0xCE00] =	vst v63  }
0x4c: {  	s1 =	simm.s32 $0x800  }
0x4d: {  	[tilespmem:s18], [sflag:$0x6] =	stream.indirect.gather.add.f32 [hbm:s3], $0x80, s1, s11, $0xb8;
	[tilespmem:$0xCE00] =	vst v63  }
0x4e: {  	_ = 	snop  }
0x4f: {  	[tilespmem:s18], [sflag:$0x7] =	stream.indirect.gather.add.f32 [hbm:s3], $0x80, s2, s11, $0xb8;
	[tilespmem:$0xCE00] =	vst v63  }
0x50: {  	_ = 	snop  }
0x51: {  	[tilespmem:s18], [sflag:$0x4] =	stream.indirect.gather.add.f32 [hbm:s3], $0x80, s14, s11, $0xb8;
	[tilespmem:$0xCE00] =	vst v63  }
0x52: {  	_ = 	snop  }
0x53: {  	[tilespmem:s18], [sflag:$0x5] =	stream.indirect.gather.add.f32 [hbm:s3], $0x80, s16, s11, $0xb8;
	[tilespmem:$0xCE00] =	vst v63  }
0x54: {  	_ = 	snop  }
0x55: {  	[tilespmem:s18], [sflag:$0x6] =	stream.indirect.gather.add.f32 [hbm:s3], $0x80, s19, s11, $0xb8;
	[tilespmem:$0xCE00] =	vst v63  }
0x56: {  	_ = 	snop  }
0x57: {  	[tilespmem:s18], [sflag:$0x7] =	stream.indirect.gather.add.f32 [hbm:s3], $0x80, s20, s11, $0xb8;
	[tilespmem:$0xCE00] =	vst v63  }
0x58: {  	_ =	swait.ge [sflag:s13], $0x4000  }
0x59: {  	[sflag:s13] =	ssyncset.done $0x0  }
0x5a: {  	[sflag:s13] =	ssyncadd.s32 $0xFFFFC000  }
0x5b: {  	_ =	swait.ge [sflag:s15], $0x4000  }
0x5c: {  	[sflag:s15] =	ssyncset.done $0x0  }
0x5d: {  	s31 =	simm.s32 $0x0;
	[sflag:s15] =	ssyncadd.s32 $0xFFFFC000  }
0x5e: {  	v0 =	vld [tilespmem:s31+$0x14D0];
	_ =	sdelay $0x4  }
0x5f: {  	[tilespmem:$0x1F820] =	vst v0;
	v0 =	vld [tilespmem:s31+$0x54D0];
	_ =	sdelay $0x4  }
0x60: {  	[tilespmem:$0x1F830] =	vst v0;
	v0 =	vld [tilespmem:s31+$0x14C0];
	_ =	sdelay $0x4  }
0x61: {  	[tilespmem:$0x1F840] =	vst v0;
	v0 =	vld [tilespmem:s31+$0x54C0];
	_ =	sdelay $0x4  }
0x62: {  	[tilespmem:$0x1F850] =	vst v0;
	v0 =	vld [tilespmem:s31+$0x1370];
	_ =	sdelay $0x4  }
0x63: {  	[tilespmem:$0x1F940] =	vst v0;
	v0 =	vld [tilespmem:s31+$0x5370];
	_ =	sdelay $0x4  }
0x64: {  	[tilespmem:$0x1F950] =	vst v0;
	v0 =	vld [tilespmem:s31+$0x13E0];
	_ =	sdelay $0x4  }
0x65: {  	[tilespmem:$0x1F860] =	vst v0;
	v0 =	vld [tilespmem:s31+$0x1450];
	_ =	sdelay $0x4  }
0x66: {  	[tilespmem:$0x1F960] =	vst v0;
	v0 =	vld [tilespmem:s31+$0x14B0];
	_ =	sdelay $0x4  }
0x67: {  	[tilespmem:$0x1F980] =	vst v0;
	v0 =	vld [tilespmem:s31+$0x54B0];
	_ =	sdelay $0x4  }
0x68: {  	[tilespmem:$0x1F990] =	vst v0;
	v0 =	vld [tilespmem:s31+$0x12F0];
	_ =	sdelay $0x4  }
0x69: {  	[tilespmem:$0x1F970] =	vst v0;
	v0 =	vld [tilespmem:s31+$0x1360];
	_ =	sdelay $0x4  }
0x6a: {  	[tilespmem:$0x1F9B0] =	vst v0;
	v0 =	vld [tilespmem:s31+$0x5360];
	_ =	sdelay $0x4  }
0x6b: {  	[tilespmem:$0x1F9C0] =	vst v0;
	v0 =	vld [tilespmem:s31+$0x13D0];
	_ =	sdelay $0x4  }
0x6c: {  	[tilespmem:$0x1F870] =	vst v0;
	v0 =	vld [tilespmem:s31+$0x53D0];
	_ =	sdelay $0x4  }
0x6d: {  	[tilespmem:$0x1F880] =	vst v0;
	v0 =	vld [tilespmem:s31+$0x14A0];
	_ =	sdelay $0x4  }
0x6e: {  	[tilespmem:$0x1F9E0] =	vst v0;
	v0 =	vld [tilespmem:s31+$0x1430];
	_ =	sdelay $0x4  }
0x6f: {  	[tilespmem:$0x1FA20] =	vst v0;
	v0 =	vld [tilespmem:s31+$0x1490];
	_ =	sdelay $0x4  }
0x70: {  	[tilespmem:$0x1FA30] =	vst v0;
	v0 =	vld [tilespmem:s31+$0x5490];
	_ =	sdelay $0x4  }
0x71: {  	[tilespmem:$0x1FA40] =	vst v0;
	v0 =	vld [tilespmem:s31+$0x11F0];
	_ =	sdelay $0x4  }
0x72: {  	[tilespmem:$0x1FA50] =	vst v0;
	v0 =	vld [tilespmem:s31+$0x51F0];
	_ =	sdelay $0x4  }
0x73: {  	[tilespmem:$0x1FA60] =	vst v0;
	v0 =	vld [tilespmem:s31+$0x1260];
	_ =	sdelay $0x4  }
0x74: {  	[tilespmem:$0x1F890] =	vst v0;
	v0 =	vld [tilespmem:s31+$0x12D0];
	_ =	sdelay $0x4  }
0x75: {  	[tilespmem:$0x1FA70] =	vst v0;
	v0 =	vld [tilespmem:s31+$0x52D0];
	_ =	sdelay $0x4  }
0x76: {  	[tilespmem:$0x1FA80] =	vst v0;
	v0 =	vld [tilespmem:s31+$0x1340];
	_ =	sdelay $0x4  }
0x77: {  	[tilespmem:$0x1FA90] =	vst v0;
	v0 =	vld [tilespmem:s31+$0x5340];
	_ =	sdelay $0x4  }
0x78: {  	[tilespmem:$0x1FAA0] =	vst v0;
	v0 =	vld [tilespmem:s31+$0x13B0];
	_ =	sdelay $0x4  }
0x79: {  	[tilespmem:$0x1FAB0] =	vst v0;
	v0 =	vld [tilespmem:s31+$0x53B0];
	_ =	sdelay $0x4  }
0x7a: {  	[tilespmem:$0x1FAC0] =	vst v0;
	v0 =	vld [tilespmem:s31+$0x11E0];
	_ =	sdelay $0x4  }
0x7b: {  	[tilespmem:$0x1FAE0] =	vst v0;
	v0 =	vld [tilespmem:s31+$0x51E0];
	_ =	sdelay $0x4  }
0x7c: {  	[tilespmem:$0x1FAF0] =	vst v0;
	v0 =	vld [tilespmem:s31+$0x1250];
	_ =	sdelay $0x4  }
0x7d: {  	[tilespmem:$0x1F8A0] =	vst v0;
	v0 =	vld [tilespmem:s31+$0x5250];
	_ =	sdelay $0x4  }
0x7e: {  	[tilespmem:$0x1F8B0] =	vst v0;
	v0 =	vld [tilespmem:s31+$0x13A0];
	_ =	sdelay $0x4  }
0x7f: {  	[tilespmem:$0x1FB00] =	vst v0;
	v0 =	vld [tilespmem:s31+$0x53A0];
	_ =	sdelay $0x4  }
0x80: {  	[tilespmem:$0x1FB10] =	vst v0;
	v0 =	vld [tilespmem:s31+$0x1240];
	_ =	sdelay $0x4  }
0x81: {  	[tilespmem:$0x1FB20] =	vst v0;
	v0 =	vld [tilespmem:s31+$0x5240];
	_ =	sdelay $0x4  }
0x82: {  	[tilespmem:$0x1FB30] =	vst v0;
	v0 =	vld [tilespmem:s31+$0x1390];
	_ =	sdelay $0x4  }
0x83: {  	[tilespmem:$0x1FB50] =	vst v0;
	v0 =	vld [tilespmem:s31+$0x10E0];
	_ =	sdelay $0x4  }
0x84: {  	[tilespmem:$0x1F8C0] =	vst v0;
	v0 =	vld [tilespmem:s31+$0x11C0];
	_ =	sdelay $0x4  }
0x85: {  	[tilespmem:$0x1FB80] =	vst v0;
	v0 =	vld [tilespmem:s31+$0x51C0];
	_ =	sdelay $0x4  }
0x86: {  	[tilespmem:$0x1FB90] =	vst v0;
	v0 =	vld [tilespmem:s31+$0x1230];
	_ =	sdelay $0x4  }
0x87: {  	[tilespmem:$0x1FBC0] =	vst v0;
	v0 =	vld [tilespmem:s31+$0x5230];
	_ =	sdelay $0x4  }
0x88: {  	[tilespmem:$0x1FBD0] =	vst v0;
	v0 =	vld [tilespmem:s31+$0x12A0];
	_ =	sdelay $0x4  }
0x89: {  	[tilespmem:$0x1FBA0] =	vst v0;
	v0 =	vld [tilespmem:s31+$0x52A0];
	_ =	sdelay $0x4  }
0x8a: {  	[tilespmem:$0x1FBB0] =	vst v0;
	v0 =	vld [tilespmem:s31+$0x1060];
	_ =	sdelay $0x4  }
0x8b: {  	[tilespmem:$0x1FBE0] =	vst v0;
	v0 =	vld [tilespmem:s31+$0x5060];
	_ =	sdelay $0x4  }
0x8c: {  	[tilespmem:$0x1FBF0] =	vst v0;
	v0 =	vld [tilespmem:s31+$0x10D0];
	_ =	sdelay $0x4  }
0x8d: {  	[tilespmem:$0x1F8D0] =	vst v0;
	v0 =	vld [tilespmem:s31+$0x50D0];
	_ =	sdelay $0x4  }
0x8e: {  	[tilespmem:$0x1F8E0] =	vst v0;
	v0 =	vld [tilespmem:s31+$0x1140];
	_ =	sdelay $0x4  }
0x8f: {  	[tilespmem:$0x1FC10] =	vst v0;
	v0 =	vld [tilespmem:s31+$0x5140];
	_ =	sdelay $0x4  }
0x90: {  	[tilespmem:$0x1FC20] =	vst v0;
	v0 =	vld [tilespmem:s31+$0x11B0];
	_ =	sdelay $0x4  }
0x91: {  	[tilespmem:$0x1FC30] =	vst v0;
	v0 =	vld [tilespmem:s31+$0x51B0];
	_ =	sdelay $0x4  }
0x92: {  	[tilespmem:$0x1FC40] =	vst v0;
	v0 =	vld [tilespmem:s31+$0x1220];
	_ =	sdelay $0x4  }
0x93: {  	[tilespmem:$0x1FC50] =	vst v0;
	v0 =	vld [tilespmem:s31+$0x5220];
	_ =	sdelay $0x4  }
0x94: {  	[tilespmem:$0x1FC60] =	vst v0;
	v0 =	vld [tilespmem:s31+$0xFE0];
	_ =	sdelay $0x4  }
0x95: {  	[tilespmem:$0x1FC80] =	vst v0;
	v0 =	vld [tilespmem:s31+$0x4FE0];
	_ =	sdelay $0x4  }
0x96: {  	[tilespmem:$0x1FC90] =	vst v0;
	v0 =	vld [tilespmem:s31+$0x1050];
	_ =	sdelay $0x4  }
0x97: {  	[tilespmem:$0x1FCA0] =	vst v0;
	v0 =	vld [tilespmem:s31+$0x5050];
	_ =	sdelay $0x4  }
0x98: {  	[tilespmem:$0x1FCB0] =	vst v0;
	v0 =	vld [tilespmem:s31+$0x10C0];
	_ =	sdelay $0x4  }
0x99: {  	[tilespmem:$0x1FCE0] =	vst v0;
	v0 =	vld [tilespmem:s31+$0x50C0];
	_ =	sdelay $0x4  }
0x9a: {  	[tilespmem:$0x1FCF0] =	vst v0;
	v0 =	vld [tilespmem:s31+$0x1130];
	_ =	sdelay $0x4  }
0x9b: {  	[tilespmem:$0x1FD10] =	vst v0;
	v0 =	vld [tilespmem:s31+$0x5130];
	_ =	sdelay $0x4  }
0x9c: {  	[tilespmem:$0x1FD20] =	vst v0;
	v0 =	vld [tilespmem:s31+$0x11A0];
	_ =	sdelay $0x4  }
0x9d: {  	[tilespmem:$0x1FCC0] =	vst v0;
	v0 =	vld [tilespmem:s31+$0x51A0];
	_ =	sdelay $0x4  }
0x9e: {  	[tilespmem:$0x1FCD0] =	vst v0;
	v0 =	vld [tilespmem:s31+$0x1210];
	_ =	sdelay $0x4  }
0x9f: {  	[tilespmem:$0x1FD30] =	vst v0;
	v0 =	vld [tilespmem:s31+$0x5210];
	_ =	sdelay $0x4  }
0xa0: {  	[tilespmem:$0x1FD40] =	vst v0;
	v0 =	vld [tilespmem:s31+$0xEF0];
	_ =	sdelay $0x4  }
0xa1: {  	[tilespmem:$0x1FD50] =	vst v0;
	v0 =	vld [tilespmem:s31+$0x4EF0];
	_ =	sdelay $0x4  }
0xa2: {  	[tilespmem:$0x1FD60] =	vst v0;
	v0 =	vld [tilespmem:s31+$0xF60];
	_ =	sdelay $0x4  }
0xa3: {  	[tilespmem:$0x1F8F0] =	vst v0;
	v0 =	vld [tilespmem:s31+$0xFD0];
	_ =	sdelay $0x4  }
0xa4: {  	[tilespmem:$0x1FD70] =	vst v0;
	v0 =	vld [tilespmem:s31+$0x4FD0];
	_ =	sdelay $0x4  }
0xa5: {  	[tilespmem:$0x1FD80] =	vst v0;
	v0 =	vld [tilespmem:s31+$0x1040];
	_ =	sdelay $0x4  }
0xa6: {  	[tilespmem:$0x1FD90] =	vst v0;
	v0 =	vld [tilespmem:s31+$0x5040];
	_ =	sdelay $0x4  }
0xa7: {  	[tilespmem:$0x1FDA0] =	vst v0;
	v0 =	vld [tilespmem:s31+$0x10B0];
	_ =	sdelay $0x4  }
0xa8: {  	[tilespmem:$0x1FE10] =	vst v0;
	v0 =	vld [tilespmem:s31+$0x50B0];
	_ =	sdelay $0x4  }
0xa9: {  	[tilespmem:$0x1FE20] =	vst v0;
	v0 =	vld [tilespmem:s31+$0x1120];
	_ =	sdelay $0x4  }
0xaa: {  	[tilespmem:$0x1FDD0] =	vst v0;
	v0 =	vld [tilespmem:s31+$0x5120];
	_ =	sdelay $0x4  }
0xab: {  	[tilespmem:$0x1FDE0] =	vst v0;
	v0 =	vld [tilespmem:s31+$0x1200];
	_ =	sdelay $0x4  }
0xac: {  	[tilespmem:$0x1FDB0] =	vst v0;
	v0 =	vld [tilespmem:s31+$0x5200];
	_ =	sdelay $0x4  }
0xad: {  	[tilespmem:$0x1FDC0] =	vst v0;
	v0 =	vld [tilespmem:s31+$0xE70];
	_ =	sdelay $0x4  }
0xae: {  	[tilespmem:$0x1FDF0] =	vst v0;
	v0 =	vld [tilespmem:s31+$0x4E70];
	_ =	sdelay $0x4  }
0xaf: {  	[tilespmem:$0x1FE00] =	vst v0;
	v0 =	vld [tilespmem:s31+$0xEE0];
	_ =	sdelay $0x4  }
0xb0: {  	[tilespmem:$0x1FE30] =	vst v0;
	v0 =	vld [tilespmem:s31+$0x4EE0];
	_ =	sdelay $0x4  }
0xb1: {  	[tilespmem:$0x1FE40] =	vst v0;
	v0 =	vld [tilespmem:s31+$0xF50];
	_ =	sdelay $0x4  }
0xb2: {  	[tilespmem:$0x1F900] =	vst v0;
	v0 =	vld [tilespmem:s31+$0x4F50];
	_ =	sdelay $0x4  }
0xb3: {  	[tilespmem:$0x1F910] =	vst v0;
	v0 =	vld [tilespmem:s31+$0xFC0];
	_ =	sdelay $0x4  }
0xb4: {  	[tilespmem:$0x1FE50] =	vst v0;
	v0 =	vld [tilespmem:s31+$0x4FC0];
	_ =	sdelay $0x4  }
0xb5: {  	[tilespmem:$0x1FE60] =	vst v0;
	v0 =	vld [tilespmem:s31+$0x1030];
	_ =	sdelay $0x4  }
0xb6: {  	[tilespmem:$0x1FE70] =	vst v0;
	v0 =	vld [tilespmem:s31+$0x5030];
	_ =	sdelay $0x4  }
0xb7: {  	[tilespmem:$0x1FE80] =	vst v0;
	v0 =	vld [tilespmem:s31+$0x10A0];
	_ =	sdelay $0x4  }
0xb8: {  	[tilespmem:$0x1FE90] =	vst v0;
	v0 =	vld [tilespmem:s31+$0x50A0];
	_ =	sdelay $0x4  }
0xb9: {  	[tilespmem:$0x1FEA0] =	vst v0;
	v0 =	vld [tilespmem:s31+$0xD70];
	_ =	sdelay $0x4  }
0xba: {  	[tilespmem:$0x1FEB0] =	vst v0;
	v0 =	vld [tilespmem:s31+$0x4D70];
	_ =	sdelay $0x4  }
0xbb: {  	[tilespmem:$0x1FEC0] =	vst v0;
	v0 =	vld [tilespmem:s31+$0xE60];
	_ =	sdelay $0x4  }
0xbc: {  	[tilespmem:$0x1FEF0] =	vst v0;
	v0 =	vld [tilespmem:s31+$0x4E60];
	_ =	sdelay $0x4  }
0xbd: {  	[tilespmem:$0x1FF00] =	vst v0;
	v0 =	vld [tilespmem:s31+$0xED0];
	_ =	sdelay $0x4  }
0xbe: {  	[tilespmem:$0x1FF10] =	vst v0;
	v0 =	vld [tilespmem:s31+$0x4ED0];
	_ =	sdelay $0x4  }
0xbf: {  	[tilespmem:$0x1FF20] =	vst v0;
	v0 =	vld [tilespmem:s31+$0xF40];
	_ =	sdelay $0x4  }
0xc0: {  	[tilespmem:$0x1F920] =	vst v0;
	v0 =	vld [tilespmem:s31+$0x4F40];
	_ =	sdelay $0x4  }
0xc1: {  	[tilespmem:$0x1F930] =	vst v0;
	v0 =	vld [tilespmem:s31+$0xFB0];
	_ =	sdelay $0x4  }
0xc2: {  	[tilespmem:$0x1FF50] =	vst v0;
	v0 =	vld [tilespmem:s31+$0x4FB0];
	_ =	sdelay $0x1  }
0xc3: {  	v2 =	vld [tilespmem:s31+$0x1470]  }
0xc4: {  	v4 =	vld [tilespmem:s31+$0x5470]  }
0xc5: {  	v1 =	vld [tilespmem:s31+$0x1460]  }
0xc6: {  	[tilespmem:$0x1FF60] =	vst v0;
	v0 =	vld [tilespmem:s31+$0x1020]  }
0xc7: {  	v19 =	vld [tilespmem:s31+$0x5460]  }
0xc8: {  	v56 =	vld [tilespmem:s31+$0x5450]  }
0xc9: {  	v3 =	vld [tilespmem:s31+$0x52F0]  }
0xca: {  	v51 =	vld [tilespmem:s31+$0x1440]  }
0xcb: {  	[tilespmem:$0x1FED0] =	vst v0;
	v0 =	vld [tilespmem:s31+$0x5020]  }
0xcc: {  	v31 =	vld [tilespmem:s31+$0x5440]  }
0xcd: {  	v55 =	vld [tilespmem:s31+$0x54A0]  }
0xce: {  	v62 =	vld [tilespmem:s31+$0x12E0]  }
0xcf: {  	v46 =	vld [tilespmem:s31+$0x52E0]  }
0xd0: {  	[tilespmem:$0x1FEE0] =	vst v0;
	v0 =	vld [tilespmem:s31+$0x1090]  }
0xd1: {  	v48 =	vld [tilespmem:s31+$0x1350]  }
0xd2: {  	v41 =	vld [tilespmem:s31+$0x5350]  }
0xd3: {  	v50 =	vld [tilespmem:s31+$0x13C0]  }
0xd4: {  	v39 =	vld [tilespmem:s31+$0x53C0]  }
0xd5: {  	[tilespmem:$0x1FF70] =	vst v0;
	v0 =	vld [tilespmem:s31+$0x5090]  }
0xd6: {  	v61 =	vld [tilespmem:s31+$0x5430]  }
0xd7: {  	v28 =	vld [tilespmem:s31+$0x1420]  }
0xd8: {  	v27 =	vld [tilespmem:s31+$0x5420]  }
0xd9: {  	v26 =	vld [tilespmem:s31+$0x1480]  }
0xda: {  	[tilespmem:$0x1FF80] =	vst v0;
	v0 =	vld [tilespmem:s31+$0xD60]  }
0xdb: {  	v25 =	vld [tilespmem:s31+$0x5480]  }
0xdc: {  	v43 =	vld [tilespmem:s31+$0x12C0]  }
0xdd: {  	v36 =	vld [tilespmem:s31+$0x52C0]  }
0xde: {  	v63 =	vld [tilespmem:s31+$0x1330]  }
0xdf: {  	[tilespmem:$0x1FF90] =	vst v0;
	v0 =	vld [tilespmem:s31+$0x4D60]  }
0xe0: {  	v49 =	vld [tilespmem:s31+$0x5330]  }
0xe1: {  	v18 =	vld [tilespmem:s31+$0x1410]  }
0xe2: {  	v16 =	vld [tilespmem:s31+$0x5410]  }
0xe3: {  	v38 =	vld [tilespmem:s31+$0x1160]  }
0xe4: {  	[tilespmem:$0x1FFA0] =	vst v0;
	v0 =	vld [tilespmem:s31+$0xE50]  }
0xe5: {  	v34 =	vld [tilespmem:s31+$0x5160]  }
0xe6: {  	v52 =	vld [tilespmem:s31+$0x11D0]  }
0xe7: {  	v42 =	vld [tilespmem:s31+$0x51D0]  }
0xe8: {  	v58 =	vld [tilespmem:s31+$0x12B0]  }
0xe9: {  	[tilespmem:$0x1FFB0] =	vst v0;
	v0 =	vld [tilespmem:s31+$0x4E50]  }
0xea: {  	v53 =	vld [tilespmem:s31+$0x52B0]  }
0xeb: {  	v57 =	vld [tilespmem:s31+$0x1320]  }
0xec: {  	v1 =	vmul.f32 v19, v1;
	v19 =	vld [tilespmem:s31+$0xEC0]  }
0xed: {  	v2 =	vmul.f32 v4, v2;
	v4 =	vld [tilespmem:$0x1F950]  }
0xee: {  	[tilespmem:$0x1FFC0] =	vst v0;
	v0 =	vld [tilespmem:$0x1F940]  }
0xef: {  	v29 =	vld [tilespmem:s31+$0x5320]  }
0xf0: {  	v8 =	vld [tilespmem:s31+$0x1400]  }
0xf1: {  	v7 =	vld [tilespmem:s31+$0x5400]  }
0xf2: {  	[tilespmem:$0x1FFD0] =	vst v19;
	v19 =	vld [tilespmem:$0x1F970]  }
0xf3: {  	v4 =	vmul.f32 v4, v0;
	v0 =	vld [tilespmem:$0x1F960]  }
0xf4: {  	v59 =	vld [tilespmem:s31+$0x5390]  }
0xf5: {  	v54 =	vld [tilespmem:s31+$0x1070]  }
0xf6: {  	v40 =	vld [tilespmem:s31+$0x5070]  }
0xf7: {  	v19 =	vmul.f32 v3, v19;
	v3 =	vld [tilespmem:$0x1F980]  }
0xf8: {  	v7 =	vmul.f32 v7, v8;
	v0 =	vmul.f32 v56, v0;
	v56 =	vld [tilespmem:$0x1F990]  }
0xf9: {  	v17 =	vld [tilespmem:s31+$0x1310]  }
0xfa: {  	v15 =	vld [tilespmem:s31+$0x5310];
	v16 =	vmul.f32 v16, v18;
	v7 =	vadd.f32 $0.0e+00, v7  }
0xfb: {  	v25 =	vmul.f32 v25, v26;
	v26 =	vld [tilespmem:$0x1FA30]  }
0xfc: {  	v7 =	vadd.f32 v16, v7;
	v16 =	vmul.f32 v27, v28;
	v27 =	vld [tilespmem:$0x1FA40]  }
0xfd: {  	v33 =	vld [tilespmem:s31+$0x1380];
	v3 =	vmul.f32 v56, v3  }
0xfe: {  	v41 =	vmul.f32 v41, v48;
	v48 =	vld [tilespmem:s31+$0xFA0]  }
0xff: {  	[tilespmem:$0x1F9A0] =	vst v3;
	v3 =	vld [tilespmem:s31+$0x4EC0]  }
0x100: {  	v8 =	vld [tilespmem:$0x1F9E0]  }
0x101: {  	v26 =	vmul.f32 v27, v26;
	v27 =	vld [tilespmem:$0x1FA50]  }
0x102: {  	v31 =	vmul.f32 v31, v51;
	v51 =	vld [tilespmem:$0x1FA60]  }
0x103: {  	v56 =	vld [tilespmem:$0x1F9C0]  }
0x104: {  	[tilespmem:$0x1FFE0] =	vst v3;
	v3 =	vld [tilespmem:$0x1F9B0]  }
0x105: {  	v30 =	vld [tilespmem:s31+$0x5380]  }
0x106: {  	v18 =	vld [tilespmem:s31+$0x4FA0]  }
0x107: {  	[tilespmem:$0x1FF30] =	vst v48;
	v48 =	vmul.f32 v51, v27;
	v27 =	vld [tilespmem:$0x1FA70]  }
0x108: {  	v8 =	vmul.f32 v55, v8;
	v55 =	vld [tilespmem:$0x1FA80]  }
0x109: {  	v3 =	vmul.f32 v56, v3;
	v56 =	vld [tilespmem:s31+$0xF30]  }
0x10a: {  	v60 =	vld [tilespmem:s31+$0xFF0]  }
0x10b: {  	v39 =	vmul.f32 v39, v50;
	[tilespmem:$0x1FF40] =	vst v18;
	v18 =	vld [tilespmem:$0x1FA20]  }
0x10c: {  	[tilespmem:$0x1F9F0] =	vst v8;
	v8 =	vld [tilespmem:s31+$0x4F30]  }
0x10d: {  	[tilespmem:$0x1FA10] =	vst v39;
	v39 =	vmul.f32 v55, v27;
	v27 =	vadd.f32 $0.0e+00, v25;
	v25 =	vld [tilespmem:$0x1FA90]  }
0x10e: {  	[tilespmem:$0x1F9D0] =	vst v56;
	v56 =	vld [tilespmem:$0x1FAA0]  }
0x10f: {  	v45 =	vld [tilespmem:s31+$0x4FF0]  }
0x110: {  	v6 =	vld [tilespmem:s31+$0x1300]  }
0x111: {  	v5 =	vld [tilespmem:s31+$0x5300]  }
0x112: {  	v7 =	vadd.f32 v16, v7;
	v18 =	vmul.f32 v61, v18;
	v61 =	vld [tilespmem:$0x1FAC0]  }
0x113: {  	[tilespmem:$0x1FA00] =	vst v8;
	v8 =	vmul.f32 v46, v62;
	v46 =	vmul.f32 v56, v25;
	v25 =	vld [tilespmem:$0x1FAB0]  }
0x114: {  	v22 =	vld [tilespmem:s31+$0x1290];
	v7 =	vadd.f32 v18, v7  }
0x115: {  	v12 =	vld [tilespmem:s31+$0x1280]  }
0x116: {  	v11 =	vld [tilespmem:s31+$0x5280];
	v7 =	vadd.f32 v31, v7  }
0x117: {  	v5 =	vmul.f32 v5, v6;
	v18 =	vld [tilespmem:$0x1FB00]  }
0x118: {  	v0 =	vadd.f32 v0, v7;
	v25 =	vmul.f32 v61, v25;
	v61 =	vadd.f32 v26, v27;
	v26 =	vld [tilespmem:$0x1FB10]  }
0x119: {  	v20 =	vld [tilespmem:s31+$0x5290]  }
0x11a: {  	v15 =	vmul.f32 v15, v17;
	v5 =	vadd.f32 $0.0e+00, v5;
	v0 =	vadd.f32 v1, v0;
	v1 =	vld [tilespmem:s31+$0x4F20]  }
0x11b: {  	v23 =	vld [tilespmem:s31+$0x1190]  }
0x11c: {  	v36 =	vmul.f32 v36, v43;
	v5 =	vadd.f32 v15, v5;
	v15 =	vmul.f32 v29, v57;
	v27 =	vld [tilespmem:$0x1FB30]  }
0x11d: {  	v7 =	vmul.f32 v11, v12;
	v43 =	vmul.f32 v26, v18;
	v18 =	vld [tilespmem:$0x1FB20]  }
0x11e: {  	v21 =	vld [tilespmem:s31+$0x5190]  }
0x11f: {  	v5 =	vadd.f32 v15, v5;
	v15 =	vld [tilespmem:$0x1FB80];
	v7 =	vadd.f32 $0.0e+00, v7;
	[tilespmem:$0x1FB70] =	vst v1;
	v1 =	vmul.f32 v20, v22  }
0x120: {  	v17 =	vmul.f32 v49, v63;
	v29 =	vmul.f32 v53, v58;
	v53 =	vadd.f32 v2, v0;
	v2 =	vld [tilespmem:$0x1FBB0]  }
0x121: {  	v0 =	vadd.f32 v1, v7;
	v1 =	vld [tilespmem:$0x1FBA0]  }
0x122: {  	v5 =	vadd.f32 v17, v5;
	v17 =	vld [tilespmem:$0x1FB90];
	v18 =	vmul.f32 v27, v18  }
0x123: {  	v7 =	vld [tilespmem:$0x1FBC0]  }
0x124: {  	[tilespmem:$0x1FB40] =	vst v18;
	v18 =	vld [tilespmem:$0x1FBD0]  }
0x125: {  	v10 =	vld [tilespmem:s31+$0x1180]  }
0x126: {  	v6 =	vld [tilespmem:s31+$0xD50];
	v1 =	vmul.f32 v2, v1;
	v2 =	vadd.f32 v46, v5  }
0x127: {  	v9 =	vld [tilespmem:s31+$0x5180];
	v15 =	vmul.f32 v17, v15;
	v17 =	vmul.f32 v30, v33  }
0x128: {  	v0 =	vadd.f32 v1, v0;
	v1 =	vadd.f32 v41, v2;
	v2 =	vld [tilespmem:s31+$0xD40]  }
0x129: {  	v58 =	vmul.f32 v18, v7;
	v7 =	vadd.f32 $0.0e+00, v17;
	v17 =	vld [tilespmem:$0x1FBE0]  }
0x12a: {  	v18 =	vld [tilespmem:$0x1FBF0]  }
0x12b: {  	[tilespmem:$0x1FFF0] =	vst v6;
	v6 =	vld [tilespmem:$0x1FAE0]  }
0x12c: {  	v11 =	vld [tilespmem:$0x1FB50]  }
0x12d: {  	v16 =	vld [tilespmem:$0x1FAF0]  }
0x12e: {  	[tilespmem:$0x1FC00] =	vst v2;
	v2 =	vld [tilespmem:$0x1FC10]  }
0x12f: {  	v1 =	vadd.f32 v3, v1;
	v30 =	vmul.f32 v18, v17;
	v17 =	vld [tilespmem:$0x1FC20]  }
0x130: {  	v3 =	vld [tilespmem:$0x1FC50]  }
0x131: {  	v11 =	vmul.f32 v59, v11;
	v33 =	vadd.f32 v4, v1;
	v1 =	vld [tilespmem:$0x1FCA0]  }
0x132: {  	v49 =	vmul.f32 v40, v54;
	v4 =	vld [tilespmem:$0x1FCB0]  }
0x133: {  	v40 =	vmul.f32 v45, v60;
	v31 =	vmul.f32 v42, v52;
	v60 =	vadd.f32 v11, v7;
	v7 =	vld [tilespmem:$0x1FC30]  }
0x134: {  	v42 =	vmul.f32 v17, v2;
	v2 =	vmul.f32 v9, v10;
	v9 =	vld [tilespmem:$0x1FC40]  }
0x135: {  	v10 =	vld [tilespmem:$0x1FC60];
	_ =	sdelay $0x1  }
0x136: {  	v6 =	vmul.f32 v16, v6  }
0x137: {  	v16 =	vmul.f32 v34, v38;
	v34 =	vmul.f32 v4, v1  }
0x138: {  	v4 =	vld [tilespmem:$0x1FCD0];
	v2 =	vadd.f32 $0.0e+00, v2;
	v7 =	vmul.f32 v9, v7;
	v9 =	vmul.f32 v21, v23  }
0x139: {  	v3 =	vmul.f32 v10, v3;
	v10 =	vld [tilespmem:$0x1FC90]  }
0x13a: {  	v1 =	vadd.f32 v9, v2;
	v2 =	vld [tilespmem:$0x1FCC0]  }
0x13b: {  	[tilespmem:$0x1FC70] =	vst v3;
	v3 =	vld [tilespmem:$0x1FC80];
	_ =	sdelay $0x3  }
0x13c: {  	v2 =	vmul.f32 v4, v2  }
0x13d: {  	v3 =	vmul.f32 v10, v3;
	v10 =	vld [tilespmem:$0x1FD40]  }
0x13e: {  	v1 =	vadd.f32 v2, v1;
	v2 =	vld [tilespmem:$0x1FD30]  }
0x13f: {  	v9 =	vld [tilespmem:$0x1FCF0]  }
0x140: {  	v4 =	vld [tilespmem:$0x1FCE0];
	_ =	sdelay $0x1  }
0x141: {  	v11 =	vld [tilespmem:$0x1FD60]  }
0x142: {  	v10 =	vmul.f32 v10, v2;
	v2 =	vld [tilespmem:$0x1FD50]  }
0x143: {  	v14 =	vld [tilespmem:s31+$0x1100]  }
0x144: {  	v13 =	vld [tilespmem:s31+$0x5100];
	v4 =	vmul.f32 v9, v4  }
0x145: {  	v9 =	vld [tilespmem:$0x1FD20]  }
0x146: {  	[tilespmem:$0x1FD00] =	vst v4;
	v4 =	vld [tilespmem:$0x1FD10]  }
0x147: {  	v38 =	vmul.f32 v11, v2;
	v2 =	vld [tilespmem:$0x1FD70]  }
0x148: {  	v11 =	vld [tilespmem:$0x1FD80];
	_ =	sdelay $0x3  }
0x149: {  	v4 =	vmul.f32 v9, v4;
	v9 =	vmul.f32 v13, v14;
	v13 =	vld [tilespmem:$0x1FDA0]  }
0x14a: {  	v45 =	vmul.f32 v11, v2;
	v11 =	vld [tilespmem:$0x1FD90];
	_ =	sdelay $0x1  }
0x14b: {  	v32 =	vld [tilespmem:s31+$0x1110]  }
0x14c: {  	v24 =	vld [tilespmem:s31+$0x5110];
	_ =	sdelay $0x1  }
0x14d: {  	v14 =	vmul.f32 v13, v11;
	v11 =	vld [tilespmem:$0x1FDB0]  }
0x14e: {  	v13 =	vld [tilespmem:$0x1FDC0]  }
0x14f: {  	v37 =	vld [tilespmem:s31+$0x1150];
	v0 =	vadd.f32 v29, v0  }
0x150: {  	v35 =	vld [tilespmem:s31+$0x5150];
	v1 =	vadd.f32 v7, v1;
	v7 =	vadd.f32 $0.0e+00, v9;
	v2 =	vmul.f32 v24, v32  }
0x151: {  	v12 =	vld [tilespmem:s31+$0xF20]  }
0x152: {  	v0 =	vadd.f32 v36, v0;
	v7 =	vadd.f32 v2, v7;
	v2 =	vld [tilespmem:$0x1FDD0]  }
0x153: {  	v11 =	vmul.f32 v13, v11;
	v13 =	vld [tilespmem:$0x1FDE0]  }
0x154: {  	v0 =	vadd.f32 v39, v0;
	_ =	sdelay $0x1  }
0x155: {  	v0 =	vadd.f32 v8, v0  }
0x156: {  	v15 =	vadd.f32 v15, v1;
	v1 =	vld [tilespmem:$0x1FDF0]  }
0x157: {  	[tilespmem:$0x1FB60] =	vst v12;
	v12 =	vmul.f32 v35, v37;
	v35 =	vadd.f32 v19, v0;
	v19 =	vmul.f32 v13, v2;
	v2 =	vld [tilespmem:$0x1FE00];
	_ =	sdelay $0x4  }
0x158: {  	v39 =	vmul.f32 v2, v1;
	v1 =	vld [tilespmem:$0x1FE10]  }
0x159: {  	v2 =	vld [tilespmem:$0x1FE20];
	_ =	sdelay $0x1  }
0x15a: {  	v47 =	vld [tilespmem:s31+$0x1170]  }
0x15b: {  	v44 =	vld [tilespmem:s31+$0x5170];
	_ =	sdelay $0x1  }
0x15c: {  	v36 =	vmul.f32 v2, v1;
	v1 =	vld [tilespmem:$0x1FE30]  }
0x15d: {  	v2 =	vld [tilespmem:$0x1FE40]  }
0x15e: {  	v50 =	vld [tilespmem:s31+$0x1080]  }
0x15f: {  	v44 =	vmul.f32 v44, v47;
	v47 =	vld [tilespmem:s31+$0x4EB0]  }
0x160: {  	v54 =	vld [tilespmem:s31+$0x4F90]  }
0x161: {  	v13 =	vld [tilespmem:$0x1FE60]  }
0x162: {  	v1 =	vmul.f32 v2, v1;
	v2 =	vld [tilespmem:$0x1FE50]  }
0x163: {  	v63 =	vld [tilespmem:s31+$0xEA0]  }
0x164: {  	v28 =	vld [tilespmem:s31+$0x5010];
	v23 =	vadd.f32 $0.0e+00, v11  }
0x165: {  	v57 =	vld [tilespmem:s31+$0x4EA0]  }
0x166: {  	v37 =	vadd.f32 v10, v23;
	v10 =	vld [tilespmem:$0x1FE80]  }
0x167: {  	v15 =	vadd.f32 v31, v15;
	v31 =	vmul.f32 v13, v2;
	v2 =	vld [tilespmem:$0x1FE70]  }
0x168: {  	v62 =	vld [tilespmem:s31+$0x1010]  }
0x169: {  	v8 =	vld [tilespmem:s31+$0xF80]  }
0x16a: {  	v9 =	vld [tilespmem:s31+$0x4F80]  }
0x16b: {  	v13 =	vld [tilespmem:$0x1FEA0]  }
0x16c: {  	v10 =	vmul.f32 v10, v2;
	v2 =	vld [tilespmem:$0x1FE90]  }
0x16d: {  	v52 =	vld [tilespmem:s31+$0xEB0]  }
0x16e: {  	v51 =	vld [tilespmem:s31+$0x4D50];
	v6 =	vadd.f32 v6, v15  }
0x16f: {  	v55 =	vld [tilespmem:s31+$0xE40]  }
0x170: {  	v9 =	vmul.f32 v9, v8;
	v8 =	vadd.f32 v48, v6;
	v6 =	vld [tilespmem:$0x1FEC0]  }
0x171: {  	v41 =	vmul.f32 v13, v2;
	v2 =	vld [tilespmem:$0x1FEB0]  }
0x172: {  	v59 =	vld [tilespmem:s31+$0x4D40];
	v19 =	vadd.f32 v19, v7  }
0x173: {  	v22 =	vld [tilespmem:s31+$0xF90]  }
0x174: {  	v20 =	vld [tilespmem:s31+$0x5000];
	v4 =	vadd.f32 v4, v19  }
0x175: {  	v29 =	vld [tilespmem:s31+$0x4E10]  }
0x176: {  	v4 =	vadd.f32 v42, v4;
	v42 =	vmul.f32 v6, v2;
	v2 =	vld [tilespmem:$0x1FED0]  }
0x177: {  	v6 =	vld [tilespmem:$0x1FEE0]  }
0x178: {  	v56 =	vld [tilespmem:s31+$0xE30]  }
0x179: {  	v0 =	vld [tilespmem:s31+$0xD30]  }
0x17a: {  	v5 =	vld [tilespmem:s31+$0x1000]  }
0x17b: {  	v12 =	vadd.f32 v12, v4;
	v4 =	vld [tilespmem:$0x1FF00]  }
0x17c: {  	v6 =	vmul.f32 v6, v2;
	v2 =	vld [tilespmem:$0x1FEF0]  }
0x17d: {  	v46 =	vld [tilespmem:s31+$0x4F10]  }
0x17e: {  	[tilespmem:$0x1FAD0] =	vst v25;
	v25 =	vld [tilespmem:s31+$0x5080]  }
0x17f: {  	v5 =	vmul.f32 v20, v5;
	v20 =	vld [tilespmem:s31+$0xF00]  }
0x180: {  	v19 =	vmul.f32 v54, v22;
	v22 =	vadd.f32 $0.0e+00, v9;
	v9 =	vld [tilespmem:$0x1FF20]  }
0x181: {  	v4 =	vmul.f32 v4, v2;
	v2 =	vld [tilespmem:$0x1FF10]  }
0x182: {  	v26 =	vld [tilespmem:s31+$0x4E40]  }
0x183: {  	v27 =	vld [tilespmem:s31+$0xE90]  }
0x184: {  	v18 =	vld [tilespmem:s31+$0x4E30]  }
0x185: {  	v13 =	vld [tilespmem:$0x1FF40]  }
0x186: {  	v9 =	vmul.f32 v9, v2;
	v2 =	vld [tilespmem:$0x1FF30]  }
0x187: {  	v5 =	vadd.f32 $0.0e+00, v5;
	v17 =	vld [tilespmem:s31+$0xF10];
	v15 =	vmul.f32 v28, v62  }
0x188: {  	v21 =	vld [tilespmem:s31+$0x4E90]  }
0x189: {  	v28 =	vld [tilespmem:s31+$0xE10];
	v5 =	vadd.f32 v15, v5  }
0x18a: {  	v15 =	vld [tilespmem:s31+$0xD20]  }
0x18b: {  	v5 =	vadd.f32 v6, v5;
	v6 =	vadd.f32 v19, v22;
	v19 =	vmul.f32 v13, v2;
	v2 =	vld [tilespmem:$0x1FF50]  }
0x18c: {  	v13 =	vld [tilespmem:$0x1FF60]  }
0x18d: {  	v32 =	vld [tilespmem:s31+$0x4D30]  }
0x18e: {  	v24 =	vld [tilespmem:s31+$0x4F00];
	v12 =	vadd.f32 v16, v12;
	v10 =	vadd.f32 v10, v5  }
0x18f: {  	v48 =	vld [tilespmem:s31+$0xE80];
	v6 =	vadd.f32 v19, v6  }
0x190: {  	v19 =	vadd.f32 v44, v12;
	v12 =	vadd.f32 v14, v10;
	v10 =	vld [tilespmem:$0x1FFB0]  }
0x191: {  	v22 =	vmul.f32 v13, v2;
	v13 =	vld [tilespmem:$0x1FFC0]  }
0x192: {  	v5 =	vld [tilespmem:$0x1FF80]  }
0x193: {  	v2 =	vld [tilespmem:$0x1FF70]  }
0x194: {  	v11 =	vld [tilespmem:s31+$0xE20]  }
0x195: {  	v16 =	vmul.f32 v25, v50;
	v25 =	vld [tilespmem:s31+$0x4E80]  }
0x196: {  	v14 =	vmul.f32 v13, v10;
	v10 =	vld [tilespmem:$0x1FFD0]  }
0x197: {  	v13 =	vld [tilespmem:$0x1FFE0]  }
0x198: {  	v50 =	vmul.f32 v5, v2;
	v2 =	vld [tilespmem:$0x1FF90]  }
0x199: {  	v5 =	vld [tilespmem:$0x1FFA0]  }
0x19a: {  	v23 =	vld [tilespmem:s31+$0x4D20]  }
0x19b: {  	v7 =	vld [tilespmem:s31+$0x4E20]  }
0x19c: {  	v62 =	vadd.f32 $0.0e+00, v16;
	v16 =	vmul.f32 v13, v10;
	v13 =	vadd.f32 v22, v6;
	v6 =	vld [tilespmem:$0x1FFF0]  }
0x19d: {  	v44 =	vld [tilespmem:s31+$0xE00]  }
0x19e: {  	v48 =	vmul.f32 v25, v48;
	v5 =	vmul.f32 v5, v2;
	v2 =	vld [tilespmem:s31+$0x4E00]  }
0x19f: {  	v25 =	vmul.f32 v47, v52;
	v47 =	vmul.f32 v21, v27;
	v27 =	vld [tilespmem:s31+$0x4D10];
	v34 =	vadd.f32 v34, v12  }
0x1a0: {  	v21 =	vld [tilespmem:s31+$0xD80];
	v12 =	vmul.f32 v26, v55;
	v13 =	vadd.f32 v31, v13  }
0x1a1: {  	(xrf2) =	vadd.scan.msk.f32 $0xffff, v53;
	v26 =	vld [tilespmem:s31+$0x4D00];
	v10 =	vmul.f32 v51, v6;
	v6 =	vadd.f32 v50, v62;
	v62 =	vadd.f32 v30, v34  }
0x1a2: {  	(xrf2) =	vadd.scan.msk.f32 $0xffff, v33;
	v18 =	vmul.f32 v18, v56;
	v48 =	vadd.f32 $0.0e+00, v48;
	v31 =	vmul.f32 v57, v63;
	v30 =	vld [tilespmem:s31+$0xD00]  }
0x1a3: {  	s1 =	simm.s32 $0x1;
	(xrf2) =	vadd.scan.msk.f32 $0xffff, v35;
	v22 =	vld [tilespmem:s31+$0xD10];
	v45 =	vadd.f32 v45, v13;
	v44 =	vmul.f32 v2, v44;
	v13 =	vadd.f32 v49, v62  }
.LBB2_4:
0x1a4: {  	_ =	sdelay $0x1  }
0x1a5: {  	v2 =	vadd.f32 v3, v45;
	v17 =	vmul.f32 v46, v17  }
0x1a6: {  	v44 =	vadd.f32 $0.0e+00, v44;
	v20 =	vmul.f32 v24, v20;
	v24 =	vmul.f32 v26, v30  }
0x1a7: {  	v28 =	vmul.f32 v29, v28;
	v30 =	vadd.f32 v40, v2;
	v2 =	vmul.f32 v7, v11  }
0x1a8: {  	v22 =	vmul.f32 v27, v22;
	v11 =	vadd.f32 $0.0e+00, v20;
	v20 =	vadd.f32 $0.0e+00, v24  }
0x1a9: {  	v47 =	vadd.f32 v47, v48;
	v28 =	vadd.f32 v28, v44  }
0x1aa: {  	v15 =	vmul.f32 v23, v15;
	v11 =	vadd.f32 v17, v11;
	v17 =	vadd.f32 v22, v20  }
0x1ab: {  	v29 =	vadd.f32 v31, v47  }
0x1ac: {  	v28 =	vadd.f32 v2, v28;
	v2 =	vmul.f32 v32, v0;
	v15 =	vadd.f32 v15, v17  }
0x1ad: {  	v27 =	vld [tilespmem:s31+$0xDB0];
	v25 =	vadd.f32 v25, v29  }
0x1ae: {  	(xrf2) =	vadd.scan.msk.f32 $0xffff, v8;
	v2 =	vadd.f32 v2, v15;
	v15 =	vld [tilespmem:$0x1FC00]  }
0x1af: {  	v3, _, _ =	vpop (xrf2);
	(xrf2) =	vadd.scan.msk.f32 $0xffff, v19;
	v19 =	vld [tilespmem:s31+$0x4DB0];
	v16 =	vadd.f32 v16, v25;
	_ =	sdelay $0x1  }
0x1b0: {  	v49 =	vld [tilespmem:s31+$0x4D80];
	v9 =	vadd.f32 v9, v16  }
0x1b1: {  	v35 =	vld [tilespmem:s31+$0xD90]  }
0x1b2: {  	v26 =	vld [tilespmem:s31+$0x4D90];
	v1 =	vadd.f32 v1, v9;
	v15 =	vmul.f32 v59, v15  }
0x1b3: {  	v18 =	vadd.f32 v18, v28;
	v9 =	vmul.f32 v19, v27;
	v19 =	vld [tilespmem:$0x1FB70]  }
0x1b4: {  	v2 =	vadd.f32 v15, v2;
	v15 =	vadd.f32 v38, v1;
	v1 =	vld [tilespmem:$0x1FB60]  }
0x1b5: {  	v8 =	vld [tilespmem:s31+$0xDA0]  }
0x1b6: {  	v24 =	vld [tilespmem:s31+$0x4DA0];
	v12 =	vadd.f32 v12, v18  }
0x1b7: {  	v21 =	vmul.f32 v49, v21;
	v22 =	vld [tilespmem:s31+$0xDC0]  }
0x1b8: {  	v17 =	vld [tilespmem:s31+$0x4DC0];
	v12 =	vadd.f32 v14, v12  }
0x1b9: {  	v20 =	vadd.f32 $0.0e+00, v21;
	v21 =	vmul.f32 v26, v35;
	v16 =	vld [tilespmem:s31+$0xDD0];
	v19 =	vmul.f32 v19, v1  }
0x1ba: {  	v4 =	vadd.f32 v4, v12;
	v12 =	vld [tilespmem:$0x1F9D0]  }
0x1bb: {  	v7, _, _ =	vpop (xrf2);
	(xrf2) =	vadd.scan.msk.f32 $0xffff, v13;
	v13 =	vadd.f32 v21, v20;
	v8 =	vmul.f32 v24, v8;
	v11 =	vadd.f32 v19, v11;
	v19 =	vld [tilespmem:$0x1FA00]  }
0x1bc: {  	v18 =	vld [tilespmem:s31+$0x4DD0]  }
0x1bd: {  	v8 =	vadd.f32 v8, v13;
	v13 =	vld [tilespmem:s31+$0xDE0]  }
0x1be: {  	v14 =	vld [tilespmem:s31+$0x4DE0]  }
0x1bf: {  	v8 =	vadd.f32 v9, v8;
	v9 =	vmul.f32 v17, v22;
	v17 =	vld [tilespmem:s31+$0xDF0]  }
0x1c0: {  	v2 =	vadd.f32 v10, v2;
	v10 =	vld [tilespmem:s31+$0x4DF0];
	v12 =	vmul.f32 v19, v12  }
0x1c1: {  	v8 =	vadd.f32 v9, v8;
	v9 =	vmul.f32 v18, v16  }
0x1c2: {  	v2 =	vadd.f32 v5, v2;
	v5 =	vadd.f32 v12, v11;
	v11 =	vld [tilespmem:$0x1F920]  }
0x1c3: {  	v8 =	vadd.f32 v9, v8;
	v9 =	vmul.f32 v14, v13;
	v12 =	vld [tilespmem:$0x1F930]  }
0x1c4: {  	v0, _, _ =	vpop (xrf2);
	(xrf2) =	vadd.scan.msk.f32 $0xffff, v30;
	v4 =	vadd.f32 v39, v4  }
0x1c5: {  	v8 =	vadd.f32 v9, v8;
	v1, _, _ =	vpop (xrf2);
	(xrf2) =	vadd.scan.msk.f32 $0xffff, v15;
	v2 =	vadd.f32 v42, v2;
	v9 =	vmul.f32 v10, v17  }
0x1c6: {  	v16, _, _ =	vpop (xrf2);
	(xrf2) =	vadd.scan.msk.f32 $0xffff, v4  }
0x1c7: {  	v14, _, _ =	vpop (xrf2);
	(xrf2) =	vadd.scan.msk.f32 $0xffff, v2;
	v2 =	vadd.f32 v9, v8;
	v8 =	vld [tilespmem:$0x1FD00]  }
0x1c8: {  	v6 =	vadd.f32 v41, v6;
	v11 =	vmul.f32 v12, v11  }
0x1c9: {  	v9 =	vld [tilespmem:$0x1F8E0]  }
0x1ca: {  	v6 =	vadd.f32 v36, v6;
	v4 =	vadd.f32 v11, v5;
	v5 =	vld [tilespmem:$0x1F900]  }
0x1cb: {  	v11 =	vld [tilespmem:$0x1F910]  }
0x1cc: {  	v6 =	vadd.f32 v8, v6;
	v8 =	vld [tilespmem:$0x1F8D0];
	_ =	sdelay $0x2  }
0x1cd: {  	v13 =	vld [tilespmem:s31+$0x4F70]  }
0x1ce: {  	v15 =	vld [tilespmem:s31+$0x4F60];
	v5 =	vmul.f32 v11, v5  }
0x1cf: {  	v12 =	vld [tilespmem:s31+$0xF70];
	v8 =	vmul.f32 v9, v8  }
0x1d0: {  	v4 =	vadd.f32 v5, v4;
	v5 =	vld [tilespmem:$0x1F8F0]  }
0x1d1: {  	v6 =	vadd.f32 v8, v6;
	v8 =	vld [tilespmem:$0x1F8C0]  }
0x1d2: {  	v11 =	vld [tilespmem:s31+$0x50E0]  }
0x1d3: {  	v10 =	vld [tilespmem:s31+$0x10F0]  }
0x1d4: {  	v17 =	vld [tilespmem:$0x1FC70]  }
0x1d5: {  	v9 =	vld [tilespmem:s31+$0x5260];
	v5 =	vmul.f32 v15, v5  }
0x1d6: {  	v15 =	vld [tilespmem:s31+$0x50F0]  }
0x1d7: {  	v18, _, _ =	vpop (xrf2);
	v8 =	vmul.f32 v11, v8;
	v11 =	vld [tilespmem:s31+$0x5270];
	v4 =	vadd.f32 v5, v4;
	v5 =	vmul.f32 v13, v12  }
0x1d8: {  	v13 =	vld [tilespmem:s31+$0x1270];
	(xrf2) =	vadd.scan.msk.f32 $0xffff, v2  }
0x1d9: {  	v2 =	vadd.f32 v5, v4;
	v4 =	vld [tilespmem:$0x1FB40]  }
0x1da: {  	v17 =	vadd.f32 v17, v37  }
0x1db: {  	v6 =	vadd.f32 v8, v6;
	v8 =	vmul.f32 v15, v10;
	v10 =	vld [tilespmem:$0x1FAD0]  }
0x1dc: {  	v12 =	vadd.f32 v58, v17;
	v5 =	vld [tilespmem:$0x1F8A0]  }
0x1dd: {  	v19, _, _ =	vpop (xrf2);
	(xrf2) =	vadd.scan.msk.f32 $0xffff, v2;
	v2 =	vadd.f32 v8, v6;
	v6 =	vld [tilespmem:$0x1FA10]  }
0x1de: {  	v17 =	vadd.f32 v43, v60;
	v4 =	vadd.f32 v4, v12;
	v12 =	vld [tilespmem:$0x1F8B0];
	_ =	sdelay $0x1  }
0x1df: {  	v10 =	vadd.f32 v10, v17  }
0x1e0: {  	v8 =	vld [tilespmem:$0x1F870]  }
0x1e1: {  	v6 =	vadd.f32 v6, v10;
	v10 =	vld [tilespmem:$0x1F880]  }
0x1e2: {  	v5 =	vmul.f32 v12, v5;
	_ =	sdelay $0x1  }
0x1e3: {  	v4 =	vadd.f32 v5, v4;
	v5 =	vld [tilespmem:$0x1F890];
	_ =	sdelay $0x1  }
0x1e4: {  	v8 =	vmul.f32 v10, v8  }
0x1e5: {  	v12 =	vld [tilespmem:s31+$0x53E0]  }
0x1e6: {  	v6 =	vadd.f32 v8, v6;
	v8 =	vld [tilespmem:$0x1F860]  }
0x1e7: {  	v15 =	vld [tilespmem:s31+$0x13F0];
	v5 =	vmul.f32 v9, v5  }
0x1e8: {  	v17 =	vld [tilespmem:$0x1F9F0]  }
0x1e9: {  	v4 =	vadd.f32 v5, v4;
	v5 =	vmul.f32 v11, v13;
	v11 =	vld [tilespmem:$0x1F840]  }
0x1ea: {  	v13 =	vld [tilespmem:$0x1F850]  }
0x1eb: {  	v8 =	vmul.f32 v12, v8;
	v12 =	vld [tilespmem:$0x1F9A0]  }
0x1ec: {  	v20, _, _ =	vpop (xrf2);
	(xrf2) =	vadd.scan.msk.f32 $0xffff, v2;
	v2 =	vadd.f32 v5, v4;
	v4 =	vld [tilespmem:$0x1F820]  }
0x1ed: {  	v5 =	vld [tilespmem:$0x1F830]  }
0x1ee: {  	v9 =	vld [tilespmem:s31+$0x53F0]  }
0x1ef: {  	v17 =	vadd.f32 v17, v61;
	v10 =	vld [tilespmem:s31+$0x14E0]  }
0x1f0: {  	v11 =	vmul.f32 v13, v11;
	v13 =	vld [tilespmem:s31+$0x54E0]  }
0x1f1: {  	v12 =	vadd.f32 v12, v17;
	v17 =	vld [tilespmem:s31+$0x14F0]  }
0x1f2: {  	v4 =	vmul.f32 v5, v4;
	v5 =	vld [tilespmem:s31+$0x54F0]  }
0x1f3: {  	v6 =	vadd.f32 v8, v6;
	v15 =	vmul.f32 v9, v15;
	v9 =	vadd.f32 v11, v12  }
0x1f4: {  	v21, _, _ =	vpop (xrf2);
	(xrf2) =	vadd.scan.msk.f32 $0xffff, v2  }
0x1f5: {  	v2 =	vadd.f32 v15, v6;
	v8, _, _ =	vpop (xrf2);
	v4 =	vadd.f32 v4, v9;
	v6 =	vmul.f32 v13, v10  }
0x1f6: {  	v11 =	vbroadcast v8, $0xF;
	v9 =	vbroadcast v21, $0xF  }
0x1f7: {  	(xrf2) =	vadd.scan.msk.f32 $0xffff, v2;
	v10 =	vbroadcast v20, $0xF;
	v4 =	vadd.f32 v6, v4;
	v5 =	vmul.f32 v5, v17  }
0x1f8: {  	v8, _, _ =	vpop (xrf2);
	v2 =	vsel vm0, v9, v11;
	v6 =	vbroadcast v19, $0xF  }
0x1f9: {  	v9 =	vbroadcast v8, $0xF;
	v2 =	vsel vm1, v2, v10;
	v4 =	vadd.f32 v5, v4  }
0x1fa: {  	v2 =	vsel vm2, v2, v6;
	v5 =	vbroadcast v18, $0xF  }
0x1fb: {  	v8, _, _ =	vpop (xrf2);
	v6 =	vbroadcast v14, $0xF;
	v2 =	vsel vm3, v2, v9;
	(xrf2) =	vadd.scan.msk.f32 $0xffff, v4  }
0x1fc: {  	v8 =	vbroadcast v8, $0xF;
	v2 =	vsel vm4, v2, v5  }
0x1fd: {  	v5 =	vbroadcast v16, $0xF;
	v2 =	vsel vm5, v2, v6  }
0x1fe: {  	v1 =	vbroadcast v1, $0xF;
	v2 =	vsel vm6, v2, v8;
	v4, _, _ =	vpop (xrf2)  }
0x1ff: {  	v2 =	vsel vm7, v2, v5;
	v5 =	vbroadcast v4, $0xF  }
0x200: {  	v0 =	vbroadcast v0, $0xF;
	v1 =	vsel vm8, v2, v1  }
0x201: {  	v4, _, _ =	vpop (xrf2);
	v2 =	vbroadcast v7, $0xF;
	v1 =	vsel vm9, v1, v5  }
0x202: {  	v4 =	vbroadcast v4, $0xF;
	v0 =	vsel vm10, v1, v0  }
0x203: {  	v0 =	vsel vm11, v0, v2;
	v2 =	vbroadcast v3, $0xF  }
0x204: {  	v0 =	vsel vm12, v0, v4  }
0x205: {  	s31 =	sshll.u32 s30, $0x4;
	v0 =	vsel vm13, v0, v2;
	v1, _, _ =	vpop (xrf2)  }
0x206: {  	s0 =	sand.u32 $0x3FFFFFF0, s31;
	v0 =	vsel vm14, v0, v1  }
0x207: {  	s31 =	sshll.u32 s1, $0xB;
	[tilespmem:s0+$0xCD00] =	vst v0  }
0x208: {  	v1 =	vld [tilespmem:s31+$0x1070];
	_ =	sdelay $0x4  }
0x209: {  	[tilespmem:$0x1F400] =	vst v1;
	v1 =	vld [tilespmem:s31+$0x5070];
	_ =	sdelay $0x4  }
0x20a: {  	[tilespmem:$0x1F410] =	vst v1;
	v1 =	vld [tilespmem:s31+$0x10E0];
	_ =	sdelay $0x4  }
0x20b: {  	[tilespmem:$0x1F8C0] =	vst v1;
	v1 =	vld [tilespmem:s31+$0x1150];
	_ =	sdelay $0x4  }
0x20c: {  	[tilespmem:$0x1F420] =	vst v1;
	v1 =	vld [tilespmem:s31+$0x5150];
	_ =	sdelay $0x4  }
0x20d: {  	[tilespmem:$0x1F430] =	vst v1;
	v1 =	vld [tilespmem:s31+$0x11C0];
	_ =	sdelay $0x4  }
0x20e: {  	[tilespmem:$0x1F440] =	vst v1;
	v1 =	vld [tilespmem:s31+$0x51C0];
	_ =	sdelay $0x4  }
0x20f: {  	[tilespmem:$0x1F450] =	vst v1;
	v1 =	vld [tilespmem:s31+$0x1230];
	_ =	sdelay $0x4  }
0x210: {  	[tilespmem:$0x1F490] =	vst v1;
	v1 =	vld [tilespmem:s31+$0x5230];
	_ =	sdelay $0x4  }
0x211: {  	[tilespmem:$0x1F4A0] =	vst v1;
	v1 =	vld [tilespmem:s31+$0x12A0];
	_ =	sdelay $0x4  }
0x212: {  	[tilespmem:$0x1F460] =	vst v1;
	v1 =	vld [tilespmem:s31+$0x52A0];
	_ =	sdelay $0x4  }
0x213: {  	[tilespmem:$0x1F470] =	vst v1;
	v1 =	vld [tilespmem:s31+$0xFF0];
	_ =	sdelay $0x4  }
0x214: {  	[tilespmem:$0x1F480] =	vst v1;
	v1 =	vld [tilespmem:s31+$0x1060];
	_ =	sdelay $0x4  }
0x215: {  	[tilespmem:$0x1F4B0] =	vst v1;
	v1 =	vld [tilespmem:s31+$0x5060];
	_ =	sdelay $0x4  }
0x216: {  	[tilespmem:$0x1F4C0] =	vst v1;
	v1 =	vld [tilespmem:s31+$0x10D0];
	_ =	sdelay $0x4  }
0x217: {  	[tilespmem:$0x1F8D0] =	vst v1;
	v1 =	vld [tilespmem:s31+$0x50D0];
	_ =	sdelay $0x4  }
0x218: {  	[tilespmem:$0x1F8E0] =	vst v1;
	v1 =	vld [tilespmem:s31+$0x1140];
	_ =	sdelay $0x4  }
0x219: {  	[tilespmem:$0x1F4D0] =	vst v1;
	v1 =	vld [tilespmem:s31+$0x5140];
	_ =	sdelay $0x4  }
0x21a: {  	[tilespmem:$0x1F4E0] =	vst v1;
	v1 =	vld [tilespmem:s31+$0x11B0];
	_ =	sdelay $0x4  }
0x21b: {  	[tilespmem:$0x1F4F0] =	vst v1;
	v1 =	vld [tilespmem:s31+$0x51B0];
	_ =	sdelay $0x4  }
0x21c: {  	[tilespmem:$0x1F500] =	vst v1;
	v1 =	vld [tilespmem:s31+$0x1220];
	_ =	sdelay $0x4  }
0x21d: {  	[tilespmem:$0x1F510] =	vst v1;
	v1 =	vld [tilespmem:s31+$0x5220];
	_ =	sdelay $0x4  }
0x21e: {  	[tilespmem:$0x1F520] =	vst v1;
	v1 =	vld [tilespmem:s31+$0xFE0];
	_ =	sdelay $0x4  }
0x21f: {  	[tilespmem:$0x1F530] =	vst v1;
	v1 =	vld [tilespmem:s31+$0x4FE0];
	_ =	sdelay $0x3  }
0x220: {  	v0 =	vld [tilespmem:s31+$0x14D0]  }
0x221: {  	[tilespmem:$0x1F540] =	vst v1;
	v1 =	vld [tilespmem:s31+$0x1050];
	_ =	sdelay $0x3  }
0x222: {  	[tilespmem:$0x1F820] =	vst v0;
	v0 =	vld [tilespmem:s31+$0x54D0]  }
0x223: {  	[tilespmem:$0x1F550] =	vst v1;
	v1 =	vld [tilespmem:s31+$0x5050];
	_ =	sdelay $0x3  }
0x224: {  	[tilespmem:$0x1F830] =	vst v0;
	v0 =	vld [tilespmem:s31+$0x14C0]  }
0x225: {  	[tilespmem:$0x1F560] =	vst v1;
	v1 =	vld [tilespmem:s31+$0x10C0];
	_ =	sdelay $0x3  }
0x226: {  	[tilespmem:$0x1F840] =	vst v0;
	v0 =	vld [tilespmem:s31+$0x54C0]  }
0x227: {  	[tilespmem:$0x1F580] =	vst v1;
	v1 =	vld [tilespmem:s31+$0x50C0];
	_ =	sdelay $0x3  }
0x228: {  	[tilespmem:$0x1F850] =	vst v0;
	v0 =	vld [tilespmem:s31+$0x13E0]  }
0x229: {  	[tilespmem:$0x1F590] =	vst v1;
	v1 =	vld [tilespmem:s31+$0x1130];
	_ =	sdelay $0x3  }
0x22a: {  	[tilespmem:$0x1F860] =	vst v0;
	v0 =	vld [tilespmem:s31+$0x13D0]  }
0x22b: {  	[tilespmem:$0x1F5A0] =	vst v1;
	v1 =	vld [tilespmem:s31+$0x5130];
	_ =	sdelay $0x3  }
0x22c: {  	[tilespmem:$0x1F870] =	vst v0;
	v0 =	vld [tilespmem:s31+$0x53D0]  }
0x22d: {  	[tilespmem:$0x1F5B0] =	vst v1;
	v1 =	vld [tilespmem:s31+$0x11A0];
	_ =	sdelay $0x3  }
0x22e: {  	[tilespmem:$0x1F880] =	vst v0;
	v0 =	vld [tilespmem:s31+$0x5350]  }
0x22f: {  	[tilespmem:$0x1F570] =	vst v1;
	v1 =	vld [tilespmem:s31+$0x1210];
	_ =	sdelay $0x3  }
0x230: {  	[tilespmem:$0x1F1C0] =	vst v0;
	v0 =	vld [tilespmem:s31+$0x13C0]  }
0x231: {  	[tilespmem:$0x1F5C0] =	vst v1;
	v1 =	vld [tilespmem:s31+$0x5210];
	_ =	sdelay $0x3  }
0x232: {  	[tilespmem:$0x1F1D0] =	vst v0;
	v0 =	vld [tilespmem:s31+$0x53C0]  }
0x233: {  	[tilespmem:$0x1F5D0] =	vst v1;
	v1 =	vld [tilespmem:s31+$0xEF0];
	_ =	sdelay $0x3  }
0x234: {  	[tilespmem:$0x1F1E0] =	vst v0;
	v0 =	vld [tilespmem:s31+$0x5430]  }
0x235: {  	[tilespmem:$0x1F5E0] =	vst v1;
	v1 =	vld [tilespmem:s31+$0xF60];
	_ =	sdelay $0x3  }
0x236: {  	[tilespmem:$0x1F1F0] =	vst v0;
	v0 =	vld [tilespmem:s31+$0x51F0]  }
0x237: {  	[tilespmem:$0x1F8F0] =	vst v1;
	v1 =	vld [tilespmem:s31+$0xFD0];
	_ =	sdelay $0x3  }
0x238: {  	[tilespmem:$0x1F240] =	vst v0;
	v0 =	vld [tilespmem:s31+$0x1260]  }
0x239: {  	[tilespmem:$0x1F5F0] =	vst v1;
	v1 =	vld [tilespmem:s31+$0x4FD0];
	_ =	sdelay $0x3  }
0x23a: {  	[tilespmem:$0x1F890] =	vst v0;
	v0 =	vld [tilespmem:s31+$0x12D0]  }
0x23b: {  	[tilespmem:$0x1F600] =	vst v1;
	v1 =	vld [tilespmem:s31+$0x1040];
	_ =	sdelay $0x3  }
0x23c: {  	[tilespmem:$0x1F250] =	vst v0;
	v0 =	vld [tilespmem:s31+$0x52D0]  }
0x23d: {  	[tilespmem:$0x1F610] =	vst v1;
	v1 =	vld [tilespmem:s31+$0x5040];
	_ =	sdelay $0x3  }
0x23e: {  	[tilespmem:$0x1F260] =	vst v0;
	v0 =	vld [tilespmem:s31+$0x1340]  }
0x23f: {  	[tilespmem:$0x1F620] =	vst v1;
	v1 =	vld [tilespmem:s31+$0x10B0];
	_ =	sdelay $0x3  }
0x240: {  	[tilespmem:$0x1F270] =	vst v0;
	v0 =	vld [tilespmem:s31+$0x5340]  }
0x241: {  	[tilespmem:$0x1F660] =	vst v1;
	v1 =	vld [tilespmem:s31+$0x50B0];
	_ =	sdelay $0x3  }
0x242: {  	[tilespmem:$0x1F280] =	vst v0;
	v0 =	vld [tilespmem:s31+$0x13B0]  }
0x243: {  	[tilespmem:$0x1F670] =	vst v1;
	v1 =	vld [tilespmem:s31+$0x1120];
	_ =	sdelay $0x3  }
0x244: {  	[tilespmem:$0x1F290] =	vst v0;
	v0 =	vld [tilespmem:s31+$0x53B0]  }
0x245: {  	[tilespmem:$0x1F630] =	vst v1;
	v1 =	vld [tilespmem:s31+$0x5120];
	_ =	sdelay $0x3  }
0x246: {  	[tilespmem:$0x1F2A0] =	vst v0;
	v0 =	vld [tilespmem:s31+$0x1420]  }
0x247: {  	[tilespmem:$0x1F640] =	vst v1;
	v1 =	vld [tilespmem:s31+$0xE70];
	_ =	sdelay $0x3  }
0x248: {  	[tilespmem:$0x1F220] =	vst v0;
	v0 =	vld [tilespmem:s31+$0x5420]  }
0x249: {  	[tilespmem:$0x1F650] =	vst v1;
	v1 =	vld [tilespmem:s31+$0xEE0];
	_ =	sdelay $0x3  }
0x24a: {  	[tilespmem:$0x1F230] =	vst v0;
	v0 =	vld [tilespmem:s31+$0x1480]  }
0x24b: {  	[tilespmem:$0x1F680] =	vst v1;
	v1 =	vld [tilespmem:s31+$0x4EE0];
	_ =	sdelay $0x3  }
0x24c: {  	[tilespmem:$0x1F200] =	vst v0;
	v0 =	vld [tilespmem:s31+$0x5480]  }
0x24d: {  	[tilespmem:$0x1F690] =	vst v1;
	v1 =	vld [tilespmem:s31+$0xF50];
	_ =	sdelay $0x3  }
0x24e: {  	[tilespmem:$0x1F210] =	vst v0;
	v0 =	vld [tilespmem:s31+$0x1170]  }
0x24f: {  	[tilespmem:$0x1F900] =	vst v1;
	v1 =	vld [tilespmem:s31+$0x4F50];
	_ =	sdelay $0x3  }
0x250: {  	[tilespmem:$0x1F2B0] =	vst v0;
	v0 =	vld [tilespmem:s31+$0x5170]  }
0x251: {  	[tilespmem:$0x1F910] =	vst v1;
	v1 =	vld [tilespmem:s31+$0xFC0];
	_ =	sdelay $0x3  }
0x252: {  	[tilespmem:$0x1F2C0] =	vst v0;
	v0 =	vld [tilespmem:s31+$0x11E0]  }
0x253: {  	[tilespmem:$0x1F6A0] =	vst v1;
	v1 =	vld [tilespmem:s31+$0x1030];
	_ =	sdelay $0x3  }
0x254: {  	[tilespmem:$0x1F2D0] =	vst v0;
	v0 =	vld [tilespmem:s31+$0x51E0]  }
0x255: {  	[tilespmem:$0x1F6B0] =	vst v1;
	v1 =	vld [tilespmem:s31+$0x5030];
	_ =	sdelay $0x3  }
0x256: {  	[tilespmem:$0x1F2E0] =	vst v0;
	v0 =	vld [tilespmem:s31+$0x1250]  }
0x257: {  	[tilespmem:$0x1F6C0] =	vst v1;
	v1 =	vld [tilespmem:s31+$0x10A0];
	_ =	sdelay $0x3  }
0x258: {  	[tilespmem:$0x1F8A0] =	vst v0;
	v0 =	vld [tilespmem:s31+$0x5250]  }
0x259: {  	[tilespmem:$0x1F6D0] =	vst v1;
	v1 =	vld [tilespmem:s31+$0x50A0];
	_ =	sdelay $0x3  }
0x25a: {  	[tilespmem:$0x1F8B0] =	vst v0;
	v0 =	vld [tilespmem:s31+$0x12C0]  }
0x25b: {  	[tilespmem:$0x1F6E0] =	vst v1;
	v1 =	vld [tilespmem:s31+$0xD70];
	_ =	sdelay $0x3  }
0x25c: {  	[tilespmem:$0x1F2F0] =	vst v0;
	v0 =	vld [tilespmem:s31+$0x52C0]  }
0x25d: {  	[tilespmem:$0x1F6F0] =	vst v1;
	v1 =	vld [tilespmem:s31+$0xE60];
	_ =	sdelay $0x3  }
0x25e: {  	[tilespmem:$0x1F300] =	vst v0;
	v0 =	vld [tilespmem:s31+$0x1330]  }
0x25f: {  	[tilespmem:$0x1F700] =	vst v1;
	v1 =	vld [tilespmem:s31+$0x4E60];
	_ =	sdelay $0x3  }
0x260: {  	[tilespmem:$0x1F310] =	vst v0;
	v0 =	vld [tilespmem:s31+$0x5330]  }
0x261: {  	[tilespmem:$0x1F710] =	vst v1;
	v1 =	vld [tilespmem:s31+$0xED0];
	_ =	sdelay $0x3  }
0x262: {  	[tilespmem:$0x1F320] =	vst v0;
	v0 =	vld [tilespmem:s31+$0x13A0]  }
0x263: {  	[tilespmem:$0x1F720] =	vst v1;
	v1 =	vld [tilespmem:s31+$0x4ED0];
	_ =	sdelay $0x3  }
0x264: {  	[tilespmem:$0x1F350] =	vst v0;
	v0 =	vld [tilespmem:s31+$0x53A0]  }
0x265: {  	[tilespmem:$0x1F730] =	vst v1;
	v1 =	vld [tilespmem:s31+$0xF40];
	_ =	sdelay $0x3  }
0x266: {  	[tilespmem:$0x1F360] =	vst v0;
	v0 =	vld [tilespmem:s31+$0x1160]  }
0x267: {  	[tilespmem:$0x1F920] =	vst v1;
	v1 =	vld [tilespmem:s31+$0x4F40];
	_ =	sdelay $0x3  }
0x268: {  	[tilespmem:$0x1F330] =	vst v0;
	v0 =	vld [tilespmem:s31+$0x5160]  }
0x269: {  	[tilespmem:$0x1F930] =	vst v1;
	v1 =	vld [tilespmem:s31+$0xFB0];
	_ =	sdelay $0x3  }
0x26a: {  	[tilespmem:$0x1F340] =	vst v0;
	v0 =	vld [tilespmem:s31+$0x11D0]  }
0x26b: {  	[tilespmem:$0x1F740] =	vst v1;
	v1 =	vld [tilespmem:s31+$0x4FB0];
	_ =	sdelay $0x3  }
0x26c: {  	[tilespmem:$0x1F370] =	vst v0;
	v0 =	vld [tilespmem:s31+$0x51D0]  }
0x26d: {  	[tilespmem:$0x1F750] =	vst v1;
	v1 =	vld [tilespmem:s31+$0x1090];
	_ =	sdelay $0x3  }
0x26e: {  	[tilespmem:$0x1F380] =	vst v0;
	v0 =	vld [tilespmem:s31+$0x1240]  }
0x26f: {  	[tilespmem:$0x1F760] =	vst v1;
	v1 =	vld [tilespmem:s31+$0x5090];
	_ =	sdelay $0x3  }
0x270: {  	[tilespmem:$0x1F3A0] =	vst v0;
	v0 =	vld [tilespmem:s31+$0x5240]  }
0x271: {  	[tilespmem:$0x1F770] =	vst v1;
	v1 =	vld [tilespmem:s31+$0xD60];
	_ =	sdelay $0x3  }
0x272: {  	[tilespmem:$0x1F3B0] =	vst v0;
	v0 =	vld [tilespmem:s31+$0x12B0]  }
0x273: {  	[tilespmem:$0x1F780] =	vst v1;
	v1 =	vld [tilespmem:s31+$0x4D60];
	_ =	sdelay $0x3  }
0x274: {  	[tilespmem:$0x1F3C0] =	vst v0;
	v0 =	vld [tilespmem:s31+$0x52B0]  }
0x275: {  	[tilespmem:$0x1F790] =	vst v1;
	v1 =	vld [tilespmem:s31+$0xE50];
	_ =	sdelay $0x3  }
0x276: {  	[tilespmem:$0x1F3D0] =	vst v0;
	v0 =	vld [tilespmem:s31+$0x1320]  }
0x277: {  	[tilespmem:$0x1F7A0] =	vst v1;
	v1 =	vld [tilespmem:s31+$0x4E50];
	_ =	sdelay $0x3  }
0x278: {  	[tilespmem:$0x1F390] =	vst v0;
	v0 =	vld [tilespmem:s31+$0x1390]  }
0x279: {  	[tilespmem:$0x1F7B0] =	vst v1;
	v1 =	vld [tilespmem:s31+$0xEC0];
	_ =	sdelay $0x1  }
0x27a: {  	v10 =	vld [tilespmem:s31+$0x14B0]  }
0x27b: {  	v14 =	vld [tilespmem:s31+$0x54B0]  }
0x27c: {  	[tilespmem:$0x1F3E0] =	vst v0;
	v0 =	vld [tilespmem:s31+$0x5390]  }
0x27d: {  	[tilespmem:$0x1F7C0] =	vst v1;
	v1 =	vld [tilespmem:s31+$0x4EC0]  }
0x27e: {  	v25 =	vld [tilespmem:s31+$0x14A0]  }
0x27f: {  	v29 =	vld [tilespmem:s31+$0x54A0]  }
0x280: {  	v4 =	vld [tilespmem:s31+$0x5400]  }
0x281: {  	[tilespmem:$0x1F3F0] =	vst v0;
	v0 =	vld [tilespmem:s31+$0x1400]  }
0x282: {  	[tilespmem:$0x1F7D0] =	vst v1;
	v1 =	vmul.f32 v14, v10;
	_ =	sdelay $0x1  }
0x283: {  	[tilespmem:$0x1F9A0] =	vst v1;
	v1 =	vld [tilespmem:s31+$0xF30]  }
0x284: {  	v7 =	vld [tilespmem:s31+$0x1370]  }
0x285: {  	v8 =	vld [tilespmem:s31+$0x5370];
	v4 =	vmul.f32 v4, v0;
	v0 =	vmul.f32 v29, v25  }
0x286: {  	v56 =	vld [tilespmem:s31+$0x1350]  }
0x287: {  	[tilespmem:$0x1F9F0] =	vst v0;
	v0 =	vld [tilespmem:$0x1F1C0]  }
0x288: {  	[tilespmem:$0x1F9D0] =	vst v1;
	v1 =	vld [tilespmem:s31+$0x4F30];
	_ =	sdelay $0x3  }
0x289: {  	v32 =	vmul.f32 v8, v7;
	v7 =	vmul.f32 v0, v56;
	v0 =	vld [tilespmem:$0x1F1D0]  }
0x28a: {  	[tilespmem:$0x1FA00] =	vst v1;
	v1 =	vld [tilespmem:$0x1F1E0];
	_ =	sdelay $0x3  }
0x28b: {  	v2 =	vld [tilespmem:s31+$0x1470]  }
0x28c: {  	v3 =	vld [tilespmem:s31+$0x5470];
	v0 =	vmul.f32 v1, v0  }
0x28d: {  	v59 =	vld [tilespmem:s31+$0x1430]  }
0x28e: {  	[tilespmem:$0x1FA10] =	vst v0;
	v0 =	vld [tilespmem:$0x1F1F0];
	_ =	sdelay $0x1  }
0x28f: {  	v31 =	vld [tilespmem:s31+$0x1410]  }
0x290: {  	v30 =	vld [tilespmem:s31+$0x5410]  }
0x291: {  	v1 =	vld [tilespmem:$0x1F210]  }
0x292: {  	v43 =	vmul.f32 v3, v2;
	v2 =	vmul.f32 v0, v59;
	v0 =	vld [tilespmem:$0x1F200];
	_ =	sdelay $0x4  }
0x293: {  	v30 =	vmul.f32 v30, v31;
	v31 =	vmul.f32 v1, v0;
	v0 =	vld [tilespmem:$0x1F220]  }
0x294: {  	v1 =	vld [tilespmem:$0x1F230];
	_ =	sdelay $0x2  }
0x295: {  	v5 =	vld [tilespmem:s31+$0x1460];
	v8 =	vadd.f32 $0.0e+00, v4  }
0x296: {  	v52 =	vld [tilespmem:s31+$0x11F0]  }
0x297: {  	v8 =	vadd.f32 v30, v8;
	v30 =	vmul.f32 v1, v0;
	v0 =	vld [tilespmem:$0x1F240]  }
0x298: {  	v6 =	vld [tilespmem:s31+$0x5460]  }
0x299: {  	v9 =	vld [tilespmem:s31+$0x1450]  }
0x29a: {  	v11 =	vld [tilespmem:s31+$0x5450]  }
0x29b: {  	v3 =	vld [tilespmem:$0x1F260]  }
0x29c: {  	v52 =	vmul.f32 v0, v52;
	v0 =	vld [tilespmem:$0x1F250];
	_ =	sdelay $0x3  }
0x29d: {  	v13 =	vmul.f32 v6, v5  }
0x29e: {  	v5 =	vmul.f32 v11, v9;
	v9 =	vmul.f32 v3, v0;
	v0 =	vld [tilespmem:$0x1F270]  }
0x29f: {  	v3 =	vld [tilespmem:$0x1F280];
	_ =	sdelay $0x3  }
0x2a0: {  	v15 =	vld [tilespmem:s31+$0x12F0]  }
0x2a1: {  	v4 =	vmul.f32 v3, v0;
	v0 =	vld [tilespmem:$0x1F290]  }
0x2a2: {  	v3 =	vld [tilespmem:$0x1F2A0]  }
0x2a3: {  	v19 =	vld [tilespmem:s31+$0x52F0]  }
0x2a4: {  	v18 =	vld [tilespmem:s31+$0x1360]  }
0x2a5: {  	v33 =	vld [tilespmem:s31+$0x1490]  }
0x2a6: {  	v61 =	vld [tilespmem:s31+$0x5490]  }
0x2a7: {  	v0 =	vmul.f32 v3, v0;
	v3 =	vld [tilespmem:s31+$0xD50]  }
0x2a8: {  	v21 =	vld [tilespmem:s31+$0x5360]  }
0x2a9: {  	v26 =	vld [tilespmem:s31+$0x12E0]  }
0x2aa: {  	v54 =	vld [tilespmem:s31+$0x52E0]  }
0x2ab: {  	v6 =	vld [tilespmem:$0x1F2C0]  }
0x2ac: {  	v31 =	vadd.f32 $0.0e+00, v31;
	v1 =	vmul.f32 v61, v33;
	[tilespmem:$0x1F7E0] =	vst v3;
	v3 =	vld [tilespmem:$0x1F2B0]  }
0x2ad: {  	v22 =	vld [tilespmem:s31+$0x1440]  }
0x2ae: {  	v27 =	vld [tilespmem:s31+$0x5440];
	v1 =	vadd.f32 v1, v31  }
0x2af: {  	v57 =	vld [tilespmem:s31+$0x5320]  }
0x2b0: {  	[tilespmem:$0x1F7F0] =	vst v1;
	v1 =	vld [tilespmem:$0x1F2D0]  }
0x2b1: {  	v11 =	vmul.f32 v54, v26;
	v54 =	vmul.f32 v6, v3;
	v3 =	vld [tilespmem:$0x1F2E0]  }
0x2b2: {  	v49 =	vld [tilespmem:s31+$0x1310]  }
0x2b3: {  	v63 =	vld [tilespmem:s31+$0x5310]  }
0x2b4: {  	v35 =	vld [tilespmem:s31+$0x1380]  }
0x2b5: {  	v34 =	vld [tilespmem:s31+$0x5380]  }
0x2b6: {  	v50 =	vmul.f32 v19, v15;
	v15 =	vmul.f32 v3, v1;
	v1 =	vld [tilespmem:$0x1F2F0]  }
0x2b7: {  	v3 =	vld [tilespmem:$0x1F300]  }
0x2b8: {  	v40 =	vld [tilespmem:s31+$0x4FF0]  }
0x2b9: {  	v45 =	vld [tilespmem:s31+$0x1290]  }
0x2ba: {  	v47 =	vld [tilespmem:s31+$0x5290]  }
0x2bb: {  	v12 =	vld [tilespmem:s31+$0x1300]  }
0x2bc: {  	v6 =	vmul.f32 v3, v1;
	v1 =	vld [tilespmem:$0x1F310]  }
0x2bd: {  	v3 =	vld [tilespmem:$0x1F320]  }
0x2be: {  	v58 =	vld [tilespmem:s31+$0x5300]  }
0x2bf: {  	v46 =	vld [tilespmem:s31+$0x51A0]  }
0x2c0: {  	v62 =	vld [tilespmem:s31+$0x1280]  }
0x2c1: {  	[tilespmem:$0x1FAD0] =	vst v0;
	v0 =	vadd.f32 v30, v8;
	v8 =	vld [tilespmem:$0x1F340]  }
0x2c2: {  	v1 =	vmul.f32 v3, v1;
	v3 =	vld [tilespmem:$0x1F330]  }
0x2c3: {  	v16 =	vld [tilespmem:s31+$0x5280]  }
0x2c4: {  	v38 =	vld [tilespmem:s31+$0x4EF0]  }
0x2c5: {  	v24 =	vld [tilespmem:s31+$0x1190]  }
0x2c6: {  	v17 =	vld [tilespmem:s31+$0x5190]  }
0x2c7: {  	v63 =	vmul.f32 v63, v49;
	v49 =	vmul.f32 v8, v3;
	v3 =	vld [tilespmem:$0x1F350]  }
0x2c8: {  	v8 =	vld [tilespmem:$0x1F360]  }
0x2c9: {  	v37 =	vld [tilespmem:s31+$0x1200]  }
0x2ca: {  	v36 =	vld [tilespmem:s31+$0x5200]  }
0x2cb: {  	v39 =	vld [tilespmem:s31+$0x4E70]  }
0x2cc: {  	v41 =	vld [tilespmem:s31+$0x4FC0]  }
0x2cd: {  	v23 =	vld [tilespmem:s31+$0x1110];
	v3 =	vmul.f32 v8, v3  }
0x2ce: {  	v8 =	vld [tilespmem:$0x1F380]  }
0x2cf: {  	[tilespmem:$0x1F800] =	vst v3;
	v3 =	vld [tilespmem:$0x1F370]  }
0x2d0: {  	v20 =	vld [tilespmem:s31+$0x5110]  }
0x2d1: {  	v53 =	vld [tilespmem:s31+$0x1180]  }
0x2d2: {  	v55 =	vld [tilespmem:s31+$0x5180]  }
0x2d3: {  	v42 =	vld [tilespmem:s31+$0x4D70]  }
0x2d4: {  	v8 =	vmul.f32 v8, v3;
	v3 =	vld [tilespmem:$0x1F390]  }
0x2d5: {  	v44 =	vld [tilespmem:s31+$0x1020];
	v60 =	vmul.f32 v27, v22;
	v12 =	vmul.f32 v58, v12;
	v0 =	vadd.f32 v2, v0  }
0x2d6: {  	v28 =	vld [tilespmem:s31+$0x5020]  }
0x2d7: {  	v51 =	vld [tilespmem:s31+$0x1100];
	v2 =	vadd.f32 $0.0e+00, v12;
	v0 =	vadd.f32 v60, v0  }
0x2d8: {  	v48 =	vld [tilespmem:s31+$0x5100]  }
0x2d9: {  	v2 =	vadd.f32 v63, v2;
	v0 =	vadd.f32 v5, v0;
	v5 =	vld [tilespmem:s31+$0xF20];
	v57 =	vmul.f32 v57, v3  }
0x2da: {  	v22 =	vld [tilespmem:s31+$0x4FA0]  }
0x2db: {  	v12 =	vld [tilespmem:$0x1F3B0];
	v2 =	vadd.f32 v57, v2  }
0x2dc: {  	v0 =	vadd.f32 v13, v0;
	v13 =	vmul.f32 v47, v45;
	v47 =	vld [tilespmem:$0x1F450]  }
0x2dd: {  	v1 =	vadd.f32 v1, v2;
	v2 =	vld [tilespmem:$0x1F440]  }
0x2de: {  	[tilespmem:$0x1FB60] =	vst v5;
	v5 =	vmul.f32 v16, v62;
	v3 =	vld [tilespmem:$0x1F3A0]  }
0x2df: {  	v26 =	vld [tilespmem:s31+$0x1080]  }
0x2e0: {  	v19 =	vld [tilespmem:s31+$0x5080];
	v5 =	vadd.f32 $0.0e+00, v5  }
0x2e1: {  	v58 =	vld [tilespmem:s31+$0xD40]  }
0x2e2: {  	v2 =	vmul.f32 v47, v2;
	v47 =	vadd.f32 v43, v0;
	v0 =	vadd.f32 v13, v5;
	v5 =	vld [tilespmem:$0x1F460]  }
0x2e3: {  	v3 =	vmul.f32 v12, v3;
	v13 =	vld [tilespmem:$0x1F470]  }
0x2e4: {  	v12 =	vld [tilespmem:$0x1F3D0]  }
0x2e5: {  	[tilespmem:$0x1FB40] =	vst v3;
	v3 =	vld [tilespmem:$0x1F3C0]  }
0x2e6: {  	v27 =	vld [tilespmem:s31+$0xEB0]  }
0x2e7: {  	v25 =	vld [tilespmem:s31+$0x4EB0];
	v1 =	vadd.f32 v4, v1  }
0x2e8: {  	[tilespmem:$0x1FC00] =	vst v58;
	v58 =	vld [tilespmem:s31+$0x4F80];
	v5 =	vmul.f32 v13, v5  }
0x2e9: {  	v10 =	vmul.f32 v21, v18;
	v1 =	vadd.f32 v7, v1;
	v7 =	vld [tilespmem:$0x1F4E0]  }
0x2ea: {  	v3 =	vmul.f32 v12, v3;
	v0 =	vadd.f32 v5, v0;
	v5 =	vld [tilespmem:$0x1F4D0]  }
0x2eb: {  	v29 =	vld [tilespmem:s31+$0xFA0];
	v1 =	vadd.f32 v10, v1  }
0x2ec: {  	v25 =	vmul.f32 v25, v27;
	v27 =	vld [tilespmem:s31+$0x4D10];
	v0 =	vadd.f32 v3, v0  }
0x2ed: {  	v33 =	vadd.f32 v32, v1;
	v1 =	vld [tilespmem:$0x1F550]  }
0x2ee: {  	v0 =	vadd.f32 v6, v0;
	v6 =	vld [tilespmem:$0x1F560]  }
0x2ef: {  	v56 =	vld [tilespmem:s31+$0x5010];
	v5 =	vmul.f32 v7, v5;
	v7 =	vmul.f32 v55, v53  }
0x2f0: {  	v18 =	vld [tilespmem:s31+$0x1010]  }
0x2f1: {  	v21 =	vld [tilespmem:s31+$0x4E40];
	v10 =	vmul.f32 v17, v24;
	v7 =	vadd.f32 $0.0e+00, v7  }
0x2f2: {  	v24 =	vld [tilespmem:$0x1F590]  }
0x2f3: {  	v6 =	vmul.f32 v6, v1;
	v1 =	vadd.f32 v10, v7;
	v10 =	vld [tilespmem:$0x1F580]  }
0x2f4: {  	v14 =	vld [tilespmem:$0x1F3F0]  }
0x2f5: {  	v59 =	vld [tilespmem:$0x1F4B0]  }
0x2f6: {  	v61 =	vld [tilespmem:$0x1F600]  }
0x2f7: {  	v7 =	vld [tilespmem:$0x1F570]  }
0x2f8: {  	v60 =	vld [tilespmem:$0x1F4C0];
	v10 =	vmul.f32 v24, v10  }
0x2f9: {  	v24 =	vld [tilespmem:$0x1F5B0]  }
0x2fa: {  	[tilespmem:$0x1FD00] =	vst v10;
	v10 =	vld [tilespmem:$0x1F5A0]  }
0x2fb: {  	v57 =	vld [tilespmem:$0x1F4A0]  }
0x2fc: {  	v12 =	vld [tilespmem:$0x1F3E0];
	v7 =	vmul.f32 v46, v7  }
0x2fd: {  	v13 =	vld [tilespmem:$0x1F490]  }
0x2fe: {  	v1 =	vadd.f32 v7, v1;
	v7 =	vld [tilespmem:$0x1F5C0]  }
0x2ff: {  	v10 =	vmul.f32 v24, v10;
	v24 =	vld [tilespmem:$0x1F5D0]  }
0x300: {  	v31 =	vld [tilespmem:s31+$0x4D50]  }
0x301: {  	v34 =	vmul.f32 v34, v35;
	v30 =	vld [tilespmem:s31+$0xE40]  }
0x302: {  	v45 =	vmul.f32 v60, v59;
	v59 =	vld [tilespmem:s31+$0x4D40]  }
0x303: {  	v4 =	vld [tilespmem:$0x1F480];
	v16 =	vmul.f32 v14, v12;
	v57 =	vmul.f32 v57, v13;
	v13 =	vadd.f32 $0.0e+00, v34  }
0x304: {  	v24 =	vmul.f32 v24, v7;
	v7 =	vld [tilespmem:$0x1F5E0]  }
0x305: {  	v63 =	vadd.f32 v16, v13;
	v13 =	vld [tilespmem:$0x1F4F0]  }
0x306: {  	v16 =	vld [tilespmem:$0x1F500]  }
0x307: {  	v43 =	vld [tilespmem:s31+$0x1000]  }
0x308: {  	v40 =	vmul.f32 v40, v4;
	v4 =	vld [tilespmem:s31+$0x5000]  }
0x309: {  	v38 =	vmul.f32 v38, v7;
	v7 =	vld [tilespmem:$0x1F5F0]  }
0x30a: {  	v60 =	vld [tilespmem:s31+$0xE90]  }
0x30b: {  	v17 =	vld [tilespmem:s31+$0xF10];
	v16 =	vmul.f32 v16, v13  }
0x30c: {  	v32 =	vld [tilespmem:s31+$0x4D30];
	v0 =	vadd.f32 v9, v0  }
0x30d: {  	v4 =	vmul.f32 v4, v43;
	v43 =	vld [tilespmem:s31+$0x4E90];
	v9 =	vmul.f32 v48, v51;
	v1 =	vadd.f32 v16, v1  }
0x30e: {  	v12 =	vld [tilespmem:s31+$0x4F20];
	v51 =	vmul.f32 v61, v7;
	v7 =	vadd.f32 v11, v0  }
0x30f: {  	v9 =	vadd.f32 $0.0e+00, v9;
	v2 =	vadd.f32 v2, v1;
	v1 =	vld [tilespmem:$0x1F650];
	v11 =	vmul.f32 v20, v23  }
0x310: {  	v50 =	vadd.f32 v50, v7;
	v7 =	vld [tilespmem:$0x1F630]  }
0x311: {  	v9 =	vadd.f32 v11, v9;
	v11 =	vld [tilespmem:$0x1F640]  }
0x312: {  	v14 =	vld [tilespmem:$0x1F410]  }
0x313: {  	v16 =	vld [tilespmem:$0x1F610]  }
0x314: {  	v39 =	vmul.f32 v39, v1;
	v1 =	vld [tilespmem:$0x1F660]  }
0x315: {  	v20 =	vld [tilespmem:$0x1F620]  }
0x316: {  	v23 =	vmul.f32 v11, v7;
	v7 =	vld [tilespmem:$0x1F670]  }
0x317: {  	v3 =	vld [tilespmem:$0x1F510]  }
0x318: {  	v34 =	vld [tilespmem:s31+$0x4E30]  }
0x319: {  	v2 =	vadd.f32 v8, v2;
	v8 =	vld [tilespmem:$0x1F6A0]  }
0x31a: {  	v16 =	vmul.f32 v20, v16;
	v20 =	vmul.f32 v36, v37;
	v37 =	vld [tilespmem:$0x1F690]  }
0x31b: {  	v36 =	vmul.f32 v7, v1;
	v1 =	vld [tilespmem:$0x1F680]  }
0x31c: {  	[tilespmem:$0x1FB70] =	vst v12;
	v12 =	vld [tilespmem:$0x1F400]  }
0x31d: {  	v53 =	vld [tilespmem:s31+$0xE30]  }
0x31e: {  	v13 =	vld [tilespmem:$0x1F520];
	v20 =	vadd.f32 $0.0e+00, v20  }
0x31f: {  	v61 =	vmul.f32 v41, v8;
	v8 =	vld [tilespmem:$0x1F6B0]  }
0x320: {  	v1 =	vmul.f32 v37, v1;
	v37 =	vadd.f32 v24, v20;
	v20 =	vld [tilespmem:$0x1F6C0]  }
0x321: {  	v55 =	vld [tilespmem:s31+$0xEA0];
	v12 =	vmul.f32 v14, v12  }
0x322: {  	v14 =	vld [tilespmem:$0x1F430]  }
0x323: {  	[tilespmem:$0x1F810] =	vst v12;
	v12 =	vld [tilespmem:$0x1F420];
	v9 =	vadd.f32 v23, v9  }
0x324: {  	v48 =	vld [tilespmem:s31+$0xF80];
	v3 =	vmul.f32 v13, v3  }
0x325: {  	v13 =	vld [tilespmem:$0x1F540];
	v2 =	vadd.f32 v15, v2;
	v35 =	vmul.f32 v20, v8;
	v8 =	vadd.f32 v10, v9  }
0x326: {  	[tilespmem:$0x1FC70] =	vst v3;
	v3 =	vld [tilespmem:$0x1F530]  }
0x327: {  	v5 =	vadd.f32 v5, v8;
	v8 =	vadd.f32 v52, v2;
	v2 =	vld [tilespmem:$0x1F6F0]  }
0x328: {  	v62 =	vmul.f32 v14, v12;
	v14 =	vld [tilespmem:s31+$0xF90]  }
0x329: {  	v12 =	vld [tilespmem:s31+$0x4F90]  }
0x32a: {  	v4 =	vadd.f32 $0.0e+00, v4;
	v15 =	vld [tilespmem:$0x1F6E0];
	v9 =	vmul.f32 v56, v18  }
0x32b: {  	v10 =	vld [tilespmem:$0x1F6D0]  }
0x32c: {  	v42 =	vmul.f32 v42, v2;
	v2 =	vadd.f32 v9, v4;
	v4 =	vld [tilespmem:$0x1F700]  }
0x32d: {  	v9 =	vld [tilespmem:$0x1F710]  }
0x32e: {  	(xrf2) =	vadd.scan.msk.f32 $0xffff, v47;
	v47 =	vmul.f32 v43, v60;
	v43 =	vld [tilespmem:$0x1F800]  }
0x32f: {  	v46 =	vld [tilespmem:s31+$0x4F10]  }
0x330: {  	v3 =	vmul.f32 v13, v3;
	v13 =	vld [tilespmem:s31+$0x4EA0]  }
0x331: {  	v12 =	vmul.f32 v12, v14;
	v14 =	vld [tilespmem:$0x1F730];
	v41 =	vmul.f32 v15, v10  }
0x332: {  	v10 =	vmul.f32 v58, v48;
	v4 =	vmul.f32 v9, v4;
	v9 =	vld [tilespmem:$0x1F720]  }
0x333: {  	v0 =	vld [tilespmem:s31+$0xD30]  }
0x334: {  	v11 =	vld [tilespmem:s31+$0xE20];
	v10 =	vadd.f32 $0.0e+00, v10  }
0x335: {  	v23 =	vld [tilespmem:s31+$0x4D20]  }
0x336: {  	v10 =	vadd.f32 v12, v10;
	v12 =	vmul.f32 v22, v29;
	v22 =	vld [tilespmem:$0x1F750]  }
0x337: {  	v9 =	vmul.f32 v14, v9;
	v14 =	vld [tilespmem:$0x1F740]  }
0x338: {  	v7 =	vld [tilespmem:s31+$0x4E20]  }
0x339: {  	v24 =	vld [tilespmem:s31+$0x4F00]  }
0x33a: {  	v20 =	vld [tilespmem:s31+$0xF00]  }
0x33b: {  	v10 =	vadd.f32 v12, v10;
	v12 =	vld [tilespmem:$0x1F760]  }
0x33c: {  	v22 =	vmul.f32 v22, v14;
	v14 =	vmul.f32 v19, v26;
	v19 =	vld [tilespmem:$0x1F770]  }
0x33d: {  	v18 =	vmul.f32 v28, v44;
	v28 =	vld [tilespmem:s31+$0xE10];
	v5 =	vadd.f32 v62, v5  }
0x33e: {  	v56 =	vld [tilespmem:s31+$0x4E00]  }
0x33f: {  	v52 =	vld [tilespmem:s31+$0x4E80];
	v5 =	vadd.f32 v49, v5  }
0x340: {  	v26 =	vld [tilespmem:$0x1F790]  }
0x341: {  	v2 =	vadd.f32 v18, v2;
	v12 =	vmul.f32 v19, v12;
	v19 =	vadd.f32 v54, v5;
	v5 =	vld [tilespmem:$0x1F780]  }
0x342: {  	v15 =	vld [tilespmem:s31+$0xD20]  }
0x343: {  	v2 =	vadd.f32 v35, v2;
	v62 =	vadd.f32 v22, v10;
	v10 =	vld [tilespmem:$0x1F7E0]  }
0x344: {  	v58 =	vmov v57;
	v57 =	vld [tilespmem:$0x1F7D0]  }
0x345: {  	v2 =	vadd.f32 v16, v2;
	v16 =	vld [tilespmem:$0x1F7B0]  }
0x346: {  	v5 =	vmul.f32 v26, v5;
	v26 =	vadd.f32 $0.0e+00, v14;
	v14 =	vld [tilespmem:$0x1F7A0]  }
0x347: {  	v18 =	vld [tilespmem:s31+$0xE80]  }
0x348: {  	v29 =	vld [tilespmem:s31+$0x4E10];
	v2 =	vadd.f32 v6, v2;
	v10 =	vmul.f32 v31, v10;
	v31 =	vadd.f32 v61, v62  }
0x349: {  	v54 =	vld [tilespmem:s31+$0xE00]  }
0x34a: {  	v2 =	vadd.f32 v45, v2;
	v45 =	vadd.f32 v51, v31;
	v31 =	vmul.f32 v13, v55;
	v13 =	vld [tilespmem:$0x1F810]  }
0x34b: {  	p0 =	sne.s32 s1, $0x7;
	v14 =	vmul.f32 v16, v14;
	v16 =	vld [tilespmem:$0x1F7C0]  }
.Ltmp1:
0x34c: {  	v22 =	vld [tilespmem:s31+$0xD10];
	(pc) =	sbr.rel @p0 .LBB2_4-.Ltmp1, $4  }
0x34d: {  	v61 =	vld [tilespmem:$0x1F7F0]  }
0x34e: {  	v6 =	vadd.f32 v12, v26;
	v26 =	vld [tilespmem:s31+$0x4D00];
	v12 =	vmul.f32 v21, v30;
	v21 =	vmul.f32 v52, v18  }
0x34f: {  	(xrf2) =	vadd.scan.msk.f32 $0xffff, v33;
	v44 =	vmul.f32 v56, v54;
	v30 =	vld [tilespmem:s31+$0xD00];
	v18 =	vmul.f32 v34, v53  }
0x350: {  	s30 =	smov.u32 s1;
	s1 =	sadd.s32 $0x1, s1;
	v60 =	vmovc v63;
	(xrf2) =	vadd.scan.msk.f32 $0xffff, v50;
	v48 =	vadd.f32 $0.0e+00, v21;
	v21 =	vld [tilespmem:s31+$0xD80];
	v13 =	vadd.f32 v13, v2;
	v16 =	vmul.f32 v57, v16  }
0x351: {  	v28 =	vmul.f32 v29, v28;
	v20 =	vmul.f32 v24, v20;
	v24 =	vadd.f32 $0.0e+00, v44  }
0x352: {  	v33 =	vld [tilespmem:s31+$0x4D80];
	v2 =	vadd.f32 v47, v48  }
0x353: {  	v29 =	vld [tilespmem:s31+$0xD90];
	v7 =	vmul.f32 v7, v11;
	v24 =	vadd.f32 v28, v24  }
0x354: {  	v26 =	vmul.f32 v26, v30;
	v2 =	vadd.f32 v31, v2;
	v30 =	vld [tilespmem:s31+$0x4D90]  }
0x355: {  	v17 =	vmul.f32 v46, v17;
	v11 =	vadd.f32 $0.0e+00, v20;
	v20 =	vld [tilespmem:s31+$0xDA0];
	v7 =	vadd.f32 v7, v24  }
0x356: {  	v2 =	vadd.f32 v25, v2;
	v25 =	vadd.f32 $0.0e+00, v26;
	v26 =	vld [tilespmem:s31+$0x4DA0]  }
0x357: {  	v11 =	vadd.f32 v17, v11;
	v17 =	vld [tilespmem:s31+$0xDB0];
	v21 =	vmul.f32 v33, v21  }
0x358: {  	v22 =	vmul.f32 v27, v22;
	v7 =	vadd.f32 v18, v7;
	v2 =	vadd.f32 v16, v2;
	v16 =	vld [tilespmem:s31+$0x4DB0]  }
0x359: {  	v15 =	vmul.f32 v23, v15;
	v18 =	vadd.f32 $0.0e+00, v21;
	v21 =	vld [tilespmem:s31+$0xDC0];
	v23 =	vmul.f32 v30, v29  }
0x35a: {  	v22 =	vadd.f32 v22, v25;
	v7 =	vadd.f32 v12, v7;
	v12 =	vld [tilespmem:$0x1FC00]  }
0x35b: {  	v2 =	vadd.f32 v9, v2;
	v9 =	vld [tilespmem:s31+$0x4DC0];
	v18 =	vadd.f32 v23, v18;
	v20 =	vmul.f32 v26, v20  }
0x35c: {  	v15 =	vadd.f32 v15, v22;
	v7 =	vadd.f32 v14, v7;
	v14 =	vld [tilespmem:$0x1FB60]  }
0x35d: {  	v0 =	vmul.f32 v32, v0;
	v1 =	vadd.f32 v1, v2;
	v2 =	vadd.f32 v20, v18;
	v18 =	vld [tilespmem:$0x1FB70]  }
0x35e: {  	v22 =	vld [tilespmem:s31+$0xDD0]  }
0x35f: {  	v0 =	vadd.f32 v0, v15;
	v15 =	vld [tilespmem:s31+$0x4DD0]  }
0x360: {  	v16 =	vmul.f32 v16, v17;
	v17 =	vld [tilespmem:s31+$0xDE0];
	v12 =	vmul.f32 v59, v12  }
0x361: {  	v4 =	vadd.f32 v4, v7;
	v7 =	vld [tilespmem:s31+$0x4DF0]  }
0x362: {  	v0 =	vadd.f32 v12, v0;
	v12 =	vld [tilespmem:s31+$0x4DE0];
	v14 =	vmul.f32 v18, v14  }
0x363: {  	v2 =	vadd.f32 v16, v2;
	v9 =	vmul.f32 v9, v21;
	v16 =	vld [tilespmem:s31+$0xDF0]  }
0x364: {  	v0 =	vadd.f32 v10, v0;
	v10 =	vadd.f32 v14, v11;
	v11 =	vld [tilespmem:$0x1F9D0]  }
0x365: {  	v3 =	vadd.f32 v3, v45;
	v2 =	vadd.f32 v9, v2;
	v9 =	vmul.f32 v15, v22;
	v14 =	vld [tilespmem:$0x1FA00]  }
0x366: {  	(xrf2) =	vadd.scan.msk.f32 $0xffff, v8  }
0x367: {  	(xrf2) =	vadd.scan.msk.f32 $0xffff, v19;
	v3 =	vadd.f32 v40, v3;
	v2 =	vadd.f32 v9, v2;
	v9 =	vmul.f32 v12, v17  }
0x368: {  	(xrf2) =	vadd.scan.msk.f32 $0xffff, v13  }
0x369: {  	(xrf2) =	vadd.scan.msk.f32 $0xffff, v3;
	v3 =	vmul.f32 v7, v16;
	v2 =	vadd.f32 v9, v2  }
0x36a: {  	v8 =	vld [tilespmem:$0x1F920];
	v11 =	vmul.f32 v14, v11  }
0x36b: {  	v2 =	vadd.f32 v3, v2;
	v3 =	vld [tilespmem:$0x1FD00]  }
0x36c: {  	v0 =	vadd.f32 v5, v0;
	v5 =	vadd.f32 v11, v10;
	v10 =	vld [tilespmem:$0x1F930]  }
0x36d: {  	v6 =	vadd.f32 v41, v6;
	v1 =	vadd.f32 v38, v1  }
0x36e: {  	v4 =	vadd.f32 v39, v4  }
0x36f: {  	v6 =	vadd.f32 v36, v6;
	(xrf2) =	vadd.scan.msk.f32 $0xffff, v1  }
0x370: {  	(xrf2) =	vadd.scan.msk.f32 $0xffff, v4;
	v4 =	vld [tilespmem:$0x1F8D0]  }
0x371: {  	v3 =	vadd.f32 v3, v6;
	v6 =	vld [tilespmem:$0x1F8E0];
	v8 =	vmul.f32 v10, v8  }
0x372: {  	v12 =	vld [tilespmem:$0x1F910]  }
0x373: {  	v5 =	vadd.f32 v8, v5;
	v8 =	vld [tilespmem:$0x1F900];
	_ =	sdelay $0x1  }
0x374: {  	v7 =	vld [tilespmem:s31+$0x10F0]  }
0x375: {  	v14 =	vld [tilespmem:s31+$0x4F60];
	v4 =	vmul.f32 v6, v4  }
0x376: {  	v11 =	vld [tilespmem:s31+$0x4F70]  }
0x377: {  	v3 =	vadd.f32 v4, v3;
	v4 =	vld [tilespmem:$0x1F8C0];
	v8 =	vmul.f32 v12, v8  }
0x378: {  	v12 =	vld [tilespmem:s31+$0x50E0]  }
0x379: {  	v1 =	vadd.f32 v8, v5;
	v5 =	vld [tilespmem:$0x1F8F0]  }
0x37a: {  	v8 =	vld [tilespmem:s31+$0x50F0]  }
0x37b: {  	v10 =	vld [tilespmem:s31+$0xF70];
	_ =	sdelay $0x1  }
0x37c: {  	v4 =	vmul.f32 v12, v4  }
0x37d: {  	v0 =	vadd.f32 v42, v0;
	v9 =	vld [tilespmem:$0x1FC70];
	v5 =	vmul.f32 v14, v5  }
0x37e: {  	v3 =	vadd.f32 v4, v3;
	v4 =	vmul.f32 v8, v7;
	v7 =	vld [tilespmem:$0x1FAD0]  }
0x37f: {  	(xrf2) =	vadd.scan.msk.f32 $0xffff, v0;
	v0 =	vadd.f32 v5, v1;
	v1 =	vmul.f32 v11, v10  }
0x380: {  	v3 =	vadd.f32 v4, v3;
	v4 =	vld [tilespmem:$0x1FA10]  }
0x381: {  	v12 =	vadd.f32 v43, v60;
	v0 =	vadd.f32 v1, v0;
	v1 =	vld [tilespmem:$0x1FB40]  }
0x382: {  	v9 =	vadd.f32 v9, v37  }
0x383: {  	v13 =	vld [tilespmem:$0x1F8B0];
	v7 =	vadd.f32 v7, v12  }
0x384: {  	v16 =	vld [tilespmem:$0x1F880];
	v5 =	vadd.f32 v58, v9  }
0x385: {  	v4 =	vadd.f32 v4, v7;
	v7 =	vld [tilespmem:$0x1F870]  }
0x386: {  	v1 =	vadd.f32 v1, v5;
	v5 =	vld [tilespmem:$0x1F8A0];
	_ =	sdelay $0x2  }
0x387: {  	v19 =	vld [tilespmem:$0x1F830]  }
0x388: {  	v6 =	vld [tilespmem:s31+$0x5260];
	v7 =	vmul.f32 v16, v7  }
0x389: {  	v5 =	vmul.f32 v13, v5;
	v13 =	vld [tilespmem:s31+$0x53E0]  }
0x38a: {  	v4 =	vadd.f32 v7, v4;
	v7 =	vld [tilespmem:$0x1F860]  }
0x38b: {  	v1 =	vadd.f32 v5, v1;
	v5 =	vld [tilespmem:$0x1F890]  }
0x38c: {  	v9 =	vld [tilespmem:s31+$0x1270]  }
0x38d: {  	v11 =	vld [tilespmem:s31+$0x5270]  }
0x38e: {  	v15 =	vld [tilespmem:$0x1F9F0]  }
0x38f: {  	v8 =	vld [tilespmem:s31+$0x13F0]  }
0x390: {  	v7 =	vmul.f32 v13, v7;
	v13 =	vld [tilespmem:$0x1F9A0];
	v5 =	vmul.f32 v6, v5  }
0x391: {  	v10, _, _ =	vpop (xrf2);
	(xrf2) =	vadd.scan.msk.f32 $0xffff, v2;
	v6 =	vld [tilespmem:s31+$0x53F0]  }
0x392: {  	v2, _, _ =	vpop (xrf2);
	v1 =	vadd.f32 v5, v1;
	v5 =	vmul.f32 v11, v9;
	v9 =	vld [tilespmem:$0x1F840]  }
0x393: {  	v14, _, _ =	vpop (xrf2);
	v11 =	vld [tilespmem:$0x1F850]  }
0x394: {  	v12, _, _ =	vpop (xrf2);
	v1 =	vadd.f32 v5, v1;
	v5 =	vld [tilespmem:$0x1F820]  }
0x395: {  	v15 =	vadd.f32 v15, v61;
	(xrf2) =	vadd.scan.msk.f32 $0xffff, v0;
	v0, _, _ =	vpop (xrf2)  }
0x396: {  	v17, _, _ =	vpop (xrf2);
	v16 =	vld [tilespmem:s31+$0x14E0]  }
0x397: {  	v18, _, _ =	vpop (xrf2);
	v13 =	vadd.f32 v13, v15;
	v15 =	vld [tilespmem:s31+$0x14F0];
	v6 =	vmul.f32 v6, v8  }
0x398: {  	(xrf2) =	vadd.scan.msk.f32 $0xffff, v3;
	v3, _, _ =	vpop (xrf2);
	v9 =	vmul.f32 v11, v9;
	v11 =	vld [tilespmem:s31+$0x54E0]  }
0x399: {  	v4 =	vadd.f32 v7, v4;
	v5 =	vmul.f32 v19, v5;
	v19 =	vld [tilespmem:s31+$0x54F0];
	v20, _, _ =	vpop (xrf2)  }
0x39a: {  	v8, _, _ =	vpop (xrf2)  }
0x39b: {  	(xrf2) =	vadd.scan.msk.f32 $0xffff, v1;
	v1 =	vadd.f32 v6, v4;
	v6, _, _ =	vpop (xrf2)  }
0x39c: {  	v7 =	vadd.f32 v9, v13;
	v6 =	vbroadcast v6, $0xF;
	_ =	sdelay $0x1  }
0x39d: {  	v4 =	vadd.f32 v5, v7;
	v7 =	vbroadcast v8, $0xF;
	_ =	sdelay $0x1  }
0x39e: {  	(xrf2) =	vadd.scan.msk.f32 $0xffff, v1;
	v5 =	vmul.f32 v11, v16;
	v1 =	vsel vm0, v7, v6;
	v6, _, _ =	vpop (xrf2)  }
0x39f: {  	v8 =	vbroadcast v20, $0xF;
	v6 =	vbroadcast v6, $0xF  }
0x3a0: {  	v3 =	vbroadcast v3, $0xF;
	v4 =	vadd.f32 v5, v4;
	v5 =	vmul.f32 v19, v15  }
0x3a1: {  	v1 =	vsel vm1, v1, v8  }
0x3a2: {  	v4 =	vadd.f32 v5, v4;
	v1 =	vsel vm2, v1, v3;
	v3 =	vbroadcast v18, $0xF  }
0x3a3: {  	v5 =	vbroadcast v17, $0xF;
	v1 =	vsel vm3, v1, v6;
	v6, _, _ =	vpop (xrf2)  }
0x3a4: {  	v1 =	vsel vm4, v1, v3;
	v3 =	vbroadcast v6, $0xF  }
0x3a5: {  	v0 =	vbroadcast v0, $0xF;
	(xrf2) =	vadd.scan.msk.f32 $0xffff, v4;
	v1 =	vsel vm5, v1, v5  }
0x3a6: {  	v4, _, _ =	vpop (xrf2);
	v1 =	vsel vm6, v1, v3;
	v3 =	vbroadcast v12, $0xF  }
0x3a7: {  	v0 =	vsel vm7, v1, v0;
	v1 =	vbroadcast v4, $0xF  }
0x3a8: {  	v0 =	vsel vm8, v0, v3;
	v3 =	vbroadcast v14, $0xF  }
0x3a9: {  	v0 =	vsel vm9, v0, v1;
	v1 =	vbroadcast v2, $0xF  }
0x3aa: {  	v0 =	vsel vm10, v0, v3  }
0x3ab: {  	v2, _, _ =	vpop (xrf2);
	v0 =	vsel vm11, v0, v1;
	v1 =	vbroadcast v10, $0xF  }
0x3ac: {  	v2 =	vbroadcast v2, $0xF;
	_ =	sdelay $0x1  }
0x3ad: {  	v0 =	vsel vm12, v0, v2  }
0x3ae: {  	s0 =	sshll.u32 s30, $0x4;
	v0 =	vsel vm13, v0, v1;
	v1, _, _ =	vpop (xrf2)  }
0x3af: {  	s0 =	sand.u32 $0x3FFFFFF0, s0;
	v0 =	vsel vm14, v0, v1  }
0x3b0: {  	s30 =	simm.s32 $0x0;
	[tilespmem:s0+$0xCD00] =	vst v0  }
0x3b1: {  	[hbm4b:s8+s30] =	stream.linear.scatter [tilespmem:s21], [sflag:$0x8], $0x80, $0x38;
	[tilespmem:$0xCE00] =	vst v63  }
0x3b2: {  	_ =	swait.ge [sflag:s22], $0x80  }
0x3b3: {  	[sflag:s22] =	ssyncset.done $0x0  }
0x3b4: {  	[sflag:s22] =	ssyncadd.s32 $0xFFFFFF80  }
0x3b5: {  	_ =	swait.ge [sflag:s23], $0x4000  }
0x3b6: {  	[sflag:s23] =	ssyncset.done $0x0  }
0x3b7: {  	[sflag:s23] =	ssyncadd.s32 $0xFFFFC000  }
0x3b8: {  	_ =	swait.ge [sflag:s24], $0x4000  }
0x3b9: {  	[sflag:s24] =	ssyncset.done $0x0  }
0x3ba: {  	[sflag:s24] =	ssyncadd.s32 $0xFFFFC000  }
0x3bb: {  	_ =	swait.ge [sflag:s25], $0x4000  }
0x3bc: {  	[sflag:s25] =	ssyncset.done $0x0  }
0x3bd: {  	[sflag:s25] =	ssyncadd.s32 $0xFFFFC000  }
0x3be: {  	_ =	swait.ge [sflag:s26], $0x4000  }
0x3bf: {  	[sflag:s26] =	ssyncset.done $0x0  }
0x3c0: {  	[sflag:s26] =	ssyncadd.s32 $0xFFFFC000  }
0x3c1: {  	_ =	swait.ge [sflag:s23], $0x4000  }
0x3c2: {  	[sflag:s23] =	ssyncset.done $0x0  }
0x3c3: {  	[sflag:s23] =	ssyncadd.s32 $0xFFFFC000  }
0x3c4: {  	_ =	swait.ge [sflag:s24], $0x4000  }
0x3c5: {  	[sflag:s24] =	ssyncset.done $0x0  }
0x3c6: {  	[sflag:s24] =	ssyncadd.s32 $0xFFFFC000  }
0x3c7: {  	_ =	swait.ge [sflag:s25], $0x4000  }
0x3c8: {  	[sflag:s25] =	ssyncset.done $0x0  }
0x3c9: {  	[sflag:s25] =	ssyncadd.s32 $0xFFFFC000  }
0x3ca: {  	_ =	swait.ge [sflag:s26], $0x4000  }
0x3cb: {  	[sflag:s26] =	ssyncset.done $0x0  }
0x3cc: {  	[sflag:s26] =	ssyncadd.s32 $0xFFFFC000  }
0x3cd: {  	_ =	swait.ge [sflag:s23], $0x4000  }
0x3ce: {  	[sflag:s23] =	ssyncset.done $0x0  }
0x3cf: {  	[sflag:s23] =	ssyncadd.s32 $0xFFFFC000  }
0x3d0: {  	_ =	swait.ge [sflag:s24], $0x4000  }
0x3d1: {  	[sflag:s24] =	ssyncset.done $0x0  }
0x3d2: {  	[sflag:s24] =	ssyncadd.s32 $0xFFFFC000  }
0x3d3: {  	_ =	swait.ge [sflag:s25], $0x4000  }
0x3d4: {  	[sflag:s25] =	ssyncset.done $0x0  }
0x3d5: {  	[sflag:s25] =	ssyncadd.s32 $0xFFFFC000  }
0x3d6: {  	_ =	swait.ge [sflag:s26], $0x4000  }
0x3d7: {  	[sflag:s26] =	ssyncset.done $0x0  }
0x3d8: {  	[sflag:s26] =	ssyncadd.s32 $0xFFFFC000  }
0x3d9: {  	_ =	swait.ge [sflag:s23], $0x4000  }
0x3da: {  	[sflag:s23] =	ssyncset.done $0x0  }
0x3db: {  	[sflag:s23] =	ssyncadd.s32 $0xFFFFC000  }
0x3dc: {  	_ =	swait.ge [sflag:s24], $0x4000  }
0x3dd: {  	[sflag:s24] =	ssyncset.done $0x0  }
0x3de: {  	[sflag:s24] =	ssyncadd.s32 $0xFFFFC000  }
0x3df: {  	_ =	swait.ge [sflag:s25], $0x4000  }
0x3e0: {  	[sflag:s25] =	ssyncset.done $0x0  }
0x3e1: {  	[sflag:s25] =	ssyncadd.s32 $0xFFFFC000  }
0x3e2: {  	_ =	swait.ge [sflag:s26], $0x4000  }
0x3e3: {  	[sflag:s26] =	ssyncset.done $0x0  }
0x3e4: {  	[sflag:s26] =	ssyncadd.s32 $0xFFFFC000  }
0x3e5: {  	_ =	swait.ge [sflag:s23], $0x4000  }
0x3e6: {  	[sflag:s23] =	ssyncset.done $0x0  }
0x3e7: {  	[sflag:s23] =	ssyncadd.s32 $0xFFFFC000  }
0x3e8: {  	_ =	swait.ge [sflag:s24], $0x4000  }
0x3e9: {  	[sflag:s24] =	ssyncset.done $0x0  }
0x3ea: {  	[sflag:s24] =	ssyncadd.s32 $0xFFFFC000  }
0x3eb: {  	_ =	swait.ge [sflag:s25], $0x4000  }
0x3ec: {  	[sflag:s25] =	ssyncset.done $0x0  }
0x3ed: {  	[sflag:s25] =	ssyncadd.s32 $0xFFFFC000  }
0x3ee: {  	_ =	swait.ge [sflag:s26], $0x4000  }
0x3ef: {  	[sflag:s26] =	ssyncset.done $0x0  }
0x3f0: {  	s31 =	simm.s32 $0x0;
	[sflag:s26] =	ssyncadd.s32 $0xFFFFC000  }
0x3f1: {  	v0 =	vld [tilespmem:s31+$0x14D0];
	_ =	sdelay $0x4  }
0x3f2: {  	[tilespmem:$0x1EA10] =	vst v0;
	v0 =	vld [tilespmem:s31+$0x94D0];
	_ =	sdelay $0x4  }
0x3f3: {  	[tilespmem:$0x1EA20] =	vst v0;
	v0 =	vld [tilespmem:s31+$0x14C0];
	_ =	sdelay $0x4  }
0x3f4: {  	[tilespmem:$0x1EA30] =	vst v0;
	v0 =	vld [tilespmem:s31+$0x94C0];
	_ =	sdelay $0x4  }
0x3f5: {  	[tilespmem:$0x1EA40] =	vst v0;
	v0 =	vld [tilespmem:s31+$0x1370];
	_ =	sdelay $0x4  }
0x3f6: {  	[tilespmem:$0x1EB30] =	vst v0;
	v0 =	vld [tilespmem:s31+$0x9370];
	_ =	sdelay $0x4  }
0x3f7: {  	[tilespmem:$0x1EB40] =	vst v0;
	v0 =	vld [tilespmem:s31+$0x13E0];
	_ =	sdelay $0x4  }
0x3f8: {  	[tilespmem:$0x1EA50] =	vst v0;
	v0 =	vld [tilespmem:s31+$0x1450];
	_ =	sdelay $0x4  }
0x3f9: {  	[tilespmem:$0x1EB50] =	vst v0;
	v0 =	vld [tilespmem:s31+$0x14B0];
	_ =	sdelay $0x4  }
0x3fa: {  	[tilespmem:$0x1EB70] =	vst v0;
	v0 =	vld [tilespmem:s31+$0x94B0];
	_ =	sdelay $0x4  }
0x3fb: {  	[tilespmem:$0x1EB80] =	vst v0;
	v0 =	vld [tilespmem:s31+$0x12F0];
	_ =	sdelay $0x4  }
0x3fc: {  	[tilespmem:$0x1EB60] =	vst v0;
	v0 =	vld [tilespmem:s31+$0x1360];
	_ =	sdelay $0x4  }
0x3fd: {  	[tilespmem:$0x1EBA0] =	vst v0;
	v0 =	vld [tilespmem:s31+$0x9360];
	_ =	sdelay $0x4  }
0x3fe: {  	[tilespmem:$0x1EBB0] =	vst v0;
	v0 =	vld [tilespmem:s31+$0x13D0];
	_ =	sdelay $0x4  }
0x3ff: {  	[tilespmem:$0x1EA60] =	vst v0;
	v0 =	vld [tilespmem:s31+$0x93D0];
	_ =	sdelay $0x4  }
0x400: {  	[tilespmem:$0x1EA70] =	vst v0;
	v0 =	vld [tilespmem:s31+$0x1430];
	_ =	sdelay $0x4  }
0x401: {  	[tilespmem:$0x1EC00] =	vst v0;
	v0 =	vld [tilespmem:s31+$0x9430];
	_ =	sdelay $0x4  }
0x402: {  	[tilespmem:$0x1EC10] =	vst v0;
	v0 =	vld [tilespmem:s31+$0x1490];
	_ =	sdelay $0x4  }
0x403: {  	[tilespmem:$0x1EC20] =	vst v0;
	v0 =	vld [tilespmem:s31+$0x9490];
	_ =	sdelay $0x4  }
0x404: {  	[tilespmem:$0x1EC30] =	vst v0;
	v0 =	vld [tilespmem:s31+$0x11F0];
	_ =	sdelay $0x4  }
0x405: {  	[tilespmem:$0x1EC40] =	vst v0;
	v0 =	vld [tilespmem:s31+$0x91F0];
	_ =	sdelay $0x4  }
0x406: {  	[tilespmem:$0x1EC50] =	vst v0;
	v0 =	vld [tilespmem:s31+$0x1260];
	_ =	sdelay $0x4  }
0x407: {  	[tilespmem:$0x1EA80] =	vst v0;
	v0 =	vld [tilespmem:s31+$0x12D0];
	_ =	sdelay $0x4  }
0x408: {  	[tilespmem:$0x1EC60] =	vst v0;
	v0 =	vld [tilespmem:s31+$0x92D0];
	_ =	sdelay $0x4  }
0x409: {  	[tilespmem:$0x1EC70] =	vst v0;
	v0 =	vld [tilespmem:s31+$0x1340];
	_ =	sdelay $0x4  }
0x40a: {  	[tilespmem:$0x1EC80] =	vst v0;
	v0 =	vld [tilespmem:s31+$0x9340];
	_ =	sdelay $0x4  }
0x40b: {  	[tilespmem:$0x1EC90] =	vst v0;
	v0 =	vld [tilespmem:s31+$0x13B0];
	_ =	sdelay $0x4  }
0x40c: {  	[tilespmem:$0x1ECA0] =	vst v0;
	v0 =	vld [tilespmem:s31+$0x93B0];
	_ =	sdelay $0x4  }
0x40d: {  	[tilespmem:$0x1ECB0] =	vst v0;
	v0 =	vld [tilespmem:s31+$0x11E0];
	_ =	sdelay $0x4  }
0x40e: {  	[tilespmem:$0x1ECD0] =	vst v0;
	v0 =	vld [tilespmem:s31+$0x91E0];
	_ =	sdelay $0x4  }
0x40f: {  	[tilespmem:$0x1ECE0] =	vst v0;
	v0 =	vld [tilespmem:s31+$0x1250];
	_ =	sdelay $0x4  }
0x410: {  	[tilespmem:$0x1EA90] =	vst v0;
	v0 =	vld [tilespmem:s31+$0x9250];
	_ =	sdelay $0x4  }
0x411: {  	[tilespmem:$0x1EAA0] =	vst v0;
	v0 =	vld [tilespmem:s31+$0x1330];
	_ =	sdelay $0x4  }
0x412: {  	[tilespmem:$0x1ECF0] =	vst v0;
	v0 =	vld [tilespmem:s31+$0x13A0];
	_ =	sdelay $0x4  }
0x413: {  	[tilespmem:$0x1ED00] =	vst v0;
	v0 =	vld [tilespmem:s31+$0x93A0];
	_ =	sdelay $0x4  }
0x414: {  	[tilespmem:$0x1ED10] =	vst v0;
	v0 =	vld [tilespmem:s31+$0x1240];
	_ =	sdelay $0x4  }
0x415: {  	[tilespmem:$0x1ED30] =	vst v0;
	v0 =	vld [tilespmem:s31+$0x1390];
	_ =	sdelay $0x4  }
0x416: {  	[tilespmem:$0x1ED40] =	vst v0;
	v0 =	vld [tilespmem:s31+$0x10E0];
	_ =	sdelay $0x4  }
0x417: {  	[tilespmem:$0x1EAB0] =	vst v0;
	v0 =	vld [tilespmem:s31+$0x11C0];
	_ =	sdelay $0x4  }
0x418: {  	[tilespmem:$0x1ED70] =	vst v0;
	v0 =	vld [tilespmem:s31+$0x91C0];
	_ =	sdelay $0x4  }
0x419: {  	[tilespmem:$0x1ED80] =	vst v0;
	v0 =	vld [tilespmem:s31+$0x1230];
	_ =	sdelay $0x4  }
0x41a: {  	[tilespmem:$0x1EDB0] =	vst v0;
	v0 =	vld [tilespmem:s31+$0x9230];
	_ =	sdelay $0x4  }
0x41b: {  	[tilespmem:$0x1EDC0] =	vst v0;
	v0 =	vld [tilespmem:s31+$0x12A0];
	_ =	sdelay $0x4  }
0x41c: {  	[tilespmem:$0x1ED90] =	vst v0;
	v0 =	vld [tilespmem:s31+$0x92A0];
	_ =	sdelay $0x4  }
0x41d: {  	[tilespmem:$0x1EDA0] =	vst v0;
	v0 =	vld [tilespmem:s31+$0x1060];
	_ =	sdelay $0x4  }
0x41e: {  	[tilespmem:$0x1EDD0] =	vst v0;
	v0 =	vld [tilespmem:s31+$0x9060];
	_ =	sdelay $0x4  }
0x41f: {  	[tilespmem:$0x1EDE0] =	vst v0;
	v0 =	vld [tilespmem:s31+$0x10D0];
	_ =	sdelay $0x4  }
0x420: {  	[tilespmem:$0x1EAC0] =	vst v0;
	v0 =	vld [tilespmem:s31+$0x90D0];
	_ =	sdelay $0x4  }
0x421: {  	[tilespmem:$0x1EAD0] =	vst v0;
	v0 =	vld [tilespmem:s31+$0x1140];
	_ =	sdelay $0x4  }
0x422: {  	[tilespmem:$0x1EE00] =	vst v0;
	v0 =	vld [tilespmem:s31+$0x9140];
	_ =	sdelay $0x4  }
0x423: {  	[tilespmem:$0x1EE10] =	vst v0;
	v0 =	vld [tilespmem:s31+$0x11B0];
	_ =	sdelay $0x4  }
0x424: {  	[tilespmem:$0x1EE20] =	vst v0;
	v0 =	vld [tilespmem:s31+$0x91B0];
	_ =	sdelay $0x4  }
0x425: {  	[tilespmem:$0x1EE30] =	vst v0;
	v0 =	vld [tilespmem:s31+$0x1220];
	_ =	sdelay $0x4  }
0x426: {  	[tilespmem:$0x1EE40] =	vst v0;
	v0 =	vld [tilespmem:s31+$0x9220];
	_ =	sdelay $0x4  }
0x427: {  	[tilespmem:$0x1EE50] =	vst v0;
	v0 =	vld [tilespmem:s31+$0xFE0];
	_ =	sdelay $0x4  }
0x428: {  	[tilespmem:$0x1EE70] =	vst v0;
	v0 =	vld [tilespmem:s31+$0x8FE0];
	_ =	sdelay $0x4  }
0x429: {  	[tilespmem:$0x1EE80] =	vst v0;
	v0 =	vld [tilespmem:s31+$0x1050];
	_ =	sdelay $0x4  }
0x42a: {  	[tilespmem:$0x1EE90] =	vst v0;
	v0 =	vld [tilespmem:s31+$0x9050];
	_ =	sdelay $0x4  }
0x42b: {  	[tilespmem:$0x1EEA0] =	vst v0;
	v0 =	vld [tilespmem:s31+$0x10C0];
	_ =	sdelay $0x4  }
0x42c: {  	[tilespmem:$0x1EED0] =	vst v0;
	v0 =	vld [tilespmem:s31+$0x90C0];
	_ =	sdelay $0x4  }
0x42d: {  	[tilespmem:$0x1EEE0] =	vst v0;
	v0 =	vld [tilespmem:s31+$0x1130];
	_ =	sdelay $0x4  }
0x42e: {  	[tilespmem:$0x1EF00] =	vst v0;
	v0 =	vld [tilespmem:s31+$0x9130];
	_ =	sdelay $0x4  }
0x42f: {  	[tilespmem:$0x1EF10] =	vst v0;
	v0 =	vld [tilespmem:s31+$0x11A0];
	_ =	sdelay $0x4  }
0x430: {  	[tilespmem:$0x1EEB0] =	vst v0;
	v0 =	vld [tilespmem:s31+$0x91A0];
	_ =	sdelay $0x4  }
0x431: {  	[tilespmem:$0x1EEC0] =	vst v0;
	v0 =	vld [tilespmem:s31+$0x1210];
	_ =	sdelay $0x4  }
0x432: {  	[tilespmem:$0x1EF20] =	vst v0;
	v0 =	vld [tilespmem:s31+$0x9210];
	_ =	sdelay $0x4  }
0x433: {  	[tilespmem:$0x1EF30] =	vst v0;
	v0 =	vld [tilespmem:s31+$0xEF0];
	_ =	sdelay $0x4  }
0x434: {  	[tilespmem:$0x1EF40] =	vst v0;
	v0 =	vld [tilespmem:s31+$0x8EF0];
	_ =	sdelay $0x4  }
0x435: {  	[tilespmem:$0x1EF50] =	vst v0;
	v0 =	vld [tilespmem:s31+$0xF60];
	_ =	sdelay $0x4  }
0x436: {  	[tilespmem:$0x1EAE0] =	vst v0;
	v0 =	vld [tilespmem:s31+$0xFD0];
	_ =	sdelay $0x4  }
0x437: {  	[tilespmem:$0x1EF60] =	vst v0;
	v0 =	vld [tilespmem:s31+$0x8FD0];
	_ =	sdelay $0x4  }
0x438: {  	[tilespmem:$0x1EF70] =	vst v0;
	v0 =	vld [tilespmem:s31+$0x1040];
	_ =	sdelay $0x4  }
0x439: {  	[tilespmem:$0x1EF80] =	vst v0;
	v0 =	vld [tilespmem:s31+$0x9040];
	_ =	sdelay $0x4  }
0x43a: {  	[tilespmem:$0x1EF90] =	vst v0;
	v0 =	vld [tilespmem:s31+$0x10B0];
	_ =	sdelay $0x4  }
0x43b: {  	[tilespmem:$0x1F000] =	vst v0;
	v0 =	vld [tilespmem:s31+$0x90B0];
	_ =	sdelay $0x4  }
0x43c: {  	[tilespmem:$0x1F010] =	vst v0;
	v0 =	vld [tilespmem:s31+$0x1120];
	_ =	sdelay $0x4  }
0x43d: {  	[tilespmem:$0x1EFC0] =	vst v0;
	v0 =	vld [tilespmem:s31+$0x9120];
	_ =	sdelay $0x4  }
0x43e: {  	[tilespmem:$0x1EFD0] =	vst v0;
	v0 =	vld [tilespmem:s31+$0x1200];
	_ =	sdelay $0x4  }
0x43f: {  	[tilespmem:$0x1EFA0] =	vst v0;
	v0 =	vld [tilespmem:s31+$0x9200];
	_ =	sdelay $0x4  }
0x440: {  	[tilespmem:$0x1EFB0] =	vst v0;
	v0 =	vld [tilespmem:s31+$0xE70];
	_ =	sdelay $0x4  }
0x441: {  	[tilespmem:$0x1EFE0] =	vst v0;
	v0 =	vld [tilespmem:s31+$0x8E70];
	_ =	sdelay $0x4  }
0x442: {  	[tilespmem:$0x1EFF0] =	vst v0;
	v0 =	vld [tilespmem:s31+$0xEE0];
	_ =	sdelay $0x4  }
0x443: {  	[tilespmem:$0x1F020] =	vst v0;
	v0 =	vld [tilespmem:s31+$0x8EE0];
	_ =	sdelay $0x4  }
0x444: {  	[tilespmem:$0x1F030] =	vst v0;
	v0 =	vld [tilespmem:s31+$0xF50];
	_ =	sdelay $0x4  }
0x445: {  	[tilespmem:$0x1EAF0] =	vst v0;
	v0 =	vld [tilespmem:s31+$0x8F50];
	_ =	sdelay $0x4  }
0x446: {  	[tilespmem:$0x1EB00] =	vst v0;
	v0 =	vld [tilespmem:s31+$0xFC0];
	_ =	sdelay $0x4  }
0x447: {  	[tilespmem:$0x1F040] =	vst v0;
	v0 =	vld [tilespmem:s31+$0x8FC0];
	_ =	sdelay $0x4  }
0x448: {  	[tilespmem:$0x1F050] =	vst v0;
	v0 =	vld [tilespmem:s31+$0x1030];
	_ =	sdelay $0x4  }
0x449: {  	[tilespmem:$0x1F060] =	vst v0;
	v0 =	vld [tilespmem:s31+$0x9030];
	_ =	sdelay $0x4  }
0x44a: {  	[tilespmem:$0x1F070] =	vst v0;
	v0 =	vld [tilespmem:s31+$0x10A0];
	_ =	sdelay $0x4  }
0x44b: {  	[tilespmem:$0x1F080] =	vst v0;
	v0 =	vld [tilespmem:s31+$0x90A0];
	_ =	sdelay $0x4  }
0x44c: {  	[tilespmem:$0x1F090] =	vst v0;
	v0 =	vld [tilespmem:s31+$0xD70];
	_ =	sdelay $0x4  }
0x44d: {  	[tilespmem:$0x1F0A0] =	vst v0;
	v0 =	vld [tilespmem:s31+$0x8D70];
	_ =	sdelay $0x4  }
0x44e: {  	[tilespmem:$0x1F0B0] =	vst v0;
	v0 =	vld [tilespmem:s31+$0xE60];
	_ =	sdelay $0x4  }
0x44f: {  	[tilespmem:$0x1F0E0] =	vst v0;
	v0 =	vld [tilespmem:s31+$0x8E60];
	_ =	sdelay $0x4  }
0x450: {  	[tilespmem:$0x1F0F0] =	vst v0;
	v0 =	vld [tilespmem:s31+$0xED0];
	_ =	sdelay $0x4  }
0x451: {  	[tilespmem:$0x1F100] =	vst v0;
	v0 =	vld [tilespmem:s31+$0x8ED0];
	_ =	sdelay $0x4  }
0x452: {  	[tilespmem:$0x1F110] =	vst v0;
	v0 =	vld [tilespmem:s31+$0xF40];
	_ =	sdelay $0x4  }
0x453: {  	[tilespmem:$0x1EB10] =	vst v0;
	v0 =	vld [tilespmem:s31+$0x8F40];
	_ =	sdelay $0x4  }
0x454: {  	[tilespmem:$0x1EB20] =	vst v0;
	v0 =	vld [tilespmem:s31+$0xFB0];
	_ =	sdelay $0x4  }
0x455: {  	[tilespmem:$0x1F120] =	vst v0;
	v0 =	vld [tilespmem:s31+$0x8FB0];
	_ =	sdelay $0x4  }
0x456: {  	[tilespmem:$0x1F130] =	vst v0;
	v0 =	vld [tilespmem:s31+$0x1020];
	_ =	sdelay $0x4  }
0x457: {  	[tilespmem:$0x1F0C0] =	vst v0;
	v0 =	vld [tilespmem:s31+$0x9020];
	_ =	sdelay $0x4  }
0x458: {  	[tilespmem:$0x1F0D0] =	vst v0;
	v0 =	vld [tilespmem:s31+$0x1090];
	_ =	sdelay $0x4  }
0x459: {  	[tilespmem:$0x1F140] =	vst v0;
	v0 =	vld [tilespmem:s31+$0x9090];
	_ =	sdelay $0x3  }
0x45a: {  	v2 =	vld [tilespmem:s31+$0x1470]  }
0x45b: {  	[tilespmem:$0x1F150] =	vst v0;
	v0 =	vld [tilespmem:s31+$0xD60]  }
0x45c: {  	v3 =	vld [tilespmem:s31+$0x9470]  }
0x45d: {  	v1 =	vld [tilespmem:s31+$0x1460]  }
0x45e: {  	v4 =	vld [tilespmem:s31+$0x9460]  }
0x45f: {  	v6 =	vld [tilespmem:s31+$0x9450]  }
0x460: {  	[tilespmem:$0x1F160] =	vst v0;
	v0 =	vld [tilespmem:s31+$0x8D60]  }
0x461: {  	v50 =	vld [tilespmem:s31+$0x92F0]  }
0x462: {  	v46 =	vld [tilespmem:s31+$0x1440]  }
0x463: {  	v30 =	vld [tilespmem:s31+$0x9440]  }
0x464: {  	v62 =	vld [tilespmem:s31+$0x14A0]  }
0x465: {  	[tilespmem:$0x1F170] =	vst v0;
	v0 =	vld [tilespmem:s31+$0xE50]  }
0x466: {  	v43 =	vld [tilespmem:s31+$0x94A0]  }
0x467: {  	v31 =	vld [tilespmem:s31+$0x12E0]  }
0x468: {  	v47 =	vld [tilespmem:s31+$0x92E0]  }
0x469: {  	v49 =	vld [tilespmem:s31+$0x1350]  }
0x46a: {  	[tilespmem:$0x1F180] =	vst v0;
	v0 =	vld [tilespmem:s31+$0x8E50]  }
0x46b: {  	v41 =	vld [tilespmem:s31+$0x9350]  }
0x46c: {  	v48 =	vld [tilespmem:s31+$0x13C0]  }
0x46d: {  	v40 =	vld [tilespmem:s31+$0x93C0]  }
0x46e: {  	v2 =	vmul.f32 v3, v2;
	v3 =	vld [tilespmem:$0x1EB40]  }
0x46f: {  	[tilespmem:$0x1F190] =	vst v0;
	v0 =	vld [tilespmem:$0x1EB30]  }
0x470: {  	v57 =	vld [tilespmem:s31+$0x1420]  }
0x471: {  	v27 =	vld [tilespmem:s31+$0x9420]  }
0x472: {  	v26 =	vld [tilespmem:s31+$0x1480]  }
0x473: {  	v25 =	vld [tilespmem:s31+$0x9480]  }
0x474: {  	v1 =	vmul.f32 v4, v1;
	v4 =	vmul.f32 v3, v0;
	v3 =	vld [tilespmem:s31+$0xEC0]  }
0x475: {  	v52 =	vld [tilespmem:s31+$0x9330]  }
0x476: {  	v18 =	vld [tilespmem:s31+$0x1410]  }
0x477: {  	v16 =	vld [tilespmem:s31+$0x9410]  }
0x478: {  	v0 =	vld [tilespmem:$0x1EB50]  }
0x479: {  	[tilespmem:$0x1F1A0] =	vst v3;
	v3 =	vld [tilespmem:$0x1EB60]  }
0x47a: {  	v37 =	vld [tilespmem:s31+$0x1160]  }
0x47b: {  	v34 =	vld [tilespmem:s31+$0x9160]  }
0x47c: {  	v44 =	vld [tilespmem:s31+$0x11D0]  }
0x47d: {  	v0 =	vmul.f32 v6, v0;
	v6 =	vld [tilespmem:$0x1EB80]  }
0x47e: {  	v50 =	vmul.f32 v50, v3;
	v3 =	vld [tilespmem:$0x1EB70]  }
0x47f: {  	v39 =	vld [tilespmem:s31+$0x91D0]  }
0x480: {  	v56 =	vld [tilespmem:s31+$0x9240]  }
0x481: {  	v32 =	vld [tilespmem:s31+$0x1320]  }
0x482: {  	v28 =	vld [tilespmem:s31+$0x9320]  }
0x483: {  	v8 =	vld [tilespmem:s31+$0x1400];
	v3 =	vmul.f32 v6, v3  }
0x484: {  	v7 =	vld [tilespmem:s31+$0x9400]  }
0x485: {  	[tilespmem:$0x1EB90] =	vst v3;
	v3 =	vld [tilespmem:s31+$0x8EC0]  }
0x486: {  	v54 =	vld [tilespmem:s31+$0x1070]  }
0x487: {  	v46 =	vmul.f32 v30, v46;
	v30 =	vld [tilespmem:s31+$0xF30]  }
0x488: {  	v45 =	vld [tilespmem:s31+$0x9070]  }
0x489: {  	v6 =	vld [tilespmem:$0x1EBB0]  }
0x48a: {  	[tilespmem:$0x1F1B0] =	vst v3;
	v3 =	vld [tilespmem:$0x1EBA0]  }
0x48b: {  	v17 =	vld [tilespmem:s31+$0x1310]  }
0x48c: {  	v15 =	vld [tilespmem:s31+$0x9310];
	[tilespmem:$0x1EBC0] =	vst v30;
	v30 =	vmul.f32 v40, v48  }
0x48d: {  	v63 =	vld [tilespmem:s31+$0x1380]  }
0x48e: {  	[tilespmem:$0x1EBF0] =	vst v30;
	v30 =	vld [tilespmem:$0x1EC10]  }
0x48f: {  	v3 =	vmul.f32 v6, v3;
	v6 =	vld [tilespmem:$0x1EC00]  }
0x490: {  	v29 =	vld [tilespmem:s31+$0x9380];
	v7 =	vmul.f32 v7, v8  }
0x491: {  	v61 =	vld [tilespmem:s31+$0x1300]  }
0x492: {  	v5 =	vld [tilespmem:s31+$0x9300];
	v18 =	vmul.f32 v16, v18;
	v7 =	vadd.f32 $0.0e+00, v7  }
0x493: {  	v25 =	vmul.f32 v25, v26;
	v26 =	vld [tilespmem:$0x1EC30]  }
0x494: {  	v7 =	vadd.f32 v18, v7;
	v18 =	vmul.f32 v27, v57;
	v40 =	vmul.f32 v30, v6;
	v6 =	vld [tilespmem:$0x1EC20]  }
0x495: {  	v22 =	vld [tilespmem:s31+$0x1290]  }
0x496: {  	v20 =	vld [tilespmem:s31+$0x9290];
	v7 =	vadd.f32 v18, v7  }
0x497: {  	v12 =	vld [tilespmem:s31+$0x1280]  }
0x498: {  	v11 =	vld [tilespmem:s31+$0x9280];
	v7 =	vadd.f32 v40, v7  }
0x499: {  	v5 =	vmul.f32 v5, v61;
	v27 =	vmul.f32 v26, v6;
	v6 =	vld [tilespmem:$0x1EC40]  }
0x49a: {  	v8 =	vmul.f32 v43, v62;
	v7 =	vadd.f32 v46, v7;
	v26 =	vld [tilespmem:$0x1EC50]  }
0x49b: {  	v15 =	vmul.f32 v15, v17;
	v5 =	vadd.f32 $0.0e+00, v5;
	v17 =	vld [tilespmem:$0x1ECF0]  }
0x49c: {  	[tilespmem:$0x1EBD0] =	vst v8;
	v8 =	vld [tilespmem:s31+$0x8F30];
	v0 =	vadd.f32 v0, v7  }
0x49d: {  	v5 =	vadd.f32 v15, v5;
	v15 =	vmul.f32 v28, v32;
	v28 =	vld [tilespmem:$0x1ED30]  }
0x49e: {  	v0 =	vadd.f32 v1, v0;
	v1 =	vld [tilespmem:s31+$0x8F20]  }
0x49f: {  	v57 =	vmul.f32 v26, v6;
	v6 =	vld [tilespmem:$0x1EC60]  }
0x4a0: {  	v5 =	vadd.f32 v15, v5;
	v17 =	vmul.f32 v52, v17;
	v26 =	vld [tilespmem:$0x1EC70]  }
0x4a1: {  	v15 =	vld [tilespmem:$0x1ED70]  }
0x4a2: {  	[tilespmem:$0x1EBE0] =	vst v8;
	v8 =	vmul.f32 v47, v31;
	v47 =	vadd.f32 $0.0e+00, v25;
	v5 =	vadd.f32 v17, v5;
	v17 =	vld [tilespmem:$0x1ED80]  }
0x4a3: {  	v30 =	vld [tilespmem:$0x1EC90];
	v7 =	vmul.f32 v11, v12  }
0x4a4: {  	v61 =	vadd.f32 v27, v47;
	v47 =	vmul.f32 v45, v54;
	v45 =	vadd.f32 v2, v0;
	v2 =	vld [tilespmem:$0x1EDA0]  }
0x4a5: {  	v7 =	vadd.f32 $0.0e+00, v7;
	[tilespmem:$0x1ED60] =	vst v1;
	v1 =	vmul.f32 v20, v22;
	v6 =	vmul.f32 v26, v6;
	v26 =	vld [tilespmem:$0x1EC80]  }
0x4a6: {  	v20 =	vld [tilespmem:$0x1EDC0]  }
0x4a7: {  	v0 =	vadd.f32 v1, v7;
	v1 =	vld [tilespmem:$0x1ED90]  }
0x4a8: {  	v7 =	vld [tilespmem:$0x1EDB0]  }
0x4a9: {  	v58 =	vld [tilespmem:s31+$0x12B0];
	v41 =	vmul.f32 v41, v49;
	v34 =	vmul.f32 v34, v37  }
0x4aa: {  	v53 =	vld [tilespmem:s31+$0x92B0];
	v37 =	vmul.f32 v39, v44;
	v62 =	vmul.f32 v30, v26  }
0x4ab: {  	v59 =	vld [tilespmem:s31+$0x9390];
	v15 =	vmul.f32 v17, v15;
	v17 =	vmul.f32 v29, v63  }
0x4ac: {  	v44 =	vmul.f32 v56, v28;
	v56 =	vld [tilespmem:$0x1EDE0];
	v1 =	vmul.f32 v2, v1;
	v2 =	vadd.f32 v62, v5  }
0x4ad: {  	v62 =	vmul.f32 v20, v7;
	v7 =	vadd.f32 $0.0e+00, v17;
	v17 =	vld [tilespmem:$0x1EDD0]  }
0x4ae: {  	v0 =	vadd.f32 v1, v0;
	v1 =	vadd.f32 v41, v2;
	v2 =	vld [tilespmem:s31+$0xD40]  }
0x4af: {  	v10 =	vld [tilespmem:s31+$0x1180]  }
0x4b0: {  	v9 =	vld [tilespmem:s31+$0x9180]  }
0x4b1: {  	v11 =	vld [tilespmem:$0x1ED40]  }
0x4b2: {  	v58 =	vmul.f32 v53, v58;
	v53 =	vmul.f32 v56, v17;
	v17 =	vld [tilespmem:$0x1EE10]  }
0x4b3: {  	[tilespmem:$0x1EDF0] =	vst v2;
	v2 =	vld [tilespmem:$0x1EE00];
	_ =	sdelay $0x2  }
0x4b4: {  	v21 =	vld [tilespmem:s31+$0x1190]  }
0x4b5: {  	v11 =	vmul.f32 v59, v11;
	v1 =	vadd.f32 v3, v1;
	v3 =	vld [tilespmem:$0x1EE40]  }
0x4b6: {  	v54 =	vmul.f32 v17, v2;
	v2 =	vmul.f32 v9, v10;
	v10 =	vld [tilespmem:$0x1EE50]  }
0x4b7: {  	v19 =	vld [tilespmem:s31+$0x9190]  }
0x4b8: {  	v63 =	vadd.f32 v11, v7;
	v7 =	vld [tilespmem:$0x1EE20]  }
0x4b9: {  	v0 =	vadd.f32 v58, v0;
	v58 =	vadd.f32 v4, v1;
	v1 =	vld [tilespmem:$0x1EE90]  }
0x4ba: {  	v4 =	vld [tilespmem:$0x1EEA0]  }
0x4bb: {  	v9 =	vld [tilespmem:$0x1EE30];
	v3 =	vmul.f32 v10, v3  }
0x4bc: {  	v10 =	vld [tilespmem:$0x1EE80]  }
0x4bd: {  	[tilespmem:$0x1EE60] =	vst v3;
	v3 =	vld [tilespmem:$0x1EE70];
	_ =	sdelay $0x2  }
0x4be: {  	v2 =	vadd.f32 $0.0e+00, v2;
	v7 =	vmul.f32 v9, v7;
	v9 =	vmul.f32 v19, v21  }
0x4bf: {  	v38 =	vld [tilespmem:s31+$0x12C0]  }
0x4c0: {  	v3 =	vmul.f32 v10, v3;
	v10 =	vmul.f32 v4, v1;
	v1 =	vadd.f32 v9, v2;
	v2 =	vld [tilespmem:$0x1EEB0]  }
0x4c1: {  	v4 =	vld [tilespmem:$0x1EEC0]  }
0x4c2: {  	v36 =	vld [tilespmem:s31+$0x92C0];
	_ =	sdelay $0x2  }
0x4c3: {  	v9 =	vld [tilespmem:$0x1EEE0]  }
0x4c4: {  	v2 =	vmul.f32 v4, v2;
	v4 =	vld [tilespmem:$0x1EED0]  }
0x4c5: {  	v36 =	vmul.f32 v36, v38;
	_ =	sdelay $0x1  }
0x4c6: {  	v14 =	vld [tilespmem:s31+$0x1100];
	v0 =	vadd.f32 v36, v0  }
0x4c7: {  	v13 =	vld [tilespmem:s31+$0x9100]  }
0x4c8: {  	v0 =	vadd.f32 v6, v0;
	v6 =	vld [tilespmem:$0x1EF30];
	v4 =	vmul.f32 v9, v4  }
0x4c9: {  	v9 =	vld [tilespmem:$0x1EF10]  }
0x4ca: {  	[tilespmem:$0x1EEF0] =	vst v4;
	v4 =	vld [tilespmem:$0x1EF00]  }
0x4cb: {  	v1 =	vadd.f32 v2, v1;
	v2 =	vld [tilespmem:$0x1EF20];
	_ =	sdelay $0x3  }
0x4cc: {  	v51 =	vld [tilespmem:s31+$0x1170];
	v4 =	vmul.f32 v9, v4  }
0x4cd: {  	v9 =	vmul.f32 v13, v14;
	v13 =	vmul.f32 v6, v2;
	v2 =	vld [tilespmem:$0x1EF40]  }
0x4ce: {  	v6 =	vld [tilespmem:$0x1EF50]  }
0x4cf: {  	v42 =	vld [tilespmem:s31+$0x9170]  }
0x4d0: {  	v35 =	vld [tilespmem:s31+$0x1150]  }
0x4d1: {  	v33 =	vld [tilespmem:s31+$0x9150]  }
0x4d2: {  	v60 =	vld [tilespmem:s31+$0xFF0]  }
0x4d3: {  	v38 =	vmul.f32 v6, v2;
	v2 =	vld [tilespmem:$0x1EF60]  }
0x4d4: {  	v6 =	vld [tilespmem:$0x1EF70]  }
0x4d5: {  	v55 =	vld [tilespmem:s31+$0x8FF0]  }
0x4d6: {  	v24 =	vld [tilespmem:s31+$0x1110]  }
0x4d7: {  	v23 =	vld [tilespmem:s31+$0x9110]  }
0x4d8: {  	v11 =	vld [tilespmem:$0x1EF90]  }
0x4d9: {  	v32 =	vmul.f32 v6, v2;
	v6 =	vld [tilespmem:$0x1EF80]  }
0x4da: {  	v16 =	vld [tilespmem:s31+$0x8FA0]  }
0x4db: {  	v49 =	vld [tilespmem:s31+$0x9010]  }
0x4dc: {  	v43 =	vld [tilespmem:s31+$0x9080]  }
0x4dd: {  	v31 =	vld [tilespmem:s31+$0xFA0]  }
0x4de: {  	v14 =	vmul.f32 v11, v6;
	v6 =	vld [tilespmem:$0x1EFA0]  }
0x4df: {  	v11 =	vld [tilespmem:$0x1EFB0]  }
0x4e0: {  	v25 =	vld [tilespmem:s31+$0x1080]  }
0x4e1: {  	v48 =	vld [tilespmem:s31+$0x1010];
	v1 =	vadd.f32 v7, v1;
	v7 =	vadd.f32 $0.0e+00, v9;
	v2 =	vmul.f32 v23, v24  }
0x4e2: {  	v16 =	vmul.f32 v16, v31;
	v31 =	vld [tilespmem:s31+$0xE80]  }
0x4e3: {  	v7 =	vadd.f32 v2, v7;
	v2 =	vld [tilespmem:$0x1EFC0]  }
0x4e4: {  	v11 =	vmul.f32 v11, v6;
	v6 =	vld [tilespmem:$0x1EFD0]  }
0x4e5: {  	v25 =	vmul.f32 v43, v25;
	v43 =	vld [tilespmem:s31+$0x8E80]  }
0x4e6: {  	v18 =	vld [tilespmem:$0x1ECD0]  }
0x4e7: {  	v52 =	vld [tilespmem:$0x1ED10]  }
0x4e8: {  	v15 =	vadd.f32 v15, v1;
	v1 =	vld [tilespmem:$0x1EFE0]  }
0x4e9: {  	v19 =	vmul.f32 v6, v2;
	v6 =	vld [tilespmem:$0x1EFF0]  }
0x4ea: {  	v28 =	vld [tilespmem:s31+$0x8EB0]  }
0x4eb: {  	v29 =	vld [tilespmem:s31+$0x8F90]  }
0x4ec: {  	v40 =	vmul.f32 v55, v60;
	v60 =	vld [tilespmem:s31+$0x8D40]  }
0x4ed: {  	v12 =	vld [tilespmem:s31+$0xF20]  }
0x4ee: {  	v39 =	vmul.f32 v6, v1;
	v1 =	vld [tilespmem:$0x1F000]  }
0x4ef: {  	v6 =	vld [tilespmem:$0x1F010]  }
0x4f0: {  	v55 =	vld [tilespmem:s31+$0xE30]  }
0x4f1: {  	v46 =	vld [tilespmem:s31+$0x8F10]  }
0x4f2: {  	v27 =	vld [tilespmem:$0x1ECE0]  }
0x4f3: {  	[tilespmem:$0x1ED50] =	vst v12;
	v12 =	vmul.f32 v33, v35;
	v33 =	vld [tilespmem:s31+$0x8E30]  }
0x4f4: {  	v36 =	vmul.f32 v6, v1;
	v1 =	vld [tilespmem:$0x1F020]  }
0x4f5: {  	v6 =	vld [tilespmem:$0x1F030]  }
0x4f6: {  	v59 =	vld [tilespmem:s31+$0x8EA0]  }
0x4f7: {  	v5 =	vld [tilespmem:s31+$0x1000]  }
0x4f8: {  	v20 =	vld [tilespmem:s31+$0x9000]  }
0x4f9: {  	v23 =	vld [tilespmem:$0x1F050]  }
0x4fa: {  	v1 =	vmul.f32 v6, v1;
	v6 =	vld [tilespmem:$0x1F040]  }
0x4fb: {  	v26 =	vld [tilespmem:$0x1ECA0]  }
0x4fc: {  	v30 =	vld [tilespmem:$0x1ECB0]  }
0x4fd: {  	v35 =	vld [tilespmem:s31+$0x8E90]  }
0x4fe: {  	v5 =	vmul.f32 v20, v5;
	v20 =	vld [tilespmem:$0x1F070]  }
0x4ff: {  	v24 =	vmul.f32 v23, v6;
	v6 =	vld [tilespmem:$0x1F060]  }
0x500: {  	v22 =	vld [tilespmem:s31+$0xF90]  }
0x501: {  	v26 =	vmul.f32 v30, v26;
	v0 =	vadd.f32 v8, v0;
	v8 =	vld [tilespmem:s31+$0xF80];
	v19 =	vadd.f32 v19, v7  }
0x502: {  	v9 =	vld [tilespmem:s31+$0x8F80];
	v21 =	vadd.f32 $0.0e+00, v11  }
0x503: {  	[tilespmem:$0x1ECC0] =	vst v26;
	v26 =	vmul.f32 v42, v51;
	v42 =	vmul.f32 v27, v18;
	v4 =	vadd.f32 v4, v19;
	v19 =	vld [tilespmem:$0x1F090]  }
0x504: {  	v15 =	vadd.f32 v37, v15;
	v37 =	vadd.f32 v13, v21;
	v21 =	vmul.f32 v20, v6;
	v6 =	vld [tilespmem:$0x1F080]  }
0x505: {  	v22 =	vmul.f32 v29, v22;
	v29 =	vld [tilespmem:s31+$0xE10]  }
0x506: {  	v30 =	vld [tilespmem:s31+$0x8D50];
	v15 =	vadd.f32 v42, v15  }
0x507: {  	v27 =	vld [tilespmem:$0x1ED00]  }
0x508: {  	v9 =	vmul.f32 v9, v8;
	v8 =	vadd.f32 v57, v15;
	v15 =	vld [tilespmem:$0x1F0B0]  }
0x509: {  	v41 =	vmul.f32 v19, v6;
	v6 =	vld [tilespmem:$0x1F0A0]  }
0x50a: {  	v51 =	vld [tilespmem:s31+$0xD50]  }
0x50b: {  	v18 =	vld [tilespmem:s31+$0xE40]  }
0x50c: {  	v56 =	vld [tilespmem:s31+$0xEA0]  }
0x50d: {  	v27 =	vmul.f32 v52, v27;
	v52 =	vld [tilespmem:s31+$0xEB0]  }
0x50e: {  	v42 =	vmul.f32 v15, v6;
	v6 =	vld [tilespmem:$0x1F0C0]  }
0x50f: {  	v15 =	vld [tilespmem:$0x1F0D0]  }
0x510: {  	v50 =	vadd.f32 v50, v0;
	v0 =	vld [tilespmem:s31+$0xD30]  }
0x511: {  	[tilespmem:$0x1ED20] =	vst v27;
	v27 =	vld [tilespmem:s31+$0x8E40];
	v4 =	vadd.f32 v54, v4  }
0x512: {  	v17 =	vld [tilespmem:s31+$0xF10]  }
0x513: {  	v5 =	vadd.f32 $0.0e+00, v5;
	v12 =	vadd.f32 v12, v4;
	v4 =	vld [tilespmem:$0x1F0E0]  }
0x514: {  	v54 =	vadd.f32 $0.0e+00, v9;
	v23 =	vmul.f32 v49, v48;
	v57 =	vmul.f32 v15, v6;
	v6 =	vld [tilespmem:$0x1F0F0]  }
0x515: {  	v11 =	vld [tilespmem:s31+$0xE20]  }
0x516: {  	v13 =	vld [tilespmem:s31+$0xE90];
	v22 =	vadd.f32 v22, v54;
	v5 =	vadd.f32 v23, v5  }
0x517: {  	v9 =	vld [tilespmem:$0x1F110]  }
0x518: {  	v22 =	vadd.f32 v16, v22;
	v16 =	vld [tilespmem:$0x1F150];
	v5 =	vadd.f32 v57, v5  }
0x519: {  	v4 =	vmul.f32 v6, v4;
	v6 =	vld [tilespmem:$0x1F100]  }
0x51a: {  	v48 =	vadd.f32 v21, v5;
	v5 =	vld [tilespmem:$0x1F140]  }
0x51b: {  	v2 =	vld [tilespmem:s31+$0x8D30]  }
0x51c: {  	v7 =	vld [tilespmem:s31+$0x8E20]  }
0x51d: {  	v54 =	vld [tilespmem:s31+$0xE00]  }
0x51e: {  	v23 =	vld [tilespmem:s31+$0x8D20];
	v9 =	vmul.f32 v9, v6;
	v6 =	vadd.f32 v34, v12  }
0x51f: {  	v49 =	vmul.f32 v16, v5;
	v5 =	vld [tilespmem:$0x1F160]  }
0x520: {  	v21 =	vadd.f32 v26, v6;
	v6 =	vld [tilespmem:$0x1F170]  }
0x521: {  	v20 =	vld [tilespmem:s31+$0x8F00]  }
0x522: {  	v57 =	vld [tilespmem:$0x1F130]  }
0x523: {  	v12 =	vld [tilespmem:$0x1F120]  }
0x524: {  	v16 =	vld [tilespmem:$0x1F190]  }
0x525: {  	v5 =	vmul.f32 v6, v5;
	v6 =	vadd.f32 v14, v48;
	v14 =	vld [tilespmem:$0x1F180]  }
0x526: {  	v19 =	vld [tilespmem:s31+$0xF00]  }
0x527: {  	v15 =	vld [tilespmem:s31+$0xD20]  }
0x528: {  	v34 =	vld [tilespmem:s31+$0x8E00];
	v12 =	vmul.f32 v57, v12  }
0x529: {  	v25 =	vadd.f32 $0.0e+00, v25;
	v26 =	vld [tilespmem:$0x1F1B0]  }
0x52a: {  	v22 =	vadd.f32 v12, v22;
	v14 =	vmul.f32 v16, v14;
	v16 =	vld [tilespmem:$0x1F1A0]  }
0x52b: {  	v12 =	vmul.f32 v30, v51;
	v30 =	vadd.f32 v10, v6;
	v6 =	vadd.f32 v49, v25;
	v25 =	vld [tilespmem:s31+$0xD10]  }
0x52c: {  	v10 =	vmul.f32 v27, v18;
	v27 =	vld [tilespmem:s31+$0x8D00]  }
0x52d: {  	v18 =	vmul.f32 v43, v31;
	v31 =	vadd.f32 v24, v22;
	v24 =	vmul.f32 v28, v52;
	v28 =	vld [tilespmem:s31+$0x8D10]  }
0x52e: {  	(xrf2) =	vadd.scan.msk.f32 $0xffff, v45;
	v48 =	vmul.f32 v35, v13;
	v22 =	vmul.f32 v33, v55;
	v55 =	vadd.f32 v53, v30;
	v30 =	vld [tilespmem:s31+$0xD00]  }
0x52f: {  	(xrf2) =	vadd.scan.msk.f32 $0xffff, v58;
	v43 =	vmul.f32 v34, v54;
	v45 =	vadd.f32 v32, v31;
	v16 =	vmul.f32 v26, v16;
	v26 =	vld [tilespmem:s31+$0x8E10]  }
0x530: {  	s1 =	simm.s32 $0x1;
	(xrf2) =	vadd.scan.msk.f32 $0xffff, v50;
	v31 =	vmul.f32 v59, v56;
	v49 =	vadd.f32 $0.0e+00, v18;
	v18 =	vld [tilespmem:s31+$0xD80];
	v13 =	vadd.f32 v47, v55  }
.LBB2_6:
0x531: {  	_ = 	snop  }
0x532: {  	v48 =	vadd.f32 v48, v49;
	v17 =	vmul.f32 v46, v17  }
0x533: {  	v19 =	vmul.f32 v20, v19;
	v20 =	vmul.f32 v27, v30  }
0x534: {  	v26 =	vmul.f32 v26, v29;
	v29 =	vadd.f32 v31, v48;
	v31 =	vmul.f32 v7, v11  }
0x535: {  	v11 =	vadd.f32 $0.0e+00, v19;
	v19 =	vadd.f32 $0.0e+00, v20;
	v20 =	vmul.f32 v28, v25;
	_ =	sdelay $0x1  }
0x536: {  	v15 =	vmul.f32 v23, v15;
	v11 =	vadd.f32 v17, v11;
	v17 =	vadd.f32 v20, v19  }
0x537: {  	v47 =	vld [tilespmem:s31+$0x8D80]  }
0x538: {  	v59 =	vld [tilespmem:s31+$0xD90];
	v2 =	vmul.f32 v2, v0;
	v15 =	vadd.f32 v15, v17  }
0x539: {  	v24 =	vadd.f32 v24, v29;
	v28 =	vld [tilespmem:s31+$0xDB0]  }
0x53a: {  	v2 =	vadd.f32 v2, v15;
	v15 =	vld [tilespmem:$0x1EDF0]  }
0x53b: {  	v19 =	vld [tilespmem:s31+$0x8DB0];
	v16 =	vadd.f32 v16, v24  }
0x53c: {  	v43 =	vadd.f32 $0.0e+00, v43;
	v27 =	vld [tilespmem:s31+$0x8D90]  }
0x53d: {  	(xrf2) =	vadd.scan.msk.f32 $0xffff, v8;
	v8 =	vld [tilespmem:s31+$0xDA0];
	v9 =	vadd.f32 v9, v16  }
0x53e: {  	v18 =	vmul.f32 v47, v18;
	v26 =	vadd.f32 v26, v43;
	v25 =	vld [tilespmem:s31+$0x8DA0]  }
0x53f: {  	v32 =	vadd.f32 v3, v45;
	v3, _, _ =	vpop (xrf2);
	(xrf2) =	vadd.scan.msk.f32 $0xffff, v21;
	v21 =	vld [tilespmem:s31+$0xDC0];
	v1 =	vadd.f32 v1, v9;
	v15 =	vmul.f32 v60, v15  }
0x540: {  	v18 =	vadd.f32 $0.0e+00, v18;
	v26 =	vadd.f32 v31, v26;
	v9 =	vmul.f32 v19, v28;
	v19 =	vld [tilespmem:$0x1ED60]  }
0x541: {  	v20 =	vmul.f32 v27, v59;
	v2 =	vadd.f32 v15, v2;
	v15 =	vadd.f32 v38, v1;
	v1 =	vld [tilespmem:$0x1ED50]  }
0x542: {  	v22 =	vadd.f32 v22, v26;
	v17 =	vld [tilespmem:s31+$0x8DC0]  }
0x543: {  	v7, _, _ =	vpop (xrf2);
	(xrf2) =	vadd.scan.msk.f32 $0xffff, v13;
	v16 =	vld [tilespmem:s31+$0xDD0];
	v13 =	vadd.f32 v20, v18;
	v8 =	vmul.f32 v25, v8  }
0x544: {  	v18 =	vld [tilespmem:s31+$0x8DD0];
	v10 =	vadd.f32 v10, v22  }
0x545: {  	v8 =	vadd.f32 v8, v13;
	v13 =	vld [tilespmem:s31+$0xDE0]  }
0x546: {  	v10 =	vadd.f32 v14, v10;
	v14 =	vld [tilespmem:s31+$0x8DE0];
	v19 =	vmul.f32 v19, v1  }
0x547: {  	v2 =	vadd.f32 v12, v2;
	v12 =	vld [tilespmem:$0x1EBC0]  }
0x548: {  	v8 =	vadd.f32 v9, v8;
	v9 =	vmul.f32 v17, v21;
	v11 =	vadd.f32 v19, v11;
	v19 =	vld [tilespmem:$0x1EBE0]  }
0x549: {  	v17 =	vld [tilespmem:s31+$0xDF0]  }
0x54a: {  	v4 =	vadd.f32 v4, v10;
	v10 =	vld [tilespmem:s31+$0x8DF0];
	v8 =	vadd.f32 v9, v8;
	v9 =	vmul.f32 v18, v16;
	_ =	sdelay $0x1  }
0x54b: {  	v30 =	vadd.f32 v40, v32;
	v8 =	vadd.f32 v9, v8;
	v9 =	vmul.f32 v14, v13  }
0x54c: {  	v2 =	vadd.f32 v5, v2;
	v12 =	vmul.f32 v19, v12  }
0x54d: {  	v0, _, _ =	vpop (xrf2);
	(xrf2) =	vadd.scan.msk.f32 $0xffff, v30;
	v4 =	vadd.f32 v39, v4;
	v8 =	vadd.f32 v9, v8  }
0x54e: {  	v9 =	vmul.f32 v10, v17;
	v1, _, _ =	vpop (xrf2);
	(xrf2) =	vadd.scan.msk.f32 $0xffff, v15;
	v2 =	vadd.f32 v42, v2;
	v5 =	vadd.f32 v12, v11;
	v11 =	vld [tilespmem:$0x1EB10]  }
0x54f: {  	v16, _, _ =	vpop (xrf2);
	(xrf2) =	vadd.scan.msk.f32 $0xffff, v4;
	v12 =	vld [tilespmem:$0x1EB20]  }
0x550: {  	v14, _, _ =	vpop (xrf2);
	(xrf2) =	vadd.scan.msk.f32 $0xffff, v2;
	v2 =	vadd.f32 v9, v8;
	v8 =	vld [tilespmem:$0x1EEF0]  }
0x551: {  	v6 =	vadd.f32 v41, v6;
	_ =	sdelay $0x1  }
0x552: {  	v6 =	vadd.f32 v36, v6  }
0x553: {  	v9 =	vld [tilespmem:$0x1EAD0];
	v11 =	vmul.f32 v12, v11  }
0x554: {  	v6 =	vadd.f32 v8, v6;
	v8 =	vld [tilespmem:$0x1EAC0]  }
0x555: {  	v4 =	vadd.f32 v11, v5;
	v5 =	vld [tilespmem:$0x1EAF0]  }
0x556: {  	v11 =	vld [tilespmem:$0x1EB00];
	_ =	sdelay $0x2  }
0x557: {  	v13 =	vld [tilespmem:s31+$0x8F70]  }
0x558: {  	v17 =	vld [tilespmem:$0x1EE60];
	v8 =	vmul.f32 v9, v8  }
0x559: {  	v15 =	vld [tilespmem:s31+$0x8F60];
	v5 =	vmul.f32 v11, v5  }
0x55a: {  	v6 =	vadd.f32 v8, v6;
	v8 =	vld [tilespmem:$0x1EAB0]  }
0x55b: {  	v4 =	vadd.f32 v5, v4;
	v5 =	vld [tilespmem:$0x1EAE0]  }
0x55c: {  	v11 =	vld [tilespmem:s31+$0x90E0]  }
0x55d: {  	v12 =	vld [tilespmem:s31+$0xF70]  }
0x55e: {  	v10 =	vld [tilespmem:s31+$0x10F0]  }
0x55f: {  	v9 =	vld [tilespmem:s31+$0x9260]  }
0x560: {  	v5 =	vmul.f32 v15, v5;
	v15 =	vld [tilespmem:s31+$0x90F0]  }
0x561: {  	v17 =	vadd.f32 v17, v37;
	v8 =	vmul.f32 v11, v8;
	v11 =	vld [tilespmem:s31+$0x9270]  }
0x562: {  	v18, _, _ =	vpop (xrf2);
	v4 =	vadd.f32 v5, v4;
	v5 =	vmul.f32 v13, v12;
	v13 =	vld [tilespmem:s31+$0x1270]  }
0x563: {  	v12 =	vadd.f32 v62, v17;
	v17 =	vld [tilespmem:$0x1ED20]  }
0x564: {  	(xrf2) =	vadd.scan.msk.f32 $0xffff, v2;
	v2 =	vadd.f32 v5, v4;
	v5 =	vld [tilespmem:$0x1EA90]  }
0x565: {  	v6 =	vadd.f32 v8, v6;
	v8 =	vmul.f32 v15, v10;
	v10 =	vld [tilespmem:$0x1ECC0]  }
0x566: {  	v4 =	vadd.f32 v44, v12;
	v12 =	vld [tilespmem:$0x1EAA0]  }
0x567: {  	v19, _, _ =	vpop (xrf2);
	(xrf2) =	vadd.scan.msk.f32 $0xffff, v2;
	v2 =	vadd.f32 v8, v6;
	v6 =	vld [tilespmem:$0x1EBF0]  }
0x568: {  	v17 =	vadd.f32 v17, v63;
	_ =	sdelay $0x1  }
0x569: {  	v10 =	vadd.f32 v10, v17  }
0x56a: {  	v8 =	vld [tilespmem:$0x1EA60];
	v5 =	vmul.f32 v12, v5  }
0x56b: {  	v6 =	vadd.f32 v6, v10;
	v10 =	vld [tilespmem:$0x1EA70]  }
0x56c: {  	v4 =	vadd.f32 v5, v4;
	v5 =	vld [tilespmem:$0x1EA80];
	_ =	sdelay $0x3  }
0x56d: {  	v12 =	vld [tilespmem:s31+$0x93E0];
	v8 =	vmul.f32 v10, v8  }
0x56e: {  	v17 =	vld [tilespmem:$0x1EBD0];
	v5 =	vmul.f32 v9, v5  }
0x56f: {  	v6 =	vadd.f32 v8, v6;
	v8 =	vld [tilespmem:$0x1EA50]  }
0x570: {  	v4 =	vadd.f32 v5, v4;
	v5 =	vmul.f32 v11, v13;
	v11 =	vld [tilespmem:$0x1EA30]  }
0x571: {  	v13 =	vld [tilespmem:$0x1EA40]  }
0x572: {  	v20, _, _ =	vpop (xrf2);
	(xrf2) =	vadd.scan.msk.f32 $0xffff, v2;
	v2 =	vadd.f32 v5, v4;
	v4 =	vld [tilespmem:$0x1EA10]  }
0x573: {  	v5 =	vld [tilespmem:$0x1EA20]  }
0x574: {  	v8 =	vmul.f32 v12, v8;
	v12 =	vld [tilespmem:$0x1EB90]  }
0x575: {  	v15 =	vld [tilespmem:s31+$0x13F0]  }
0x576: {  	v9 =	vld [tilespmem:s31+$0x93F0]  }
0x577: {  	v17 =	vadd.f32 v17, v61;
	v10 =	vld [tilespmem:s31+$0x14E0]  }
0x578: {  	v11 =	vmul.f32 v13, v11;
	v13 =	vld [tilespmem:s31+$0x94E0]  }
0x579: {  	v4 =	vmul.f32 v5, v4;
	v5 =	vld [tilespmem:s31+$0x94F0];
	v12 =	vadd.f32 v12, v17  }
0x57a: {  	v17 =	vld [tilespmem:s31+$0x14F0]  }
0x57b: {  	v15 =	vmul.f32 v9, v15;
	v6 =	vadd.f32 v8, v6;
	v9 =	vadd.f32 v11, v12  }
0x57c: {  	v21, _, _ =	vpop (xrf2);
	(xrf2) =	vadd.scan.msk.f32 $0xffff, v2  }
0x57d: {  	v2 =	vadd.f32 v15, v6;
	v6 =	vmul.f32 v13, v10;
	v8, _, _ =	vpop (xrf2);
	v4 =	vadd.f32 v4, v9  }
0x57e: {  	v11 =	vbroadcast v8, $0xF;
	v9 =	vbroadcast v21, $0xF  }
0x57f: {  	v10 =	vbroadcast v20, $0xF;
	(xrf2) =	vadd.scan.msk.f32 $0xffff, v2;
	v5 =	vmul.f32 v5, v17;
	v4 =	vadd.f32 v6, v4  }
0x580: {  	v8, _, _ =	vpop (xrf2);
	v2 =	vsel vm0, v9, v11;
	v6 =	vbroadcast v19, $0xF  }
0x581: {  	v9 =	vbroadcast v8, $0xF;
	v2 =	vsel vm1, v2, v10;
	v4 =	vadd.f32 v5, v4  }
0x582: {  	v2 =	vsel vm2, v2, v6;
	v5 =	vbroadcast v18, $0xF  }
0x583: {  	v8, _, _ =	vpop (xrf2);
	v6 =	vbroadcast v14, $0xF;
	v2 =	vsel vm3, v2, v9;
	(xrf2) =	vadd.scan.msk.f32 $0xffff, v4  }
0x584: {  	v8 =	vbroadcast v8, $0xF;
	v2 =	vsel vm4, v2, v5  }
0x585: {  	v5 =	vbroadcast v16, $0xF;
	v2 =	vsel vm5, v2, v6  }
0x586: {  	v1 =	vbroadcast v1, $0xF;
	v2 =	vsel vm6, v2, v8;
	v4, _, _ =	vpop (xrf2)  }
0x587: {  	v2 =	vsel vm7, v2, v5;
	v5 =	vbroadcast v4, $0xF  }
0x588: {  	v0 =	vbroadcast v0, $0xF;
	v1 =	vsel vm8, v2, v1  }
0x589: {  	v4, _, _ =	vpop (xrf2);
	v2 =	vbroadcast v7, $0xF;
	v1 =	vsel vm9, v1, v5  }
0x58a: {  	v4 =	vbroadcast v4, $0xF;
	v0 =	vsel vm10, v1, v0  }
0x58b: {  	v0 =	vsel vm11, v0, v2;
	v2 =	vbroadcast v3, $0xF  }
0x58c: {  	v0 =	vsel vm12, v0, v4  }
0x58d: {  	s0 =	sshll.u32 s30, $0x4;
	v0 =	vsel vm13, v0, v2;
	v1, _, _ =	vpop (xrf2)  }
0x58e: {  	s0 =	sand.u32 $0x3FFFFFF0, s0;
	v0 =	vsel vm14, v0, v1  }
0x58f: {  	s31 =	sshll.u32 s1, $0xB;
	[tilespmem:s0+$0xCD80] =	vst v0  }
0x590: {  	v0 =	vld [tilespmem:s31+$0x14D0];
	_ =	sdelay $0x4  }
0x591: {  	[tilespmem:$0x1EA10] =	vst v0;
	v0 =	vld [tilespmem:s31+$0x94D0];
	_ =	sdelay $0x4  }
0x592: {  	[tilespmem:$0x1EA20] =	vst v0;
	v0 =	vld [tilespmem:s31+$0x14C0];
	_ =	sdelay $0x4  }
0x593: {  	[tilespmem:$0x1EA30] =	vst v0;
	v0 =	vld [tilespmem:s31+$0x94C0];
	_ =	sdelay $0x4  }
0x594: {  	[tilespmem:$0x1EA40] =	vst v0;
	v0 =	vld [tilespmem:s31+$0x13E0];
	_ =	sdelay $0x4  }
0x595: {  	[tilespmem:$0x1EA50] =	vst v0;
	v0 =	vld [tilespmem:s31+$0x13D0];
	_ =	sdelay $0x4  }
0x596: {  	[tilespmem:$0x1EA60] =	vst v0;
	v0 =	vld [tilespmem:s31+$0x93D0];
	_ =	sdelay $0x4  }
0x597: {  	[tilespmem:$0x1EA70] =	vst v0;
	v0 =	vld [tilespmem:s31+$0x9350];
	_ =	sdelay $0x4  }
0x598: {  	[tilespmem:$0x1E3B0] =	vst v0;
	v0 =	vld [tilespmem:s31+$0x13C0];
	_ =	sdelay $0x1  }
0x599: {  	v2 =	vld [tilespmem:s31+$0xFE0];
	_ =	sdelay $0x2  }
0x59a: {  	[tilespmem:$0x1E3C0] =	vst v0;
	v0 =	vld [tilespmem:s31+$0x93C0];
	_ =	sdelay $0x1  }
0x59b: {  	[tilespmem:$0x1E740] =	vst v2;
	v2 =	vld [tilespmem:s31+$0x8FE0];
	_ =	sdelay $0x2  }
0x59c: {  	[tilespmem:$0x1E3D0] =	vst v0;
	v0 =	vld [tilespmem:s31+$0x1430];
	_ =	sdelay $0x1  }
0x59d: {  	[tilespmem:$0x1E750] =	vst v2;
	v2 =	vld [tilespmem:s31+$0x1050];
	_ =	sdelay $0x2  }
0x59e: {  	[tilespmem:$0x1E3E0] =	vst v0;
	v0 =	vld [tilespmem:s31+$0x9430];
	_ =	sdelay $0x1  }
0x59f: {  	[tilespmem:$0x1E760] =	vst v2;
	v2 =	vld [tilespmem:s31+$0x9050];
	_ =	sdelay $0x2  }
0x5a0: {  	[tilespmem:$0x1E3F0] =	vst v0;
	v0 =	vld [tilespmem:s31+$0x9490];
	_ =	sdelay $0x1  }
0x5a1: {  	[tilespmem:$0x1E770] =	vst v2;
	v2 =	vld [tilespmem:s31+$0x10C0];
	_ =	sdelay $0x2  }
0x5a2: {  	[tilespmem:$0x1E440] =	vst v0;
	v0 =	vld [tilespmem:s31+$0x91F0];
	_ =	sdelay $0x1  }
0x5a3: {  	[tilespmem:$0x1E790] =	vst v2;
	v2 =	vld [tilespmem:s31+$0x90C0];
	_ =	sdelay $0x2  }
0x5a4: {  	[tilespmem:$0x1E450] =	vst v0;
	v0 =	vld [tilespmem:s31+$0x1260];
	_ =	sdelay $0x1  }
0x5a5: {  	[tilespmem:$0x1E7A0] =	vst v2;
	v2 =	vld [tilespmem:s31+$0x1130];
	_ =	sdelay $0x2  }
0x5a6: {  	[tilespmem:$0x1EA80] =	vst v0;
	v0 =	vld [tilespmem:s31+$0x12D0];
	_ =	sdelay $0x1  }
0x5a7: {  	[tilespmem:$0x1E7B0] =	vst v2;
	v2 =	vld [tilespmem:s31+$0x9130];
	_ =	sdelay $0x2  }
0x5a8: {  	[tilespmem:$0x1E460] =	vst v0;
	v0 =	vld [tilespmem:s31+$0x92D0];
	_ =	sdelay $0x1  }
0x5a9: {  	[tilespmem:$0x1E7C0] =	vst v2;
	v2 =	vld [tilespmem:s31+$0x11A0];
	_ =	sdelay $0x2  }
0x5aa: {  	[tilespmem:$0x1E470] =	vst v0;
	v0 =	vld [tilespmem:s31+$0x1340];
	_ =	sdelay $0x1  }
0x5ab: {  	[tilespmem:$0x1E780] =	vst v2;
	v2 =	vld [tilespmem:s31+$0x1210];
	_ =	sdelay $0x2  }
0x5ac: {  	[tilespmem:$0x1E480] =	vst v0;
	v0 =	vld [tilespmem:s31+$0x9340];
	_ =	sdelay $0x1  }
0x5ad: {  	[tilespmem:$0x1E7D0] =	vst v2;
	v2 =	vld [tilespmem:s31+$0x9210];
	_ =	sdelay $0x2  }
0x5ae: {  	[tilespmem:$0x1E490] =	vst v0;
	v0 =	vld [tilespmem:s31+$0x13B0];
	_ =	sdelay $0x1  }
0x5af: {  	[tilespmem:$0x1E7E0] =	vst v2;
	v2 =	vld [tilespmem:s31+$0xEF0];
	_ =	sdelay $0x2  }
0x5b0: {  	[tilespmem:$0x1E4A0] =	vst v0;
	v0 =	vld [tilespmem:s31+$0x93B0];
	_ =	sdelay $0x1  }
0x5b1: {  	[tilespmem:$0x1E7F0] =	vst v2;
	v2 =	vld [tilespmem:s31+$0xF60];
	_ =	sdelay $0x2  }
0x5b2: {  	[tilespmem:$0x1E4B0] =	vst v0;
	v0 =	vld [tilespmem:s31+$0x1420];
	_ =	sdelay $0x1  }
0x5b3: {  	[tilespmem:$0x1EAE0] =	vst v2;
	v2 =	vld [tilespmem:s31+$0xFD0];
	_ =	sdelay $0x2  }
0x5b4: {  	[tilespmem:$0x1E420] =	vst v0;
	v0 =	vld [tilespmem:s31+$0x9420];
	_ =	sdelay $0x1  }
0x5b5: {  	[tilespmem:$0x1E800] =	vst v2;
	v2 =	vld [tilespmem:s31+$0x8FD0];
	_ =	sdelay $0x2  }
0x5b6: {  	[tilespmem:$0x1E430] =	vst v0;
	v0 =	vld [tilespmem:s31+$0x1480];
	_ =	sdelay $0x1  }
0x5b7: {  	[tilespmem:$0x1E810] =	vst v2;
	v2 =	vld [tilespmem:s31+$0x1040];
	_ =	sdelay $0x2  }
0x5b8: {  	[tilespmem:$0x1E400] =	vst v0;
	v0 =	vld [tilespmem:s31+$0x9480];
	_ =	sdelay $0x1  }
0x5b9: {  	[tilespmem:$0x1E820] =	vst v2;
	v2 =	vld [tilespmem:s31+$0x9040];
	_ =	sdelay $0x2  }
0x5ba: {  	[tilespmem:$0x1E410] =	vst v0;
	v0 =	vld [tilespmem:s31+$0x1170];
	_ =	sdelay $0x1  }
0x5bb: {  	[tilespmem:$0x1E830] =	vst v2;
	v2 =	vld [tilespmem:s31+$0x10B0];
	_ =	sdelay $0x2  }
0x5bc: {  	[tilespmem:$0x1E4C0] =	vst v0;
	v0 =	vld [tilespmem:s31+$0x9170];
	_ =	sdelay $0x1  }
0x5bd: {  	[tilespmem:$0x1E870] =	vst v2;
	v2 =	vld [tilespmem:s31+$0x90B0];
	_ =	sdelay $0x2  }
0x5be: {  	[tilespmem:$0x1E4D0] =	vst v0;
	v0 =	vld [tilespmem:s31+$0x11E0];
	_ =	sdelay $0x1  }
0x5bf: {  	[tilespmem:$0x1E880] =	vst v2;
	v2 =	vld [tilespmem:s31+$0x1120];
	_ =	sdelay $0x2  }
0x5c0: {  	[tilespmem:$0x1E4E0] =	vst v0;
	v0 =	vld [tilespmem:s31+$0x91E0];
	_ =	sdelay $0x1  }
0x5c1: {  	[tilespmem:$0x1E840] =	vst v2;
	v2 =	vld [tilespmem:s31+$0x9120];
	_ =	sdelay $0x2  }
0x5c2: {  	[tilespmem:$0x1E4F0] =	vst v0;
	v0 =	vld [tilespmem:s31+$0x1250];
	_ =	sdelay $0x1  }
0x5c3: {  	[tilespmem:$0x1E850] =	vst v2;
	v2 =	vld [tilespmem:s31+$0xE70];
	_ =	sdelay $0x2  }
0x5c4: {  	[tilespmem:$0x1EA90] =	vst v0;
	v0 =	vld [tilespmem:s31+$0x9250];
	_ =	sdelay $0x1  }
0x5c5: {  	[tilespmem:$0x1E860] =	vst v2;
	v2 =	vld [tilespmem:s31+$0xEE0];
	_ =	sdelay $0x2  }
0x5c6: {  	[tilespmem:$0x1EAA0] =	vst v0;
	v0 =	vld [tilespmem:s31+$0x12C0];
	_ =	sdelay $0x1  }
0x5c7: {  	[tilespmem:$0x1E890] =	vst v2;
	v2 =	vld [tilespmem:s31+$0x8EE0];
	_ =	sdelay $0x2  }
0x5c8: {  	[tilespmem:$0x1E500] =	vst v0;
	v0 =	vld [tilespmem:s31+$0x92C0];
	_ =	sdelay $0x1  }
0x5c9: {  	[tilespmem:$0x1E8A0] =	vst v2;
	v2 =	vld [tilespmem:s31+$0xF50];
	_ =	sdelay $0x2  }
0x5ca: {  	[tilespmem:$0x1E510] =	vst v0;
	v0 =	vld [tilespmem:s31+$0x1330];
	_ =	sdelay $0x1  }
0x5cb: {  	[tilespmem:$0x1EAF0] =	vst v2;
	v2 =	vld [tilespmem:s31+$0x8F50];
	_ =	sdelay $0x2  }
0x5cc: {  	[tilespmem:$0x1E520] =	vst v0;
	v0 =	vld [tilespmem:s31+$0x9330];
	_ =	sdelay $0x1  }
0x5cd: {  	[tilespmem:$0x1EB00] =	vst v2;
	v2 =	vld [tilespmem:s31+$0xFC0];
	_ =	sdelay $0x2  }
0x5ce: {  	[tilespmem:$0x1E530] =	vst v0;
	v0 =	vld [tilespmem:s31+$0x13A0];
	_ =	sdelay $0x1  }
0x5cf: {  	[tilespmem:$0x1E8B0] =	vst v2;
	v2 =	vld [tilespmem:s31+$0x1030];
	_ =	sdelay $0x2  }
0x5d0: {  	[tilespmem:$0x1E560] =	vst v0;
	v0 =	vld [tilespmem:s31+$0x93A0];
	_ =	sdelay $0x1  }
0x5d1: {  	[tilespmem:$0x1E8C0] =	vst v2;
	v2 =	vld [tilespmem:s31+$0x10A0];
	_ =	sdelay $0x2  }
0x5d2: {  	[tilespmem:$0x1E570] =	vst v0;
	v0 =	vld [tilespmem:s31+$0x1160];
	_ =	sdelay $0x1  }
0x5d3: {  	[tilespmem:$0x1E8D0] =	vst v2;
	v2 =	vld [tilespmem:s31+$0x90A0];
	_ =	sdelay $0x2  }
0x5d4: {  	[tilespmem:$0x1E540] =	vst v0;
	v0 =	vld [tilespmem:s31+$0x9160];
	_ =	sdelay $0x1  }
0x5d5: {  	[tilespmem:$0x1E8E0] =	vst v2;
	v2 =	vld [tilespmem:s31+$0xD70];
	_ =	sdelay $0x2  }
0x5d6: {  	[tilespmem:$0x1E550] =	vst v0;
	v0 =	vld [tilespmem:s31+$0x11D0];
	_ =	sdelay $0x1  }
0x5d7: {  	[tilespmem:$0x1E8F0] =	vst v2;
	v2 =	vld [tilespmem:s31+$0xE60];
	_ =	sdelay $0x2  }
0x5d8: {  	[tilespmem:$0x1E580] =	vst v0;
	v0 =	vld [tilespmem:s31+$0x91D0];
	_ =	sdelay $0x1  }
0x5d9: {  	[tilespmem:$0x1E900] =	vst v2;
	v2 =	vld [tilespmem:s31+$0x8E60];
	_ =	sdelay $0x2  }
0x5da: {  	[tilespmem:$0x1E590] =	vst v0;
	v0 =	vld [tilespmem:s31+$0x1240];
	_ =	sdelay $0x1  }
0x5db: {  	[tilespmem:$0x1E910] =	vst v2;
	v2 =	vld [tilespmem:s31+$0xED0];
	_ =	sdelay $0x2  }
0x5dc: {  	[tilespmem:$0x1E5B0] =	vst v0;
	v0 =	vld [tilespmem:s31+$0x9240];
	_ =	sdelay $0x1  }
0x5dd: {  	[tilespmem:$0x1E920] =	vst v2;
	v2 =	vld [tilespmem:s31+$0x8ED0];
	_ =	sdelay $0x2  }
0x5de: {  	[tilespmem:$0x1E5C0] =	vst v0;
	v0 =	vld [tilespmem:s31+$0x12B0];
	_ =	sdelay $0x1  }
0x5df: {  	[tilespmem:$0x1E930] =	vst v2;
	v2 =	vld [tilespmem:s31+$0xF40];
	_ =	sdelay $0x2  }
0x5e0: {  	[tilespmem:$0x1E5D0] =	vst v0;
	v0 =	vld [tilespmem:s31+$0x92B0];
	_ =	sdelay $0x1  }
0x5e1: {  	[tilespmem:$0x1EB10] =	vst v2;
	v2 =	vld [tilespmem:s31+$0x8F40];
	_ =	sdelay $0x2  }
0x5e2: {  	[tilespmem:$0x1E5E0] =	vst v0;
	v0 =	vld [tilespmem:s31+$0x1320];
	_ =	sdelay $0x1  }
0x5e3: {  	[tilespmem:$0x1EB20] =	vst v2;
	v2 =	vld [tilespmem:s31+$0xFB0];
	_ =	sdelay $0x2  }
0x5e4: {  	[tilespmem:$0x1E5A0] =	vst v0;
	v0 =	vld [tilespmem:s31+$0x1390];
	_ =	sdelay $0x1  }
0x5e5: {  	[tilespmem:$0x1E940] =	vst v2;
	v2 =	vld [tilespmem:s31+$0x8FB0];
	_ =	sdelay $0x2  }
0x5e6: {  	[tilespmem:$0x1E5F0] =	vst v0;
	v0 =	vld [tilespmem:s31+$0x9390];
	_ =	sdelay $0x1  }
0x5e7: {  	[tilespmem:$0x1E950] =	vst v2;
	v2 =	vld [tilespmem:s31+$0x1090];
	_ =	sdelay $0x2  }
0x5e8: {  	[tilespmem:$0x1E600] =	vst v0;
	v0 =	vld [tilespmem:s31+$0x1070];
	_ =	sdelay $0x1  }
0x5e9: {  	[tilespmem:$0x1E960] =	vst v2;
	v2 =	vld [tilespmem:s31+$0x9090];
	_ =	sdelay $0x2  }
0x5ea: {  	[tilespmem:$0x1E610] =	vst v0;
	v0 =	vld [tilespmem:s31+$0x9070];
	_ =	sdelay $0x1  }
0x5eb: {  	[tilespmem:$0x1E970] =	vst v2;
	v2 =	vld [tilespmem:s31+$0xD60];
	_ =	sdelay $0x2  }
0x5ec: {  	[tilespmem:$0x1E620] =	vst v0;
	v0 =	vld [tilespmem:s31+$0x10E0];
	_ =	sdelay $0x1  }
0x5ed: {  	[tilespmem:$0x1E980] =	vst v2;
	v2 =	vld [tilespmem:s31+$0x8D60];
	_ =	sdelay $0x2  }
0x5ee: {  	[tilespmem:$0x1EAB0] =	vst v0;
	v0 =	vld [tilespmem:s31+$0x1150];
	_ =	sdelay $0x1  }
0x5ef: {  	[tilespmem:$0x1E990] =	vst v2;
	v2 =	vld [tilespmem:s31+$0xE50];
	_ =	sdelay $0x2  }
0x5f0: {  	[tilespmem:$0x1E630] =	vst v0;
	v0 =	vld [tilespmem:s31+$0x9150];
	_ =	sdelay $0x1  }
0x5f1: {  	[tilespmem:$0x1E9A0] =	vst v2;
	v2 =	vld [tilespmem:s31+$0x8E50];
	_ =	sdelay $0x2  }
0x5f2: {  	[tilespmem:$0x1E640] =	vst v0;
	v0 =	vld [tilespmem:s31+$0x11C0];
	_ =	sdelay $0x1  }
0x5f3: {  	[tilespmem:$0x1E9B0] =	vst v2;
	v2 =	vld [tilespmem:s31+$0xEC0]  }
0x5f4: {  	v11 =	vld [tilespmem:s31+$0x14B0]  }
0x5f5: {  	v16 =	vld [tilespmem:s31+$0x94B0]  }
0x5f6: {  	[tilespmem:$0x1E650] =	vst v0;
	v0 =	vld [tilespmem:s31+$0x91C0]  }
0x5f7: {  	v27 =	vld [tilespmem:s31+$0x14A0]  }
0x5f8: {  	[tilespmem:$0x1E9C0] =	vst v2;
	v2 =	vld [tilespmem:s31+$0x8EC0]  }
0x5f9: {  	v53 =	vld [tilespmem:s31+$0x94A0]  }
0x5fa: {  	v1 =	vld [tilespmem:s31+$0x1400]  }
0x5fb: {  	[tilespmem:$0x1E660] =	vst v0;
	v0 =	vld [tilespmem:s31+$0x1230]  }
0x5fc: {  	v4 =	vld [tilespmem:s31+$0x9400]  }
0x5fd: {  	v3 =	vld [tilespmem:s31+$0x1470];
	[tilespmem:$0x1E9D0] =	vst v2;
	v2 =	vmul.f32 v16, v11  }
0x5fe: {  	v6 =	vld [tilespmem:s31+$0x1460]  }
0x5ff: {  	[tilespmem:$0x1EB90] =	vst v2;
	v2 =	vld [tilespmem:s31+$0xF30]  }
0x600: {  	[tilespmem:$0x1E6A0] =	vst v0;
	v0 =	vld [tilespmem:s31+$0x9230]  }
0x601: {  	v7 =	vld [tilespmem:s31+$0x9460];
	v4 =	vmul.f32 v4, v1;
	v1 =	vmul.f32 v53, v27  }
0x602: {  	v55 =	vld [tilespmem:s31+$0x1350]  }
0x603: {  	[tilespmem:$0x1EBD0] =	vst v1;
	v1 =	vld [tilespmem:$0x1E3B0]  }
0x604: {  	[tilespmem:$0x1EBC0] =	vst v2;
	v2 =	vld [tilespmem:s31+$0x8F30]  }
0x605: {  	[tilespmem:$0x1E6B0] =	vst v0;
	v0 =	vld [tilespmem:s31+$0x12A0]  }
0x606: {  	v5 =	vld [tilespmem:s31+$0x9470]  }
0x607: {  	v8 =	vld [tilespmem:s31+$0x1370]  }
0x608: {  	v47 =	vmul.f32 v7, v6;
	v6 =	vmul.f32 v1, v55;
	v1 =	vld [tilespmem:$0x1E3C0]  }
0x609: {  	[tilespmem:$0x1EBE0] =	vst v2;
	v2 =	vld [tilespmem:$0x1E3D0]  }
0x60a: {  	[tilespmem:$0x1E670] =	vst v0;
	v0 =	vld [tilespmem:s31+$0x92A0]  }
0x60b: {  	v9 =	vld [tilespmem:s31+$0x9370]  }
0x60c: {  	v10 =	vld [tilespmem:s31+$0x1450]  }
0x60d: {  	v14 =	vld [tilespmem:s31+$0x9450]  }
0x60e: {  	v1 =	vmul.f32 v2, v1;
	v2 =	vld [tilespmem:$0x1E3F0]  }
0x60f: {  	[tilespmem:$0x1E680] =	vst v0;
	v0 =	vld [tilespmem:s31+$0xFF0]  }
0x610: {  	[tilespmem:$0x1EBF0] =	vst v1;
	v1 =	vld [tilespmem:$0x1E3E0]  }
0x611: {  	v18 =	vld [tilespmem:s31+$0x12F0]  }
0x612: {  	v31 =	vld [tilespmem:s31+$0x1410]  }
0x613: {  	v30 =	vld [tilespmem:s31+$0x9410]  }
0x614: {  	[tilespmem:$0x1E690] =	vst v0;
	v0 =	vld [tilespmem:s31+$0x1060]  }
0x615: {  	v50 =	vmul.f32 v5, v3;
	v3 =	vmul.f32 v2, v1;
	v1 =	vld [tilespmem:$0x1E400]  }
0x616: {  	v2 =	vld [tilespmem:$0x1E410]  }
0x617: {  	v22 =	vld [tilespmem:s31+$0x92F0]  }
0x618: {  	v25 =	vld [tilespmem:s31+$0x1440]  }
0x619: {  	[tilespmem:$0x1E6C0] =	vst v0;
	v0 =	vld [tilespmem:s31+$0x9060]  }
0x61a: {  	v43 =	vld [tilespmem:s31+$0x9440]  }
0x61b: {  	v30 =	vmul.f32 v30, v31;
	v31 =	vmul.f32 v2, v1;
	v1 =	vld [tilespmem:$0x1E420]  }
0x61c: {  	v2 =	vld [tilespmem:$0x1E430]  }
0x61d: {  	v21 =	vld [tilespmem:s31+$0x1360]  }
0x61e: {  	[tilespmem:$0x1E6D0] =	vst v0;
	v0 =	vld [tilespmem:s31+$0x10D0]  }
0x61f: {  	v24 =	vld [tilespmem:s31+$0x9360]  }
0x620: {  	v60 =	vld [tilespmem:s31+$0x1490]  }
0x621: {  	v61 =	vmul.f32 v43, v25;
	v43 =	vmul.f32 v2, v1;
	v1 =	vld [tilespmem:$0x1E440]  }
0x622: {  	v33 =	vld [tilespmem:s31+$0x12E0]  }
0x623: {  	[tilespmem:$0x1EAC0] =	vst v0;
	v0 =	vld [tilespmem:s31+$0x90D0]  }
0x624: {  	v54 =	vld [tilespmem:s31+$0x92E0]  }
0x625: {  	v62 =	vld [tilespmem:s31+$0x11F0]  }
0x626: {  	v2 =	vmul.f32 v1, v60;
	v1 =	vld [tilespmem:$0x1E450]  }
0x627: {  	v59 =	vld [tilespmem:s31+$0x9320]  }
0x628: {  	[tilespmem:$0x1EAD0] =	vst v0;
	v0 =	vld [tilespmem:s31+$0x1140]  }
0x629: {  	v48 =	vld [tilespmem:s31+$0x1310]  }
0x62a: {  	v11 =	vmul.f32 v54, v33;
	v33 =	vadd.f32 $0.0e+00, v4;
	v4 =	vld [tilespmem:$0x1E470]  }
0x62b: {  	v53 =	vmul.f32 v1, v62;
	v1 =	vld [tilespmem:$0x1E460]  }
0x62c: {  	v19 =	vld [tilespmem:s31+$0x9310]  }
0x62d: {  	[tilespmem:$0x1E6E0] =	vst v0;
	v0 =	vld [tilespmem:s31+$0x9140]  }
0x62e: {  	v35 =	vld [tilespmem:s31+$0x1380]  }
0x62f: {  	v34 =	vld [tilespmem:s31+$0x9380]  }
0x630: {  	v7 =	vmul.f32 v4, v1;
	v1 =	vld [tilespmem:$0x1E480]  }
0x631: {  	v4 =	vld [tilespmem:$0x1E490]  }
0x632: {  	[tilespmem:$0x1E6F0] =	vst v0;
	v0 =	vld [tilespmem:s31+$0x11B0]  }
0x633: {  	v40 =	vld [tilespmem:s31+$0x8FF0]  }
0x634: {  	v13 =	vld [tilespmem:s31+$0x1290]  }
0x635: {  	v5 =	vld [tilespmem:$0x1E4B0]  }
0x636: {  	v4 =	vmul.f32 v4, v1;
	v1 =	vld [tilespmem:$0x1E4A0]  }
0x637: {  	[tilespmem:$0x1E700] =	vst v0;
	v0 =	vld [tilespmem:s31+$0x91B0]  }
0x638: {  	v45 =	vld [tilespmem:s31+$0x9290]  }
0x639: {  	v58 =	vld [tilespmem:s31+$0x1300]  }
0x63a: {  	v46 =	vld [tilespmem:s31+$0x91A0]  }
0x63b: {  	v1 =	vmul.f32 v5, v1;
	v5 =	vld [tilespmem:s31+$0xD50]  }
0x63c: {  	[tilespmem:$0x1E710] =	vst v0;
	v0 =	vld [tilespmem:s31+$0x1220]  }
0x63d: {  	v63 =	vld [tilespmem:s31+$0x1280]  }
0x63e: {  	v32 =	vld [tilespmem:s31+$0x9280]  }
0x63f: {  	v44 =	vmul.f32 v9, v8;
	v8 =	vld [tilespmem:$0x1E4D0]  }
0x640: {  	v31 =	vadd.f32 $0.0e+00, v31;
	[tilespmem:$0x1E9E0] =	vst v5;
	v5 =	vld [tilespmem:$0x1E4C0]  }
0x641: {  	[tilespmem:$0x1E720] =	vst v0;
	v0 =	vld [tilespmem:s31+$0x9220]  }
0x642: {  	v38 =	vld [tilespmem:s31+$0x8EF0];
	v2 =	vadd.f32 v2, v31  }
0x643: {  	v23 =	vld [tilespmem:s31+$0x1190]  }
0x644: {  	[tilespmem:$0x1E9F0] =	vst v2;
	v2 =	vld [tilespmem:$0x1E4E0]  }
0x645: {  	v54 =	vmul.f32 v8, v5;
	v5 =	vld [tilespmem:$0x1E4F0]  }
0x646: {  	v30 =	vadd.f32 v30, v33;
	[tilespmem:$0x1E730] =	vst v0;
	v0 =	vld [tilespmem:s31+$0x9300]  }
0x647: {  	v17 =	vld [tilespmem:s31+$0x9190]  }
0x648: {  	v36 =	vld [tilespmem:s31+$0x1200];
	[tilespmem:$0x1ECC0] =	vst v1;
	v1 =	vadd.f32 v43, v30  }
0x649: {  	v29 =	vld [tilespmem:s31+$0x9200]  }
0x64a: {  	v1 =	vadd.f32 v3, v1;
	v3 =	vld [tilespmem:$0x1E520]  }
0x64b: {  	v0 =	vmul.f32 v0, v58;
	v58 =	vmul.f32 v5, v2;
	v2 =	vld [tilespmem:$0x1E500]  }
0x64c: {  	v5 =	vld [tilespmem:$0x1E510]  }
0x64d: {  	v8 =	vld [tilespmem:$0x1E530]  }
0x64e: {  	v39 =	vld [tilespmem:s31+$0x8E70]  }
0x64f: {  	v37 =	vld [tilespmem:s31+$0x8FC0]  }
0x650: {  	v41 =	vld [tilespmem:s31+$0x9030]  }
0x651: {  	v20 =	vld [tilespmem:s31+$0x1110];
	v5 =	vmul.f32 v5, v2  }
0x652: {  	v2 =	vadd.f32 $0.0e+00, v0;
	v0 =	vmul.f32 v19, v48;
	v19 =	vmul.f32 v8, v3;
	v3 =	vld [tilespmem:$0x1E540]  }
0x653: {  	v8 =	vld [tilespmem:$0x1E550]  }
0x654: {  	v15 =	vld [tilespmem:s31+$0x9110]  }
0x655: {  	v12 =	vld [tilespmem:s31+$0x1180]  }
0x656: {  	v52 =	vld [tilespmem:s31+$0x9180]  }
0x657: {  	v42 =	vld [tilespmem:s31+$0x8D70]  }
0x658: {  	v48 =	vmul.f32 v8, v3;
	v3 =	vld [tilespmem:$0x1E560]  }
0x659: {  	v8 =	vld [tilespmem:$0x1E570]  }
0x65a: {  	v28 =	vld [tilespmem:s31+$0x1020]  }
0x65b: {  	v26 =	vld [tilespmem:s31+$0x9020]  }
0x65c: {  	v51 =	vld [tilespmem:s31+$0x1100]  }
0x65d: {  	v57 =	vld [tilespmem:s31+$0x9100]  }
0x65e: {  	v27 =	vld [tilespmem:s31+$0xFA0];
	v3 =	vmul.f32 v8, v3  }
0x65f: {  	v8 =	vld [tilespmem:$0x1E590]  }
0x660: {  	[tilespmem:$0x1ED20] =	vst v3;
	v3 =	vld [tilespmem:$0x1E580]  }
0x661: {  	v25 =	vld [tilespmem:s31+$0x8FA0]  }
0x662: {  	v56 =	vmul.f32 v14, v10;
	v14 =	vld [tilespmem:s31+$0x1010]  }
0x663: {  	v9 =	vmul.f32 v24, v21;
	v21 =	vld [tilespmem:s31+$0x1080]  }
0x664: {  	v10 =	vld [tilespmem:$0x1E5C0]  }
0x665: {  	v8 =	vmul.f32 v8, v3;
	v3 =	vld [tilespmem:$0x1E5B0]  }
0x666: {  	v49 =	vmul.f32 v22, v18;
	v18 =	vld [tilespmem:s31+$0x8E40]  }
0x667: {  	v24 =	vld [tilespmem:s31+$0x8EB0]  }
0x668: {  	v34 =	vmul.f32 v34, v35;
	v35 =	vld [tilespmem:s31+$0x1000]  }
0x669: {  	v12 =	vmul.f32 v52, v12;
	v52 =	vld [tilespmem:s31+$0xEA0]  }
0x66a: {  	v22 =	vmul.f32 v10, v3;
	v3 =	vld [tilespmem:$0x1E5D0]  }
0x66b: {  	v10 =	vld [tilespmem:$0x1E5E0]  }
0x66c: {  	v55 =	vld [tilespmem:s31+$0x9010]  }
0x66d: {  	v0 =	vadd.f32 v0, v2;
	v2 =	vld [tilespmem:$0x1E5A0]  }
0x66e: {  	v26 =	vmul.f32 v26, v28;
	v28 =	vld [tilespmem:$0x1E930]  }
0x66f: {  	v16 =	vld [tilespmem:s31+$0x9080]  }
0x670: {  	v3 =	vmul.f32 v10, v3;
	v10 =	vld [tilespmem:s31+$0xF20]  }
0x671: {  	v31 =	vld [tilespmem:s31+$0x8D50];
	v1 =	vadd.f32 v61, v1  }
0x672: {  	v62 =	vld [tilespmem:$0x1E640];
	v2 =	vmul.f32 v59, v2  }
0x673: {  	v63 =	vmul.f32 v32, v63;
	v30 =	vld [tilespmem:s31+$0xE40];
	v1 =	vadd.f32 v56, v1  }
0x674: {  	v0 =	vadd.f32 v2, v0;
	v2 =	vld [tilespmem:$0x1E5F0]  }
0x675: {  	v13 =	vmul.f32 v45, v13;
	v63 =	vadd.f32 $0.0e+00, v63;
	v1 =	vadd.f32 v47, v1;
	[tilespmem:$0x1ED50] =	vst v10;
	v10 =	vld [tilespmem:$0x1E600]  }
0x676: {  	v60 =	vld [tilespmem:$0x1E680]  }
0x677: {  	v45 =	vadd.f32 v50, v1;
	v1 =	vadd.f32 v13, v63;
	v13 =	vld [tilespmem:$0x1E670]  }
0x678: {  	v43 =	vld [tilespmem:s31+$0xEB0]  }
0x679: {  	v61 =	vld [tilespmem:$0x1E620]  }
0x67a: {  	v2 =	vmul.f32 v10, v2;
	v10 =	vld [tilespmem:s31+$0x8F20]  }
0x67b: {  	v50 =	vld [tilespmem:$0x1E6C0]  }
0x67c: {  	v13 =	vmul.f32 v60, v13;
	v60 =	vld [tilespmem:$0x1E6D0]  }
0x67d: {  	v56 =	vld [tilespmem:$0x1E660]  }
0x67e: {  	v47 =	vadd.f32 $0.0e+00, v34;
	v34 =	vld [tilespmem:s31+$0x8E30]  }
0x67f: {  	[tilespmem:$0x1ED60] =	vst v10;
	v10 =	vld [tilespmem:$0x1E610]  }
0x680: {  	v63 =	vld [tilespmem:s31+$0xD40]  }
0x681: {  	v50 =	vmul.f32 v60, v50;
	v60 =	vld [tilespmem:s31+$0x8D40]  }
0x682: {  	v1 =	vadd.f32 v13, v1;
	v13 =	vld [tilespmem:$0x1E6F0];
	v0 =	vadd.f32 v19, v0  }
0x683: {  	v59 =	vld [tilespmem:s31+$0x8F90]  }
0x684: {  	v0 =	vadd.f32 v4, v0;
	v4 =	vld [tilespmem:$0x1E690];
	v10 =	vmul.f32 v61, v10  }
0x685: {  	v19 =	vld [tilespmem:$0x1E650]  }
0x686: {  	v0 =	vadd.f32 v6, v0;
	[tilespmem:$0x1EA00] =	vst v10;
	v10 =	vld [tilespmem:$0x1E630]  }
0x687: {  	v6 =	vld [tilespmem:$0x1E6E0]  }
0x688: {  	v0 =	vadd.f32 v9, v0;
	v9 =	vadd.f32 $0.0e+00, v12;
	v12 =	vmul.f32 v17, v23;
	v17 =	vld [tilespmem:$0x1E730]  }
0x689: {  	v40 =	vmul.f32 v40, v4;
	v4 =	vld [tilespmem:s31+$0x9000]  }
0x68a: {  	v61 =	vld [tilespmem:$0x1E6A0]  }
0x68b: {  	v32 =	vmul.f32 v62, v10;
	v62 =	vld [tilespmem:$0x1E6B0]  }
0x68c: {  	v23 =	vld [tilespmem:$0x1E800];
	v1 =	vadd.f32 v3, v1  }
0x68d: {  	v44 =	vadd.f32 v44, v0;
	v0 =	vld [tilespmem:$0x1E760]  }
0x68e: {  	v1 =	vadd.f32 v5, v1;
	v5 =	vld [tilespmem:$0x1E770]  }
0x68f: {  	[tilespmem:$0x1EDF0] =	vst v63;
	v19 =	vmul.f32 v56, v19;
	v63 =	vadd.f32 v2, v47;
	v2 =	vld [tilespmem:$0x1E700]  }
0x690: {  	v4 =	vmul.f32 v4, v35;
	v56 =	vmul.f32 v62, v61;
	v61 =	vld [tilespmem:$0x1E710]  }
0x691: {  	v6 =	vmul.f32 v13, v6;
	v13 =	vld [tilespmem:s31+$0xE30]  }
0x692: {  	v14 =	vmul.f32 v55, v14;
	v4 =	vadd.f32 $0.0e+00, v4;
	v3 =	vld [tilespmem:$0x1E720]  }
0x693: {  	v35 =	vld [tilespmem:s31+$0x8E90]  }
0x694: {  	v14 =	vadd.f32 v14, v4;
	v4 =	vld [tilespmem:$0x1E900]  }
0x695: {  	v2 =	vmul.f32 v61, v2;
	v61 =	vmul.f32 v5, v0;
	v5 =	vld [tilespmem:$0x1E780]  }
0x696: {  	v14 =	vadd.f32 v26, v14;
	v26 =	vld [tilespmem:$0x1E950];
	v1 =	vadd.f32 v7, v1  }
0x697: {  	v3 =	vmul.f32 v17, v3;
	v17 =	vld [tilespmem:$0x1E750]  }
0x698: {  	v1 =	vadd.f32 v11, v1;
	v11 =	vmul.f32 v15, v20;
	v20 =	vld [tilespmem:$0x1E830]  }
0x699: {  	v0 =	vadd.f32 v12, v9;
	v9 =	vld [tilespmem:$0x1E790]  }
0x69a: {  	v12 =	vld [tilespmem:$0x1E7A0];
	v5 =	vmul.f32 v46, v5  }
0x69b: {  	[tilespmem:$0x1EE60] =	vst v3;
	v3 =	vld [tilespmem:$0x1E740]  }
0x69c: {  	v47 =	vld [tilespmem:s31+$0x8EA0];
	v0 =	vadd.f32 v5, v0  }
0x69d: {  	v62 =	vld [tilespmem:$0x1E810]  }
0x69e: {  	v15 =	vadd.f32 v2, v0;
	v2 =	vld [tilespmem:$0x1E820]  }
0x69f: {  	v7 =	vmul.f32 v57, v51;
	v10 =	vld [tilespmem:s31+$0xF90];
	v9 =	vmul.f32 v12, v9  }
0x6a0: {  	v12 =	vld [tilespmem:$0x1E7C0]  }
0x6a1: {  	v7 =	vadd.f32 $0.0e+00, v7;
	[tilespmem:$0x1EEF0] =	vst v9;
	v9 =	vld [tilespmem:$0x1E7B0]  }
0x6a2: {  	v51 =	vmul.f32 v62, v23;
	v62 =	vadd.f32 v49, v1;
	v1 =	vld [tilespmem:$0x1E840]  }
0x6a3: {  	v57 =	vmul.f32 v20, v2;
	v20 =	vmul.f32 v29, v36;
	v29 =	vadd.f32 v11, v7;
	v7 =	vld [tilespmem:$0x1E850]  }
0x6a4: {  	v3 =	vmul.f32 v17, v3;
	v17 =	vld [tilespmem:s31+$0xF10]  }
0x6a5: {  	v16 =	vmul.f32 v16, v21;
	v5 =	vld [tilespmem:$0x1E7D0]  }
0x6a6: {  	v9 =	vmul.f32 v12, v9;
	v12 =	vld [tilespmem:$0x1E7E0]  }
0x6a7: {  	v10 =	vmul.f32 v59, v10;
	v59 =	vadd.f32 $0.0e+00, v16;
	v16 =	vld [tilespmem:$0x1E9D0]  }
0x6a8: {  	v33 =	vmul.f32 v7, v1;
	v1 =	vld [tilespmem:$0x1E860]  }
0x6a9: {  	v23 =	vld [tilespmem:s31+$0x8F80]  }
0x6aa: {  	v46 =	vld [tilespmem:s31+$0x8F10]  }
0x6ab: {  	v5 =	vmul.f32 v12, v5;
	v12 =	vld [tilespmem:$0x1E7F0]  }
0x6ac: {  	v15 =	vadd.f32 v19, v15;
	v7 =	vld [tilespmem:$0x1E880]  }
0x6ad: {  	v39 =	vmul.f32 v39, v1;
	v1 =	vld [tilespmem:$0x1E870]  }
0x6ae: {  	v8 =	vadd.f32 v8, v15;
	v15 =	vld [tilespmem:$0x1E8B0]  }
0x6af: {  	v0 =	vld [tilespmem:s31+$0xD30]  }
0x6b0: {  	v38 =	vmul.f32 v38, v12;
	v12 =	vld [tilespmem:s31+$0xF80]  }
0x6b1: {  	v19 =	vadd.f32 $0.0e+00, v20;
	v20 =	vld [tilespmem:$0x1E8A0]  }
0x6b2: {  	v36 =	vmul.f32 v7, v1;
	v1 =	vld [tilespmem:$0x1E890]  }
0x6b3: {  	v49 =	vmul.f32 v37, v15;
	v37 =	vadd.f32 v5, v19;
	v5 =	vld [tilespmem:$0x1E8C0]  }
0x6b4: {  	v2 =	vld [tilespmem:s31+$0x8D30];
	v8 =	vadd.f32 v58, v8  }
0x6b5: {  	v11 =	vld [tilespmem:s31+$0xE20];
	v12 =	vmul.f32 v23, v12  }
0x6b6: {  	v58 =	vld [tilespmem:s31+$0x8E80];
	v8 =	vadd.f32 v53, v8  }
0x6b7: {  	v53 =	vld [tilespmem:s31+$0xE00];
	v12 =	vadd.f32 $0.0e+00, v12;
	v1 =	vmul.f32 v20, v1;
	v20 =	vadd.f32 v33, v29  }
0x6b8: {  	v15 =	vld [tilespmem:$0x1E8D0];
	v5 =	vmul.f32 v41, v5  }
0x6b9: {  	v19 =	vld [tilespmem:s31+$0xF00];
	v10 =	vadd.f32 v10, v12;
	v12 =	vmul.f32 v25, v27;
	v9 =	vadd.f32 v9, v20  }
0x6ba: {  	v14 =	vadd.f32 v5, v14;
	v5 =	vld [tilespmem:$0x1E960]  }
0x6bb: {  	v10 =	vadd.f32 v12, v10;
	v12 =	vld [tilespmem:$0x1E970];
	v6 =	vadd.f32 v6, v9  }
0x6bc: {  	v23 =	vld [tilespmem:s31+$0x8D20]  }
0x6bd: {  	v9 =	vld [tilespmem:$0x1E8F0];
	v6 =	vadd.f32 v32, v6  }
0x6be: {  	v7 =	vld [tilespmem:s31+$0x8E20]  }
0x6bf: {  	v25 =	vld [tilespmem:$0x1E940];
	v6 =	vadd.f32 v48, v6  }
0x6c0: {  	v27 =	vmul.f32 v12, v5;
	v5 =	vld [tilespmem:$0x1E980]  }
0x6c1: {  	v21 =	vadd.f32 v54, v6;
	v6 =	vld [tilespmem:$0x1E990]  }
0x6c2: {  	v42 =	vmul.f32 v42, v9;
	v9 =	vld [tilespmem:$0x1E910]  }
0x6c3: {  	v33 =	vld [tilespmem:s31+$0xE90]  }
0x6c4: {  	v29 =	vld [tilespmem:s31+$0xE10]  }
0x6c5: {  	v12 =	vld [tilespmem:$0x1E9A0]  }
0x6c6: {  	v5 =	vmul.f32 v6, v5;
	v6 =	vadd.f32 v57, v14;
	v14 =	vld [tilespmem:$0x1E9B0]  }
0x6c7: {  	v4 =	vmul.f32 v9, v4;
	v9 =	vld [tilespmem:$0x1E920]  }
0x6c8: {  	v20 =	vld [tilespmem:$0x1E8E0]  }
0x6c9: {  	v25 =	vmul.f32 v26, v25;
	v26 =	vld [tilespmem:s31+$0x8E10]  }
0x6ca: {  	v32 =	vld [tilespmem:s31+$0xE80]  }
0x6cb: {  	v14 =	vmul.f32 v14, v12;
	v12 =	vld [tilespmem:$0x1E9C0]  }
0x6cc: {  	v9 =	vmul.f32 v28, v9;
	v28 =	vadd.f32 v25, v10;
	v10 =	vld [tilespmem:$0x1E9E0]  }
0x6cd: {  	v41 =	vmul.f32 v20, v15;
	v20 =	vld [tilespmem:s31+$0x8F00]  }
0x6ce: {  	v15 =	vld [tilespmem:s31+$0xD20]  }
0x6cf: {  	v57 =	vld [tilespmem:s31+$0x8E00]  }
0x6d0: {  	v25 =	vld [tilespmem:s31+$0xD10];
	v16 =	vmul.f32 v16, v12  }
0x6d1: {  	p0 =	sne.s32 s1, $0x7;
	v12 =	vmul.f32 v31, v10;
	v31 =	vadd.f32 v61, v6;
	v6 =	vadd.f32 v27, v59;
	v59 =	vld [tilespmem:$0x1EA00]  }
.Ltmp2:
0x6d2: {  	v24 =	vmul.f32 v24, v43;
	(xrf2) =	vadd.scan.msk.f32 $0xffff, v45;
	v61 =	vld [tilespmem:$0x1E9F0];
	(pc) =	sbr.rel @p0 .LBB2_6-.Ltmp2, $4  }
0x6d3: {  	(xrf2) =	vadd.scan.msk.f32 $0xffff, v44;
	v27 =	vld [tilespmem:s31+$0x8D00];
	v10 =	vmul.f32 v18, v30;
	v18 =	vmul.f32 v58, v32  }
0x6d4: {  	v44 =	vmovc v22;
	v22 =	vmul.f32 v34, v13;
	v58 =	vadd.f32 v49, v28;
	v30 =	vld [tilespmem:s31+$0xD00];
	v13 =	vadd.f32 v50, v31  }
0x6d5: {  	(xrf2) =	vadd.scan.msk.f32 $0xffff, v62;
	v48 =	vmul.f32 v35, v33;
	v43 =	vmul.f32 v57, v53;
	v28 =	vld [tilespmem:s31+$0x8D10];
	v49 =	vadd.f32 $0.0e+00, v18  }
0x6d6: {  	s30 =	smov.u32 s1;
	s1 =	sadd.s32 $0x1, s1;
	v62 =	vmovc v56;
	v45 =	vadd.f32 v51, v58;
	v18 =	vld [tilespmem:s31+$0xD80];
	v31 =	vmul.f32 v47, v52;
	v13 =	vadd.f32 v59, v13  }
0x6d7: {  	v33 =	vld [tilespmem:s31+$0x8D80]  }
0x6d8: {  	v53 =	vld [tilespmem:s31+$0xD90]  }
0x6d9: {  	v55 =	vld [tilespmem:s31+$0x8D90]  }
0x6da: {  	v57 =	vld [tilespmem:s31+$0xDA0]  }
0x6db: {  	v59 =	vld [tilespmem:s31+$0x8DA0]  }
0x6dc: {  	v35 =	vld [tilespmem:s31+$0xDC0]  }
0x6dd: {  	v17 =	vmul.f32 v46, v17;
	v46 =	vld [tilespmem:s31+$0xDD0]  }
0x6de: {  	v47 =	vld [tilespmem:$0x1EDF0]  }
0x6df: {  	v32 =	vadd.f32 v48, v49;
	v48 =	vld [tilespmem:s31+$0xDE0]  }
0x6e0: {  	v49 =	vld [tilespmem:$0x1ED50]  }
0x6e1: {  	v50 =	vld [tilespmem:$0x1ED60]  }
0x6e2: {  	v51 =	vld [tilespmem:s31+$0x8DE0]  }
0x6e3: {  	v15 =	vmul.f32 v23, v15;
	v23 =	vld [tilespmem:$0x1EE60]  }
0x6e4: {  	v26 =	vmul.f32 v26, v29;
	v29 =	vld [tilespmem:s31+$0x1270]  }
0x6e5: {  	(xrf2) =	vadd.scan.msk.f32 $0xffff, v8;
	v6 =	vadd.f32 v41, v6;
	v41 =	vld [tilespmem:$0x1EA80]  }
0x6e6: {  	v52 =	vadd.f32 $0.0e+00, v43;
	(xrf2) =	vadd.scan.msk.f32 $0xffff, v21;
	v21 =	vld [tilespmem:s31+$0x10F0]  }
0x6e7: {  	v19 =	vmul.f32 v20, v19;
	v27 =	vmul.f32 v27, v30;
	v30 =	vld [tilespmem:s31+$0xDB0]  }
0x6e8: {  	v20 =	vadd.f32 v26, v52;
	v52 =	vld [tilespmem:s31+$0xDF0]  }
0x6e9: {  	v56 =	vadd.f32 $0.0e+00, v19;
	v19 =	vld [tilespmem:$0x1EB00]  }
0x6ea: {  	v26 =	vld [tilespmem:$0x1EAD0]  }
0x6eb: {  	v3 =	vadd.f32 v3, v45;
	v54 =	vadd.f32 v31, v32;
	v31 =	vld [tilespmem:$0x1ED20]  }
0x6ec: {  	v6 =	vadd.f32 v36, v6;
	v36 =	vld [tilespmem:s31+$0x93E0]  }
0x6ed: {  	v3 =	vadd.f32 v40, v3;
	v40 =	vld [tilespmem:s31+$0x8DC0]  }
0x6ee: {  	v7 =	vmul.f32 v7, v11;
	v24 =	vadd.f32 v24, v54;
	v54 =	vld [tilespmem:$0x1EBE0]  }
0x6ef: {  	v11 =	vadd.f32 v17, v56;
	v56 =	vld [tilespmem:s31+$0x8F60]  }
0x6f0: {  	v7 =	vadd.f32 v7, v20;
	v20 =	vld [tilespmem:s31+$0x90E0]  }
0x6f1: {  	v58 =	vadd.f32 $0.0e+00, v27;
	v27 =	vld [tilespmem:s31+$0x9260]  }
0x6f2: {  	v18 =	vmul.f32 v33, v18;
	v33 =	vld [tilespmem:s31+$0x8DB0]  }
0x6f3: {  	v34 =	vmul.f32 v55, v53;
	v53 =	vld [tilespmem:$0x1EBC0]  }
0x6f4: {  	v25 =	vmul.f32 v28, v25;
	v55 =	vld [tilespmem:s31+$0x8DF0]  }
0x6f5: {  	v45 =	vmul.f32 v59, v57;
	v59 =	vld [tilespmem:$0x1EB20]  }
0x6f6: {  	v32 =	vadd.f32 v25, v58;
	v58 =	vld [tilespmem:$0x1EB10]  }
0x6f7: {  	v16 =	vadd.f32 v16, v24;
	v7 =	vadd.f32 v22, v7;
	v22 =	vld [tilespmem:$0x1EAE0]  }
0x6f8: {  	v24 =	vld [tilespmem:s31+$0x90F0];
	v18 =	vadd.f32 $0.0e+00, v18  }
0x6f9: {  	v0 =	vmul.f32 v2, v0;
	v25 =	vld [tilespmem:$0x1EAC0];
	v15 =	vadd.f32 v15, v32;
	v2 =	vadd.f32 v9, v16  }
0x6fa: {  	v9 =	vmul.f32 v40, v35;
	v35 =	vld [tilespmem:$0x1EAA0];
	v43 =	vadd.f32 v34, v18  }
0x6fb: {  	v0 =	vadd.f32 v0, v15;
	v15 =	vmul.f32 v60, v47;
	v1 =	vadd.f32 v1, v2;
	v2 =	vld [tilespmem:s31+$0x8DD0]  }
0x6fc: {  	v40 =	vld [tilespmem:s31+$0x13F0];
	v17 =	vmul.f32 v33, v30;
	v16 =	vadd.f32 v45, v43  }
0x6fd: {  	v18 =	vld [tilespmem:$0x1EAF0];
	v0 =	vadd.f32 v15, v0;
	v15 =	vmul.f32 v50, v49  }
0x6fe: {  	v7 =	vadd.f32 v10, v7;
	v34 =	vld [tilespmem:$0x1EA90];
	v16 =	vadd.f32 v17, v16  }
0x6ff: {  	v60 =	vld [tilespmem:s31+$0xF70];
	v0 =	vadd.f32 v12, v0;
	v11 =	vadd.f32 v15, v11;
	v12 =	vmul.f32 v54, v53  }
0x700: {  	v7 =	vadd.f32 v14, v7;
	v30 =	vld [tilespmem:$0x1EAB0];
	v9 =	vadd.f32 v9, v16;
	v2 =	vmul.f32 v2, v46  }
0x701: {  	v47 =	vld [tilespmem:$0x1EA70];
	v8 =	vmul.f32 v59, v58;
	v1 =	vadd.f32 v38, v1;
	v57 =	vadd.f32 v12, v11  }
0x702: {  	v4 =	vadd.f32 v4, v7;
	v50 =	vld [tilespmem:$0x1EA30];
	v16 =	vmul.f32 v51, v48;
	v2 =	vadd.f32 v2, v9  }
0x703: {  	(xrf2) =	vadd.scan.msk.f32 $0xffff, v13;
	v17 =	vld [tilespmem:s31+$0x8F70];
	v0 =	vadd.f32 v5, v0;
	v5 =	vadd.f32 v8, v57;
	v8 =	vmul.f32 v19, v18  }
0x704: {  	(xrf2) =	vadd.scan.msk.f32 $0xffff, v3;
	v3 =	vmul.f32 v55, v52;
	v4 =	vadd.f32 v39, v4;
	v39 =	vld [tilespmem:$0x1ECC0];
	v2 =	vadd.f32 v16, v2  }
0x705: {  	(xrf2) =	vadd.scan.msk.f32 $0xffff, v1;
	v53 =	vld [tilespmem:$0x1EA50];
	v0 =	vadd.f32 v42, v0;
	v1 =	vadd.f32 v8, v5  }
0x706: {  	v5 =	vmul.f32 v56, v22;
	v8 =	vadd.f32 v23, v37;
	v2 =	vadd.f32 v3, v2;
	v3 =	vld [tilespmem:$0x1EEF0]  }
0x707: {  	v54 =	vld [tilespmem:$0x1EB90];
	(xrf2) =	vadd.scan.msk.f32 $0xffff, v4  }
0x708: {  	v46 =	vld [tilespmem:$0x1EA60];
	(xrf2) =	vadd.scan.msk.f32 $0xffff, v0;
	v0 =	vadd.f32 v5, v1;
	v1 =	vmul.f32 v17, v60;
	v28 =	vadd.f32 v62, v8  }
0x709: {  	v42 =	vld [tilespmem:$0x1EBD0]  }
0x70a: {  	v32, _, _ =	vpop (xrf2);
	v12 =	vmul.f32 v35, v34;
	(xrf2) =	vadd.scan.msk.f32 $0xffff, v2;
	v2 =	vld [tilespmem:s31+$0x9270];
	v0 =	vadd.f32 v1, v0;
	v1 =	vadd.f32 v44, v28  }
0x70b: {  	v4 =	vmul.f32 v26, v25;
	v44 =	vld [tilespmem:$0x1EBF0];
	v3 =	vadd.f32 v3, v6  }
0x70c: {  	v10 =	vadd.f32 v31, v63;
	v51 =	vld [tilespmem:$0x1EA40];
	v1 =	vadd.f32 v12, v1  }
0x70d: {  	v33, _, _ =	vpop (xrf2);
	v57 =	vld [tilespmem:$0x1EA20];
	v6 =	vmul.f32 v27, v41;
	v3 =	vadd.f32 v4, v3;
	v4 =	vmul.f32 v20, v30  }
0x70e: {  	v38, _, _ =	vpop (xrf2);
	v9 =	vadd.f32 v39, v10;
	v37 =	vmul.f32 v24, v21;
	v56 =	vld [tilespmem:$0x1EA10]  }
0x70f: {  	v43, _, _ =	vpop (xrf2);
	(xrf2) =	vadd.scan.msk.f32 $0xffff, v0;
	v0 =	vld [tilespmem:s31+$0x93F0];
	v1 =	vadd.f32 v6, v1;
	v2 =	vmul.f32 v2, v29;
	v3 =	vadd.f32 v4, v3  }
0x710: {  	v52 =	vld [tilespmem:s31+$0x94E0];
	v45, _, _ =	vpop (xrf2);
	v15 =	vmul.f32 v47, v46;
	v12 =	vadd.f32 v42, v61;
	v4 =	vadd.f32 v44, v9  }
0x711: {  	v48 =	vld [tilespmem:s31+$0x14E0];
	v49, _, _ =	vpop (xrf2);
	v13 =	vmul.f32 v36, v53;
	v1 =	vadd.f32 v2, v1;
	v3 =	vadd.f32 v37, v3  }
0x712: {  	v58 =	vld [tilespmem:s31+$0x94F0];
	v55, _, _ =	vpop (xrf2);
	v8 =	vmul.f32 v51, v50;
	v12 =	vadd.f32 v54, v12;
	v4 =	vadd.f32 v15, v4  }
0x713: {  	v18 =	vmul.f32 v57, v56;
	v2, _, _ =	vpop (xrf2);
	(xrf2) =	vadd.scan.msk.f32 $0xffff, v3;
	v3 =	vld [tilespmem:s31+$0x14F0]  }
0x714: {  	v8 =	vadd.f32 v8, v12;
	v0 =	vmul.f32 v0, v40;
	v59, _, _ =	vpop (xrf2);
	v4 =	vadd.f32 v13, v4  }
0x715: {  	(xrf2) =	vadd.scan.msk.f32 $0xffff, v1;
	v1, _, _ =	vpop (xrf2)  }
0x716: {  	v61 =	vmul.f32 v52, v48;
	v60 =	vadd.f32 v18, v8;
	v0 =	vadd.f32 v0, v4;
	v62, _, _ =	vpop (xrf2)  }
0x717: {  	v1 =	vbroadcast v1, $0xF;
	v12 =	vbroadcast v62, $0xF  }
0x718: {  	v4 =	vadd.f32 v61, v60;
	(xrf2) =	vadd.scan.msk.f32 $0xffff, v0;
	v0 =	vbroadcast v59, $0xF;
	v3 =	vmul.f32 v58, v3  }
0x719: {  	v1 =	vsel vm0, v1, v12  }
0x71a: {  	v2 =	vbroadcast v2, $0xF;
	v63, _, _ =	vpop (xrf2);
	v0 =	vsel vm1, v1, v0;
	v1 =	vadd.f32 v3, v4  }
0x71b: {  	v3 =	vbroadcast v63, $0xF  }
0x71c: {  	v0 =	vsel vm2, v0, v2  }
0x71d: {  	v2 =	vbroadcast v55, $0xF;
	v0 =	vsel vm3, v0, v3;
	v3 =	vbroadcast v49, $0xF  }
0x71e: {  	(xrf2) =	vadd.scan.msk.f32 $0xffff, v1;
	v1, _, _ =	vpop (xrf2)  }
0x71f: {  	v0 =	vsel vm4, v0, v2;
	v1 =	vbroadcast v1, $0xF  }
0x720: {  	v2 =	vbroadcast v45, $0xF;
	v0 =	vsel vm5, v0, v3  }
0x721: {  	v3, _, _ =	vpop (xrf2);
	v0 =	vsel vm6, v0, v1;
	v1 =	vbroadcast v43, $0xF  }
0x722: {  	v0 =	vsel vm7, v0, v2;
	v2 =	vbroadcast v3, $0xF  }
0x723: {  	v0 =	vsel vm8, v0, v1;
	v1 =	vbroadcast v38, $0xF  }
0x724: {  	v3, _, _ =	vpop (xrf2);
	v0 =	vsel vm9, v0, v2  }
0x725: {  	v2 =	vbroadcast v33, $0xF;
	v0 =	vsel vm10, v0, v1;
	v1 =	vbroadcast v3, $0xF;
	_ =	sdelay $0x1  }
0x726: {  	v0 =	vsel vm11, v0, v2;
	v2 =	vbroadcast v32, $0xF  }
0x727: {  	v0 =	vsel vm12, v0, v1  }
0x728: {  	s0 =	sshll.u32 s30, $0x4;
	s29 =	sadd.s32 $0x1, s29;
	v0 =	vsel vm13, v0, v2;
	v1, _, _ =	vpop (xrf2)  }
0x729: {  	s0 =	sand.u32 $0x3FFFFFF0, s0;
	p0 =	sne.s32 s29, s10;
	v0 =	vsel vm14, v0, v1  }
.Ltmp3:
0x72a: {  	[tilespmem:s0+$0xCD80] =	vst v0;
	(pc) =	sbr.rel @p0 .LBB2_1-.Ltmp3, $4  }
0x72b: {  	[hbm4b:s9+s4] =	stream.linear.scatter [tilespmem:s28], [sflag:$0x8], $0x80, $0x38;
	[tilespmem:$0xCE00] =	vst v63  }
0x72c: {  	_ =	swait.ge [sflag:s22], $0x80  }
0x72d: {  	[sflag:s22] =	ssyncset.done $0x0  }
0x72e: {  	v0 =	vimm.f32 $0.0e+00;
	[sflag:s22] =	ssyncadd.s32 $0xFFFFFF80  }
0x72f: {  	_ =	sfence.sel $0x180000  }
0x730: {  	[bflag:$0x0] =	sbarrier.arrive $0xFFFF  }
0x731: {  	_ =	strace $0x90000047  }
0x732: {  	s0 =	stileid.u32;
	[bflag:$0x2] =	sbarrier.arrive $0xFFFF  }
0x733: {  	p0 =	sne.s32 s0, $0x0;
	s0 =	rddreg [dreg:$0x3]  }
0x734: {  	s0 =	sadd.s32 @!p0 $0x100000, s0  }
0x735: {  	[sflag:s0] =	ssyncadd.tile.s32 @!p0 $0x1;
	_ =	shalt  }
.Lfunc_end2:
_tile_overlayer_lowered:
.L_overlay_start_2:
0x736: {  	(tag) =	ssettag $0x2  }
0x737: {  	s0 =	rddreg [dreg:$0x0];
	s2 =	stileid.u32  }
0x738: {  	s1 =	rddreg [dreg:$0x1];
	p0 =	sne.s32 s2, $0x0  }
0x739: {  	s3 =	rddreg [dreg:$0x2];
	[bflag:$0x3] =	sbarrier.arrive $0xFFFF;
	s2 =	simm.s32 @!p0 $0x1C08  }
0x73a: {  	[timem:s3], [sflag:s2] =	dma.local @!p0 [hbm:s0], s1  }
0x73b: {  	s0 =	simm.s32 @!p0 $0x8  }
0x73c: {  	_ =	swait.ge @!p0 [sflag:s0], s1  }
0x73d: {  	s1 =	ssub.s32 @!p0 $0x0, s1;
	[sflag:s0] =	ssyncset.done @!p0 $0x0  }
0x73e: {  	[sflag:s0] =	ssyncadd.s32 @!p0 s1  }
0x73f: {  	[bflag:$0x3] =	sbarrier.arrive $0xFFFF  }
0x740: {  	_ =	shalt  }

</sc_bundles>
